<compile_context>
chip_gen: v7x
topology: tpu7x:2x2x1
jax: 0.10.2.dev20260603
libtpu: 0.0.44.dev20260713+nightly
codegen_flags: <defaults>
</compile_context>

<pallas_src>
import functools

import jax
import jax.numpy as jnp
from jax import lax
from jax.experimental import pallas as pl
from jax.experimental.pallas import tpu as pltpu
from jax.experimental.pallas import tpu_sc as plsc

B = 16384
F = 8
V = 12
D = 64
D2 = 2 * D
ROWS = B * F
TAB = F * V

NC = 2
NS = 16
NW = NC * NS
PER_W = ROWS // NW
CHUNK = 128
NCHUNK = PER_W // CHUNK
LANES = 16
NBUF = 6
LA = 3


def _sc_gather_body(x_hbm, tab_hbm, out_hbm, idx_v, tab_stage, tab_sp, *rest):
    bufs = rest[:NBUF]
    gsems = rest[NBUF:2 * NBUF]
    psems = rest[2 * NBUF:3 * NBUF]

    sid = lax.axis_index("s")
    wid = sid * NC + lax.axis_index("c")
    base = wid * PER_W

    @pl.when(sid == 0)
    def _stage_table():
        pltpu.sync_copy(tab_hbm, tab_stage)
        pltpu.sync_copy(tab_stage, tab_sp)

    pltpu.sync_copy(x_hbm.at[wid], idx_v)
    off = (lax.iota(jnp.int32, 16) % F) * V

    plsc.subcore_barrier()

    gat = [None] * NBUF
    put = [None] * NBUF
    for t in range(NCHUNK + LA):
        if t < NCHUNK:
            bi = t % NBUF
            if put[bi] is not None:
                put[bi].wait()
            for o in range(CHUNK // LANES):
                sl = pl.ds(o * LANES, LANES)
                idx_v[t, sl] = idx_v[t, sl] + off
            gat[bi] = pltpu.async_copy(
                tab_sp.at[idx_v.at[t]], bufs[bi], gsems[bi])
        if t >= LA:
            c = t - LA
            pb = c % NBUF
            gat[pb].wait()
            put[pb] = pltpu.async_copy(
                bufs[pb], out_hbm.at[pl.ds(base + c * CHUNK, CHUNK)],
                psems[pb])
    for p in put:
        if p is not None:
            p.wait()


_sc_gather = functools.partial(
    pl.kernel,
    out_type=jax.ShapeDtypeStruct((ROWS, D2), jnp.float32),
    mesh=plsc.VectorSubcoreMesh(core_axis_name="c", subcore_axis_name="s"),
    scratch_types=(
        [pltpu.VMEM((NCHUNK, CHUNK), jnp.int32),
         pltpu.VMEM((TAB, D2), jnp.float32),
         pltpu.VMEM_SHARED((TAB, D2), jnp.float32)]
        + [pltpu.VMEM((CHUNK, D2), jnp.float32) for _ in range(NBUF)]
        + [pltpu.SemaphoreType.DMA for _ in range(2 * NBUF)]
    ),
)(_sc_gather_body)


def kernel(x, mean_table, std_table):
    tab = jnp.concatenate(
        [mean_table.reshape(TAB, D), std_table.reshape(TAB, D)], axis=1)
    x3 = x.reshape(NW, NCHUNK, CHUNK).astype(jnp.int32)
    out = _sc_gather(x3, tab)
    return out.reshape(B, F, D2)

# --- scband reference (transcript-rebuilt; emitter-appended) ---
"""Pipeline reference for scband-virtue-v-38560216383897 (READ-ONLY COPY).

The authoritative reference and input builder live on the scoring server;
editing this copy changes nothing except your own understanding.
"""

import jax, jax.numpy as jnp
import numpy as np

BATCH = 16384
N_FIELDS = 8
EMB_NUM = 12
EMB_DIM = 64


def setup_inputs(seed: int = 0) -> dict:
    key = jax.random.key(seed)
    k1, k2, k3 = jax.random.split(key, 3)
    # forward indices: one categorical index per field, values in [0, embedding_num)
    x = jax.random.randint(k1, (BATCH, N_FIELDS), 0, EMB_NUM)
    # learned parameters: per-field mean and std embedding tables
    # (nn.ModuleDict of nn.Embedding(embedding_num, embedding_dim) stacked into [F, V, D])
    mean_table = jax.random.normal(k2, (N_FIELDS, EMB_NUM, EMB_DIM), dtype=jnp.float32)
    std_table = jax.random.normal(k3, (N_FIELDS, EMB_NUM, EMB_DIM), dtype=jnp.float32)
    return {"x": x, "mean_table": mean_table, "std_table": std_table}


def reference(x, mean_table, std_table):
    # Per-field embedding lookup: for field f, gather row x[:, f] from table[f].
    # means[b, f, :] = mean_table[f, x[b, f], :]
    cols = jnp.arange(N_FIELDS)[None, :]  # [1, F]
    means = mean_table[cols, x]  # gather -> [B, F, D]
    stds = std_table[cols, x]    # gather -> [B, F, D]
    # return mean and std embeddings concatenated on the feature axis
    return jnp.concatenate([means, stds], axis=-1)  # [B, F, 2*D]

if __name__ == "__main__":
    import jax
    _d = setup_inputs()
    print(jax.jit(kernel)(*tuple(_d.values())))

</pallas_src>

<mosaic_0001>
#map = affine_map<(d0, d1) -> (0, 0, 0)>
#map1 = affine_map<(d0, d1) -> (0, 0)>
module attributes {stable_mosaic.version = 14 : i64} {
  func.func @_sc_gather_body(%arg0: i32, %arg1: i32, %arg2: memref<32x32x128xi32, #tpu.memory_space<hbm>>, %arg3: memref<96x128xf32, #tpu.memory_space<hbm>>, %arg4: memref<131072x128xf32, #tpu.memory_space<hbm>>, %arg5: memref<32x128xi32, #tpu.memory_space<vmem>>, %arg6: memref<96x128xf32, #tpu.memory_space<vmem>>, %arg7: memref<96x128xf32, #tpu.memory_space<vmem_shared>>, %arg8: memref<128x128xf32, #tpu.memory_space<vmem>>, %arg9: memref<128x128xf32, #tpu.memory_space<vmem>>, %arg10: memref<128x128xf32, #tpu.memory_space<vmem>>, %arg11: memref<128x128xf32, #tpu.memory_space<vmem>>, %arg12: memref<128x128xf32, #tpu.memory_space<vmem>>, %arg13: memref<128x128xf32, #tpu.memory_space<vmem>>, %arg14: memref<!tpu.dma_semaphore, #tpu.memory_space<semaphore_mem>>, %arg15: memref<!tpu.dma_semaphore, #tpu.memory_space<semaphore_mem>>, %arg16: memref<!tpu.dma_semaphore, #tpu.memory_space<semaphore_mem>>, %arg17: memref<!tpu.dma_semaphore, #tpu.memory_space<semaphore_mem>>, %arg18: memref<!tpu.dma_semaphore, #tpu.memory_space<semaphore_mem>>, %arg19: memref<!tpu.dma_semaphore, #tpu.memory_space<semaphore_mem>>, %arg20: memref<!tpu.dma_semaphore, #tpu.memory_space<semaphore_mem>>, %arg21: memref<!tpu.dma_semaphore, #tpu.memory_space<semaphore_mem>>, %arg22: memref<!tpu.dma_semaphore, #tpu.memory_space<semaphore_mem>>, %arg23: memref<!tpu.dma_semaphore, #tpu.memory_space<semaphore_mem>>, %arg24: memref<!tpu.dma_semaphore, #tpu.memory_space<semaphore_mem>>, %arg25: memref<!tpu.dma_semaphore, #tpu.memory_space<semaphore_mem>>) attributes {dimension_semantics = [#tpu.dimension_semantics<core_parallel>, #tpu.dimension_semantics<subcore_parallel>], iteration_bounds = array<i64: 2, 16>, scalar_prefetch = 0 : i64, scratch_operands = 21 : i64, tpu.core_type = #tpu.core_type<sc_vector_subcore>, window_params = [{transform_indices = #map}, {transform_indices = #map1}, {transform_indices = #map1}]} {
    %mul3A = arith.constant 2 : i32
    %mul3A_0 = arith.muli %arg1, %mul3A : i32
    %add3A = arith.addi %mul3A_0, %arg0 : i32
    %mul3A_1 = arith.constant 4096 : i32
    %mul3A_2 = arith.muli %add3A, %mul3A_1 : i32
    %eq3A = arith.constant 0 : i32
    %eq3A_3 = arith.cmpi eq, %arg1, %eq3A : i32
    %convert_element_type3A = arith.extui %eq3A_3 : i1 to i32
    %cond3A = arith.constant 0 : i32
    %cond3A_4 = arith.cmpi ne, %convert_element_type3A, %cond3A : i32
    scf.if %cond3A_4 {
      "tpu.region"() ({
        %run_scoped3A = tpu.sem_alloc : memref<!tpu.dma_semaphore, #tpu.memory_space<semaphore_mem>>
        tpu.enqueue_dma source(%arg3 : memref<96x128xf32, #tpu.memory_space<hbm>>) target(%arg6 : memref<96x128xf32, #tpu.memory_space<vmem>>) target_semaphore(%run_scoped3A : memref<!tpu.dma_semaphore, #tpu.memory_space<semaphore_mem>>)
        tpu.wait_dma2 semaphore(%run_scoped3A : memref<!tpu.dma_semaphore, #tpu.memory_space<semaphore_mem>>) src(%arg3 : memref<96x128xf32, #tpu.memory_space<hbm>>) dst(%arg6 : memref<96x128xf32, #tpu.memory_space<vmem>>)
        tpu.yield
      }) : () -> ()
      "tpu.region"() ({
        %run_scoped3A = tpu.sem_alloc : memref<!tpu.dma_semaphore, #tpu.memory_space<semaphore_mem>>
        tpu.enqueue_dma source(%arg6 : memref<96x128xf32, #tpu.memory_space<vmem>>) target(%arg7 : memref<96x128xf32, #tpu.memory_space<vmem_shared>>) target_semaphore(%run_scoped3A : memref<!tpu.dma_semaphore, #tpu.memory_space<semaphore_mem>>)
        tpu.wait_dma2 semaphore(%run_scoped3A : memref<!tpu.dma_semaphore, #tpu.memory_space<semaphore_mem>>) src(%arg6 : memref<96x128xf32, #tpu.memory_space<vmem>>) dst(%arg7 : memref<96x128xf32, #tpu.memory_space<vmem_shared>>)
        tpu.yield
      }) : () -> ()
    } else {
    }
    "tpu.region"() ({
      %run_scoped3A = tpu.sem_alloc : memref<!tpu.dma_semaphore, #tpu.memory_space<semaphore_mem>>
      %dma_start3A_3860 = arith.constant 0 : i32
      %dma_start3A_3861 = arith.constant 0 : i32
      %dma_start3A_3862 = tpu.memref_slice %arg2[%add3A, %dma_start3A_3860, %dma_start3A_3861] : memref<32x32x128xi32, #tpu.memory_space<hbm>> -> memref<1x32x128xi32, #tpu.memory_space<hbm>>
      %dma_start3A_3863 = tpu.memref_squeeze %dma_start3A_3862 : memref<1x32x128xi32, #tpu.memory_space<hbm>> -> memref<32x128xi32, #tpu.memory_space<hbm>>
      %dma_start3A_3864 = arith.constant 0 : i32
      %dma_start3A_3865 = arith.constant 0 : i32
      %dma_start3A_3866 = tpu.memref_slice %arg2[%add3A, %dma_start3A_3864, %dma_start3A_3865] : memref<32x32x128xi32, #tpu.memory_space<hbm>> -> memref<1x32x128xi32, #tpu.memory_space<hbm>>
      %dma_start3A_3867 = tpu.memref_squeeze %dma_start3A_3866 : memref<1x32x128xi32, #tpu.memory_space<hbm>> -> memref<32x128xi32, #tpu.memory_space<hbm>>
      tpu.enqueue_dma source(%dma_start3A_3867 : memref<32x128xi32, #tpu.memory_space<hbm>>) target(%arg5 : memref<32x128xi32, #tpu.memory_space<vmem>>) target_semaphore(%run_scoped3A : memref<!tpu.dma_semaphore, #tpu.memory_space<semaphore_mem>>)
      %dma_wait3A_3868 = arith.constant 0 : i32
      %dma_wait3A_3869 = arith.constant 0 : i32
      %dma_wait3A_3870 = tpu.memref_slice %arg2[%add3A, %dma_wait3A_3868, %dma_wait3A_3869] : memref<32x32x128xi32, #tpu.memory_space<hbm>> -> memref<1x32x128xi32, #tpu.memory_space<hbm>>
      %dma_wait3A_3871 = tpu.memref_squeeze %dma_wait3A_3870 : memref<1x32x128xi32, #tpu.memory_space<hbm>> -> memref<32x128xi32, #tpu.memory_space<hbm>>
      %dma_wait3A_3872 = arith.constant 0 : i32
      %dma_wait3A_3873 = arith.constant 0 : i32
      %dma_wait3A_3874 = tpu.memref_slice %arg2[%add3A, %dma_wait3A_3872, %dma_wait3A_3873] : memref<32x32x128xi32, #tpu.memory_space<hbm>> -> memref<1x32x128xi32, #tpu.memory_space<hbm>>
      %dma_wait3A_3875 = tpu.memref_squeeze %dma_wait3A_3874 : memref<1x32x128xi32, #tpu.memory_space<hbm>> -> memref<32x128xi32, #tpu.memory_space<hbm>>
      tpu.wait_dma2 semaphore(%run_scoped3A : memref<!tpu.dma_semaphore, #tpu.memory_space<semaphore_mem>>) src(%dma_wait3A_3875 : memref<32x128xi32, #tpu.memory_space<hbm>>) dst(%arg5 : memref<32x128xi32, #tpu.memory_space<vmem>>)
      tpu.yield
    }) : () -> ()
    %iota3A = tpu.iota {dimensions = array<i32: 0>} : vector<16xi32>
    %jit3A = arith.constant 8 : i32
    %eq3A_5 = arith.constant 0 : i32
    %eq3A_6 = arith.cmpi eq, %jit3A, %eq3A_5 : i32
    %jit3A_7 = arith.constant 1 : i32
    %select_n3A = arith.select %eq3A_6, %jit3A_7, %jit3A : i32
    %rem3A = vector.broadcast %select_n3A : i32 to vector<16xi32>
    %rem3A_8 = arith.remsi %iota3A, %rem3A : vector<16xi32>
    %ne3A = arith.constant 0 : i32
    %ne3A_9 = vector.broadcast %ne3A : i32 to vector<16xi32>
    %ne3A_10 = arith.cmpi ne, %rem3A_8, %ne3A_9 : vector<16xi32>
    %lt3A = arith.constant 0 : i32
    %lt3A_11 = vector.broadcast %lt3A : i32 to vector<16xi32>
    %lt3A_12 = arith.cmpi slt, %rem3A_8, %lt3A_11 : vector<16xi32>
    %lt3A_13 = arith.constant 0 : i32
    %lt3A_14 = arith.cmpi slt, %select_n3A, %lt3A_13 : i32
    %ne3A_15 = vector.broadcast %lt3A_14 : i1 to vector<16xi1>
    %ne3A_16 = vector.broadcast %ne3A_15 : vector<16xi1> to vector<16xi1>
    %ne3A_17 = arith.xori %lt3A_12, %ne3A_16 : vector<16xi1>
    %and3A = arith.andi %ne3A_17, %ne3A_10 : vector<16xi1>
    %add3A_18 = vector.broadcast %select_n3A : i32 to vector<16xi32>
    %add3A_19 = arith.addi %rem3A_8, %add3A_18 : vector<16xi32>
    %select_n3A_20 = arith.select %and3A, %add3A_19, %rem3A_8 : vector<16xi1>, vector<16xi32>
    %mul3A_21 = arith.constant 12 : i32
    %mul3A_22 = vector.broadcast %mul3A_21 : i32 to vector<16xi32>
    %mul3A_23 = arith.muli %select_n3A_20, %mul3A_22 : vector<16xi32>
    %barrier3A = arith.constant 0 : index
    tpu.barrier barrier_id(%barrier3A)
    %get3A = arith.constant 0 : i32
    %get3A_24 = arith.index_cast %get3A : i32 to index
    %get3A_25 = arith.constant 0 : index
    %get3A_26 = tpu.vector_load %arg5[%get3A_24, %get3A_25] {strides = array<i32>} : memref<32x128xi32, #tpu.memory_space<vmem>>, vector<1x16xi32>,
    %get3A_27 = vector.shape_cast %get3A_26 : vector<1x16xi32> to vector<16xi32>
    %add3A_28 = arith.addi %get3A_27, %mul3A_23 : vector<16xi32>
    %swap3A = arith.constant 0 : i32
    %swap3A_29 = arith.index_cast %swap3A : i32 to index
    %swap3A_30 = arith.constant 0 : index
    %swap3A_31 = tpu.vector_load %arg5[%swap3A_29, %swap3A_30] {strides = array<i32>} : memref<32x128xi32, #tpu.memory_space<vmem>>, vector<1x16xi32>,
    %swap3A_32 = vector.shape_cast %swap3A_31 : vector<1x16xi32> to vector<16xi32>
    %swap3A_33 = vector.shape_cast %add3A_28 : vector<16xi32> to vector<1x16xi32>
    tpu.vector_store %arg5[%swap3A_29, %swap3A_30], %swap3A_33 {strides = array<i32>} : memref<32x128xi32, #tpu.memory_space<vmem>>, vector<1x16xi32>,
    %get3A_34 = arith.constant 0 : i32
    %get3A_35 = arith.index_cast %get3A_34 : i32 to index
    %get3A_36 = arith.constant 16 : index
    %get3A_37 = tpu.vector_load %arg5[%get3A_35, %get3A_36] {strides = array<i32>} : memref<32x128xi32, #tpu.memory_space<vmem>>, vector<1x16xi32>,
    %get3A_38 = vector.shape_cast %get3A_37 : vector<1x16xi32> to vector<16xi32>
    %add3A_39 = arith.addi %get3A_38, %mul3A_23 : vector<16xi32>
    %swap3A_40 = arith.constant 0 : i32
    %swap3A_41 = arith.index_cast %swap3A_40 : i32 to index
    %swap3A_42 = arith.constant 16 : index
    %swap3A_43 = tpu.vector_load %arg5[%swap3A_41, %swap3A_42] {strides = array<i32>} : memref<32x128xi32, #tpu.memory_space<vmem>>, vector<1x16xi32>,
    %swap3A_44 = vector.shape_cast %swap3A_43 : vector<1x16xi32> to vector<16xi32>
    %swap3A_45 = vector.shape_cast %add3A_39 : vector<16xi32> to vector<1x16xi32>
    tpu.vector_store %arg5[%swap3A_41, %swap3A_42], %swap3A_45 {strides = array<i32>} : memref<32x128xi32, #tpu.memory_space<vmem>>, vector<1x16xi32>,
    %get3A_46 = arith.constant 0 : i32
    %get3A_47 = arith.index_cast %get3A_46 : i32 to index
    %get3A_48 = arith.constant 32 : index
    %get3A_49 = tpu.vector_load %arg5[%get3A_47, %get3A_48] {strides = array<i32>} : memref<32x128xi32, #tpu.memory_space<vmem>>, vector<1x16xi32>,
    %get3A_50 = vector.shape_cast %get3A_49 : vector<1x16xi32> to vector<16xi32>
    %add3A_51 = arith.addi %get3A_50, %mul3A_23 : vector<16xi32>
    %swap3A_52 = arith.constant 0 : i32
    %swap3A_53 = arith.index_cast %swap3A_52 : i32 to index
    %swap3A_54 = arith.constant 32 : index
    %swap3A_55 = tpu.vector_load %arg5[%swap3A_53, %swap3A_54] {strides = array<i32>} : memref<32x128xi32, #tpu.memory_space<vmem>>, vector<1x16xi32>,
    %swap3A_56 = vector.shape_cast %swap3A_55 : vector<1x16xi32> to vector<16xi32>
    %swap3A_57 = vector.shape_cast %add3A_51 : vector<16xi32> to vector<1x16xi32>
    tpu.vector_store %arg5[%swap3A_53, %swap3A_54], %swap3A_57 {strides = array<i32>} : memref<32x128xi32, #tpu.memory_space<vmem>>, vector<1x16xi32>,
    %get3A_58 = arith.constant 0 : i32
    %get3A_59 = arith.index_cast %get3A_58 : i32 to index
    %get3A_60 = arith.constant 48 : index
    %get3A_61 = tpu.vector_load %arg5[%get3A_59, %get3A_60] {strides = array<i32>} : memref<32x128xi32, #tpu.memory_space<vmem>>, vector<1x16xi32>,
    %get3A_62 = vector.shape_cast %get3A_61 : vector<1x16xi32> to vector<16xi32>
    %add3A_63 = arith.addi %get3A_62, %mul3A_23 : vector<16xi32>
    %swap3A_64 = arith.constant 0 : i32
    %swap3A_65 = arith.index_cast %swap3A_64 : i32 to index
    %swap3A_66 = arith.constant 48 : index
    %swap3A_67 = tpu.vector_load %arg5[%swap3A_65, %swap3A_66] {strides = array<i32>} : memref<32x128xi32, #tpu.memory_space<vmem>>, vector<1x16xi32>,
    %swap3A_68 = vector.shape_cast %swap3A_67 : vector<1x16xi32> to vector<16xi32>
    %swap3A_69 = vector.shape_cast %add3A_63 : vector<16xi32> to vector<1x16xi32>
    tpu.vector_store %arg5[%swap3A_65, %swap3A_66], %swap3A_69 {strides = array<i32>} : memref<32x128xi32, #tpu.memory_space<vmem>>, vector<1x16xi32>,
    %get3A_70 = arith.constant 0 : i32
    %get3A_71 = arith.index_cast %get3A_70 : i32 to index
    %get3A_72 = arith.constant 64 : index
    %get3A_73 = tpu.vector_load %arg5[%get3A_71, %get3A_72] {strides = array<i32>} : memref<32x128xi32, #tpu.memory_space<vmem>>, vector<1x16xi32>,
    %get3A_74 = vector.shape_cast %get3A_73 : vector<1x16xi32> to vector<16xi32>
    %add3A_75 = arith.addi %get3A_74, %mul3A_23 : vector<16xi32>
    %swap3A_76 = arith.constant 0 : i32
    %swap3A_77 = arith.index_cast %swap3A_76 : i32 to index
    %swap3A_78 = arith.constant 64 : index
    %swap3A_79 = tpu.vector_load %arg5[%swap3A_77, %swap3A_78] {strides = array<i32>} : memref<32x128xi32, #tpu.memory_space<vmem>>, vector<1x16xi32>,
    %swap3A_80 = vector.shape_cast %swap3A_79 : vector<1x16xi32> to vector<16xi32>
    %swap3A_81 = vector.shape_cast %add3A_75 : vector<16xi32> to vector<1x16xi32>
    tpu.vector_store %arg5[%swap3A_77, %swap3A_78], %swap3A_81 {strides = array<i32>} : memref<32x128xi32, #tpu.memory_space<vmem>>, vector<1x16xi32>,
    %get3A_82 = arith.constant 0 : i32
    %get3A_83 = arith.index_cast %get3A_82 : i32 to index
    %get3A_84 = arith.constant 80 : index
    %get3A_85 = tpu.vector_load %arg5[%get3A_83, %get3A_84] {strides = array<i32>} : memref<32x128xi32, #tpu.memory_space<vmem>>, vector<1x16xi32>,
    %get3A_86 = vector.shape_cast %get3A_85 : vector<1x16xi32> to vector<16xi32>
    %add3A_87 = arith.addi %get3A_86, %mul3A_23 : vector<16xi32>
    %swap3A_88 = arith.constant 0 : i32
    %swap3A_89 = arith.index_cast %swap3A_88 : i32 to index
    %swap3A_90 = arith.constant 80 : index
    %swap3A_91 = tpu.vector_load %arg5[%swap3A_89, %swap3A_90] {strides = array<i32>} : memref<32x128xi32, #tpu.memory_space<vmem>>, vector<1x16xi32>,
    %swap3A_92 = vector.shape_cast %swap3A_91 : vector<1x16xi32> to vector<16xi32>
    %swap3A_93 = vector.shape_cast %add3A_87 : vector<16xi32> to vector<1x16xi32>
    tpu.vector_store %arg5[%swap3A_89, %swap3A_90], %swap3A_93 {strides = array<i32>} : memref<32x128xi32, #tpu.memory_space<vmem>>, vector<1x16xi32>,
    %get3A_94 = arith.constant 0 : i32
    %get3A_95 = arith.index_cast %get3A_94 : i32 to index
    %get3A_96 = arith.constant 96 : index
    %get3A_97 = tpu.vector_load %arg5[%get3A_95, %get3A_96] {strides = array<i32>} : memref<32x128xi32, #tpu.memory_space<vmem>>, vector<1x16xi32>,
    %get3A_98 = vector.shape_cast %get3A_97 : vector<1x16xi32> to vector<16xi32>
    %add3A_99 = arith.addi %get3A_98, %mul3A_23 : vector<16xi32>
    %swap3A_100 = arith.constant 0 : i32
    %swap3A_101 = arith.index_cast %swap3A_100 : i32 to index
    %swap3A_102 = arith.constant 96 : index
    %swap3A_103 = tpu.vector_load %arg5[%swap3A_101, %swap3A_102] {strides = array<i32>} : memref<32x128xi32, #tpu.memory_space<vmem>>, vector<1x16xi32>,
    %swap3A_104 = vector.shape_cast %swap3A_103 : vector<1x16xi32> to vector<16xi32>
    %swap3A_105 = vector.shape_cast %add3A_99 : vector<16xi32> to vector<1x16xi32>
    tpu.vector_store %arg5[%swap3A_101, %swap3A_102], %swap3A_105 {strides = array<i32>} : memref<32x128xi32, #tpu.memory_space<vmem>>, vector<1x16xi32>,
    %get3A_106 = arith.constant 0 : i32
    %get3A_107 = arith.index_cast %get3A_106 : i32 to index
    %get3A_108 = arith.constant 112 : index
    %get3A_109 = tpu.vector_load %arg5[%get3A_107, %get3A_108] {strides = array<i32>} : memref<32x128xi32, #tpu.memory_space<vmem>>, vector<1x16xi32>,
    %get3A_110 = vector.shape_cast %get3A_109 : vector<1x16xi32> to vector<16xi32>
    %add3A_111 = arith.addi %get3A_110, %mul3A_23 : vector<16xi32>
    %swap3A_112 = arith.constant 0 : i32
    %swap3A_113 = arith.index_cast %swap3A_112 : i32 to index
    %swap3A_114 = arith.constant 112 : index
    %swap3A_115 = tpu.vector_load %arg5[%swap3A_113, %swap3A_114] {strides = array<i32>} : memref<32x128xi32, #tpu.memory_space<vmem>>, vector<1x16xi32>,
    %swap3A_116 = vector.shape_cast %swap3A_115 : vector<1x16xi32> to vector<16xi32>
    %swap3A_117 = vector.shape_cast %add3A_111 : vector<16xi32> to vector<1x16xi32>
    tpu.vector_store %arg5[%swap3A_113, %swap3A_114], %swap3A_117 {strides = array<i32>} : memref<32x128xi32, #tpu.memory_space<vmem>>, vector<1x16xi32>,
    %dma_start3A = arith.constant 0 : i32
    %dma_start3A_118 = arith.constant 0 : i32
    %dma_start3A_119 = tpu.memref_slice %arg5[%dma_start3A, %dma_start3A_118] : memref<32x128xi32, #tpu.memory_space<vmem>> -> memref<1x128xi32, #tpu.memory_space<vmem>>
    %dma_start3A_120 = tpu.memref_squeeze %dma_start3A_119 : memref<1x128xi32, #tpu.memory_space<vmem>> -> memref<128xi32, #tpu.memory_space<vmem>>
    %dma_start3A_121 = arith.constant 0 : i32
    %dma_start3A_122 = arith.constant 0 : i32
    %dma_start3A_123 = tpu.memref_slice %arg7[%dma_start3A_121, %dma_start3A_122] : memref<96x128xf32, #tpu.memory_space<vmem_shared>> -> memref<96x128xf32, #tpu.memory_space<vmem_shared>>
    tpu.enqueue_indirect_dma source(%dma_start3A_123 : memref<96x128xf32, #tpu.memory_space<vmem_shared>>) target(%arg8 : memref<128x128xf32, #tpu.memory_space<vmem>>) offsets(%dma_start3A_120 : memref<128xi32, #tpu.memory_space<vmem>>) semaphore(%arg14 : memref<!tpu.dma_semaphore, #tpu.memory_space<semaphore_mem>>)
    %get3A_124 = arith.constant 1 : i32
    %get3A_125 = arith.index_cast %get3A_124 : i32 to index
    %get3A_126 = arith.constant 0 : index
    %get3A_127 = tpu.vector_load %arg5[%get3A_125, %get3A_126] {strides = array<i32>} : memref<32x128xi32, #tpu.memory_space<vmem>>, vector<1x16xi32>,
    %get3A_128 = vector.shape_cast %get3A_127 : vector<1x16xi32> to vector<16xi32>
    %add3A_129 = arith.addi %get3A_128, %mul3A_23 : vector<16xi32>
    %swap3A_130 = arith.constant 1 : i32
    %swap3A_131 = arith.index_cast %swap3A_130 : i32 to index
    %swap3A_132 = arith.constant 0 : index
    %swap3A_133 = tpu.vector_load %arg5[%swap3A_131, %swap3A_132] {strides = array<i32>} : memref<32x128xi32, #tpu.memory_space<vmem>>, vector<1x16xi32>,
    %swap3A_134 = vector.shape_cast %swap3A_133 : vector<1x16xi32> to vector<16xi32>
    %swap3A_135 = vector.shape_cast %add3A_129 : vector<16xi32> to vector<1x16xi32>
    tpu.vector_store %arg5[%swap3A_131, %swap3A_132], %swap3A_135 {strides = array<i32>} : memref<32x128xi32, #tpu.memory_space<vmem>>, vector<1x16xi32>,
    %get3A_136 = arith.constant 1 : i32
    %get3A_137 = arith.index_cast %get3A_136 : i32 to index
    %get3A_138 = arith.constant 16 : index
    %get3A_139 = tpu.vector_load %arg5[%get3A_137, %get3A_138] {strides = array<i32>} : memref<32x128xi32, #tpu.memory_space<vmem>>, vector<1x16xi32>,
    %get3A_140 = vector.shape_cast %get3A_139 : vector<1x16xi32> to vector<16xi32>
    %add3A_141 = arith.addi %get3A_140, %mul3A_23 : vector<16xi32>
    %swap3A_142 = arith.constant 1 : i32
    %swap3A_143 = arith.index_cast %swap3A_142 : i32 to index
    %swap3A_144 = arith.constant 16 : index
    %swap3A_145 = tpu.vector_load %arg5[%swap3A_143, %swap3A_144] {strides = array<i32>} : memref<32x128xi32, #tpu.memory_space<vmem>>, vector<1x16xi32>,
    %swap3A_146 = vector.shape_cast %swap3A_145 : vector<1x16xi32> to vector<16xi32>
    %swap3A_147 = vector.shape_cast %add3A_141 : vector<16xi32> to vector<1x16xi32>
    tpu.vector_store %arg5[%swap3A_143, %swap3A_144], %swap3A_147 {strides = array<i32>} : memref<32x128xi32, #tpu.memory_space<vmem>>, vector<1x16xi32>,
    %get3A_148 = arith.constant 1 : i32
    %get3A_149 = arith.index_cast %get3A_148 : i32 to index
    %get3A_150 = arith.constant 32 : index
    %get3A_151 = tpu.vector_load %arg5[%get3A_149, %get3A_150] {strides = array<i32>} : memref<32x128xi32, #tpu.memory_space<vmem>>, vector<1x16xi32>,
    %get3A_152 = vector.shape_cast %get3A_151 : vector<1x16xi32> to vector<16xi32>
    %add3A_153 = arith.addi %get3A_152, %mul3A_23 : vector<16xi32>
    %swap3A_154 = arith.constant 1 : i32
    %swap3A_155 = arith.index_cast %swap3A_154 : i32 to index
    %swap3A_156 = arith.constant 32 : index
    %swap3A_157 = tpu.vector_load %arg5[%swap3A_155, %swap3A_156] {strides = array<i32>} : memref<32x128xi32, #tpu.memory_space<vmem>>, vector<1x16xi32>,
    %swap3A_158 = vector.shape_cast %swap3A_157 : vector<1x16xi32> to vector<16xi32>
    %swap3A_159 = vector.shape_cast %add3A_153 : vector<16xi32> to vector<1x16xi32>
    tpu.vector_store %arg5[%swap3A_155, %swap3A_156], %swap3A_159 {strides = array<i32>} : memref<32x128xi32, #tpu.memory_space<vmem>>, vector<1x16xi32>,
    %get3A_160 = arith.constant 1 : i32
    %get3A_161 = arith.index_cast %get3A_160 : i32 to index
    %get3A_162 = arith.constant 48 : index
    %get3A_163 = tpu.vector_load %arg5[%get3A_161, %get3A_162] {strides = array<i32>} : memref<32x128xi32, #tpu.memory_space<vmem>>, vector<1x16xi32>,
    %get3A_164 = vector.shape_cast %get3A_163 : vector<1x16xi32> to vector<16xi32>
    %add3A_165 = arith.addi %get3A_164, %mul3A_23 : vector<16xi32>
    %swap3A_166 = arith.constant 1 : i32
    %swap3A_167 = arith.index_cast %swap3A_166 : i32 to index
    %swap3A_168 = arith.constant 48 : index
    %swap3A_169 = tpu.vector_load %arg5[%swap3A_167, %swap3A_168] {strides = array<i32>} : memref<32x128xi32, #tpu.memory_space<vmem>>, vector<1x16xi32>,
    %swap3A_170 = vector.shape_cast %swap3A_169 : vector<1x16xi32> to vector<16xi32>
    %swap3A_171 = vector.shape_cast %add3A_165 : vector<16xi32> to vector<1x16xi32>
    tpu.vector_store %arg5[%swap3A_167, %swap3A_168], %swap3A_171 {strides = array<i32>} : memref<32x128xi32, #tpu.memory_space<vmem>>, vector<1x16xi32>,
    %get3A_172 = arith.constant 1 : i32
    %get3A_173 = arith.index_cast %get3A_172 : i32 to index
    %get3A_174 = arith.constant 64 : index
    %get3A_175 = tpu.vector_load %arg5[%get3A_173, %get3A_174] {strides = array<i32>} : memref<32x128xi32, #tpu.memory_space<vmem>>, vector<1x16xi32>,
    %get3A_176 = vector.shape_cast %get3A_175 : vector<1x16xi32> to vector<16xi32>
    %add3A_177 = arith.addi %get3A_176, %mul3A_23 : vector<16xi32>
    %swap3A_178 = arith.constant 1 : i32
    %swap3A_179 = arith.index_cast %swap3A_178 : i32 to index
    %swap3A_180 = arith.constant 64 : index
    %swap3A_181 = tpu.vector_load %arg5[%swap3A_179, %swap3A_180] {strides = array<i32>} : memref<32x128xi32, #tpu.memory_space<vmem>>, vector<1x16xi32>,
    %swap3A_182 = vector.shape_cast %swap3A_181 : vector<1x16xi32> to vector<16xi32>
    %swap3A_183 = vector.shape_cast %add3A_177 : vector<16xi32> to vector<1x16xi32>
    tpu.vector_store %arg5[%swap3A_179, %swap3A_180], %swap3A_183 {strides = array<i32>} : memref<32x128xi32, #tpu.memory_space<vmem>>, vector<1x16xi32>,
    %get3A_184 = arith.constant 1 : i32
    %get3A_185 = arith.index_cast %get3A_184 : i32 to index
    %get3A_186 = arith.constant 80 : index
    %get3A_187 = tpu.vector_load %arg5[%get3A_185, %get3A_186] {strides = array<i32>} : memref<32x128xi32, #tpu.memory_space<vmem>>, vector<1x16xi32>,
    %get3A_188 = vector.shape_cast %get3A_187 : vector<1x16xi32> to vector<16xi32>
    %add3A_189 = arith.addi %get3A_188, %mul3A_23 : vector<16xi32>
    %swap3A_190 = arith.constant 1 : i32
    %swap3A_191 = arith.index_cast %swap3A_190 : i32 to index
    %swap3A_192 = arith.constant 80 : index
    %swap3A_193 = tpu.vector_load %arg5[%swap3A_191, %swap3A_192] {strides = array<i32>} : memref<32x128xi32, #tpu.memory_space<vmem>>, vector<1x16xi32>,
    %swap3A_194 = vector.shape_cast %swap3A_193 : vector<1x16xi32> to vector<16xi32>
    %swap3A_195 = vector.shape_cast %add3A_189 : vector<16xi32> to vector<1x16xi32>
    tpu.vector_store %arg5[%swap3A_191, %swap3A_192], %swap3A_195 {strides = array<i32>} : memref<32x128xi32, #tpu.memory_space<vmem>>, vector<1x16xi32>,
    %get3A_196 = arith.constant 1 : i32
    %get3A_197 = arith.index_cast %get3A_196 : i32 to index
    %get3A_198 = arith.constant 96 : index
    %get3A_199 = tpu.vector_load %arg5[%get3A_197, %get3A_198] {strides = array<i32>} : memref<32x128xi32, #tpu.memory_space<vmem>>, vector<1x16xi32>,
    %get3A_200 = vector.shape_cast %get3A_199 : vector<1x16xi32> to vector<16xi32>
    %add3A_201 = arith.addi %get3A_200, %mul3A_23 : vector<16xi32>
    %swap3A_202 = arith.constant 1 : i32
    %swap3A_203 = arith.index_cast %swap3A_202 : i32 to index
    %swap3A_204 = arith.constant 96 : index
    %swap3A_205 = tpu.vector_load %arg5[%swap3A_203, %swap3A_204] {strides = array<i32>} : memref<32x128xi32, #tpu.memory_space<vmem>>, vector<1x16xi32>,
    %swap3A_206 = vector.shape_cast %swap3A_205 : vector<1x16xi32> to vector<16xi32>
    %swap3A_207 = vector.shape_cast %add3A_201 : vector<16xi32> to vector<1x16xi32>
    tpu.vector_store %arg5[%swap3A_203, %swap3A_204], %swap3A_207 {strides = array<i32>} : memref<32x128xi32, #tpu.memory_space<vmem>>, vector<1x16xi32>,
    %get3A_208 = arith.constant 1 : i32
    %get3A_209 = arith.index_cast %get3A_208 : i32 to index
    %get3A_210 = arith.constant 112 : index
    %get3A_211 = tpu.vector_load %arg5[%get3A_209, %get3A_210] {strides = array<i32>} : memref<32x128xi32, #tpu.memory_space<vmem>>, vector<1x16xi32>,
    %get3A_212 = vector.shape_cast %get3A_211 : vector<1x16xi32> to vector<16xi32>
    %add3A_213 = arith.addi %get3A_212, %mul3A_23 : vector<16xi32>
    %swap3A_214 = arith.constant 1 : i32
    %swap3A_215 = arith.index_cast %swap3A_214 : i32 to index
    %swap3A_216 = arith.constant 112 : index
    %swap3A_217 = tpu.vector_load %arg5[%swap3A_215, %swap3A_216] {strides = array<i32>} : memref<32x128xi32, #tpu.memory_space<vmem>>, vector<1x16xi32>,
    %swap3A_218 = vector.shape_cast %swap3A_217 : vector<1x16xi32> to vector<16xi32>
    %swap3A_219 = vector.shape_cast %add3A_213 : vector<16xi32> to vector<1x16xi32>
    tpu.vector_store %arg5[%swap3A_215, %swap3A_216], %swap3A_219 {strides = array<i32>} : memref<32x128xi32, #tpu.memory_space<vmem>>, vector<1x16xi32>,
    %dma_start3A_220 = arith.constant 1 : i32
    %dma_start3A_221 = arith.constant 0 : i32
    %dma_start3A_222 = tpu.memref_slice %arg5[%dma_start3A_220, %dma_start3A_221] : memref<32x128xi32, #tpu.memory_space<vmem>> -> memref<1x128xi32, #tpu.memory_space<vmem>>
    %dma_start3A_223 = tpu.memref_squeeze %dma_start3A_222 : memref<1x128xi32, #tpu.memory_space<vmem>> -> memref<128xi32, #tpu.memory_space<vmem>>
    %dma_start3A_224 = arith.constant 0 : i32
    %dma_start3A_225 = arith.constant 0 : i32
    %dma_start3A_226 = tpu.memref_slice %arg7[%dma_start3A_224, %dma_start3A_225] : memref<96x128xf32, #tpu.memory_space<vmem_shared>> -> memref<96x128xf32, #tpu.memory_space<vmem_shared>>
    tpu.enqueue_indirect_dma source(%dma_start3A_226 : memref<96x128xf32, #tpu.memory_space<vmem_shared>>) target(%arg9 : memref<128x128xf32, #tpu.memory_space<vmem>>) offsets(%dma_start3A_223 : memref<128xi32, #tpu.memory_space<vmem>>) semaphore(%arg15 : memref<!tpu.dma_semaphore, #tpu.memory_space<semaphore_mem>>)
    %get3A_227 = arith.constant 2 : i32
    %get3A_228 = arith.index_cast %get3A_227 : i32 to index
    %get3A_229 = arith.constant 0 : index
    %get3A_230 = tpu.vector_load %arg5[%get3A_228, %get3A_229] {strides = array<i32>} : memref<32x128xi32, #tpu.memory_space<vmem>>, vector<1x16xi32>,
    %get3A_231 = vector.shape_cast %get3A_230 : vector<1x16xi32> to vector<16xi32>
    %add3A_232 = arith.addi %get3A_231, %mul3A_23 : vector<16xi32>
    %swap3A_233 = arith.constant 2 : i32
    %swap3A_234 = arith.index_cast %swap3A_233 : i32 to index
    %swap3A_235 = arith.constant 0 : index
    %swap3A_236 = tpu.vector_load %arg5[%swap3A_234, %swap3A_235] {strides = array<i32>} : memref<32x128xi32, #tpu.memory_space<vmem>>, vector<1x16xi32>,
    %swap3A_237 = vector.shape_cast %swap3A_236 : vector<1x16xi32> to vector<16xi32>
    %swap3A_238 = vector.shape_cast %add3A_232 : vector<16xi32> to vector<1x16xi32>
    tpu.vector_store %arg5[%swap3A_234, %swap3A_235], %swap3A_238 {strides = array<i32>} : memref<32x128xi32, #tpu.memory_space<vmem>>, vector<1x16xi32>,
    %get3A_239 = arith.constant 2 : i32
    %get3A_240 = arith.index_cast %get3A_239 : i32 to index
    %get3A_241 = arith.constant 16 : index
    %get3A_242 = tpu.vector_load %arg5[%get3A_240, %get3A_241] {strides = array<i32>} : memref<32x128xi32, #tpu.memory_space<vmem>>, vector<1x16xi32>,
    %get3A_243 = vector.shape_cast %get3A_242 : vector<1x16xi32> to vector<16xi32>
    %add3A_244 = arith.addi %get3A_243, %mul3A_23 : vector<16xi32>
    %swap3A_245 = arith.constant 2 : i32
    %swap3A_246 = arith.index_cast %swap3A_245 : i32 to index
    %swap3A_247 = arith.constant 16 : index
    %swap3A_248 = tpu.vector_load %arg5[%swap3A_246, %swap3A_247] {strides = array<i32>} : memref<32x128xi32, #tpu.memory_space<vmem>>, vector<1x16xi32>,
    %swap3A_249 = vector.shape_cast %swap3A_248 : vector<1x16xi32> to vector<16xi32>
    %swap3A_250 = vector.shape_cast %add3A_244 : vector<16xi32> to vector<1x16xi32>
    tpu.vector_store %arg5[%swap3A_246, %swap3A_247], %swap3A_250 {strides = array<i32>} : memref<32x128xi32, #tpu.memory_space<vmem>>, vector<1x16xi32>,
    %get3A_251 = arith.constant 2 : i32
    %get3A_252 = arith.index_cast %get3A_251 : i32 to index
    %get3A_253 = arith.constant 32 : index
    %get3A_254 = tpu.vector_load %arg5[%get3A_252, %get3A_253] {strides = array<i32>} : memref<32x128xi32, #tpu.memory_space<vmem>>, vector<1x16xi32>,
    %get3A_255 = vector.shape_cast %get3A_254 : vector<1x16xi32> to vector<16xi32>
    %add3A_256 = arith.addi %get3A_255, %mul3A_23 : vector<16xi32>
    %swap3A_257 = arith.constant 2 : i32
    %swap3A_258 = arith.index_cast %swap3A_257 : i32 to index
    %swap3A_259 = arith.constant 32 : index
    %swap3A_260 = tpu.vector_load %arg5[%swap3A_258, %swap3A_259] {strides = array<i32>} : memref<32x128xi32, #tpu.memory_space<vmem>>, vector<1x16xi32>,
    %swap3A_261 = vector.shape_cast %swap3A_260 : vector<1x16xi32> to vector<16xi32>
    %swap3A_262 = vector.shape_cast %add3A_256 : vector<16xi32> to vector<1x16xi32>
    tpu.vector_store %arg5[%swap3A_258, %swap3A_259], %swap3A_262 {strides = array<i32>} : memref<32x128xi32, #tpu.memory_space<vmem>>, vector<1x16xi32>,
    %get3A_263 = arith.constant 2 : i32
    %get3A_264 = arith.index_cast %get3A_263 : i32 to index
    %get3A_265 = arith.constant 48 : index
    %get3A_266 = tpu.vector_load %arg5[%get3A_264, %get3A_265] {strides = array<i32>} : memref<32x128xi32, #tpu.memory_space<vmem>>, vector<1x16xi32>,
    %get3A_267 = vector.shape_cast %get3A_266 : vector<1x16xi32> to vector<16xi32>
    %add3A_268 = arith.addi %get3A_267, %mul3A_23 : vector<16xi32>
    %swap3A_269 = arith.constant 2 : i32
    %swap3A_270 = arith.index_cast %swap3A_269 : i32 to index
    %swap3A_271 = arith.constant 48 : index
    %swap3A_272 = tpu.vector_load %arg5[%swap3A_270, %swap3A_271] {strides = array<i32>} : memref<32x128xi32, #tpu.memory_space<vmem>>, vector<1x16xi32>,
    %swap3A_273 = vector.shape_cast %swap3A_272 : vector<1x16xi32> to vector<16xi32>
    %swap3A_274 = vector.shape_cast %add3A_268 : vector<16xi32> to vector<1x16xi32>
    tpu.vector_store %arg5[%swap3A_270, %swap3A_271], %swap3A_274 {strides = array<i32>} : memref<32x128xi32, #tpu.memory_space<vmem>>, vector<1x16xi32>,
    %get3A_275 = arith.constant 2 : i32
    %get3A_276 = arith.index_cast %get3A_275 : i32 to index
    %get3A_277 = arith.constant 64 : index
    %get3A_278 = tpu.vector_load %arg5[%get3A_276, %get3A_277] {strides = array<i32>} : memref<32x128xi32, #tpu.memory_space<vmem>>, vector<1x16xi32>,
    %get3A_279 = vector.shape_cast %get3A_278 : vector<1x16xi32> to vector<16xi32>
    %add3A_280 = arith.addi %get3A_279, %mul3A_23 : vector<16xi32>
    %swap3A_281 = arith.constant 2 : i32
    %swap3A_282 = arith.index_cast %swap3A_281 : i32 to index
    %swap3A_283 = arith.constant 64 : index
    %swap3A_284 = tpu.vector_load %arg5[%swap3A_282, %swap3A_283] {strides = array<i32>} : memref<32x128xi32, #tpu.memory_space<vmem>>, vector<1x16xi32>,
    %swap3A_285 = vector.shape_cast %swap3A_284 : vector<1x16xi32> to vector<16xi32>
    %swap3A_286 = vector.shape_cast %add3A_280 : vector<16xi32> to vector<1x16xi32>
    tpu.vector_store %arg5[%swap3A_282, %swap3A_283], %swap3A_286 {strides = array<i32>} : memref<32x128xi32, #tpu.memory_space<vmem>>, vector<1x16xi32>,
    %get3A_287 = arith.constant 2 : i32
    %get3A_288 = arith.index_cast %get3A_287 : i32 to index
    %get3A_289 = arith.constant 80 : index
    %get3A_290 = tpu.vector_load %arg5[%get3A_288, %get3A_289] {strides = array<i32>} : memref<32x128xi32, #tpu.memory_space<vmem>>, vector<1x16xi32>,
    %get3A_291 = vector.shape_cast %get3A_290 : vector<1x16xi32> to vector<16xi32>
    %add3A_292 = arith.addi %get3A_291, %mul3A_23 : vector<16xi32>
    %swap3A_293 = arith.constant 2 : i32
    %swap3A_294 = arith.index_cast %swap3A_293 : i32 to index
    %swap3A_295 = arith.constant 80 : index
    %swap3A_296 = tpu.vector_load %arg5[%swap3A_294, %swap3A_295] {strides = array<i32>} : memref<32x128xi32, #tpu.memory_space<vmem>>, vector<1x16xi32>,
    %swap3A_297 = vector.shape_cast %swap3A_296 : vector<1x16xi32> to vector<16xi32>
    %swap3A_298 = vector.shape_cast %add3A_292 : vector<16xi32> to vector<1x16xi32>
    tpu.vector_store %arg5[%swap3A_294, %swap3A_295], %swap3A_298 {strides = array<i32>} : memref<32x128xi32, #tpu.memory_space<vmem>>, vector<1x16xi32>,
    %get3A_299 = arith.constant 2 : i32
    %get3A_300 = arith.index_cast %get3A_299 : i32 to index
    %get3A_301 = arith.constant 96 : index
    %get3A_302 = tpu.vector_load %arg5[%get3A_300, %get3A_301] {strides = array<i32>} : memref<32x128xi32, #tpu.memory_space<vmem>>, vector<1x16xi32>,
    %get3A_303 = vector.shape_cast %get3A_302 : vector<1x16xi32> to vector<16xi32>
    %add3A_304 = arith.addi %get3A_303, %mul3A_23 : vector<16xi32>
    %swap3A_305 = arith.constant 2 : i32
    %swap3A_306 = arith.index_cast %swap3A_305 : i32 to index
    %swap3A_307 = arith.constant 96 : index
    %swap3A_308 = tpu.vector_load %arg5[%swap3A_306, %swap3A_307] {strides = array<i32>} : memref<32x128xi32, #tpu.memory_space<vmem>>, vector<1x16xi32>,
    %swap3A_309 = vector.shape_cast %swap3A_308 : vector<1x16xi32> to vector<16xi32>
    %swap3A_310 = vector.shape_cast %add3A_304 : vector<16xi32> to vector<1x16xi32>
    tpu.vector_store %arg5[%swap3A_306, %swap3A_307], %swap3A_310 {strides = array<i32>} : memref<32x128xi32, #tpu.memory_space<vmem>>, vector<1x16xi32>,
    %get3A_311 = arith.constant 2 : i32
    %get3A_312 = arith.index_cast %get3A_311 : i32 to index
    %get3A_313 = arith.constant 112 : index
    %get3A_314 = tpu.vector_load %arg5[%get3A_312, %get3A_313] {strides = array<i32>} : memref<32x128xi32, #tpu.memory_space<vmem>>, vector<1x16xi32>,
    %get3A_315 = vector.shape_cast %get3A_314 : vector<1x16xi32> to vector<16xi32>
    %add3A_316 = arith.addi %get3A_315, %mul3A_23 : vector<16xi32>
    %swap3A_317 = arith.constant 2 : i32
    %swap3A_318 = arith.index_cast %swap3A_317 : i32 to index
    %swap3A_319 = arith.constant 112 : index
    %swap3A_320 = tpu.vector_load %arg5[%swap3A_318, %swap3A_319] {strides = array<i32>} : memref<32x128xi32, #tpu.memory_space<vmem>>, vector<1x16xi32>,
    %swap3A_321 = vector.shape_cast %swap3A_320 : vector<1x16xi32> to vector<16xi32>
    %swap3A_322 = vector.shape_cast %add3A_316 : vector<16xi32> to vector<1x16xi32>
    tpu.vector_store %arg5[%swap3A_318, %swap3A_319], %swap3A_322 {strides = array<i32>} : memref<32x128xi32, #tpu.memory_space<vmem>>, vector<1x16xi32>,
    %dma_start3A_323 = arith.constant 2 : i32
    %dma_start3A_324 = arith.constant 0 : i32
    %dma_start3A_325 = tpu.memref_slice %arg5[%dma_start3A_323, %dma_start3A_324] : memref<32x128xi32, #tpu.memory_space<vmem>> -> memref<1x128xi32, #tpu.memory_space<vmem>>
    %dma_start3A_326 = tpu.memref_squeeze %dma_start3A_325 : memref<1x128xi32, #tpu.memory_space<vmem>> -> memref<128xi32, #tpu.memory_space<vmem>>
    %dma_start3A_327 = arith.constant 0 : i32
    %dma_start3A_328 = arith.constant 0 : i32
    %dma_start3A_329 = tpu.memref_slice %arg7[%dma_start3A_327, %dma_start3A_328] : memref<96x128xf32, #tpu.memory_space<vmem_shared>> -> memref<96x128xf32, #tpu.memory_space<vmem_shared>>
    tpu.enqueue_indirect_dma source(%dma_start3A_329 : memref<96x128xf32, #tpu.memory_space<vmem_shared>>) target(%arg10 : memref<128x128xf32, #tpu.memory_space<vmem>>) offsets(%dma_start3A_326 : memref<128xi32, #tpu.memory_space<vmem>>) semaphore(%arg16 : memref<!tpu.dma_semaphore, #tpu.memory_space<semaphore_mem>>)
    %get3A_330 = arith.constant 3 : i32
    %get3A_331 = arith.index_cast %get3A_330 : i32 to index
    %get3A_332 = arith.constant 0 : index
    %get3A_333 = tpu.vector_load %arg5[%get3A_331, %get3A_332] {strides = array<i32>} : memref<32x128xi32, #tpu.memory_space<vmem>>, vector<1x16xi32>,
    %get3A_334 = vector.shape_cast %get3A_333 : vector<1x16xi32> to vector<16xi32>
    %add3A_335 = arith.addi %get3A_334, %mul3A_23 : vector<16xi32>
    %swap3A_336 = arith.constant 3 : i32
    %swap3A_337 = arith.index_cast %swap3A_336 : i32 to index
    %swap3A_338 = arith.constant 0 : index
    %swap3A_339 = tpu.vector_load %arg5[%swap3A_337, %swap3A_338] {strides = array<i32>} : memref<32x128xi32, #tpu.memory_space<vmem>>, vector<1x16xi32>,
    %swap3A_340 = vector.shape_cast %swap3A_339 : vector<1x16xi32> to vector<16xi32>
    %swap3A_341 = vector.shape_cast %add3A_335 : vector<16xi32> to vector<1x16xi32>
    tpu.vector_store %arg5[%swap3A_337, %swap3A_338], %swap3A_341 {strides = array<i32>} : memref<32x128xi32, #tpu.memory_space<vmem>>, vector<1x16xi32>,
    %get3A_342 = arith.constant 3 : i32
    %get3A_343 = arith.index_cast %get3A_342 : i32 to index
    %get3A_344 = arith.constant 16 : index
    %get3A_345 = tpu.vector_load %arg5[%get3A_343, %get3A_344] {strides = array<i32>} : memref<32x128xi32, #tpu.memory_space<vmem>>, vector<1x16xi32>,
    %get3A_346 = vector.shape_cast %get3A_345 : vector<1x16xi32> to vector<16xi32>
    %add3A_347 = arith.addi %get3A_346, %mul3A_23 : vector<16xi32>
    %swap3A_348 = arith.constant 3 : i32
    %swap3A_349 = arith.index_cast %swap3A_348 : i32 to index
    %swap3A_350 = arith.constant 16 : index
    %swap3A_351 = tpu.vector_load %arg5[%swap3A_349, %swap3A_350] {strides = array<i32>} : memref<32x128xi32, #tpu.memory_space<vmem>>, vector<1x16xi32>,
    %swap3A_352 = vector.shape_cast %swap3A_351 : vector<1x16xi32> to vector<16xi32>
    %swap3A_353 = vector.shape_cast %add3A_347 : vector<16xi32> to vector<1x16xi32>
    tpu.vector_store %arg5[%swap3A_349, %swap3A_350], %swap3A_353 {strides = array<i32>} : memref<32x128xi32, #tpu.memory_space<vmem>>, vector<1x16xi32>,
    %get3A_354 = arith.constant 3 : i32
    %get3A_355 = arith.index_cast %get3A_354 : i32 to index
    %get3A_356 = arith.constant 32 : index
    %get3A_357 = tpu.vector_load %arg5[%get3A_355, %get3A_356] {strides = array<i32>} : memref<32x128xi32, #tpu.memory_space<vmem>>, vector<1x16xi32>,
    %get3A_358 = vector.shape_cast %get3A_357 : vector<1x16xi32> to vector<16xi32>
    %add3A_359 = arith.addi %get3A_358, %mul3A_23 : vector<16xi32>
    %swap3A_360 = arith.constant 3 : i32
    %swap3A_361 = arith.index_cast %swap3A_360 : i32 to index
    %swap3A_362 = arith.constant 32 : index
    %swap3A_363 = tpu.vector_load %arg5[%swap3A_361, %swap3A_362] {strides = array<i32>} : memref<32x128xi32, #tpu.memory_space<vmem>>, vector<1x16xi32>,
    %swap3A_364 = vector.shape_cast %swap3A_363 : vector<1x16xi32> to vector<16xi32>
    %swap3A_365 = vector.shape_cast %add3A_359 : vector<16xi32> to vector<1x16xi32>
    tpu.vector_store %arg5[%swap3A_361, %swap3A_362], %swap3A_365 {strides = array<i32>} : memref<32x128xi32, #tpu.memory_space<vmem>>, vector<1x16xi32>,
    %get3A_366 = arith.constant 3 : i32
    %get3A_367 = arith.index_cast %get3A_366 : i32 to index
    %get3A_368 = arith.constant 48 : index
    %get3A_369 = tpu.vector_load %arg5[%get3A_367, %get3A_368] {strides = array<i32>} : memref<32x128xi32, #tpu.memory_space<vmem>>, vector<1x16xi32>,
    %get3A_370 = vector.shape_cast %get3A_369 : vector<1x16xi32> to vector<16xi32>
    %add3A_371 = arith.addi %get3A_370, %mul3A_23 : vector<16xi32>
    %swap3A_372 = arith.constant 3 : i32
    %swap3A_373 = arith.index_cast %swap3A_372 : i32 to index
    %swap3A_374 = arith.constant 48 : index
    %swap3A_375 = tpu.vector_load %arg5[%swap3A_373, %swap3A_374] {strides = array<i32>} : memref<32x128xi32, #tpu.memory_space<vmem>>, vector<1x16xi32>,
    %swap3A_376 = vector.shape_cast %swap3A_375 : vector<1x16xi32> to vector<16xi32>
    %swap3A_377 = vector.shape_cast %add3A_371 : vector<16xi32> to vector<1x16xi32>
    tpu.vector_store %arg5[%swap3A_373, %swap3A_374], %swap3A_377 {strides = array<i32>} : memref<32x128xi32, #tpu.memory_space<vmem>>, vector<1x16xi32>,
    %get3A_378 = arith.constant 3 : i32
    %get3A_379 = arith.index_cast %get3A_378 : i32 to index
    %get3A_380 = arith.constant 64 : index
    %get3A_381 = tpu.vector_load %arg5[%get3A_379, %get3A_380] {strides = array<i32>} : memref<32x128xi32, #tpu.memory_space<vmem>>, vector<1x16xi32>,
    %get3A_382 = vector.shape_cast %get3A_381 : vector<1x16xi32> to vector<16xi32>
    %add3A_383 = arith.addi %get3A_382, %mul3A_23 : vector<16xi32>
    %swap3A_384 = arith.constant 3 : i32
    %swap3A_385 = arith.index_cast %swap3A_384 : i32 to index
    %swap3A_386 = arith.constant 64 : index
    %swap3A_387 = tpu.vector_load %arg5[%swap3A_385, %swap3A_386] {strides = array<i32>} : memref<32x128xi32, #tpu.memory_space<vmem>>, vector<1x16xi32>,
    %swap3A_388 = vector.shape_cast %swap3A_387 : vector<1x16xi32> to vector<16xi32>
    %swap3A_389 = vector.shape_cast %add3A_383 : vector<16xi32> to vector<1x16xi32>
    tpu.vector_store %arg5[%swap3A_385, %swap3A_386], %swap3A_389 {strides = array<i32>} : memref<32x128xi32, #tpu.memory_space<vmem>>, vector<1x16xi32>,
    %get3A_390 = arith.constant 3 : i32
    %get3A_391 = arith.index_cast %get3A_390 : i32 to index
    %get3A_392 = arith.constant 80 : index
    %get3A_393 = tpu.vector_load %arg5[%get3A_391, %get3A_392] {strides = array<i32>} : memref<32x128xi32, #tpu.memory_space<vmem>>, vector<1x16xi32>,
    %get3A_394 = vector.shape_cast %get3A_393 : vector<1x16xi32> to vector<16xi32>
    %add3A_395 = arith.addi %get3A_394, %mul3A_23 : vector<16xi32>
    %swap3A_396 = arith.constant 3 : i32
    %swap3A_397 = arith.index_cast %swap3A_396 : i32 to index
    %swap3A_398 = arith.constant 80 : index
    %swap3A_399 = tpu.vector_load %arg5[%swap3A_397, %swap3A_398] {strides = array<i32>} : memref<32x128xi32, #tpu.memory_space<vmem>>, vector<1x16xi32>,
    %swap3A_400 = vector.shape_cast %swap3A_399 : vector<1x16xi32> to vector<16xi32>
    %swap3A_401 = vector.shape_cast %add3A_395 : vector<16xi32> to vector<1x16xi32>
    tpu.vector_store %arg5[%swap3A_397, %swap3A_398], %swap3A_401 {strides = array<i32>} : memref<32x128xi32, #tpu.memory_space<vmem>>, vector<1x16xi32>,
    %get3A_402 = arith.constant 3 : i32
    %get3A_403 = arith.index_cast %get3A_402 : i32 to index
    %get3A_404 = arith.constant 96 : index
    %get3A_405 = tpu.vector_load %arg5[%get3A_403, %get3A_404] {strides = array<i32>} : memref<32x128xi32, #tpu.memory_space<vmem>>, vector<1x16xi32>,
    %get3A_406 = vector.shape_cast %get3A_405 : vector<1x16xi32> to vector<16xi32>
    %add3A_407 = arith.addi %get3A_406, %mul3A_23 : vector<16xi32>
    %swap3A_408 = arith.constant 3 : i32
    %swap3A_409 = arith.index_cast %swap3A_408 : i32 to index
    %swap3A_410 = arith.constant 96 : index
    %swap3A_411 = tpu.vector_load %arg5[%swap3A_409, %swap3A_410] {strides = array<i32>} : memref<32x128xi32, #tpu.memory_space<vmem>>, vector<1x16xi32>,
    %swap3A_412 = vector.shape_cast %swap3A_411 : vector<1x16xi32> to vector<16xi32>
    %swap3A_413 = vector.shape_cast %add3A_407 : vector<16xi32> to vector<1x16xi32>
    tpu.vector_store %arg5[%swap3A_409, %swap3A_410], %swap3A_413 {strides = array<i32>} : memref<32x128xi32, #tpu.memory_space<vmem>>, vector<1x16xi32>,
    %get3A_414 = arith.constant 3 : i32
    %get3A_415 = arith.index_cast %get3A_414 : i32 to index
    %get3A_416 = arith.constant 112 : index
    %get3A_417 = tpu.vector_load %arg5[%get3A_415, %get3A_416] {strides = array<i32>} : memref<32x128xi32, #tpu.memory_space<vmem>>, vector<1x16xi32>,
    %get3A_418 = vector.shape_cast %get3A_417 : vector<1x16xi32> to vector<16xi32>
    %add3A_419 = arith.addi %get3A_418, %mul3A_23 : vector<16xi32>
    %swap3A_420 = arith.constant 3 : i32
    %swap3A_421 = arith.index_cast %swap3A_420 : i32 to index
    %swap3A_422 = arith.constant 112 : index
    %swap3A_423 = tpu.vector_load %arg5[%swap3A_421, %swap3A_422] {strides = array<i32>} : memref<32x128xi32, #tpu.memory_space<vmem>>, vector<1x16xi32>,
    %swap3A_424 = vector.shape_cast %swap3A_423 : vector<1x16xi32> to vector<16xi32>
    %swap3A_425 = vector.shape_cast %add3A_419 : vector<16xi32> to vector<1x16xi32>
    tpu.vector_store %arg5[%swap3A_421, %swap3A_422], %swap3A_425 {strides = array<i32>} : memref<32x128xi32, #tpu.memory_space<vmem>>, vector<1x16xi32>,
    %dma_start3A_426 = arith.constant 3 : i32
    %dma_start3A_427 = arith.constant 0 : i32
    %dma_start3A_428 = tpu.memref_slice %arg5[%dma_start3A_426, %dma_start3A_427] : memref<32x128xi32, #tpu.memory_space<vmem>> -> memref<1x128xi32, #tpu.memory_space<vmem>>
    %dma_start3A_429 = tpu.memref_squeeze %dma_start3A_428 : memref<1x128xi32, #tpu.memory_space<vmem>> -> memref<128xi32, #tpu.memory_space<vmem>>
    %dma_start3A_430 = arith.constant 0 : i32
    %dma_start3A_431 = arith.constant 0 : i32
    %dma_start3A_432 = tpu.memref_slice %arg7[%dma_start3A_430, %dma_start3A_431] : memref<96x128xf32, #tpu.memory_space<vmem_shared>> -> memref<96x128xf32, #tpu.memory_space<vmem_shared>>
    tpu.enqueue_indirect_dma source(%dma_start3A_432 : memref<96x128xf32, #tpu.memory_space<vmem_shared>>) target(%arg11 : memref<128x128xf32, #tpu.memory_space<vmem>>) offsets(%dma_start3A_429 : memref<128xi32, #tpu.memory_space<vmem>>) semaphore(%arg17 : memref<!tpu.dma_semaphore, #tpu.memory_space<semaphore_mem>>)
    %dma_wait3A = arith.constant 0 : i32
    %dma_wait3A_433 = arith.constant 0 : i32
    %dma_wait3A_434 = tpu.memref_slice %arg5[%dma_wait3A, %dma_wait3A_433] : memref<32x128xi32, #tpu.memory_space<vmem>> -> memref<1x128xi32, #tpu.memory_space<vmem>>
    %dma_wait3A_435 = tpu.memref_squeeze %dma_wait3A_434 : memref<1x128xi32, #tpu.memory_space<vmem>> -> memref<128xi32, #tpu.memory_space<vmem>>
    %dma_wait3A_436 = arith.constant 0 : i32
    %dma_wait3A_437 = arith.constant 0 : i32
    %dma_wait3A_438 = tpu.memref_slice %arg7[%dma_wait3A_436, %dma_wait3A_437] : memref<96x128xf32, #tpu.memory_space<vmem_shared>> -> memref<96x128xf32, #tpu.memory_space<vmem_shared>>
    tpu.wait_indirect_dma semaphore(%arg14 : memref<!tpu.dma_semaphore, #tpu.memory_space<semaphore_mem>>) src(%dma_wait3A_438 : memref<96x128xf32, #tpu.memory_space<vmem_shared>>) dst(%arg8 : memref<128x128xf32, #tpu.memory_space<vmem>>)
    %add3A_439 = arith.constant 0 : i32
    %add3A_440 = arith.addi %mul3A_2, %add3A_439 : i32
    %dma_start3A_441 = arith.constant 0 : i32
    %dma_start3A_442 = tpu.memref_slice %arg4[%add3A_440, %dma_start3A_441] : memref<131072x128xf32, #tpu.memory_space<hbm>> -> memref<128x128xf32, #tpu.memory_space<hbm>>
    %dma_start3A_443 = arith.constant 0 : i32
    %dma_start3A_444 = tpu.memref_slice %arg4[%add3A_440, %dma_start3A_443] : memref<131072x128xf32, #tpu.memory_space<hbm>> -> memref<128x128xf32, #tpu.memory_space<hbm>>
    tpu.enqueue_dma source(%arg8 : memref<128x128xf32, #tpu.memory_space<vmem>>) target(%dma_start3A_444 : memref<128x128xf32, #tpu.memory_space<hbm>>) target_semaphore(%arg20 : memref<!tpu.dma_semaphore, #tpu.memory_space<semaphore_mem>>)
    %get3A_445 = arith.constant 4 : i32
    %get3A_446 = arith.index_cast %get3A_445 : i32 to index
    %get3A_447 = arith.constant 0 : index
    %get3A_448 = tpu.vector_load %arg5[%get3A_446, %get3A_447] {strides = array<i32>} : memref<32x128xi32, #tpu.memory_space<vmem>>, vector<1x16xi32>,
    %get3A_449 = vector.shape_cast %get3A_448 : vector<1x16xi32> to vector<16xi32>
    %add3A_450 = arith.addi %get3A_449, %mul3A_23 : vector<16xi32>
    %swap3A_451 = arith.constant 4 : i32
    %swap3A_452 = arith.index_cast %swap3A_451 : i32 to index
    %swap3A_453 = arith.constant 0 : index
    %swap3A_454 = tpu.vector_load %arg5[%swap3A_452, %swap3A_453] {strides = array<i32>} : memref<32x128xi32, #tpu.memory_space<vmem>>, vector<1x16xi32>,
    %swap3A_455 = vector.shape_cast %swap3A_454 : vector<1x16xi32> to vector<16xi32>
    %swap3A_456 = vector.shape_cast %add3A_450 : vector<16xi32> to vector<1x16xi32>
    tpu.vector_store %arg5[%swap3A_452, %swap3A_453], %swap3A_456 {strides = array<i32>} : memref<32x128xi32, #tpu.memory_space<vmem>>, vector<1x16xi32>,
    %get3A_457 = arith.constant 4 : i32
    %get3A_458 = arith.index_cast %get3A_457 : i32 to index
    %get3A_459 = arith.constant 16 : index
    %get3A_460 = tpu.vector_load %arg5[%get3A_458, %get3A_459] {strides = array<i32>} : memref<32x128xi32, #tpu.memory_space<vmem>>, vector<1x16xi32>,
    %get3A_461 = vector.shape_cast %get3A_460 : vector<1x16xi32> to vector<16xi32>
    %add3A_462 = arith.addi %get3A_461, %mul3A_23 : vector<16xi32>
    %swap3A_463 = arith.constant 4 : i32
    %swap3A_464 = arith.index_cast %swap3A_463 : i32 to index
    %swap3A_465 = arith.constant 16 : index
    %swap3A_466 = tpu.vector_load %arg5[%swap3A_464, %swap3A_465] {strides = array<i32>} : memref<32x128xi32, #tpu.memory_space<vmem>>, vector<1x16xi32>,
    %swap3A_467 = vector.shape_cast %swap3A_466 : vector<1x16xi32> to vector<16xi32>
    %swap3A_468 = vector.shape_cast %add3A_462 : vector<16xi32> to vector<1x16xi32>
    tpu.vector_store %arg5[%swap3A_464, %swap3A_465], %swap3A_468 {strides = array<i32>} : memref<32x128xi32, #tpu.memory_space<vmem>>, vector<1x16xi32>,
    %get3A_469 = arith.constant 4 : i32
    %get3A_470 = arith.index_cast %get3A_469 : i32 to index
    %get3A_471 = arith.constant 32 : index
    %get3A_472 = tpu.vector_load %arg5[%get3A_470, %get3A_471] {strides = array<i32>} : memref<32x128xi32, #tpu.memory_space<vmem>>, vector<1x16xi32>,
    %get3A_473 = vector.shape_cast %get3A_472 : vector<1x16xi32> to vector<16xi32>
    %add3A_474 = arith.addi %get3A_473, %mul3A_23 : vector<16xi32>
    %swap3A_475 = arith.constant 4 : i32
    %swap3A_476 = arith.index_cast %swap3A_475 : i32 to index
    %swap3A_477 = arith.constant 32 : index
    %swap3A_478 = tpu.vector_load %arg5[%swap3A_476, %swap3A_477] {strides = array<i32>} : memref<32x128xi32, #tpu.memory_space<vmem>>, vector<1x16xi32>,
    %swap3A_479 = vector.shape_cast %swap3A_478 : vector<1x16xi32> to vector<16xi32>
    %swap3A_480 = vector.shape_cast %add3A_474 : vector<16xi32> to vector<1x16xi32>
    tpu.vector_store %arg5[%swap3A_476, %swap3A_477], %swap3A_480 {strides = array<i32>} : memref<32x128xi32, #tpu.memory_space<vmem>>, vector<1x16xi32>,
    %get3A_481 = arith.constant 4 : i32
    %get3A_482 = arith.index_cast %get3A_481 : i32 to index
    %get3A_483 = arith.constant 48 : index
    %get3A_484 = tpu.vector_load %arg5[%get3A_482, %get3A_483] {strides = array<i32>} : memref<32x128xi32, #tpu.memory_space<vmem>>, vector<1x16xi32>,
    %get3A_485 = vector.shape_cast %get3A_484 : vector<1x16xi32> to vector<16xi32>
    %add3A_486 = arith.addi %get3A_485, %mul3A_23 : vector<16xi32>
    %swap3A_487 = arith.constant 4 : i32
    %swap3A_488 = arith.index_cast %swap3A_487 : i32 to index
    %swap3A_489 = arith.constant 48 : index
    %swap3A_490 = tpu.vector_load %arg5[%swap3A_488, %swap3A_489] {strides = array<i32>} : memref<32x128xi32, #tpu.memory_space<vmem>>, vector<1x16xi32>,
    %swap3A_491 = vector.shape_cast %swap3A_490 : vector<1x16xi32> to vector<16xi32>
    %swap3A_492 = vector.shape_cast %add3A_486 : vector<16xi32> to vector<1x16xi32>
    tpu.vector_store %arg5[%swap3A_488, %swap3A_489], %swap3A_492 {strides = array<i32>} : memref<32x128xi32, #tpu.memory_space<vmem>>, vector<1x16xi32>,
    %get3A_493 = arith.constant 4 : i32
    %get3A_494 = arith.index_cast %get3A_493 : i32 to index
    %get3A_495 = arith.constant 64 : index
    %get3A_496 = tpu.vector_load %arg5[%get3A_494, %get3A_495] {strides = array<i32>} : memref<32x128xi32, #tpu.memory_space<vmem>>, vector<1x16xi32>,
    %get3A_497 = vector.shape_cast %get3A_496 : vector<1x16xi32> to vector<16xi32>
    %add3A_498 = arith.addi %get3A_497, %mul3A_23 : vector<16xi32>
    %swap3A_499 = arith.constant 4 : i32
    %swap3A_500 = arith.index_cast %swap3A_499 : i32 to index
    %swap3A_501 = arith.constant 64 : index
    %swap3A_502 = tpu.vector_load %arg5[%swap3A_500, %swap3A_501] {strides = array<i32>} : memref<32x128xi32, #tpu.memory_space<vmem>>, vector<1x16xi32>,
    %swap3A_503 = vector.shape_cast %swap3A_502 : vector<1x16xi32> to vector<16xi32>
    %swap3A_504 = vector.shape_cast %add3A_498 : vector<16xi32> to vector<1x16xi32>
    tpu.vector_store %arg5[%swap3A_500, %swap3A_501], %swap3A_504 {strides = array<i32>} : memref<32x128xi32, #tpu.memory_space<vmem>>, vector<1x16xi32>,
    %get3A_505 = arith.constant 4 : i32
    %get3A_506 = arith.index_cast %get3A_505 : i32 to index
    %get3A_507 = arith.constant 80 : index
    %get3A_508 = tpu.vector_load %arg5[%get3A_506, %get3A_507] {strides = array<i32>} : memref<32x128xi32, #tpu.memory_space<vmem>>, vector<1x16xi32>,
    %get3A_509 = vector.shape_cast %get3A_508 : vector<1x16xi32> to vector<16xi32>
    %add3A_510 = arith.addi %get3A_509, %mul3A_23 : vector<16xi32>
    %swap3A_511 = arith.constant 4 : i32
    %swap3A_512 = arith.index_cast %swap3A_511 : i32 to index
    %swap3A_513 = arith.constant 80 : index
    %swap3A_514 = tpu.vector_load %arg5[%swap3A_512, %swap3A_513] {strides = array<i32>} : memref<32x128xi32, #tpu.memory_space<vmem>>, vector<1x16xi32>,
    %swap3A_515 = vector.shape_cast %swap3A_514 : vector<1x16xi32> to vector<16xi32>
    %swap3A_516 = vector.shape_cast %add3A_510 : vector<16xi32> to vector<1x16xi32>
    tpu.vector_store %arg5[%swap3A_512, %swap3A_513], %swap3A_516 {strides = array<i32>} : memref<32x128xi32, #tpu.memory_space<vmem>>, vector<1x16xi32>,
    %get3A_517 = arith.constant 4 : i32
    %get3A_518 = arith.index_cast %get3A_517 : i32 to index
    %get3A_519 = arith.constant 96 : index
    %get3A_520 = tpu.vector_load %arg5[%get3A_518, %get3A_519] {strides = array<i32>} : memref<32x128xi32, #tpu.memory_space<vmem>>, vector<1x16xi32>,
    %get3A_521 = vector.shape_cast %get3A_520 : vector<1x16xi32> to vector<16xi32>
    %add3A_522 = arith.addi %get3A_521, %mul3A_23 : vector<16xi32>
    %swap3A_523 = arith.constant 4 : i32
    %swap3A_524 = arith.index_cast %swap3A_523 : i32 to index
    %swap3A_525 = arith.constant 96 : index
    %swap3A_526 = tpu.vector_load %arg5[%swap3A_524, %swap3A_525] {strides = array<i32>} : memref<32x128xi32, #tpu.memory_space<vmem>>, vector<1x16xi32>,
    %swap3A_527 = vector.shape_cast %swap3A_526 : vector<1x16xi32> to vector<16xi32>
    %swap3A_528 = vector.shape_cast %add3A_522 : vector<16xi32> to vector<1x16xi32>
    tpu.vector_store %arg5[%swap3A_524, %swap3A_525], %swap3A_528 {strides = array<i32>} : memref<32x128xi32, #tpu.memory_space<vmem>>, vector<1x16xi32>,
    %get3A_529 = arith.constant 4 : i32
    %get3A_530 = arith.index_cast %get3A_529 : i32 to index
    %get3A_531 = arith.constant 112 : index
    %get3A_532 = tpu.vector_load %arg5[%get3A_530, %get3A_531] {strides = array<i32>} : memref<32x128xi32, #tpu.memory_space<vmem>>, vector<1x16xi32>,
    %get3A_533 = vector.shape_cast %get3A_532 : vector<1x16xi32> to vector<16xi32>
    %add3A_534 = arith.addi %get3A_533, %mul3A_23 : vector<16xi32>
    %swap3A_535 = arith.constant 4 : i32
    %swap3A_536 = arith.index_cast %swap3A_535 : i32 to index
    %swap3A_537 = arith.constant 112 : index
    %swap3A_538 = tpu.vector_load %arg5[%swap3A_536, %swap3A_537] {strides = array<i32>} : memref<32x128xi32, #tpu.memory_space<vmem>>, vector<1x16xi32>,
    %swap3A_539 = vector.shape_cast %swap3A_538 : vector<1x16xi32> to vector<16xi32>
    %swap3A_540 = vector.shape_cast %add3A_534 : vector<16xi32> to vector<1x16xi32>
    tpu.vector_store %arg5[%swap3A_536, %swap3A_537], %swap3A_540 {strides = array<i32>} : memref<32x128xi32, #tpu.memory_space<vmem>>, vector<1x16xi32>,
    %dma_start3A_541 = arith.constant 4 : i32
    %dma_start3A_542 = arith.constant 0 : i32
    %dma_start3A_543 = tpu.memref_slice %arg5[%dma_start3A_541, %dma_start3A_542] : memref<32x128xi32, #tpu.memory_space<vmem>> -> memref<1x128xi32, #tpu.memory_space<vmem>>
    %dma_start3A_544 = tpu.memref_squeeze %dma_start3A_543 : memref<1x128xi32, #tpu.memory_space<vmem>> -> memref<128xi32, #tpu.memory_space<vmem>>
    %dma_start3A_545 = arith.constant 0 : i32
    %dma_start3A_546 = arith.constant 0 : i32
    %dma_start3A_547 = tpu.memref_slice %arg7[%dma_start3A_545, %dma_start3A_546] : memref<96x128xf32, #tpu.memory_space<vmem_shared>> -> memref<96x128xf32, #tpu.memory_space<vmem_shared>>
    tpu.enqueue_indirect_dma source(%dma_start3A_547 : memref<96x128xf32, #tpu.memory_space<vmem_shared>>) target(%arg12 : memref<128x128xf32, #tpu.memory_space<vmem>>) offsets(%dma_start3A_544 : memref<128xi32, #tpu.memory_space<vmem>>) semaphore(%arg18 : memref<!tpu.dma_semaphore, #tpu.memory_space<semaphore_mem>>)
    %dma_wait3A_548 = arith.constant 1 : i32
    %dma_wait3A_549 = arith.constant 0 : i32
    %dma_wait3A_550 = tpu.memref_slice %arg5[%dma_wait3A_548, %dma_wait3A_549] : memref<32x128xi32, #tpu.memory_space<vmem>> -> memref<1x128xi32, #tpu.memory_space<vmem>>
    %dma_wait3A_551 = tpu.memref_squeeze %dma_wait3A_550 : memref<1x128xi32, #tpu.memory_space<vmem>> -> memref<128xi32, #tpu.memory_space<vmem>>
    %dma_wait3A_552 = arith.constant 0 : i32
    %dma_wait3A_553 = arith.constant 0 : i32
    %dma_wait3A_554 = tpu.memref_slice %arg7[%dma_wait3A_552, %dma_wait3A_553] : memref<96x128xf32, #tpu.memory_space<vmem_shared>> -> memref<96x128xf32, #tpu.memory_space<vmem_shared>>
    tpu.wait_indirect_dma semaphore(%arg15 : memref<!tpu.dma_semaphore, #tpu.memory_space<semaphore_mem>>) src(%dma_wait3A_554 : memref<96x128xf32, #tpu.memory_space<vmem_shared>>) dst(%arg9 : memref<128x128xf32, #tpu.memory_space<vmem>>)
    %add3A_555 = arith.constant 128 : i32
    %add3A_556 = arith.addi %mul3A_2, %add3A_555 : i32
    %dma_start3A_557 = arith.constant 0 : i32
    %dma_start3A_558 = tpu.memref_slice %arg4[%add3A_556, %dma_start3A_557] : memref<131072x128xf32, #tpu.memory_space<hbm>> -> memref<128x128xf32, #tpu.memory_space<hbm>>
    %dma_start3A_559 = arith.constant 0 : i32
    %dma_start3A_560 = tpu.memref_slice %arg4[%add3A_556, %dma_start3A_559] : memref<131072x128xf32, #tpu.memory_space<hbm>> -> memref<128x128xf32, #tpu.memory_space<hbm>>
    tpu.enqueue_dma source(%arg9 : memref<128x128xf32, #tpu.memory_space<vmem>>) target(%dma_start3A_560 : memref<128x128xf32, #tpu.memory_space<hbm>>) target_semaphore(%arg21 : memref<!tpu.dma_semaphore, #tpu.memory_space<semaphore_mem>>)
    %get3A_561 = arith.constant 5 : i32
    %get3A_562 = arith.index_cast %get3A_561 : i32 to index
    %get3A_563 = arith.constant 0 : index
    %get3A_564 = tpu.vector_load %arg5[%get3A_562, %get3A_563] {strides = array<i32>} : memref<32x128xi32, #tpu.memory_space<vmem>>, vector<1x16xi32>,
    %get3A_565 = vector.shape_cast %get3A_564 : vector<1x16xi32> to vector<16xi32>
    %add3A_566 = arith.addi %get3A_565, %mul3A_23 : vector<16xi32>
    %swap3A_567 = arith.constant 5 : i32
    %swap3A_568 = arith.index_cast %swap3A_567 : i32 to index
    %swap3A_569 = arith.constant 0 : index
    %swap3A_570 = tpu.vector_load %arg5[%swap3A_568, %swap3A_569] {strides = array<i32>} : memref<32x128xi32, #tpu.memory_space<vmem>>, vector<1x16xi32>,
    %swap3A_571 = vector.shape_cast %swap3A_570 : vector<1x16xi32> to vector<16xi32>
    %swap3A_572 = vector.shape_cast %add3A_566 : vector<16xi32> to vector<1x16xi32>
    tpu.vector_store %arg5[%swap3A_568, %swap3A_569], %swap3A_572 {strides = array<i32>} : memref<32x128xi32, #tpu.memory_space<vmem>>, vector<1x16xi32>,
    %get3A_573 = arith.constant 5 : i32
    %get3A_574 = arith.index_cast %get3A_573 : i32 to index
    %get3A_575 = arith.constant 16 : index
    %get3A_576 = tpu.vector_load %arg5[%get3A_574, %get3A_575] {strides = array<i32>} : memref<32x128xi32, #tpu.memory_space<vmem>>, vector<1x16xi32>,
    %get3A_577 = vector.shape_cast %get3A_576 : vector<1x16xi32> to vector<16xi32>
    %add3A_578 = arith.addi %get3A_577, %mul3A_23 : vector<16xi32>
    %swap3A_579 = arith.constant 5 : i32
    %swap3A_580 = arith.index_cast %swap3A_579 : i32 to index
    %swap3A_581 = arith.constant 16 : index
    %swap3A_582 = tpu.vector_load %arg5[%swap3A_580, %swap3A_581] {strides = array<i32>} : memref<32x128xi32, #tpu.memory_space<vmem>>, vector<1x16xi32>,
    %swap3A_583 = vector.shape_cast %swap3A_582 : vector<1x16xi32> to vector<16xi32>
    %swap3A_584 = vector.shape_cast %add3A_578 : vector<16xi32> to vector<1x16xi32>
    tpu.vector_store %arg5[%swap3A_580, %swap3A_581], %swap3A_584 {strides = array<i32>} : memref<32x128xi32, #tpu.memory_space<vmem>>, vector<1x16xi32>,
    %get3A_585 = arith.constant 5 : i32
    %get3A_586 = arith.index_cast %get3A_585 : i32 to index
    %get3A_587 = arith.constant 32 : index
    %get3A_588 = tpu.vector_load %arg5[%get3A_586, %get3A_587] {strides = array<i32>} : memref<32x128xi32, #tpu.memory_space<vmem>>, vector<1x16xi32>,
    %get3A_589 = vector.shape_cast %get3A_588 : vector<1x16xi32> to vector<16xi32>
    %add3A_590 = arith.addi %get3A_589, %mul3A_23 : vector<16xi32>
    %swap3A_591 = arith.constant 5 : i32
    %swap3A_592 = arith.index_cast %swap3A_591 : i32 to index
    %swap3A_593 = arith.constant 32 : index
    %swap3A_594 = tpu.vector_load %arg5[%swap3A_592, %swap3A_593] {strides = array<i32>} : memref<32x128xi32, #tpu.memory_space<vmem>>, vector<1x16xi32>,
    %swap3A_595 = vector.shape_cast %swap3A_594 : vector<1x16xi32> to vector<16xi32>
    %swap3A_596 = vector.shape_cast %add3A_590 : vector<16xi32> to vector<1x16xi32>
    tpu.vector_store %arg5[%swap3A_592, %swap3A_593], %swap3A_596 {strides = array<i32>} : memref<32x128xi32, #tpu.memory_space<vmem>>, vector<1x16xi32>,
    %get3A_597 = arith.constant 5 : i32
    %get3A_598 = arith.index_cast %get3A_597 : i32 to index
    %get3A_599 = arith.constant 48 : index
    %get3A_600 = tpu.vector_load %arg5[%get3A_598, %get3A_599] {strides = array<i32>} : memref<32x128xi32, #tpu.memory_space<vmem>>, vector<1x16xi32>,
    %get3A_601 = vector.shape_cast %get3A_600 : vector<1x16xi32> to vector<16xi32>
    %add3A_602 = arith.addi %get3A_601, %mul3A_23 : vector<16xi32>
    %swap3A_603 = arith.constant 5 : i32
    %swap3A_604 = arith.index_cast %swap3A_603 : i32 to index
    %swap3A_605 = arith.constant 48 : index
    %swap3A_606 = tpu.vector_load %arg5[%swap3A_604, %swap3A_605] {strides = array<i32>} : memref<32x128xi32, #tpu.memory_space<vmem>>, vector<1x16xi32>,
    %swap3A_607 = vector.shape_cast %swap3A_606 : vector<1x16xi32> to vector<16xi32>
    %swap3A_608 = vector.shape_cast %add3A_602 : vector<16xi32> to vector<1x16xi32>
    tpu.vector_store %arg5[%swap3A_604, %swap3A_605], %swap3A_608 {strides = array<i32>} : memref<32x128xi32, #tpu.memory_space<vmem>>, vector<1x16xi32>,
    %get3A_609 = arith.constant 5 : i32
    %get3A_610 = arith.index_cast %get3A_609 : i32 to index
    %get3A_611 = arith.constant 64 : index
    %get3A_612 = tpu.vector_load %arg5[%get3A_610, %get3A_611] {strides = array<i32>} : memref<32x128xi32, #tpu.memory_space<vmem>>, vector<1x16xi32>,
    %get3A_613 = vector.shape_cast %get3A_612 : vector<1x16xi32> to vector<16xi32>
    %add3A_614 = arith.addi %get3A_613, %mul3A_23 : vector<16xi32>
    %swap3A_615 = arith.constant 5 : i32
    %swap3A_616 = arith.index_cast %swap3A_615 : i32 to index
    %swap3A_617 = arith.constant 64 : index
    %swap3A_618 = tpu.vector_load %arg5[%swap3A_616, %swap3A_617] {strides = array<i32>} : memref<32x128xi32, #tpu.memory_space<vmem>>, vector<1x16xi32>,
    %swap3A_619 = vector.shape_cast %swap3A_618 : vector<1x16xi32> to vector<16xi32>
    %swap3A_620 = vector.shape_cast %add3A_614 : vector<16xi32> to vector<1x16xi32>
    tpu.vector_store %arg5[%swap3A_616, %swap3A_617], %swap3A_620 {strides = array<i32>} : memref<32x128xi32, #tpu.memory_space<vmem>>, vector<1x16xi32>,
    %get3A_621 = arith.constant 5 : i32
    %get3A_622 = arith.index_cast %get3A_621 : i32 to index
    %get3A_623 = arith.constant 80 : index
    %get3A_624 = tpu.vector_load %arg5[%get3A_622, %get3A_623] {strides = array<i32>} : memref<32x128xi32, #tpu.memory_space<vmem>>, vector<1x16xi32>,
    %get3A_625 = vector.shape_cast %get3A_624 : vector<1x16xi32> to vector<16xi32>
    %add3A_626 = arith.addi %get3A_625, %mul3A_23 : vector<16xi32>
    %swap3A_627 = arith.constant 5 : i32
    %swap3A_628 = arith.index_cast %swap3A_627 : i32 to index
    %swap3A_629 = arith.constant 80 : index
    %swap3A_630 = tpu.vector_load %arg5[%swap3A_628, %swap3A_629] {strides = array<i32>} : memref<32x128xi32, #tpu.memory_space<vmem>>, vector<1x16xi32>,
    %swap3A_631 = vector.shape_cast %swap3A_630 : vector<1x16xi32> to vector<16xi32>
    %swap3A_632 = vector.shape_cast %add3A_626 : vector<16xi32> to vector<1x16xi32>
    tpu.vector_store %arg5[%swap3A_628, %swap3A_629], %swap3A_632 {strides = array<i32>} : memref<32x128xi32, #tpu.memory_space<vmem>>, vector<1x16xi32>,
    %get3A_633 = arith.constant 5 : i32
    %get3A_634 = arith.index_cast %get3A_633 : i32 to index
    %get3A_635 = arith.constant 96 : index
    %get3A_636 = tpu.vector_load %arg5[%get3A_634, %get3A_635] {strides = array<i32>} : memref<32x128xi32, #tpu.memory_space<vmem>>, vector<1x16xi32>,
    %get3A_637 = vector.shape_cast %get3A_636 : vector<1x16xi32> to vector<16xi32>
    %add3A_638 = arith.addi %get3A_637, %mul3A_23 : vector<16xi32>
    %swap3A_639 = arith.constant 5 : i32
    %swap3A_640 = arith.index_cast %swap3A_639 : i32 to index
    %swap3A_641 = arith.constant 96 : index
    %swap3A_642 = tpu.vector_load %arg5[%swap3A_640, %swap3A_641] {strides = array<i32>} : memref<32x128xi32, #tpu.memory_space<vmem>>, vector<1x16xi32>,
    %swap3A_643 = vector.shape_cast %swap3A_642 : vector<1x16xi32> to vector<16xi32>
    %swap3A_644 = vector.shape_cast %add3A_638 : vector<16xi32> to vector<1x16xi32>
    tpu.vector_store %arg5[%swap3A_640, %swap3A_641], %swap3A_644 {strides = array<i32>} : memref<32x128xi32, #tpu.memory_space<vmem>>, vector<1x16xi32>,
    %get3A_645 = arith.constant 5 : i32
    %get3A_646 = arith.index_cast %get3A_645 : i32 to index
    %get3A_647 = arith.constant 112 : index
    %get3A_648 = tpu.vector_load %arg5[%get3A_646, %get3A_647] {strides = array<i32>} : memref<32x128xi32, #tpu.memory_space<vmem>>, vector<1x16xi32>,
    %get3A_649 = vector.shape_cast %get3A_648 : vector<1x16xi32> to vector<16xi32>
    %add3A_650 = arith.addi %get3A_649, %mul3A_23 : vector<16xi32>
    %swap3A_651 = arith.constant 5 : i32
    %swap3A_652 = arith.index_cast %swap3A_651 : i32 to index
    %swap3A_653 = arith.constant 112 : index
    %swap3A_654 = tpu.vector_load %arg5[%swap3A_652, %swap3A_653] {strides = array<i32>} : memref<32x128xi32, #tpu.memory_space<vmem>>, vector<1x16xi32>,
    %swap3A_655 = vector.shape_cast %swap3A_654 : vector<1x16xi32> to vector<16xi32>
    %swap3A_656 = vector.shape_cast %add3A_650 : vector<16xi32> to vector<1x16xi32>
    tpu.vector_store %arg5[%swap3A_652, %swap3A_653], %swap3A_656 {strides = array<i32>} : memref<32x128xi32, #tpu.memory_space<vmem>>, vector<1x16xi32>,
    %dma_start3A_657 = arith.constant 5 : i32
    %dma_start3A_658 = arith.constant 0 : i32
    %dma_start3A_659 = tpu.memref_slice %arg5[%dma_start3A_657, %dma_start3A_658] : memref<32x128xi32, #tpu.memory_space<vmem>> -> memref<1x128xi32, #tpu.memory_space<vmem>>
    %dma_start3A_660 = tpu.memref_squeeze %dma_start3A_659 : memref<1x128xi32, #tpu.memory_space<vmem>> -> memref<128xi32, #tpu.memory_space<vmem>>
    %dma_start3A_661 = arith.constant 0 : i32
    %dma_start3A_662 = arith.constant 0 : i32
    %dma_start3A_663 = tpu.memref_slice %arg7[%dma_start3A_661, %dma_start3A_662] : memref<96x128xf32, #tpu.memory_space<vmem_shared>> -> memref<96x128xf32, #tpu.memory_space<vmem_shared>>
    tpu.enqueue_indirect_dma source(%dma_start3A_663 : memref<96x128xf32, #tpu.memory_space<vmem_shared>>) target(%arg13 : memref<128x128xf32, #tpu.memory_space<vmem>>) offsets(%dma_start3A_660 : memref<128xi32, #tpu.memory_space<vmem>>) semaphore(%arg19 : memref<!tpu.dma_semaphore, #tpu.memory_space<semaphore_mem>>)
    %dma_wait3A_664 = arith.constant 2 : i32
    %dma_wait3A_665 = arith.constant 0 : i32
    %dma_wait3A_666 = tpu.memref_slice %arg5[%dma_wait3A_664, %dma_wait3A_665] : memref<32x128xi32, #tpu.memory_space<vmem>> -> memref<1x128xi32, #tpu.memory_space<vmem>>
    %dma_wait3A_667 = tpu.memref_squeeze %dma_wait3A_666 : memref<1x128xi32, #tpu.memory_space<vmem>> -> memref<128xi32, #tpu.memory_space<vmem>>
    %dma_wait3A_668 = arith.constant 0 : i32
    %dma_wait3A_669 = arith.constant 0 : i32
    %dma_wait3A_670 = tpu.memref_slice %arg7[%dma_wait3A_668, %dma_wait3A_669] : memref<96x128xf32, #tpu.memory_space<vmem_shared>> -> memref<96x128xf32, #tpu.memory_space<vmem_shared>>
    tpu.wait_indirect_dma semaphore(%arg16 : memref<!tpu.dma_semaphore, #tpu.memory_space<semaphore_mem>>) src(%dma_wait3A_670 : memref<96x128xf32, #tpu.memory_space<vmem_shared>>) dst(%arg10 : memref<128x128xf32, #tpu.memory_space<vmem>>)
    %add3A_671 = arith.constant 256 : i32
    %add3A_672 = arith.addi %mul3A_2, %add3A_671 : i32
    %dma_start3A_673 = arith.constant 0 : i32
    %dma_start3A_674 = tpu.memref_slice %arg4[%add3A_672, %dma_start3A_673] : memref<131072x128xf32, #tpu.memory_space<hbm>> -> memref<128x128xf32, #tpu.memory_space<hbm>>
    %dma_start3A_675 = arith.constant 0 : i32
    %dma_start3A_676 = tpu.memref_slice %arg4[%add3A_672, %dma_start3A_675] : memref<131072x128xf32, #tpu.memory_space<hbm>> -> memref<128x128xf32, #tpu.memory_space<hbm>>
    tpu.enqueue_dma source(%arg10 : memref<128x128xf32, #tpu.memory_space<vmem>>) target(%dma_start3A_676 : memref<128x128xf32, #tpu.memory_space<hbm>>) target_semaphore(%arg22 : memref<!tpu.dma_semaphore, #tpu.memory_space<semaphore_mem>>)
    %dma_wait3A_677 = arith.constant 0 : i32
    %dma_wait3A_678 = tpu.memref_slice %arg4[%add3A_440, %dma_wait3A_677] : memref<131072x128xf32, #tpu.memory_space<hbm>> -> memref<128x128xf32, #tpu.memory_space<hbm>>
    %dma_wait3A_679 = arith.constant 0 : i32
    %dma_wait3A_680 = tpu.memref_slice %arg4[%add3A_440, %dma_wait3A_679] : memref<131072x128xf32, #tpu.memory_space<hbm>> -> memref<128x128xf32, #tpu.memory_space<hbm>>
    tpu.wait_dma2 semaphore(%arg20 : memref<!tpu.dma_semaphore, #tpu.memory_space<semaphore_mem>>) src(%arg8 : memref<128x128xf32, #tpu.memory_space<vmem>>) dst(%dma_wait3A_680 : memref<128x128xf32, #tpu.memory_space<hbm>>)
    %get3A_681 = arith.constant 6 : i32
    %get3A_682 = arith.index_cast %get3A_681 : i32 to index
    %get3A_683 = arith.constant 0 : index
    %get3A_684 = tpu.vector_load %arg5[%get3A_682, %get3A_683] {strides = array<i32>} : memref<32x128xi32, #tpu.memory_space<vmem>>, vector<1x16xi32>,
    %get3A_685 = vector.shape_cast %get3A_684 : vector<1x16xi32> to vector<16xi32>
    %add3A_686 = arith.addi %get3A_685, %mul3A_23 : vector<16xi32>
    %swap3A_687 = arith.constant 6 : i32
    %swap3A_688 = arith.index_cast %swap3A_687 : i32 to index
    %swap3A_689 = arith.constant 0 : index
    %swap3A_690 = tpu.vector_load %arg5[%swap3A_688, %swap3A_689] {strides = array<i32>} : memref<32x128xi32, #tpu.memory_space<vmem>>, vector<1x16xi32>,
    %swap3A_691 = vector.shape_cast %swap3A_690 : vector<1x16xi32> to vector<16xi32>
    %swap3A_692 = vector.shape_cast %add3A_686 : vector<16xi32> to vector<1x16xi32>
    tpu.vector_store %arg5[%swap3A_688, %swap3A_689], %swap3A_692 {strides = array<i32>} : memref<32x128xi32, #tpu.memory_space<vmem>>, vector<1x16xi32>,
    %get3A_693 = arith.constant 6 : i32
    %get3A_694 = arith.index_cast %get3A_693 : i32 to index
    %get3A_695 = arith.constant 16 : index
    %get3A_696 = tpu.vector_load %arg5[%get3A_694, %get3A_695] {strides = array<i32>} : memref<32x128xi32, #tpu.memory_space<vmem>>, vector<1x16xi32>,
    %get3A_697 = vector.shape_cast %get3A_696 : vector<1x16xi32> to vector<16xi32>
    %add3A_698 = arith.addi %get3A_697, %mul3A_23 : vector<16xi32>
    %swap3A_699 = arith.constant 6 : i32
    %swap3A_700 = arith.index_cast %swap3A_699 : i32 to index
    %swap3A_701 = arith.constant 16 : index
    %swap3A_702 = tpu.vector_load %arg5[%swap3A_700, %swap3A_701] {strides = array<i32>} : memref<32x128xi32, #tpu.memory_space<vmem>>, vector<1x16xi32>,
    %swap3A_703 = vector.shape_cast %swap3A_702 : vector<1x16xi32> to vector<16xi32>
    %swap3A_704 = vector.shape_cast %add3A_698 : vector<16xi32> to vector<1x16xi32>
    tpu.vector_store %arg5[%swap3A_700, %swap3A_701], %swap3A_704 {strides = array<i32>} : memref<32x128xi32, #tpu.memory_space<vmem>>, vector<1x16xi32>,
    %get3A_705 = arith.constant 6 : i32
    %get3A_706 = arith.index_cast %get3A_705 : i32 to index
    %get3A_707 = arith.constant 32 : index
    %get3A_708 = tpu.vector_load %arg5[%get3A_706, %get3A_707] {strides = array<i32>} : memref<32x128xi32, #tpu.memory_space<vmem>>, vector<1x16xi32>,
    %get3A_709 = vector.shape_cast %get3A_708 : vector<1x16xi32> to vector<16xi32>
    %add3A_710 = arith.addi %get3A_709, %mul3A_23 : vector<16xi32>
    %swap3A_711 = arith.constant 6 : i32
    %swap3A_712 = arith.index_cast %swap3A_711 : i32 to index
    %swap3A_713 = arith.constant 32 : index
    %swap3A_714 = tpu.vector_load %arg5[%swap3A_712, %swap3A_713] {strides = array<i32>} : memref<32x128xi32, #tpu.memory_space<vmem>>, vector<1x16xi32>,
    %swap3A_715 = vector.shape_cast %swap3A_714 : vector<1x16xi32> to vector<16xi32>
    %swap3A_716 = vector.shape_cast %add3A_710 : vector<16xi32> to vector<1x16xi32>
    tpu.vector_store %arg5[%swap3A_712, %swap3A_713], %swap3A_716 {strides = array<i32>} : memref<32x128xi32, #tpu.memory_space<vmem>>, vector<1x16xi32>,
    %get3A_717 = arith.constant 6 : i32
    %get3A_718 = arith.index_cast %get3A_717 : i32 to index
    %get3A_719 = arith.constant 48 : index
    %get3A_720 = tpu.vector_load %arg5[%get3A_718, %get3A_719] {strides = array<i32>} : memref<32x128xi32, #tpu.memory_space<vmem>>, vector<1x16xi32>,
    %get3A_721 = vector.shape_cast %get3A_720 : vector<1x16xi32> to vector<16xi32>
    %add3A_722 = arith.addi %get3A_721, %mul3A_23 : vector<16xi32>
    %swap3A_723 = arith.constant 6 : i32
    %swap3A_724 = arith.index_cast %swap3A_723 : i32 to index
    %swap3A_725 = arith.constant 48 : index
    %swap3A_726 = tpu.vector_load %arg5[%swap3A_724, %swap3A_725] {strides = array<i32>} : memref<32x128xi32, #tpu.memory_space<vmem>>, vector<1x16xi32>,
    %swap3A_727 = vector.shape_cast %swap3A_726 : vector<1x16xi32> to vector<16xi32>
    %swap3A_728 = vector.shape_cast %add3A_722 : vector<16xi32> to vector<1x16xi32>
    tpu.vector_store %arg5[%swap3A_724, %swap3A_725], %swap3A_728 {strides = array<i32>} : memref<32x128xi32, #tpu.memory_space<vmem>>, vector<1x16xi32>,
    %get3A_729 = arith.constant 6 : i32
    %get3A_730 = arith.index_cast %get3A_729 : i32 to index
    %get3A_731 = arith.constant 64 : index
    %get3A_732 = tpu.vector_load %arg5[%get3A_730, %get3A_731] {strides = array<i32>} : memref<32x128xi32, #tpu.memory_space<vmem>>, vector<1x16xi32>,
    %get3A_733 = vector.shape_cast %get3A_732 : vector<1x16xi32> to vector<16xi32>
    %add3A_734 = arith.addi %get3A_733, %mul3A_23 : vector<16xi32>
    %swap3A_735 = arith.constant 6 : i32
    %swap3A_736 = arith.index_cast %swap3A_735 : i32 to index
    %swap3A_737 = arith.constant 64 : index
    %swap3A_738 = tpu.vector_load %arg5[%swap3A_736, %swap3A_737] {strides = array<i32>} : memref<32x128xi32, #tpu.memory_space<vmem>>, vector<1x16xi32>,
    %swap3A_739 = vector.shape_cast %swap3A_738 : vector<1x16xi32> to vector<16xi32>
    %swap3A_740 = vector.shape_cast %add3A_734 : vector<16xi32> to vector<1x16xi32>
    tpu.vector_store %arg5[%swap3A_736, %swap3A_737], %swap3A_740 {strides = array<i32>} : memref<32x128xi32, #tpu.memory_space<vmem>>, vector<1x16xi32>,
    %get3A_741 = arith.constant 6 : i32
    %get3A_742 = arith.index_cast %get3A_741 : i32 to index
    %get3A_743 = arith.constant 80 : index
    %get3A_744 = tpu.vector_load %arg5[%get3A_742, %get3A_743] {strides = array<i32>} : memref<32x128xi32, #tpu.memory_space<vmem>>, vector<1x16xi32>,
    %get3A_745 = vector.shape_cast %get3A_744 : vector<1x16xi32> to vector<16xi32>
    %add3A_746 = arith.addi %get3A_745, %mul3A_23 : vector<16xi32>
    %swap3A_747 = arith.constant 6 : i32
    %swap3A_748 = arith.index_cast %swap3A_747 : i32 to index
    %swap3A_749 = arith.constant 80 : index
    %swap3A_750 = tpu.vector_load %arg5[%swap3A_748, %swap3A_749] {strides = array<i32>} : memref<32x128xi32, #tpu.memory_space<vmem>>, vector<1x16xi32>,
    %swap3A_751 = vector.shape_cast %swap3A_750 : vector<1x16xi32> to vector<16xi32>
    %swap3A_752 = vector.shape_cast %add3A_746 : vector<16xi32> to vector<1x16xi32>
    tpu.vector_store %arg5[%swap3A_748, %swap3A_749], %swap3A_752 {strides = array<i32>} : memref<32x128xi32, #tpu.memory_space<vmem>>, vector<1x16xi32>,
    %get3A_753 = arith.constant 6 : i32
    %get3A_754 = arith.index_cast %get3A_753 : i32 to index
    %get3A_755 = arith.constant 96 : index
    %get3A_756 = tpu.vector_load %arg5[%get3A_754, %get3A_755] {strides = array<i32>} : memref<32x128xi32, #tpu.memory_space<vmem>>, vector<1x16xi32>,
    %get3A_757 = vector.shape_cast %get3A_756 : vector<1x16xi32> to vector<16xi32>
    %add3A_758 = arith.addi %get3A_757, %mul3A_23 : vector<16xi32>
    %swap3A_759 = arith.constant 6 : i32
    %swap3A_760 = arith.index_cast %swap3A_759 : i32 to index
    %swap3A_761 = arith.constant 96 : index
    %swap3A_762 = tpu.vector_load %arg5[%swap3A_760, %swap3A_761] {strides = array<i32>} : memref<32x128xi32, #tpu.memory_space<vmem>>, vector<1x16xi32>,
    %swap3A_763 = vector.shape_cast %swap3A_762 : vector<1x16xi32> to vector<16xi32>
    %swap3A_764 = vector.shape_cast %add3A_758 : vector<16xi32> to vector<1x16xi32>
    tpu.vector_store %arg5[%swap3A_760, %swap3A_761], %swap3A_764 {strides = array<i32>} : memref<32x128xi32, #tpu.memory_space<vmem>>, vector<1x16xi32>,
    %get3A_765 = arith.constant 6 : i32
    %get3A_766 = arith.index_cast %get3A_765 : i32 to index
    %get3A_767 = arith.constant 112 : index
    %get3A_768 = tpu.vector_load %arg5[%get3A_766, %get3A_767] {strides = array<i32>} : memref<32x128xi32, #tpu.memory_space<vmem>>, vector<1x16xi32>,
    %get3A_769 = vector.shape_cast %get3A_768 : vector<1x16xi32> to vector<16xi32>
    %add3A_770 = arith.addi %get3A_769, %mul3A_23 : vector<16xi32>
    %swap3A_771 = arith.constant 6 : i32
    %swap3A_772 = arith.index_cast %swap3A_771 : i32 to index
    %swap3A_773 = arith.constant 112 : index
    %swap3A_774 = tpu.vector_load %arg5[%swap3A_772, %swap3A_773] {strides = array<i32>} : memref<32x128xi32, #tpu.memory_space<vmem>>, vector<1x16xi32>,
    %swap3A_775 = vector.shape_cast %swap3A_774 : vector<1x16xi32> to vector<16xi32>
    %swap3A_776 = vector.shape_cast %add3A_770 : vector<16xi32> to vector<1x16xi32>
    tpu.vector_store %arg5[%swap3A_772, %swap3A_773], %swap3A_776 {strides = array<i32>} : memref<32x128xi32, #tpu.memory_space<vmem>>, vector<1x16xi32>,
    %dma_start3A_777 = arith.constant 6 : i32
    %dma_start3A_778 = arith.constant 0 : i32
    %dma_start3A_779 = tpu.memref_slice %arg5[%dma_start3A_777, %dma_start3A_778] : memref<32x128xi32, #tpu.memory_space<vmem>> -> memref<1x128xi32, #tpu.memory_space<vmem>>
    %dma_start3A_780 = tpu.memref_squeeze %dma_start3A_779 : memref<1x128xi32, #tpu.memory_space<vmem>> -> memref<128xi32, #tpu.memory_space<vmem>>
    %dma_start3A_781 = arith.constant 0 : i32
    %dma_start3A_782 = arith.constant 0 : i32
    %dma_start3A_783 = tpu.memref_slice %arg7[%dma_start3A_781, %dma_start3A_782] : memref<96x128xf32, #tpu.memory_space<vmem_shared>> -> memref<96x128xf32, #tpu.memory_space<vmem_shared>>
    tpu.enqueue_indirect_dma source(%dma_start3A_783 : memref<96x128xf32, #tpu.memory_space<vmem_shared>>) target(%arg8 : memref<128x128xf32, #tpu.memory_space<vmem>>) offsets(%dma_start3A_780 : memref<128xi32, #tpu.memory_space<vmem>>) semaphore(%arg14 : memref<!tpu.dma_semaphore, #tpu.memory_space<semaphore_mem>>)
    %dma_wait3A_784 = arith.constant 3 : i32
    %dma_wait3A_785 = arith.constant 0 : i32
    %dma_wait3A_786 = tpu.memref_slice %arg5[%dma_wait3A_784, %dma_wait3A_785] : memref<32x128xi32, #tpu.memory_space<vmem>> -> memref<1x128xi32, #tpu.memory_space<vmem>>
    %dma_wait3A_787 = tpu.memref_squeeze %dma_wait3A_786 : memref<1x128xi32, #tpu.memory_space<vmem>> -> memref<128xi32, #tpu.memory_space<vmem>>
    %dma_wait3A_788 = arith.constant 0 : i32
    %dma_wait3A_789 = arith.constant 0 : i32
    %dma_wait3A_790 = tpu.memref_slice %arg7[%dma_wait3A_788, %dma_wait3A_789] : memref<96x128xf32, #tpu.memory_space<vmem_shared>> -> memref<96x128xf32, #tpu.memory_space<vmem_shared>>
    tpu.wait_indirect_dma semaphore(%arg17 : memref<!tpu.dma_semaphore, #tpu.memory_space<semaphore_mem>>) src(%dma_wait3A_790 : memref<96x128xf32, #tpu.memory_space<vmem_shared>>) dst(%arg11 : memref<128x128xf32, #tpu.memory_space<vmem>>)
    %add3A_791 = arith.constant 384 : i32
    %add3A_792 = arith.addi %mul3A_2, %add3A_791 : i32
    %dma_start3A_793 = arith.constant 0 : i32
    %dma_start3A_794 = tpu.memref_slice %arg4[%add3A_792, %dma_start3A_793] : memref<131072x128xf32, #tpu.memory_space<hbm>> -> memref<128x128xf32, #tpu.memory_space<hbm>>
    %dma_start3A_795 = arith.constant 0 : i32
    %dma_start3A_796 = tpu.memref_slice %arg4[%add3A_792, %dma_start3A_795] : memref<131072x128xf32, #tpu.memory_space<hbm>> -> memref<128x128xf32, #tpu.memory_space<hbm>>
    tpu.enqueue_dma source(%arg11 : memref<128x128xf32, #tpu.memory_space<vmem>>) target(%dma_start3A_796 : memref<128x128xf32, #tpu.memory_space<hbm>>) target_semaphore(%arg23 : memref<!tpu.dma_semaphore, #tpu.memory_space<semaphore_mem>>)
    %dma_wait3A_797 = arith.constant 0 : i32
    %dma_wait3A_798 = tpu.memref_slice %arg4[%add3A_556, %dma_wait3A_797] : memref<131072x128xf32, #tpu.memory_space<hbm>> -> memref<128x128xf32, #tpu.memory_space<hbm>>
    %dma_wait3A_799 = arith.constant 0 : i32
    %dma_wait3A_800 = tpu.memref_slice %arg4[%add3A_556, %dma_wait3A_799] : memref<131072x128xf32, #tpu.memory_space<hbm>> -> memref<128x128xf32, #tpu.memory_space<hbm>>
    tpu.wait_dma2 semaphore(%arg21 : memref<!tpu.dma_semaphore, #tpu.memory_space<semaphore_mem>>) src(%arg9 : memref<128x128xf32, #tpu.memory_space<vmem>>) dst(%dma_wait3A_800 : memref<128x128xf32, #tpu.memory_space<hbm>>)
    %get3A_801 = arith.constant 7 : i32
    %get3A_802 = arith.index_cast %get3A_801 : i32 to index
    %get3A_803 = arith.constant 0 : index
    %get3A_804 = tpu.vector_load %arg5[%get3A_802, %get3A_803] {strides = array<i32>} : memref<32x128xi32, #tpu.memory_space<vmem>>, vector<1x16xi32>,
    %get3A_805 = vector.shape_cast %get3A_804 : vector<1x16xi32> to vector<16xi32>
    %add3A_806 = arith.addi %get3A_805, %mul3A_23 : vector<16xi32>
    %swap3A_807 = arith.constant 7 : i32
    %swap3A_808 = arith.index_cast %swap3A_807 : i32 to index
    %swap3A_809 = arith.constant 0 : index
    %swap3A_810 = tpu.vector_load %arg5[%swap3A_808, %swap3A_809] {strides = array<i32>} : memref<32x128xi32, #tpu.memory_space<vmem>>, vector<1x16xi32>,
    %swap3A_811 = vector.shape_cast %swap3A_810 : vector<1x16xi32> to vector<16xi32>
    %swap3A_812 = vector.shape_cast %add3A_806 : vector<16xi32> to vector<1x16xi32>
    tpu.vector_store %arg5[%swap3A_808, %swap3A_809], %swap3A_812 {strides = array<i32>} : memref<32x128xi32, #tpu.memory_space<vmem>>, vector<1x16xi32>,
    %get3A_813 = arith.constant 7 : i32
    %get3A_814 = arith.index_cast %get3A_813 : i32 to index
    %get3A_815 = arith.constant 16 : index
    %get3A_816 = tpu.vector_load %arg5[%get3A_814, %get3A_815] {strides = array<i32>} : memref<32x128xi32, #tpu.memory_space<vmem>>, vector<1x16xi32>,
    %get3A_817 = vector.shape_cast %get3A_816 : vector<1x16xi32> to vector<16xi32>
    %add3A_818 = arith.addi %get3A_817, %mul3A_23 : vector<16xi32>
    %swap3A_819 = arith.constant 7 : i32
    %swap3A_820 = arith.index_cast %swap3A_819 : i32 to index
    %swap3A_821 = arith.constant 16 : index
    %swap3A_822 = tpu.vector_load %arg5[%swap3A_820, %swap3A_821] {strides = array<i32>} : memref<32x128xi32, #tpu.memory_space<vmem>>, vector<1x16xi32>,
    %swap3A_823 = vector.shape_cast %swap3A_822 : vector<1x16xi32> to vector<16xi32>
    %swap3A_824 = vector.shape_cast %add3A_818 : vector<16xi32> to vector<1x16xi32>
    tpu.vector_store %arg5[%swap3A_820, %swap3A_821], %swap3A_824 {strides = array<i32>} : memref<32x128xi32, #tpu.memory_space<vmem>>, vector<1x16xi32>,
    %get3A_825 = arith.constant 7 : i32
    %get3A_826 = arith.index_cast %get3A_825 : i32 to index
    %get3A_827 = arith.constant 32 : index
    %get3A_828 = tpu.vector_load %arg5[%get3A_826, %get3A_827] {strides = array<i32>} : memref<32x128xi32, #tpu.memory_space<vmem>>, vector<1x16xi32>,
    %get3A_829 = vector.shape_cast %get3A_828 : vector<1x16xi32> to vector<16xi32>
    %add3A_830 = arith.addi %get3A_829, %mul3A_23 : vector<16xi32>
    %swap3A_831 = arith.constant 7 : i32
    %swap3A_832 = arith.index_cast %swap3A_831 : i32 to index
    %swap3A_833 = arith.constant 32 : index
    %swap3A_834 = tpu.vector_load %arg5[%swap3A_832, %swap3A_833] {strides = array<i32>} : memref<32x128xi32, #tpu.memory_space<vmem>>, vector<1x16xi32>,
    %swap3A_835 = vector.shape_cast %swap3A_834 : vector<1x16xi32> to vector<16xi32>
    %swap3A_836 = vector.shape_cast %add3A_830 : vector<16xi32> to vector<1x16xi32>
    tpu.vector_store %arg5[%swap3A_832, %swap3A_833], %swap3A_836 {strides = array<i32>} : memref<32x128xi32, #tpu.memory_space<vmem>>, vector<1x16xi32>,
    %get3A_837 = arith.constant 7 : i32
    %get3A_838 = arith.index_cast %get3A_837 : i32 to index
    %get3A_839 = arith.constant 48 : index
    %get3A_840 = tpu.vector_load %arg5[%get3A_838, %get3A_839] {strides = array<i32>} : memref<32x128xi32, #tpu.memory_space<vmem>>, vector<1x16xi32>,
    %get3A_841 = vector.shape_cast %get3A_840 : vector<1x16xi32> to vector<16xi32>
    %add3A_842 = arith.addi %get3A_841, %mul3A_23 : vector<16xi32>
    %swap3A_843 = arith.constant 7 : i32
    %swap3A_844 = arith.index_cast %swap3A_843 : i32 to index
    %swap3A_845 = arith.constant 48 : index
    %swap3A_846 = tpu.vector_load %arg5[%swap3A_844, %swap3A_845] {strides = array<i32>} : memref<32x128xi32, #tpu.memory_space<vmem>>, vector<1x16xi32>,
    %swap3A_847 = vector.shape_cast %swap3A_846 : vector<1x16xi32> to vector<16xi32>
    %swap3A_848 = vector.shape_cast %add3A_842 : vector<16xi32> to vector<1x16xi32>
    tpu.vector_store %arg5[%swap3A_844, %swap3A_845], %swap3A_848 {strides = array<i32>} : memref<32x128xi32, #tpu.memory_space<vmem>>, vector<1x16xi32>,
    %get3A_849 = arith.constant 7 : i32
    %get3A_850 = arith.index_cast %get3A_849 : i32 to index
    %get3A_851 = arith.constant 64 : index
    %get3A_852 = tpu.vector_load %arg5[%get3A_850, %get3A_851] {strides = array<i32>} : memref<32x128xi32, #tpu.memory_space<vmem>>, vector<1x16xi32>,
    %get3A_853 = vector.shape_cast %get3A_852 : vector<1x16xi32> to vector<16xi32>
    %add3A_854 = arith.addi %get3A_853, %mul3A_23 : vector<16xi32>
    %swap3A_855 = arith.constant 7 : i32
    %swap3A_856 = arith.index_cast %swap3A_855 : i32 to index
    %swap3A_857 = arith.constant 64 : index
    %swap3A_858 = tpu.vector_load %arg5[%swap3A_856, %swap3A_857] {strides = array<i32>} : memref<32x128xi32, #tpu.memory_space<vmem>>, vector<1x16xi32>,
    %swap3A_859 = vector.shape_cast %swap3A_858 : vector<1x16xi32> to vector<16xi32>
    %swap3A_860 = vector.shape_cast %add3A_854 : vector<16xi32> to vector<1x16xi32>
    tpu.vector_store %arg5[%swap3A_856, %swap3A_857], %swap3A_860 {strides = array<i32>} : memref<32x128xi32, #tpu.memory_space<vmem>>, vector<1x16xi32>,
    %get3A_861 = arith.constant 7 : i32
    %get3A_862 = arith.index_cast %get3A_861 : i32 to index
    %get3A_863 = arith.constant 80 : index
    %get3A_864 = tpu.vector_load %arg5[%get3A_862, %get3A_863] {strides = array<i32>} : memref<32x128xi32, #tpu.memory_space<vmem>>, vector<1x16xi32>,
    %get3A_865 = vector.shape_cast %get3A_864 : vector<1x16xi32> to vector<16xi32>
    %add3A_866 = arith.addi %get3A_865, %mul3A_23 : vector<16xi32>
    %swap3A_867 = arith.constant 7 : i32
    %swap3A_868 = arith.index_cast %swap3A_867 : i32 to index
    %swap3A_869 = arith.constant 80 : index
    %swap3A_870 = tpu.vector_load %arg5[%swap3A_868, %swap3A_869] {strides = array<i32>} : memref<32x128xi32, #tpu.memory_space<vmem>>, vector<1x16xi32>,
    %swap3A_871 = vector.shape_cast %swap3A_870 : vector<1x16xi32> to vector<16xi32>
    %swap3A_872 = vector.shape_cast %add3A_866 : vector<16xi32> to vector<1x16xi32>
    tpu.vector_store %arg5[%swap3A_868, %swap3A_869], %swap3A_872 {strides = array<i32>} : memref<32x128xi32, #tpu.memory_space<vmem>>, vector<1x16xi32>,
    %get3A_873 = arith.constant 7 : i32
    %get3A_874 = arith.index_cast %get3A_873 : i32 to index
    %get3A_875 = arith.constant 96 : index
    %get3A_876 = tpu.vector_load %arg5[%get3A_874, %get3A_875] {strides = array<i32>} : memref<32x128xi32, #tpu.memory_space<vmem>>, vector<1x16xi32>,
    %get3A_877 = vector.shape_cast %get3A_876 : vector<1x16xi32> to vector<16xi32>
    %add3A_878 = arith.addi %get3A_877, %mul3A_23 : vector<16xi32>
    %swap3A_879 = arith.constant 7 : i32
    %swap3A_880 = arith.index_cast %swap3A_879 : i32 to index
    %swap3A_881 = arith.constant 96 : index
    %swap3A_882 = tpu.vector_load %arg5[%swap3A_880, %swap3A_881] {strides = array<i32>} : memref<32x128xi32, #tpu.memory_space<vmem>>, vector<1x16xi32>,
    %swap3A_883 = vector.shape_cast %swap3A_882 : vector<1x16xi32> to vector<16xi32>
    %swap3A_884 = vector.shape_cast %add3A_878 : vector<16xi32> to vector<1x16xi32>
    tpu.vector_store %arg5[%swap3A_880, %swap3A_881], %swap3A_884 {strides = array<i32>} : memref<32x128xi32, #tpu.memory_space<vmem>>, vector<1x16xi32>,
    %get3A_885 = arith.constant 7 : i32
    %get3A_886 = arith.index_cast %get3A_885 : i32 to index
    %get3A_887 = arith.constant 112 : index
    %get3A_888 = tpu.vector_load %arg5[%get3A_886, %get3A_887] {strides = array<i32>} : memref<32x128xi32, #tpu.memory_space<vmem>>, vector<1x16xi32>,
    %get3A_889 = vector.shape_cast %get3A_888 : vector<1x16xi32> to vector<16xi32>
    %add3A_890 = arith.addi %get3A_889, %mul3A_23 : vector<16xi32>
    %swap3A_891 = arith.constant 7 : i32
    %swap3A_892 = arith.index_cast %swap3A_891 : i32 to index
    %swap3A_893 = arith.constant 112 : index
    %swap3A_894 = tpu.vector_load %arg5[%swap3A_892, %swap3A_893] {strides = array<i32>} : memref<32x128xi32, #tpu.memory_space<vmem>>, vector<1x16xi32>,
    %swap3A_895 = vector.shape_cast %swap3A_894 : vector<1x16xi32> to vector<16xi32>
    %swap3A_896 = vector.shape_cast %add3A_890 : vector<16xi32> to vector<1x16xi32>
    tpu.vector_store %arg5[%swap3A_892, %swap3A_893], %swap3A_896 {strides = array<i32>} : memref<32x128xi32, #tpu.memory_space<vmem>>, vector<1x16xi32>,
    %dma_start3A_897 = arith.constant 7 : i32
    %dma_start3A_898 = arith.constant 0 : i32
    %dma_start3A_899 = tpu.memref_slice %arg5[%dma_start3A_897, %dma_start3A_898] : memref<32x128xi32, #tpu.memory_space<vmem>> -> memref<1x128xi32, #tpu.memory_space<vmem>>
    %dma_start3A_900 = tpu.memref_squeeze %dma_start3A_899 : memref<1x128xi32, #tpu.memory_space<vmem>> -> memref<128xi32, #tpu.memory_space<vmem>>
    %dma_start3A_901 = arith.constant 0 : i32
    %dma_start3A_902 = arith.constant 0 : i32
    %dma_start3A_903 = tpu.memref_slice %arg7[%dma_start3A_901, %dma_start3A_902] : memref<96x128xf32, #tpu.memory_space<vmem_shared>> -> memref<96x128xf32, #tpu.memory_space<vmem_shared>>
    tpu.enqueue_indirect_dma source(%dma_start3A_903 : memref<96x128xf32, #tpu.memory_space<vmem_shared>>) target(%arg9 : memref<128x128xf32, #tpu.memory_space<vmem>>) offsets(%dma_start3A_900 : memref<128xi32, #tpu.memory_space<vmem>>) semaphore(%arg15 : memref<!tpu.dma_semaphore, #tpu.memory_space<semaphore_mem>>)
    %dma_wait3A_904 = arith.constant 4 : i32
    %dma_wait3A_905 = arith.constant 0 : i32
    %dma_wait3A_906 = tpu.memref_slice %arg5[%dma_wait3A_904, %dma_wait3A_905] : memref<32x128xi32, #tpu.memory_space<vmem>> -> memref<1x128xi32, #tpu.memory_space<vmem>>
    %dma_wait3A_907 = tpu.memref_squeeze %dma_wait3A_906 : memref<1x128xi32, #tpu.memory_space<vmem>> -> memref<128xi32, #tpu.memory_space<vmem>>
    %dma_wait3A_908 = arith.constant 0 : i32
    %dma_wait3A_909 = arith.constant 0 : i32
    %dma_wait3A_910 = tpu.memref_slice %arg7[%dma_wait3A_908, %dma_wait3A_909] : memref<96x128xf32, #tpu.memory_space<vmem_shared>> -> memref<96x128xf32, #tpu.memory_space<vmem_shared>>
    tpu.wait_indirect_dma semaphore(%arg18 : memref<!tpu.dma_semaphore, #tpu.memory_space<semaphore_mem>>) src(%dma_wait3A_910 : memref<96x128xf32, #tpu.memory_space<vmem_shared>>) dst(%arg12 : memref<128x128xf32, #tpu.memory_space<vmem>>)
    %add3A_911 = arith.constant 512 : i32
    %add3A_912 = arith.addi %mul3A_2, %add3A_911 : i32
    %dma_start3A_913 = arith.constant 0 : i32
    %dma_start3A_914 = tpu.memref_slice %arg4[%add3A_912, %dma_start3A_913] : memref<131072x128xf32, #tpu.memory_space<hbm>> -> memref<128x128xf32, #tpu.memory_space<hbm>>
    %dma_start3A_915 = arith.constant 0 : i32
    %dma_start3A_916 = tpu.memref_slice %arg4[%add3A_912, %dma_start3A_915] : memref<131072x128xf32, #tpu.memory_space<hbm>> -> memref<128x128xf32, #tpu.memory_space<hbm>>
    tpu.enqueue_dma source(%arg12 : memref<128x128xf32, #tpu.memory_space<vmem>>) target(%dma_start3A_916 : memref<128x128xf32, #tpu.memory_space<hbm>>) target_semaphore(%arg24 : memref<!tpu.dma_semaphore, #tpu.memory_space<semaphore_mem>>)
    %dma_wait3A_917 = arith.constant 0 : i32
    %dma_wait3A_918 = tpu.memref_slice %arg4[%add3A_672, %dma_wait3A_917] : memref<131072x128xf32, #tpu.memory_space<hbm>> -> memref<128x128xf32, #tpu.memory_space<hbm>>
    %dma_wait3A_919 = arith.constant 0 : i32
    %dma_wait3A_920 = tpu.memref_slice %arg4[%add3A_672, %dma_wait3A_919] : memref<131072x128xf32, #tpu.memory_space<hbm>> -> memref<128x128xf32, #tpu.memory_space<hbm>>
    tpu.wait_dma2 semaphore(%arg22 : memref<!tpu.dma_semaphore, #tpu.memory_space<semaphore_mem>>) src(%arg10 : memref<128x128xf32, #tpu.memory_space<vmem>>) dst(%dma_wait3A_920 : memref<128x128xf32, #tpu.memory_space<hbm>>)
    %get3A_921 = arith.constant 8 : i32
    %get3A_922 = arith.index_cast %get3A_921 : i32 to index
    %get3A_923 = arith.constant 0 : index
    %get3A_924 = tpu.vector_load %arg5[%get3A_922, %get3A_923] {strides = array<i32>} : memref<32x128xi32, #tpu.memory_space<vmem>>, vector<1x16xi32>,
    %get3A_925 = vector.shape_cast %get3A_924 : vector<1x16xi32> to vector<16xi32>
    %add3A_926 = arith.addi %get3A_925, %mul3A_23 : vector<16xi32>
    %swap3A_927 = arith.constant 8 : i32
    %swap3A_928 = arith.index_cast %swap3A_927 : i32 to index
    %swap3A_929 = arith.constant 0 : index
    %swap3A_930 = tpu.vector_load %arg5[%swap3A_928, %swap3A_929] {strides = array<i32>} : memref<32x128xi32, #tpu.memory_space<vmem>>, vector<1x16xi32>,
    %swap3A_931 = vector.shape_cast %swap3A_930 : vector<1x16xi32> to vector<16xi32>
    %swap3A_932 = vector.shape_cast %add3A_926 : vector<16xi32> to vector<1x16xi32>
    tpu.vector_store %arg5[%swap3A_928, %swap3A_929], %swap3A_932 {strides = array<i32>} : memref<32x128xi32, #tpu.memory_space<vmem>>, vector<1x16xi32>,
    %get3A_933 = arith.constant 8 : i32
    %get3A_934 = arith.index_cast %get3A_933 : i32 to index
    %get3A_935 = arith.constant 16 : index
    %get3A_936 = tpu.vector_load %arg5[%get3A_934, %get3A_935] {strides = array<i32>} : memref<32x128xi32, #tpu.memory_space<vmem>>, vector<1x16xi32>,
    %get3A_937 = vector.shape_cast %get3A_936 : vector<1x16xi32> to vector<16xi32>
    %add3A_938 = arith.addi %get3A_937, %mul3A_23 : vector<16xi32>
    %swap3A_939 = arith.constant 8 : i32
    %swap3A_940 = arith.index_cast %swap3A_939 : i32 to index
    %swap3A_941 = arith.constant 16 : index
    %swap3A_942 = tpu.vector_load %arg5[%swap3A_940, %swap3A_941] {strides = array<i32>} : memref<32x128xi32, #tpu.memory_space<vmem>>, vector<1x16xi32>,
    %swap3A_943 = vector.shape_cast %swap3A_942 : vector<1x16xi32> to vector<16xi32>
    %swap3A_944 = vector.shape_cast %add3A_938 : vector<16xi32> to vector<1x16xi32>
    tpu.vector_store %arg5[%swap3A_940, %swap3A_941], %swap3A_944 {strides = array<i32>} : memref<32x128xi32, #tpu.memory_space<vmem>>, vector<1x16xi32>,
    %get3A_945 = arith.constant 8 : i32
    %get3A_946 = arith.index_cast %get3A_945 : i32 to index
    %get3A_947 = arith.constant 32 : index
    %get3A_948 = tpu.vector_load %arg5[%get3A_946, %get3A_947] {strides = array<i32>} : memref<32x128xi32, #tpu.memory_space<vmem>>, vector<1x16xi32>,
    %get3A_949 = vector.shape_cast %get3A_948 : vector<1x16xi32> to vector<16xi32>
    %add3A_950 = arith.addi %get3A_949, %mul3A_23 : vector<16xi32>
    %swap3A_951 = arith.constant 8 : i32
    %swap3A_952 = arith.index_cast %swap3A_951 : i32 to index
    %swap3A_953 = arith.constant 32 : index
    %swap3A_954 = tpu.vector_load %arg5[%swap3A_952, %swap3A_953] {strides = array<i32>} : memref<32x128xi32, #tpu.memory_space<vmem>>, vector<1x16xi32>,
    %swap3A_955 = vector.shape_cast %swap3A_954 : vector<1x16xi32> to vector<16xi32>
    %swap3A_956 = vector.shape_cast %add3A_950 : vector<16xi32> to vector<1x16xi32>
    tpu.vector_store %arg5[%swap3A_952, %swap3A_953], %swap3A_956 {strides = array<i32>} : memref<32x128xi32, #tpu.memory_space<vmem>>, vector<1x16xi32>,
    %get3A_957 = arith.constant 8 : i32
    %get3A_958 = arith.index_cast %get3A_957 : i32 to index
    %get3A_959 = arith.constant 48 : index
    %get3A_960 = tpu.vector_load %arg5[%get3A_958, %get3A_959] {strides = array<i32>} : memref<32x128xi32, #tpu.memory_space<vmem>>, vector<1x16xi32>,
    %get3A_961 = vector.shape_cast %get3A_960 : vector<1x16xi32> to vector<16xi32>
    %add3A_962 = arith.addi %get3A_961, %mul3A_23 : vector<16xi32>
    %swap3A_963 = arith.constant 8 : i32
    %swap3A_964 = arith.index_cast %swap3A_963 : i32 to index
    %swap3A_965 = arith.constant 48 : index
    %swap3A_966 = tpu.vector_load %arg5[%swap3A_964, %swap3A_965] {strides = array<i32>} : memref<32x128xi32, #tpu.memory_space<vmem>>, vector<1x16xi32>,
    %swap3A_967 = vector.shape_cast %swap3A_966 : vector<1x16xi32> to vector<16xi32>
    %swap3A_968 = vector.shape_cast %add3A_962 : vector<16xi32> to vector<1x16xi32>
    tpu.vector_store %arg5[%swap3A_964, %swap3A_965], %swap3A_968 {strides = array<i32>} : memref<32x128xi32, #tpu.memory_space<vmem>>, vector<1x16xi32>,
    %get3A_969 = arith.constant 8 : i32
    %get3A_970 = arith.index_cast %get3A_969 : i32 to index
    %get3A_971 = arith.constant 64 : index
    %get3A_972 = tpu.vector_load %arg5[%get3A_970, %get3A_971] {strides = array<i32>} : memref<32x128xi32, #tpu.memory_space<vmem>>, vector<1x16xi32>,
    %get3A_973 = vector.shape_cast %get3A_972 : vector<1x16xi32> to vector<16xi32>
    %add3A_974 = arith.addi %get3A_973, %mul3A_23 : vector<16xi32>
    %swap3A_975 = arith.constant 8 : i32
    %swap3A_976 = arith.index_cast %swap3A_975 : i32 to index
    %swap3A_977 = arith.constant 64 : index
    %swap3A_978 = tpu.vector_load %arg5[%swap3A_976, %swap3A_977] {strides = array<i32>} : memref<32x128xi32, #tpu.memory_space<vmem>>, vector<1x16xi32>,
    %swap3A_979 = vector.shape_cast %swap3A_978 : vector<1x16xi32> to vector<16xi32>
    %swap3A_980 = vector.shape_cast %add3A_974 : vector<16xi32> to vector<1x16xi32>
    tpu.vector_store %arg5[%swap3A_976, %swap3A_977], %swap3A_980 {strides = array<i32>} : memref<32x128xi32, #tpu.memory_space<vmem>>, vector<1x16xi32>,
    %get3A_981 = arith.constant 8 : i32
    %get3A_982 = arith.index_cast %get3A_981 : i32 to index
    %get3A_983 = arith.constant 80 : index
    %get3A_984 = tpu.vector_load %arg5[%get3A_982, %get3A_983] {strides = array<i32>} : memref<32x128xi32, #tpu.memory_space<vmem>>, vector<1x16xi32>,
    %get3A_985 = vector.shape_cast %get3A_984 : vector<1x16xi32> to vector<16xi32>
    %add3A_986 = arith.addi %get3A_985, %mul3A_23 : vector<16xi32>
    %swap3A_987 = arith.constant 8 : i32
    %swap3A_988 = arith.index_cast %swap3A_987 : i32 to index
    %swap3A_989 = arith.constant 80 : index
    %swap3A_990 = tpu.vector_load %arg5[%swap3A_988, %swap3A_989] {strides = array<i32>} : memref<32x128xi32, #tpu.memory_space<vmem>>, vector<1x16xi32>,
    %swap3A_991 = vector.shape_cast %swap3A_990 : vector<1x16xi32> to vector<16xi32>
    %swap3A_992 = vector.shape_cast %add3A_986 : vector<16xi32> to vector<1x16xi32>
    tpu.vector_store %arg5[%swap3A_988, %swap3A_989], %swap3A_992 {strides = array<i32>} : memref<32x128xi32, #tpu.memory_space<vmem>>, vector<1x16xi32>,
    %get3A_993 = arith.constant 8 : i32
    %get3A_994 = arith.index_cast %get3A_993 : i32 to index
    %get3A_995 = arith.constant 96 : index
    %get3A_996 = tpu.vector_load %arg5[%get3A_994, %get3A_995] {strides = array<i32>} : memref<32x128xi32, #tpu.memory_space<vmem>>, vector<1x16xi32>,
    %get3A_997 = vector.shape_cast %get3A_996 : vector<1x16xi32> to vector<16xi32>
    %add3A_998 = arith.addi %get3A_997, %mul3A_23 : vector<16xi32>
    %swap3A_999 = arith.constant 8 : i32
    %swap3A_1000 = arith.index_cast %swap3A_999 : i32 to index
    %swap3A_1001 = arith.constant 96 : index
    %swap3A_1002 = tpu.vector_load %arg5[%swap3A_1000, %swap3A_1001] {strides = array<i32>} : memref<32x128xi32, #tpu.memory_space<vmem>>, vector<1x16xi32>,
    %swap3A_1003 = vector.shape_cast %swap3A_1002 : vector<1x16xi32> to vector<16xi32>
    %swap3A_1004 = vector.shape_cast %add3A_998 : vector<16xi32> to vector<1x16xi32>
    tpu.vector_store %arg5[%swap3A_1000, %swap3A_1001], %swap3A_1004 {strides = array<i32>} : memref<32x128xi32, #tpu.memory_space<vmem>>, vector<1x16xi32>,
    %get3A_1005 = arith.constant 8 : i32
    %get3A_1006 = arith.index_cast %get3A_1005 : i32 to index
    %get3A_1007 = arith.constant 112 : index
    %get3A_1008 = tpu.vector_load %arg5[%get3A_1006, %get3A_1007] {strides = array<i32>} : memref<32x128xi32, #tpu.memory_space<vmem>>, vector<1x16xi32>,
    %get3A_1009 = vector.shape_cast %get3A_1008 : vector<1x16xi32> to vector<16xi32>
    %add3A_1010 = arith.addi %get3A_1009, %mul3A_23 : vector<16xi32>
    %swap3A_1011 = arith.constant 8 : i32
    %swap3A_1012 = arith.index_cast %swap3A_1011 : i32 to index
    %swap3A_1013 = arith.constant 112 : index
    %swap3A_1014 = tpu.vector_load %arg5[%swap3A_1012, %swap3A_1013] {strides = array<i32>} : memref<32x128xi32, #tpu.memory_space<vmem>>, vector<1x16xi32>,
    %swap3A_1015 = vector.shape_cast %swap3A_1014 : vector<1x16xi32> to vector<16xi32>
    %swap3A_1016 = vector.shape_cast %add3A_1010 : vector<16xi32> to vector<1x16xi32>
    tpu.vector_store %arg5[%swap3A_1012, %swap3A_1013], %swap3A_1016 {strides = array<i32>} : memref<32x128xi32, #tpu.memory_space<vmem>>, vector<1x16xi32>,
    %dma_start3A_1017 = arith.constant 8 : i32
    %dma_start3A_1018 = arith.constant 0 : i32
    %dma_start3A_1019 = tpu.memref_slice %arg5[%dma_start3A_1017, %dma_start3A_1018] : memref<32x128xi32, #tpu.memory_space<vmem>> -> memref<1x128xi32, #tpu.memory_space<vmem>>
    %dma_start3A_1020 = tpu.memref_squeeze %dma_start3A_1019 : memref<1x128xi32, #tpu.memory_space<vmem>> -> memref<128xi32, #tpu.memory_space<vmem>>
    %dma_start3A_1021 = arith.constant 0 : i32
    %dma_start3A_1022 = arith.constant 0 : i32
    %dma_start3A_1023 = tpu.memref_slice %arg7[%dma_start3A_1021, %dma_start3A_1022] : memref<96x128xf32, #tpu.memory_space<vmem_shared>> -> memref<96x128xf32, #tpu.memory_space<vmem_shared>>
    tpu.enqueue_indirect_dma source(%dma_start3A_1023 : memref<96x128xf32, #tpu.memory_space<vmem_shared>>) target(%arg10 : memref<128x128xf32, #tpu.memory_space<vmem>>) offsets(%dma_start3A_1020 : memref<128xi32, #tpu.memory_space<vmem>>) semaphore(%arg16 : memref<!tpu.dma_semaphore, #tpu.memory_space<semaphore_mem>>)
    %dma_wait3A_1024 = arith.constant 5 : i32
    %dma_wait3A_1025 = arith.constant 0 : i32
    %dma_wait3A_1026 = tpu.memref_slice %arg5[%dma_wait3A_1024, %dma_wait3A_1025] : memref<32x128xi32, #tpu.memory_space<vmem>> -> memref<1x128xi32, #tpu.memory_space<vmem>>
    %dma_wait3A_1027 = tpu.memref_squeeze %dma_wait3A_1026 : memref<1x128xi32, #tpu.memory_space<vmem>> -> memref<128xi32, #tpu.memory_space<vmem>>
    %dma_wait3A_1028 = arith.constant 0 : i32
    %dma_wait3A_1029 = arith.constant 0 : i32
    %dma_wait3A_1030 = tpu.memref_slice %arg7[%dma_wait3A_1028, %dma_wait3A_1029] : memref<96x128xf32, #tpu.memory_space<vmem_shared>> -> memref<96x128xf32, #tpu.memory_space<vmem_shared>>
    tpu.wait_indirect_dma semaphore(%arg19 : memref<!tpu.dma_semaphore, #tpu.memory_space<semaphore_mem>>) src(%dma_wait3A_1030 : memref<96x128xf32, #tpu.memory_space<vmem_shared>>) dst(%arg13 : memref<128x128xf32, #tpu.memory_space<vmem>>)
    %add3A_1031 = arith.constant 640 : i32
    %add3A_1032 = arith.addi %mul3A_2, %add3A_1031 : i32
    %dma_start3A_1033 = arith.constant 0 : i32
    %dma_start3A_1034 = tpu.memref_slice %arg4[%add3A_1032, %dma_start3A_1033] : memref<131072x128xf32, #tpu.memory_space<hbm>> -> memref<128x128xf32, #tpu.memory_space<hbm>>
    %dma_start3A_1035 = arith.constant 0 : i32
    %dma_start3A_1036 = tpu.memref_slice %arg4[%add3A_1032, %dma_start3A_1035] : memref<131072x128xf32, #tpu.memory_space<hbm>> -> memref<128x128xf32, #tpu.memory_space<hbm>>
    tpu.enqueue_dma source(%arg13 : memref<128x128xf32, #tpu.memory_space<vmem>>) target(%dma_start3A_1036 : memref<128x128xf32, #tpu.memory_space<hbm>>) target_semaphore(%arg25 : memref<!tpu.dma_semaphore, #tpu.memory_space<semaphore_mem>>)
    %dma_wait3A_1037 = arith.constant 0 : i32
    %dma_wait3A_1038 = tpu.memref_slice %arg4[%add3A_792, %dma_wait3A_1037] : memref<131072x128xf32, #tpu.memory_space<hbm>> -> memref<128x128xf32, #tpu.memory_space<hbm>>
    %dma_wait3A_1039 = arith.constant 0 : i32
    %dma_wait3A_1040 = tpu.memref_slice %arg4[%add3A_792, %dma_wait3A_1039] : memref<131072x128xf32, #tpu.memory_space<hbm>> -> memref<128x128xf32, #tpu.memory_space<hbm>>
    tpu.wait_dma2 semaphore(%arg23 : memref<!tpu.dma_semaphore, #tpu.memory_space<semaphore_mem>>) src(%arg11 : memref<128x128xf32, #tpu.memory_space<vmem>>) dst(%dma_wait3A_1040 : memref<128x128xf32, #tpu.memory_space<hbm>>)
    %get3A_1041 = arith.constant 9 : i32
    %get3A_1042 = arith.index_cast %get3A_1041 : i32 to index
    %get3A_1043 = arith.constant 0 : index
    %get3A_1044 = tpu.vector_load %arg5[%get3A_1042, %get3A_1043] {strides = array<i32>} : memref<32x128xi32, #tpu.memory_space<vmem>>, vector<1x16xi32>,
    %get3A_1045 = vector.shape_cast %get3A_1044 : vector<1x16xi32> to vector<16xi32>
    %add3A_1046 = arith.addi %get3A_1045, %mul3A_23 : vector<16xi32>
    %swap3A_1047 = arith.constant 9 : i32
    %swap3A_1048 = arith.index_cast %swap3A_1047 : i32 to index
    %swap3A_1049 = arith.constant 0 : index
    %swap3A_1050 = tpu.vector_load %arg5[%swap3A_1048, %swap3A_1049] {strides = array<i32>} : memref<32x128xi32, #tpu.memory_space<vmem>>, vector<1x16xi32>,
    %swap3A_1051 = vector.shape_cast %swap3A_1050 : vector<1x16xi32> to vector<16xi32>
    %swap3A_1052 = vector.shape_cast %add3A_1046 : vector<16xi32> to vector<1x16xi32>
    tpu.vector_store %arg5[%swap3A_1048, %swap3A_1049], %swap3A_1052 {strides = array<i32>} : memref<32x128xi32, #tpu.memory_space<vmem>>, vector<1x16xi32>,
    %get3A_1053 = arith.constant 9 : i32
    %get3A_1054 = arith.index_cast %get3A_1053 : i32 to index
    %get3A_1055 = arith.constant 16 : index
    %get3A_1056 = tpu.vector_load %arg5[%get3A_1054, %get3A_1055] {strides = array<i32>} : memref<32x128xi32, #tpu.memory_space<vmem>>, vector<1x16xi32>,
    %get3A_1057 = vector.shape_cast %get3A_1056 : vector<1x16xi32> to vector<16xi32>
    %add3A_1058 = arith.addi %get3A_1057, %mul3A_23 : vector<16xi32>
    %swap3A_1059 = arith.constant 9 : i32
    %swap3A_1060 = arith.index_cast %swap3A_1059 : i32 to index
    %swap3A_1061 = arith.constant 16 : index
    %swap3A_1062 = tpu.vector_load %arg5[%swap3A_1060, %swap3A_1061] {strides = array<i32>} : memref<32x128xi32, #tpu.memory_space<vmem>>, vector<1x16xi32>,
    %swap3A_1063 = vector.shape_cast %swap3A_1062 : vector<1x16xi32> to vector<16xi32>
    %swap3A_1064 = vector.shape_cast %add3A_1058 : vector<16xi32> to vector<1x16xi32>
    tpu.vector_store %arg5[%swap3A_1060, %swap3A_1061], %swap3A_1064 {strides = array<i32>} : memref<32x128xi32, #tpu.memory_space<vmem>>, vector<1x16xi32>,
    %get3A_1065 = arith.constant 9 : i32
    %get3A_1066 = arith.index_cast %get3A_1065 : i32 to index
    %get3A_1067 = arith.constant 32 : index
    %get3A_1068 = tpu.vector_load %arg5[%get3A_1066, %get3A_1067] {strides = array<i32>} : memref<32x128xi32, #tpu.memory_space<vmem>>, vector<1x16xi32>,
    %get3A_1069 = vector.shape_cast %get3A_1068 : vector<1x16xi32> to vector<16xi32>
    %add3A_1070 = arith.addi %get3A_1069, %mul3A_23 : vector<16xi32>
    %swap3A_1071 = arith.constant 9 : i32
    %swap3A_1072 = arith.index_cast %swap3A_1071 : i32 to index
    %swap3A_1073 = arith.constant 32 : index
    %swap3A_1074 = tpu.vector_load %arg5[%swap3A_1072, %swap3A_1073] {strides = array<i32>} : memref<32x128xi32, #tpu.memory_space<vmem>>, vector<1x16xi32>,
    %swap3A_1075 = vector.shape_cast %swap3A_1074 : vector<1x16xi32> to vector<16xi32>
    %swap3A_1076 = vector.shape_cast %add3A_1070 : vector<16xi32> to vector<1x16xi32>
    tpu.vector_store %arg5[%swap3A_1072, %swap3A_1073], %swap3A_1076 {strides = array<i32>} : memref<32x128xi32, #tpu.memory_space<vmem>>, vector<1x16xi32>,
    %get3A_1077 = arith.constant 9 : i32
    %get3A_1078 = arith.index_cast %get3A_1077 : i32 to index
    %get3A_1079 = arith.constant 48 : index
    %get3A_1080 = tpu.vector_load %arg5[%get3A_1078, %get3A_1079] {strides = array<i32>} : memref<32x128xi32, #tpu.memory_space<vmem>>, vector<1x16xi32>,
    %get3A_1081 = vector.shape_cast %get3A_1080 : vector<1x16xi32> to vector<16xi32>
    %add3A_1082 = arith.addi %get3A_1081, %mul3A_23 : vector<16xi32>
    %swap3A_1083 = arith.constant 9 : i32
    %swap3A_1084 = arith.index_cast %swap3A_1083 : i32 to index
    %swap3A_1085 = arith.constant 48 : index
    %swap3A_1086 = tpu.vector_load %arg5[%swap3A_1084, %swap3A_1085] {strides = array<i32>} : memref<32x128xi32, #tpu.memory_space<vmem>>, vector<1x16xi32>,
    %swap3A_1087 = vector.shape_cast %swap3A_1086 : vector<1x16xi32> to vector<16xi32>
    %swap3A_1088 = vector.shape_cast %add3A_1082 : vector<16xi32> to vector<1x16xi32>
    tpu.vector_store %arg5[%swap3A_1084, %swap3A_1085], %swap3A_1088 {strides = array<i32>} : memref<32x128xi32, #tpu.memory_space<vmem>>, vector<1x16xi32>,
    %get3A_1089 = arith.constant 9 : i32
    %get3A_1090 = arith.index_cast %get3A_1089 : i32 to index
    %get3A_1091 = arith.constant 64 : index
    %get3A_1092 = tpu.vector_load %arg5[%get3A_1090, %get3A_1091] {strides = array<i32>} : memref<32x128xi32, #tpu.memory_space<vmem>>, vector<1x16xi32>,
    %get3A_1093 = vector.shape_cast %get3A_1092 : vector<1x16xi32> to vector<16xi32>
    %add3A_1094 = arith.addi %get3A_1093, %mul3A_23 : vector<16xi32>
    %swap3A_1095 = arith.constant 9 : i32
    %swap3A_1096 = arith.index_cast %swap3A_1095 : i32 to index
    %swap3A_1097 = arith.constant 64 : index
    %swap3A_1098 = tpu.vector_load %arg5[%swap3A_1096, %swap3A_1097] {strides = array<i32>} : memref<32x128xi32, #tpu.memory_space<vmem>>, vector<1x16xi32>,
    %swap3A_1099 = vector.shape_cast %swap3A_1098 : vector<1x16xi32> to vector<16xi32>
    %swap3A_1100 = vector.shape_cast %add3A_1094 : vector<16xi32> to vector<1x16xi32>
    tpu.vector_store %arg5[%swap3A_1096, %swap3A_1097], %swap3A_1100 {strides = array<i32>} : memref<32x128xi32, #tpu.memory_space<vmem>>, vector<1x16xi32>,
    %get3A_1101 = arith.constant 9 : i32
    %get3A_1102 = arith.index_cast %get3A_1101 : i32 to index
    %get3A_1103 = arith.constant 80 : index
    %get3A_1104 = tpu.vector_load %arg5[%get3A_1102, %get3A_1103] {strides = array<i32>} : memref<32x128xi32, #tpu.memory_space<vmem>>, vector<1x16xi32>,
    %get3A_1105 = vector.shape_cast %get3A_1104 : vector<1x16xi32> to vector<16xi32>
    %add3A_1106 = arith.addi %get3A_1105, %mul3A_23 : vector<16xi32>
    %swap3A_1107 = arith.constant 9 : i32
    %swap3A_1108 = arith.index_cast %swap3A_1107 : i32 to index
    %swap3A_1109 = arith.constant 80 : index
    %swap3A_1110 = tpu.vector_load %arg5[%swap3A_1108, %swap3A_1109] {strides = array<i32>} : memref<32x128xi32, #tpu.memory_space<vmem>>, vector<1x16xi32>,
    %swap3A_1111 = vector.shape_cast %swap3A_1110 : vector<1x16xi32> to vector<16xi32>
    %swap3A_1112 = vector.shape_cast %add3A_1106 : vector<16xi32> to vector<1x16xi32>
    tpu.vector_store %arg5[%swap3A_1108, %swap3A_1109], %swap3A_1112 {strides = array<i32>} : memref<32x128xi32, #tpu.memory_space<vmem>>, vector<1x16xi32>,
    %get3A_1113 = arith.constant 9 : i32
    %get3A_1114 = arith.index_cast %get3A_1113 : i32 to index
    %get3A_1115 = arith.constant 96 : index
    %get3A_1116 = tpu.vector_load %arg5[%get3A_1114, %get3A_1115] {strides = array<i32>} : memref<32x128xi32, #tpu.memory_space<vmem>>, vector<1x16xi32>,
    %get3A_1117 = vector.shape_cast %get3A_1116 : vector<1x16xi32> to vector<16xi32>
    %add3A_1118 = arith.addi %get3A_1117, %mul3A_23 : vector<16xi32>
    %swap3A_1119 = arith.constant 9 : i32
    %swap3A_1120 = arith.index_cast %swap3A_1119 : i32 to index
    %swap3A_1121 = arith.constant 96 : index
    %swap3A_1122 = tpu.vector_load %arg5[%swap3A_1120, %swap3A_1121] {strides = array<i32>} : memref<32x128xi32, #tpu.memory_space<vmem>>, vector<1x16xi32>,
    %swap3A_1123 = vector.shape_cast %swap3A_1122 : vector<1x16xi32> to vector<16xi32>
    %swap3A_1124 = vector.shape_cast %add3A_1118 : vector<16xi32> to vector<1x16xi32>
    tpu.vector_store %arg5[%swap3A_1120, %swap3A_1121], %swap3A_1124 {strides = array<i32>} : memref<32x128xi32, #tpu.memory_space<vmem>>, vector<1x16xi32>,
    %get3A_1125 = arith.constant 9 : i32
    %get3A_1126 = arith.index_cast %get3A_1125 : i32 to index
    %get3A_1127 = arith.constant 112 : index
    %get3A_1128 = tpu.vector_load %arg5[%get3A_1126, %get3A_1127] {strides = array<i32>} : memref<32x128xi32, #tpu.memory_space<vmem>>, vector<1x16xi32>,
    %get3A_1129 = vector.shape_cast %get3A_1128 : vector<1x16xi32> to vector<16xi32>
    %add3A_1130 = arith.addi %get3A_1129, %mul3A_23 : vector<16xi32>
    %swap3A_1131 = arith.constant 9 : i32
    %swap3A_1132 = arith.index_cast %swap3A_1131 : i32 to index
    %swap3A_1133 = arith.constant 112 : index
    %swap3A_1134 = tpu.vector_load %arg5[%swap3A_1132, %swap3A_1133] {strides = array<i32>} : memref<32x128xi32, #tpu.memory_space<vmem>>, vector<1x16xi32>,
    %swap3A_1135 = vector.shape_cast %swap3A_1134 : vector<1x16xi32> to vector<16xi32>
    %swap3A_1136 = vector.shape_cast %add3A_1130 : vector<16xi32> to vector<1x16xi32>
    tpu.vector_store %arg5[%swap3A_1132, %swap3A_1133], %swap3A_1136 {strides = array<i32>} : memref<32x128xi32, #tpu.memory_space<vmem>>, vector<1x16xi32>,
    %dma_start3A_1137 = arith.constant 9 : i32
    %dma_start3A_1138 = arith.constant 0 : i32
    %dma_start3A_1139 = tpu.memref_slice %arg5[%dma_start3A_1137, %dma_start3A_1138] : memref<32x128xi32, #tpu.memory_space<vmem>> -> memref<1x128xi32, #tpu.memory_space<vmem>>
    %dma_start3A_1140 = tpu.memref_squeeze %dma_start3A_1139 : memref<1x128xi32, #tpu.memory_space<vmem>> -> memref<128xi32, #tpu.memory_space<vmem>>
    %dma_start3A_1141 = arith.constant 0 : i32
    %dma_start3A_1142 = arith.constant 0 : i32
    %dma_start3A_1143 = tpu.memref_slice %arg7[%dma_start3A_1141, %dma_start3A_1142] : memref<96x128xf32, #tpu.memory_space<vmem_shared>> -> memref<96x128xf32, #tpu.memory_space<vmem_shared>>
    tpu.enqueue_indirect_dma source(%dma_start3A_1143 : memref<96x128xf32, #tpu.memory_space<vmem_shared>>) target(%arg11 : memref<128x128xf32, #tpu.memory_space<vmem>>) offsets(%dma_start3A_1140 : memref<128xi32, #tpu.memory_space<vmem>>) semaphore(%arg17 : memref<!tpu.dma_semaphore, #tpu.memory_space<semaphore_mem>>)
    %dma_wait3A_1144 = arith.constant 6 : i32
    %dma_wait3A_1145 = arith.constant 0 : i32
    %dma_wait3A_1146 = tpu.memref_slice %arg5[%dma_wait3A_1144, %dma_wait3A_1145] : memref<32x128xi32, #tpu.memory_space<vmem>> -> memref<1x128xi32, #tpu.memory_space<vmem>>
    %dma_wait3A_1147 = tpu.memref_squeeze %dma_wait3A_1146 : memref<1x128xi32, #tpu.memory_space<vmem>> -> memref<128xi32, #tpu.memory_space<vmem>>
    %dma_wait3A_1148 = arith.constant 0 : i32
    %dma_wait3A_1149 = arith.constant 0 : i32
    %dma_wait3A_1150 = tpu.memref_slice %arg7[%dma_wait3A_1148, %dma_wait3A_1149] : memref<96x128xf32, #tpu.memory_space<vmem_shared>> -> memref<96x128xf32, #tpu.memory_space<vmem_shared>>
    tpu.wait_indirect_dma semaphore(%arg14 : memref<!tpu.dma_semaphore, #tpu.memory_space<semaphore_mem>>) src(%dma_wait3A_1150 : memref<96x128xf32, #tpu.memory_space<vmem_shared>>) dst(%arg8 : memref<128x128xf32, #tpu.memory_space<vmem>>)
    %add3A_1151 = arith.constant 768 : i32
    %add3A_1152 = arith.addi %mul3A_2, %add3A_1151 : i32
    %dma_start3A_1153 = arith.constant 0 : i32
    %dma_start3A_1154 = tpu.memref_slice %arg4[%add3A_1152, %dma_start3A_1153] : memref<131072x128xf32, #tpu.memory_space<hbm>> -> memref<128x128xf32, #tpu.memory_space<hbm>>
    %dma_start3A_1155 = arith.constant 0 : i32
    %dma_start3A_1156 = tpu.memref_slice %arg4[%add3A_1152, %dma_start3A_1155] : memref<131072x128xf32, #tpu.memory_space<hbm>> -> memref<128x128xf32, #tpu.memory_space<hbm>>
    tpu.enqueue_dma source(%arg8 : memref<128x128xf32, #tpu.memory_space<vmem>>) target(%dma_start3A_1156 : memref<128x128xf32, #tpu.memory_space<hbm>>) target_semaphore(%arg20 : memref<!tpu.dma_semaphore, #tpu.memory_space<semaphore_mem>>)
    %dma_wait3A_1157 = arith.constant 0 : i32
    %dma_wait3A_1158 = tpu.memref_slice %arg4[%add3A_912, %dma_wait3A_1157] : memref<131072x128xf32, #tpu.memory_space<hbm>> -> memref<128x128xf32, #tpu.memory_space<hbm>>
    %dma_wait3A_1159 = arith.constant 0 : i32
    %dma_wait3A_1160 = tpu.memref_slice %arg4[%add3A_912, %dma_wait3A_1159] : memref<131072x128xf32, #tpu.memory_space<hbm>> -> memref<128x128xf32, #tpu.memory_space<hbm>>
    tpu.wait_dma2 semaphore(%arg24 : memref<!tpu.dma_semaphore, #tpu.memory_space<semaphore_mem>>) src(%arg12 : memref<128x128xf32, #tpu.memory_space<vmem>>) dst(%dma_wait3A_1160 : memref<128x128xf32, #tpu.memory_space<hbm>>)
    %get3A_1161 = arith.constant 10 : i32
    %get3A_1162 = arith.index_cast %get3A_1161 : i32 to index
    %get3A_1163 = arith.constant 0 : index
    %get3A_1164 = tpu.vector_load %arg5[%get3A_1162, %get3A_1163] {strides = array<i32>} : memref<32x128xi32, #tpu.memory_space<vmem>>, vector<1x16xi32>,
    %get3A_1165 = vector.shape_cast %get3A_1164 : vector<1x16xi32> to vector<16xi32>
    %add3A_1166 = arith.addi %get3A_1165, %mul3A_23 : vector<16xi32>
    %swap3A_1167 = arith.constant 10 : i32
    %swap3A_1168 = arith.index_cast %swap3A_1167 : i32 to index
    %swap3A_1169 = arith.constant 0 : index
    %swap3A_1170 = tpu.vector_load %arg5[%swap3A_1168, %swap3A_1169] {strides = array<i32>} : memref<32x128xi32, #tpu.memory_space<vmem>>, vector<1x16xi32>,
    %swap3A_1171 = vector.shape_cast %swap3A_1170 : vector<1x16xi32> to vector<16xi32>
    %swap3A_1172 = vector.shape_cast %add3A_1166 : vector<16xi32> to vector<1x16xi32>
    tpu.vector_store %arg5[%swap3A_1168, %swap3A_1169], %swap3A_1172 {strides = array<i32>} : memref<32x128xi32, #tpu.memory_space<vmem>>, vector<1x16xi32>,
    %get3A_1173 = arith.constant 10 : i32
    %get3A_1174 = arith.index_cast %get3A_1173 : i32 to index
    %get3A_1175 = arith.constant 16 : index
    %get3A_1176 = tpu.vector_load %arg5[%get3A_1174, %get3A_1175] {strides = array<i32>} : memref<32x128xi32, #tpu.memory_space<vmem>>, vector<1x16xi32>,
    %get3A_1177 = vector.shape_cast %get3A_1176 : vector<1x16xi32> to vector<16xi32>
    %add3A_1178 = arith.addi %get3A_1177, %mul3A_23 : vector<16xi32>
    %swap3A_1179 = arith.constant 10 : i32
    %swap3A_1180 = arith.index_cast %swap3A_1179 : i32 to index
    %swap3A_1181 = arith.constant 16 : index
    %swap3A_1182 = tpu.vector_load %arg5[%swap3A_1180, %swap3A_1181] {strides = array<i32>} : memref<32x128xi32, #tpu.memory_space<vmem>>, vector<1x16xi32>,
    %swap3A_1183 = vector.shape_cast %swap3A_1182 : vector<1x16xi32> to vector<16xi32>
    %swap3A_1184 = vector.shape_cast %add3A_1178 : vector<16xi32> to vector<1x16xi32>
    tpu.vector_store %arg5[%swap3A_1180, %swap3A_1181], %swap3A_1184 {strides = array<i32>} : memref<32x128xi32, #tpu.memory_space<vmem>>, vector<1x16xi32>,
    %get3A_1185 = arith.constant 10 : i32
    %get3A_1186 = arith.index_cast %get3A_1185 : i32 to index
    %get3A_1187 = arith.constant 32 : index
    %get3A_1188 = tpu.vector_load %arg5[%get3A_1186, %get3A_1187] {strides = array<i32>} : memref<32x128xi32, #tpu.memory_space<vmem>>, vector<1x16xi32>,
    %get3A_1189 = vector.shape_cast %get3A_1188 : vector<1x16xi32> to vector<16xi32>
    %add3A_1190 = arith.addi %get3A_1189, %mul3A_23 : vector<16xi32>
    %swap3A_1191 = arith.constant 10 : i32
    %swap3A_1192 = arith.index_cast %swap3A_1191 : i32 to index
    %swap3A_1193 = arith.constant 32 : index
    %swap3A_1194 = tpu.vector_load %arg5[%swap3A_1192, %swap3A_1193] {strides = array<i32>} : memref<32x128xi32, #tpu.memory_space<vmem>>, vector<1x16xi32>,
    %swap3A_1195 = vector.shape_cast %swap3A_1194 : vector<1x16xi32> to vector<16xi32>
    %swap3A_1196 = vector.shape_cast %add3A_1190 : vector<16xi32> to vector<1x16xi32>
    tpu.vector_store %arg5[%swap3A_1192, %swap3A_1193], %swap3A_1196 {strides = array<i32>} : memref<32x128xi32, #tpu.memory_space<vmem>>, vector<1x16xi32>,
    %get3A_1197 = arith.constant 10 : i32
    %get3A_1198 = arith.index_cast %get3A_1197 : i32 to index
    %get3A_1199 = arith.constant 48 : index
    %get3A_1200 = tpu.vector_load %arg5[%get3A_1198, %get3A_1199] {strides = array<i32>} : memref<32x128xi32, #tpu.memory_space<vmem>>, vector<1x16xi32>,
    %get3A_1201 = vector.shape_cast %get3A_1200 : vector<1x16xi32> to vector<16xi32>
    %add3A_1202 = arith.addi %get3A_1201, %mul3A_23 : vector<16xi32>
    %swap3A_1203 = arith.constant 10 : i32
    %swap3A_1204 = arith.index_cast %swap3A_1203 : i32 to index
    %swap3A_1205 = arith.constant 48 : index
    %swap3A_1206 = tpu.vector_load %arg5[%swap3A_1204, %swap3A_1205] {strides = array<i32>} : memref<32x128xi32, #tpu.memory_space<vmem>>, vector<1x16xi32>,
    %swap3A_1207 = vector.shape_cast %swap3A_1206 : vector<1x16xi32> to vector<16xi32>
    %swap3A_1208 = vector.shape_cast %add3A_1202 : vector<16xi32> to vector<1x16xi32>
    tpu.vector_store %arg5[%swap3A_1204, %swap3A_1205], %swap3A_1208 {strides = array<i32>} : memref<32x128xi32, #tpu.memory_space<vmem>>, vector<1x16xi32>,
    %get3A_1209 = arith.constant 10 : i32
    %get3A_1210 = arith.index_cast %get3A_1209 : i32 to index
    %get3A_1211 = arith.constant 64 : index
    %get3A_1212 = tpu.vector_load %arg5[%get3A_1210, %get3A_1211] {strides = array<i32>} : memref<32x128xi32, #tpu.memory_space<vmem>>, vector<1x16xi32>,
    %get3A_1213 = vector.shape_cast %get3A_1212 : vector<1x16xi32> to vector<16xi32>
    %add3A_1214 = arith.addi %get3A_1213, %mul3A_23 : vector<16xi32>
    %swap3A_1215 = arith.constant 10 : i32
    %swap3A_1216 = arith.index_cast %swap3A_1215 : i32 to index
    %swap3A_1217 = arith.constant 64 : index
    %swap3A_1218 = tpu.vector_load %arg5[%swap3A_1216, %swap3A_1217] {strides = array<i32>} : memref<32x128xi32, #tpu.memory_space<vmem>>, vector<1x16xi32>,
    %swap3A_1219 = vector.shape_cast %swap3A_1218 : vector<1x16xi32> to vector<16xi32>
    %swap3A_1220 = vector.shape_cast %add3A_1214 : vector<16xi32> to vector<1x16xi32>
    tpu.vector_store %arg5[%swap3A_1216, %swap3A_1217], %swap3A_1220 {strides = array<i32>} : memref<32x128xi32, #tpu.memory_space<vmem>>, vector<1x16xi32>,
    %get3A_1221 = arith.constant 10 : i32
    %get3A_1222 = arith.index_cast %get3A_1221 : i32 to index
    %get3A_1223 = arith.constant 80 : index
    %get3A_1224 = tpu.vector_load %arg5[%get3A_1222, %get3A_1223] {strides = array<i32>} : memref<32x128xi32, #tpu.memory_space<vmem>>, vector<1x16xi32>,
    %get3A_1225 = vector.shape_cast %get3A_1224 : vector<1x16xi32> to vector<16xi32>
    %add3A_1226 = arith.addi %get3A_1225, %mul3A_23 : vector<16xi32>
    %swap3A_1227 = arith.constant 10 : i32
    %swap3A_1228 = arith.index_cast %swap3A_1227 : i32 to index
    %swap3A_1229 = arith.constant 80 : index
    %swap3A_1230 = tpu.vector_load %arg5[%swap3A_1228, %swap3A_1229] {strides = array<i32>} : memref<32x128xi32, #tpu.memory_space<vmem>>, vector<1x16xi32>,
    %swap3A_1231 = vector.shape_cast %swap3A_1230 : vector<1x16xi32> to vector<16xi32>
    %swap3A_1232 = vector.shape_cast %add3A_1226 : vector<16xi32> to vector<1x16xi32>
    tpu.vector_store %arg5[%swap3A_1228, %swap3A_1229], %swap3A_1232 {strides = array<i32>} : memref<32x128xi32, #tpu.memory_space<vmem>>, vector<1x16xi32>,
    %get3A_1233 = arith.constant 10 : i32
    %get3A_1234 = arith.index_cast %get3A_1233 : i32 to index
    %get3A_1235 = arith.constant 96 : index
    %get3A_1236 = tpu.vector_load %arg5[%get3A_1234, %get3A_1235] {strides = array<i32>} : memref<32x128xi32, #tpu.memory_space<vmem>>, vector<1x16xi32>,
    %get3A_1237 = vector.shape_cast %get3A_1236 : vector<1x16xi32> to vector<16xi32>
    %add3A_1238 = arith.addi %get3A_1237, %mul3A_23 : vector<16xi32>
    %swap3A_1239 = arith.constant 10 : i32
    %swap3A_1240 = arith.index_cast %swap3A_1239 : i32 to index
    %swap3A_1241 = arith.constant 96 : index
    %swap3A_1242 = tpu.vector_load %arg5[%swap3A_1240, %swap3A_1241] {strides = array<i32>} : memref<32x128xi32, #tpu.memory_space<vmem>>, vector<1x16xi32>,
    %swap3A_1243 = vector.shape_cast %swap3A_1242 : vector<1x16xi32> to vector<16xi32>
    %swap3A_1244 = vector.shape_cast %add3A_1238 : vector<16xi32> to vector<1x16xi32>
    tpu.vector_store %arg5[%swap3A_1240, %swap3A_1241], %swap3A_1244 {strides = array<i32>} : memref<32x128xi32, #tpu.memory_space<vmem>>, vector<1x16xi32>,
    %get3A_1245 = arith.constant 10 : i32
    %get3A_1246 = arith.index_cast %get3A_1245 : i32 to index
    %get3A_1247 = arith.constant 112 : index
    %get3A_1248 = tpu.vector_load %arg5[%get3A_1246, %get3A_1247] {strides = array<i32>} : memref<32x128xi32, #tpu.memory_space<vmem>>, vector<1x16xi32>,
    %get3A_1249 = vector.shape_cast %get3A_1248 : vector<1x16xi32> to vector<16xi32>
    %add3A_1250 = arith.addi %get3A_1249, %mul3A_23 : vector<16xi32>
    %swap3A_1251 = arith.constant 10 : i32
    %swap3A_1252 = arith.index_cast %swap3A_1251 : i32 to index
    %swap3A_1253 = arith.constant 112 : index
    %swap3A_1254 = tpu.vector_load %arg5[%swap3A_1252, %swap3A_1253] {strides = array<i32>} : memref<32x128xi32, #tpu.memory_space<vmem>>, vector<1x16xi32>,
    %swap3A_1255 = vector.shape_cast %swap3A_1254 : vector<1x16xi32> to vector<16xi32>
    %swap3A_1256 = vector.shape_cast %add3A_1250 : vector<16xi32> to vector<1x16xi32>
    tpu.vector_store %arg5[%swap3A_1252, %swap3A_1253], %swap3A_1256 {strides = array<i32>} : memref<32x128xi32, #tpu.memory_space<vmem>>, vector<1x16xi32>,
    %dma_start3A_1257 = arith.constant 10 : i32
    %dma_start3A_1258 = arith.constant 0 : i32
    %dma_start3A_1259 = tpu.memref_slice %arg5[%dma_start3A_1257, %dma_start3A_1258] : memref<32x128xi32, #tpu.memory_space<vmem>> -> memref<1x128xi32, #tpu.memory_space<vmem>>
    %dma_start3A_1260 = tpu.memref_squeeze %dma_start3A_1259 : memref<1x128xi32, #tpu.memory_space<vmem>> -> memref<128xi32, #tpu.memory_space<vmem>>
    %dma_start3A_1261 = arith.constant 0 : i32
    %dma_start3A_1262 = arith.constant 0 : i32
    %dma_start3A_1263 = tpu.memref_slice %arg7[%dma_start3A_1261, %dma_start3A_1262] : memref<96x128xf32, #tpu.memory_space<vmem_shared>> -> memref<96x128xf32, #tpu.memory_space<vmem_shared>>
    tpu.enqueue_indirect_dma source(%dma_start3A_1263 : memref<96x128xf32, #tpu.memory_space<vmem_shared>>) target(%arg12 : memref<128x128xf32, #tpu.memory_space<vmem>>) offsets(%dma_start3A_1260 : memref<128xi32, #tpu.memory_space<vmem>>) semaphore(%arg18 : memref<!tpu.dma_semaphore, #tpu.memory_space<semaphore_mem>>)
    %dma_wait3A_1264 = arith.constant 7 : i32
    %dma_wait3A_1265 = arith.constant 0 : i32
    %dma_wait3A_1266 = tpu.memref_slice %arg5[%dma_wait3A_1264, %dma_wait3A_1265] : memref<32x128xi32, #tpu.memory_space<vmem>> -> memref<1x128xi32, #tpu.memory_space<vmem>>
    %dma_wait3A_1267 = tpu.memref_squeeze %dma_wait3A_1266 : memref<1x128xi32, #tpu.memory_space<vmem>> -> memref<128xi32, #tpu.memory_space<vmem>>
    %dma_wait3A_1268 = arith.constant 0 : i32
    %dma_wait3A_1269 = arith.constant 0 : i32
    %dma_wait3A_1270 = tpu.memref_slice %arg7[%dma_wait3A_1268, %dma_wait3A_1269] : memref<96x128xf32, #tpu.memory_space<vmem_shared>> -> memref<96x128xf32, #tpu.memory_space<vmem_shared>>
    tpu.wait_indirect_dma semaphore(%arg15 : memref<!tpu.dma_semaphore, #tpu.memory_space<semaphore_mem>>) src(%dma_wait3A_1270 : memref<96x128xf32, #tpu.memory_space<vmem_shared>>) dst(%arg9 : memref<128x128xf32, #tpu.memory_space<vmem>>)
    %add3A_1271 = arith.constant 896 : i32
    %add3A_1272 = arith.addi %mul3A_2, %add3A_1271 : i32
    %dma_start3A_1273 = arith.constant 0 : i32
    %dma_start3A_1274 = tpu.memref_slice %arg4[%add3A_1272, %dma_start3A_1273] : memref<131072x128xf32, #tpu.memory_space<hbm>> -> memref<128x128xf32, #tpu.memory_space<hbm>>
    %dma_start3A_1275 = arith.constant 0 : i32
    %dma_start3A_1276 = tpu.memref_slice %arg4[%add3A_1272, %dma_start3A_1275] : memref<131072x128xf32, #tpu.memory_space<hbm>> -> memref<128x128xf32, #tpu.memory_space<hbm>>
    tpu.enqueue_dma source(%arg9 : memref<128x128xf32, #tpu.memory_space<vmem>>) target(%dma_start3A_1276 : memref<128x128xf32, #tpu.memory_space<hbm>>) target_semaphore(%arg21 : memref<!tpu.dma_semaphore, #tpu.memory_space<semaphore_mem>>)
    %dma_wait3A_1277 = arith.constant 0 : i32
    %dma_wait3A_1278 = tpu.memref_slice %arg4[%add3A_1032, %dma_wait3A_1277] : memref<131072x128xf32, #tpu.memory_space<hbm>> -> memref<128x128xf32, #tpu.memory_space<hbm>>
    %dma_wait3A_1279 = arith.constant 0 : i32
    %dma_wait3A_1280 = tpu.memref_slice %arg4[%add3A_1032, %dma_wait3A_1279] : memref<131072x128xf32, #tpu.memory_space<hbm>> -> memref<128x128xf32, #tpu.memory_space<hbm>>
    tpu.wait_dma2 semaphore(%arg25 : memref<!tpu.dma_semaphore, #tpu.memory_space<semaphore_mem>>) src(%arg13 : memref<128x128xf32, #tpu.memory_space<vmem>>) dst(%dma_wait3A_1280 : memref<128x128xf32, #tpu.memory_space<hbm>>)
    %get3A_1281 = arith.constant 11 : i32
    %get3A_1282 = arith.index_cast %get3A_1281 : i32 to index
    %get3A_1283 = arith.constant 0 : index
    %get3A_1284 = tpu.vector_load %arg5[%get3A_1282, %get3A_1283] {strides = array<i32>} : memref<32x128xi32, #tpu.memory_space<vmem>>, vector<1x16xi32>,
    %get3A_1285 = vector.shape_cast %get3A_1284 : vector<1x16xi32> to vector<16xi32>
    %add3A_1286 = arith.addi %get3A_1285, %mul3A_23 : vector<16xi32>
    %swap3A_1287 = arith.constant 11 : i32
    %swap3A_1288 = arith.index_cast %swap3A_1287 : i32 to index
    %swap3A_1289 = arith.constant 0 : index
    %swap3A_1290 = tpu.vector_load %arg5[%swap3A_1288, %swap3A_1289] {strides = array<i32>} : memref<32x128xi32, #tpu.memory_space<vmem>>, vector<1x16xi32>,
    %swap3A_1291 = vector.shape_cast %swap3A_1290 : vector<1x16xi32> to vector<16xi32>
    %swap3A_1292 = vector.shape_cast %add3A_1286 : vector<16xi32> to vector<1x16xi32>
    tpu.vector_store %arg5[%swap3A_1288, %swap3A_1289], %swap3A_1292 {strides = array<i32>} : memref<32x128xi32, #tpu.memory_space<vmem>>, vector<1x16xi32>,
    %get3A_1293 = arith.constant 11 : i32
    %get3A_1294 = arith.index_cast %get3A_1293 : i32 to index
    %get3A_1295 = arith.constant 16 : index
    %get3A_1296 = tpu.vector_load %arg5[%get3A_1294, %get3A_1295] {strides = array<i32>} : memref<32x128xi32, #tpu.memory_space<vmem>>, vector<1x16xi32>,
    %get3A_1297 = vector.shape_cast %get3A_1296 : vector<1x16xi32> to vector<16xi32>
    %add3A_1298 = arith.addi %get3A_1297, %mul3A_23 : vector<16xi32>
    %swap3A_1299 = arith.constant 11 : i32
    %swap3A_1300 = arith.index_cast %swap3A_1299 : i32 to index
    %swap3A_1301 = arith.constant 16 : index
    %swap3A_1302 = tpu.vector_load %arg5[%swap3A_1300, %swap3A_1301] {strides = array<i32>} : memref<32x128xi32, #tpu.memory_space<vmem>>, vector<1x16xi32>,
    %swap3A_1303 = vector.shape_cast %swap3A_1302 : vector<1x16xi32> to vector<16xi32>
    %swap3A_1304 = vector.shape_cast %add3A_1298 : vector<16xi32> to vector<1x16xi32>
    tpu.vector_store %arg5[%swap3A_1300, %swap3A_1301], %swap3A_1304 {strides = array<i32>} : memref<32x128xi32, #tpu.memory_space<vmem>>, vector<1x16xi32>,
    %get3A_1305 = arith.constant 11 : i32
    %get3A_1306 = arith.index_cast %get3A_1305 : i32 to index
    %get3A_1307 = arith.constant 32 : index
    %get3A_1308 = tpu.vector_load %arg5[%get3A_1306, %get3A_1307] {strides = array<i32>} : memref<32x128xi32, #tpu.memory_space<vmem>>, vector<1x16xi32>,
    %get3A_1309 = vector.shape_cast %get3A_1308 : vector<1x16xi32> to vector<16xi32>
    %add3A_1310 = arith.addi %get3A_1309, %mul3A_23 : vector<16xi32>
    %swap3A_1311 = arith.constant 11 : i32
    %swap3A_1312 = arith.index_cast %swap3A_1311 : i32 to index
    %swap3A_1313 = arith.constant 32 : index
    %swap3A_1314 = tpu.vector_load %arg5[%swap3A_1312, %swap3A_1313] {strides = array<i32>} : memref<32x128xi32, #tpu.memory_space<vmem>>, vector<1x16xi32>,
    %swap3A_1315 = vector.shape_cast %swap3A_1314 : vector<1x16xi32> to vector<16xi32>
    %swap3A_1316 = vector.shape_cast %add3A_1310 : vector<16xi32> to vector<1x16xi32>
    tpu.vector_store %arg5[%swap3A_1312, %swap3A_1313], %swap3A_1316 {strides = array<i32>} : memref<32x128xi32, #tpu.memory_space<vmem>>, vector<1x16xi32>,
    %get3A_1317 = arith.constant 11 : i32
    %get3A_1318 = arith.index_cast %get3A_1317 : i32 to index
    %get3A_1319 = arith.constant 48 : index
    %get3A_1320 = tpu.vector_load %arg5[%get3A_1318, %get3A_1319] {strides = array<i32>} : memref<32x128xi32, #tpu.memory_space<vmem>>, vector<1x16xi32>,
    %get3A_1321 = vector.shape_cast %get3A_1320 : vector<1x16xi32> to vector<16xi32>
    %add3A_1322 = arith.addi %get3A_1321, %mul3A_23 : vector<16xi32>
    %swap3A_1323 = arith.constant 11 : i32
    %swap3A_1324 = arith.index_cast %swap3A_1323 : i32 to index
    %swap3A_1325 = arith.constant 48 : index
    %swap3A_1326 = tpu.vector_load %arg5[%swap3A_1324, %swap3A_1325] {strides = array<i32>} : memref<32x128xi32, #tpu.memory_space<vmem>>, vector<1x16xi32>,
    %swap3A_1327 = vector.shape_cast %swap3A_1326 : vector<1x16xi32> to vector<16xi32>
    %swap3A_1328 = vector.shape_cast %add3A_1322 : vector<16xi32> to vector<1x16xi32>
    tpu.vector_store %arg5[%swap3A_1324, %swap3A_1325], %swap3A_1328 {strides = array<i32>} : memref<32x128xi32, #tpu.memory_space<vmem>>, vector<1x16xi32>,
    %get3A_1329 = arith.constant 11 : i32
    %get3A_1330 = arith.index_cast %get3A_1329 : i32 to index
    %get3A_1331 = arith.constant 64 : index
    %get3A_1332 = tpu.vector_load %arg5[%get3A_1330, %get3A_1331] {strides = array<i32>} : memref<32x128xi32, #tpu.memory_space<vmem>>, vector<1x16xi32>,
    %get3A_1333 = vector.shape_cast %get3A_1332 : vector<1x16xi32> to vector<16xi32>
    %add3A_1334 = arith.addi %get3A_1333, %mul3A_23 : vector<16xi32>
    %swap3A_1335 = arith.constant 11 : i32
    %swap3A_1336 = arith.index_cast %swap3A_1335 : i32 to index
    %swap3A_1337 = arith.constant 64 : index
    %swap3A_1338 = tpu.vector_load %arg5[%swap3A_1336, %swap3A_1337] {strides = array<i32>} : memref<32x128xi32, #tpu.memory_space<vmem>>, vector<1x16xi32>,
    %swap3A_1339 = vector.shape_cast %swap3A_1338 : vector<1x16xi32> to vector<16xi32>
    %swap3A_1340 = vector.shape_cast %add3A_1334 : vector<16xi32> to vector<1x16xi32>
    tpu.vector_store %arg5[%swap3A_1336, %swap3A_1337], %swap3A_1340 {strides = array<i32>} : memref<32x128xi32, #tpu.memory_space<vmem>>, vector<1x16xi32>,
    %get3A_1341 = arith.constant 11 : i32
    %get3A_1342 = arith.index_cast %get3A_1341 : i32 to index
    %get3A_1343 = arith.constant 80 : index
    %get3A_1344 = tpu.vector_load %arg5[%get3A_1342, %get3A_1343] {strides = array<i32>} : memref<32x128xi32, #tpu.memory_space<vmem>>, vector<1x16xi32>,
    %get3A_1345 = vector.shape_cast %get3A_1344 : vector<1x16xi32> to vector<16xi32>
    %add3A_1346 = arith.addi %get3A_1345, %mul3A_23 : vector<16xi32>
    %swap3A_1347 = arith.constant 11 : i32
    %swap3A_1348 = arith.index_cast %swap3A_1347 : i32 to index
    %swap3A_1349 = arith.constant 80 : index
    %swap3A_1350 = tpu.vector_load %arg5[%swap3A_1348, %swap3A_1349] {strides = array<i32>} : memref<32x128xi32, #tpu.memory_space<vmem>>, vector<1x16xi32>,
    %swap3A_1351 = vector.shape_cast %swap3A_1350 : vector<1x16xi32> to vector<16xi32>
    %swap3A_1352 = vector.shape_cast %add3A_1346 : vector<16xi32> to vector<1x16xi32>
    tpu.vector_store %arg5[%swap3A_1348, %swap3A_1349], %swap3A_1352 {strides = array<i32>} : memref<32x128xi32, #tpu.memory_space<vmem>>, vector<1x16xi32>,
    %get3A_1353 = arith.constant 11 : i32
    %get3A_1354 = arith.index_cast %get3A_1353 : i32 to index
    %get3A_1355 = arith.constant 96 : index
    %get3A_1356 = tpu.vector_load %arg5[%get3A_1354, %get3A_1355] {strides = array<i32>} : memref<32x128xi32, #tpu.memory_space<vmem>>, vector<1x16xi32>,
    %get3A_1357 = vector.shape_cast %get3A_1356 : vector<1x16xi32> to vector<16xi32>
    %add3A_1358 = arith.addi %get3A_1357, %mul3A_23 : vector<16xi32>
    %swap3A_1359 = arith.constant 11 : i32
    %swap3A_1360 = arith.index_cast %swap3A_1359 : i32 to index
    %swap3A_1361 = arith.constant 96 : index
    %swap3A_1362 = tpu.vector_load %arg5[%swap3A_1360, %swap3A_1361] {strides = array<i32>} : memref<32x128xi32, #tpu.memory_space<vmem>>, vector<1x16xi32>,
    %swap3A_1363 = vector.shape_cast %swap3A_1362 : vector<1x16xi32> to vector<16xi32>
    %swap3A_1364 = vector.shape_cast %add3A_1358 : vector<16xi32> to vector<1x16xi32>
    tpu.vector_store %arg5[%swap3A_1360, %swap3A_1361], %swap3A_1364 {strides = array<i32>} : memref<32x128xi32, #tpu.memory_space<vmem>>, vector<1x16xi32>,
    %get3A_1365 = arith.constant 11 : i32
    %get3A_1366 = arith.index_cast %get3A_1365 : i32 to index
    %get3A_1367 = arith.constant 112 : index
    %get3A_1368 = tpu.vector_load %arg5[%get3A_1366, %get3A_1367] {strides = array<i32>} : memref<32x128xi32, #tpu.memory_space<vmem>>, vector<1x16xi32>,
    %get3A_1369 = vector.shape_cast %get3A_1368 : vector<1x16xi32> to vector<16xi32>
    %add3A_1370 = arith.addi %get3A_1369, %mul3A_23 : vector<16xi32>
    %swap3A_1371 = arith.constant 11 : i32
    %swap3A_1372 = arith.index_cast %swap3A_1371 : i32 to index
    %swap3A_1373 = arith.constant 112 : index
    %swap3A_1374 = tpu.vector_load %arg5[%swap3A_1372, %swap3A_1373] {strides = array<i32>} : memref<32x128xi32, #tpu.memory_space<vmem>>, vector<1x16xi32>,
    %swap3A_1375 = vector.shape_cast %swap3A_1374 : vector<1x16xi32> to vector<16xi32>
    %swap3A_1376 = vector.shape_cast %add3A_1370 : vector<16xi32> to vector<1x16xi32>
    tpu.vector_store %arg5[%swap3A_1372, %swap3A_1373], %swap3A_1376 {strides = array<i32>} : memref<32x128xi32, #tpu.memory_space<vmem>>, vector<1x16xi32>,
    %dma_start3A_1377 = arith.constant 11 : i32
    %dma_start3A_1378 = arith.constant 0 : i32
    %dma_start3A_1379 = tpu.memref_slice %arg5[%dma_start3A_1377, %dma_start3A_1378] : memref<32x128xi32, #tpu.memory_space<vmem>> -> memref<1x128xi32, #tpu.memory_space<vmem>>
    %dma_start3A_1380 = tpu.memref_squeeze %dma_start3A_1379 : memref<1x128xi32, #tpu.memory_space<vmem>> -> memref<128xi32, #tpu.memory_space<vmem>>
    %dma_start3A_1381 = arith.constant 0 : i32
    %dma_start3A_1382 = arith.constant 0 : i32
    %dma_start3A_1383 = tpu.memref_slice %arg7[%dma_start3A_1381, %dma_start3A_1382] : memref<96x128xf32, #tpu.memory_space<vmem_shared>> -> memref<96x128xf32, #tpu.memory_space<vmem_shared>>
    tpu.enqueue_indirect_dma source(%dma_start3A_1383 : memref<96x128xf32, #tpu.memory_space<vmem_shared>>) target(%arg13 : memref<128x128xf32, #tpu.memory_space<vmem>>) offsets(%dma_start3A_1380 : memref<128xi32, #tpu.memory_space<vmem>>) semaphore(%arg19 : memref<!tpu.dma_semaphore, #tpu.memory_space<semaphore_mem>>)
    %dma_wait3A_1384 = arith.constant 8 : i32
    %dma_wait3A_1385 = arith.constant 0 : i32
    %dma_wait3A_1386 = tpu.memref_slice %arg5[%dma_wait3A_1384, %dma_wait3A_1385] : memref<32x128xi32, #tpu.memory_space<vmem>> -> memref<1x128xi32, #tpu.memory_space<vmem>>
    %dma_wait3A_1387 = tpu.memref_squeeze %dma_wait3A_1386 : memref<1x128xi32, #tpu.memory_space<vmem>> -> memref<128xi32, #tpu.memory_space<vmem>>
    %dma_wait3A_1388 = arith.constant 0 : i32
    %dma_wait3A_1389 = arith.constant 0 : i32
    %dma_wait3A_1390 = tpu.memref_slice %arg7[%dma_wait3A_1388, %dma_wait3A_1389] : memref<96x128xf32, #tpu.memory_space<vmem_shared>> -> memref<96x128xf32, #tpu.memory_space<vmem_shared>>
    tpu.wait_indirect_dma semaphore(%arg16 : memref<!tpu.dma_semaphore, #tpu.memory_space<semaphore_mem>>) src(%dma_wait3A_1390 : memref<96x128xf32, #tpu.memory_space<vmem_shared>>) dst(%arg10 : memref<128x128xf32, #tpu.memory_space<vmem>>)
    %add3A_1391 = arith.constant 1024 : i32
    %add3A_1392 = arith.addi %mul3A_2, %add3A_1391 : i32
    %dma_start3A_1393 = arith.constant 0 : i32
    %dma_start3A_1394 = tpu.memref_slice %arg4[%add3A_1392, %dma_start3A_1393] : memref<131072x128xf32, #tpu.memory_space<hbm>> -> memref<128x128xf32, #tpu.memory_space<hbm>>
    %dma_start3A_1395 = arith.constant 0 : i32
    %dma_start3A_1396 = tpu.memref_slice %arg4[%add3A_1392, %dma_start3A_1395] : memref<131072x128xf32, #tpu.memory_space<hbm>> -> memref<128x128xf32, #tpu.memory_space<hbm>>
    tpu.enqueue_dma source(%arg10 : memref<128x128xf32, #tpu.memory_space<vmem>>) target(%dma_start3A_1396 : memref<128x128xf32, #tpu.memory_space<hbm>>) target_semaphore(%arg22 : memref<!tpu.dma_semaphore, #tpu.memory_space<semaphore_mem>>)
    %dma_wait3A_1397 = arith.constant 0 : i32
    %dma_wait3A_1398 = tpu.memref_slice %arg4[%add3A_1152, %dma_wait3A_1397] : memref<131072x128xf32, #tpu.memory_space<hbm>> -> memref<128x128xf32, #tpu.memory_space<hbm>>
    %dma_wait3A_1399 = arith.constant 0 : i32
    %dma_wait3A_1400 = tpu.memref_slice %arg4[%add3A_1152, %dma_wait3A_1399] : memref<131072x128xf32, #tpu.memory_space<hbm>> -> memref<128x128xf32, #tpu.memory_space<hbm>>
    tpu.wait_dma2 semaphore(%arg20 : memref<!tpu.dma_semaphore, #tpu.memory_space<semaphore_mem>>) src(%arg8 : memref<128x128xf32, #tpu.memory_space<vmem>>) dst(%dma_wait3A_1400 : memref<128x128xf32, #tpu.memory_space<hbm>>)
    %get3A_1401 = arith.constant 12 : i32
    %get3A_1402 = arith.index_cast %get3A_1401 : i32 to index
    %get3A_1403 = arith.constant 0 : index
    %get3A_1404 = tpu.vector_load %arg5[%get3A_1402, %get3A_1403] {strides = array<i32>} : memref<32x128xi32, #tpu.memory_space<vmem>>, vector<1x16xi32>,
    %get3A_1405 = vector.shape_cast %get3A_1404 : vector<1x16xi32> to vector<16xi32>
    %add3A_1406 = arith.addi %get3A_1405, %mul3A_23 : vector<16xi32>
    %swap3A_1407 = arith.constant 12 : i32
    %swap3A_1408 = arith.index_cast %swap3A_1407 : i32 to index
    %swap3A_1409 = arith.constant 0 : index
    %swap3A_1410 = tpu.vector_load %arg5[%swap3A_1408, %swap3A_1409] {strides = array<i32>} : memref<32x128xi32, #tpu.memory_space<vmem>>, vector<1x16xi32>,
    %swap3A_1411 = vector.shape_cast %swap3A_1410 : vector<1x16xi32> to vector<16xi32>
    %swap3A_1412 = vector.shape_cast %add3A_1406 : vector<16xi32> to vector<1x16xi32>
    tpu.vector_store %arg5[%swap3A_1408, %swap3A_1409], %swap3A_1412 {strides = array<i32>} : memref<32x128xi32, #tpu.memory_space<vmem>>, vector<1x16xi32>,
    %get3A_1413 = arith.constant 12 : i32
    %get3A_1414 = arith.index_cast %get3A_1413 : i32 to index
    %get3A_1415 = arith.constant 16 : index
    %get3A_1416 = tpu.vector_load %arg5[%get3A_1414, %get3A_1415] {strides = array<i32>} : memref<32x128xi32, #tpu.memory_space<vmem>>, vector<1x16xi32>,
    %get3A_1417 = vector.shape_cast %get3A_1416 : vector<1x16xi32> to vector<16xi32>
    %add3A_1418 = arith.addi %get3A_1417, %mul3A_23 : vector<16xi32>
    %swap3A_1419 = arith.constant 12 : i32
    %swap3A_1420 = arith.index_cast %swap3A_1419 : i32 to index
    %swap3A_1421 = arith.constant 16 : index
    %swap3A_1422 = tpu.vector_load %arg5[%swap3A_1420, %swap3A_1421] {strides = array<i32>} : memref<32x128xi32, #tpu.memory_space<vmem>>, vector<1x16xi32>,
    %swap3A_1423 = vector.shape_cast %swap3A_1422 : vector<1x16xi32> to vector<16xi32>
    %swap3A_1424 = vector.shape_cast %add3A_1418 : vector<16xi32> to vector<1x16xi32>
    tpu.vector_store %arg5[%swap3A_1420, %swap3A_1421], %swap3A_1424 {strides = array<i32>} : memref<32x128xi32, #tpu.memory_space<vmem>>, vector<1x16xi32>,
    %get3A_1425 = arith.constant 12 : i32
    %get3A_1426 = arith.index_cast %get3A_1425 : i32 to index
    %get3A_1427 = arith.constant 32 : index
    %get3A_1428 = tpu.vector_load %arg5[%get3A_1426, %get3A_1427] {strides = array<i32>} : memref<32x128xi32, #tpu.memory_space<vmem>>, vector<1x16xi32>,
    %get3A_1429 = vector.shape_cast %get3A_1428 : vector<1x16xi32> to vector<16xi32>
    %add3A_1430 = arith.addi %get3A_1429, %mul3A_23 : vector<16xi32>
    %swap3A_1431 = arith.constant 12 : i32
    %swap3A_1432 = arith.index_cast %swap3A_1431 : i32 to index
    %swap3A_1433 = arith.constant 32 : index
    %swap3A_1434 = tpu.vector_load %arg5[%swap3A_1432, %swap3A_1433] {strides = array<i32>} : memref<32x128xi32, #tpu.memory_space<vmem>>, vector<1x16xi32>,
    %swap3A_1435 = vector.shape_cast %swap3A_1434 : vector<1x16xi32> to vector<16xi32>
    %swap3A_1436 = vector.shape_cast %add3A_1430 : vector<16xi32> to vector<1x16xi32>
    tpu.vector_store %arg5[%swap3A_1432, %swap3A_1433], %swap3A_1436 {strides = array<i32>} : memref<32x128xi32, #tpu.memory_space<vmem>>, vector<1x16xi32>,
    %get3A_1437 = arith.constant 12 : i32
    %get3A_1438 = arith.index_cast %get3A_1437 : i32 to index
    %get3A_1439 = arith.constant 48 : index
    %get3A_1440 = tpu.vector_load %arg5[%get3A_1438, %get3A_1439] {strides = array<i32>} : memref<32x128xi32, #tpu.memory_space<vmem>>, vector<1x16xi32>,
    %get3A_1441 = vector.shape_cast %get3A_1440 : vector<1x16xi32> to vector<16xi32>
    %add3A_1442 = arith.addi %get3A_1441, %mul3A_23 : vector<16xi32>
    %swap3A_1443 = arith.constant 12 : i32
    %swap3A_1444 = arith.index_cast %swap3A_1443 : i32 to index
    %swap3A_1445 = arith.constant 48 : index
    %swap3A_1446 = tpu.vector_load %arg5[%swap3A_1444, %swap3A_1445] {strides = array<i32>} : memref<32x128xi32, #tpu.memory_space<vmem>>, vector<1x16xi32>,
    %swap3A_1447 = vector.shape_cast %swap3A_1446 : vector<1x16xi32> to vector<16xi32>
    %swap3A_1448 = vector.shape_cast %add3A_1442 : vector<16xi32> to vector<1x16xi32>
    tpu.vector_store %arg5[%swap3A_1444, %swap3A_1445], %swap3A_1448 {strides = array<i32>} : memref<32x128xi32, #tpu.memory_space<vmem>>, vector<1x16xi32>,
    %get3A_1449 = arith.constant 12 : i32
    %get3A_1450 = arith.index_cast %get3A_1449 : i32 to index
    %get3A_1451 = arith.constant 64 : index
    %get3A_1452 = tpu.vector_load %arg5[%get3A_1450, %get3A_1451] {strides = array<i32>} : memref<32x128xi32, #tpu.memory_space<vmem>>, vector<1x16xi32>,
    %get3A_1453 = vector.shape_cast %get3A_1452 : vector<1x16xi32> to vector<16xi32>
    %add3A_1454 = arith.addi %get3A_1453, %mul3A_23 : vector<16xi32>
    %swap3A_1455 = arith.constant 12 : i32
    %swap3A_1456 = arith.index_cast %swap3A_1455 : i32 to index
    %swap3A_1457 = arith.constant 64 : index
    %swap3A_1458 = tpu.vector_load %arg5[%swap3A_1456, %swap3A_1457] {strides = array<i32>} : memref<32x128xi32, #tpu.memory_space<vmem>>, vector<1x16xi32>,
    %swap3A_1459 = vector.shape_cast %swap3A_1458 : vector<1x16xi32> to vector<16xi32>
    %swap3A_1460 = vector.shape_cast %add3A_1454 : vector<16xi32> to vector<1x16xi32>
    tpu.vector_store %arg5[%swap3A_1456, %swap3A_1457], %swap3A_1460 {strides = array<i32>} : memref<32x128xi32, #tpu.memory_space<vmem>>, vector<1x16xi32>,
    %get3A_1461 = arith.constant 12 : i32
    %get3A_1462 = arith.index_cast %get3A_1461 : i32 to index
    %get3A_1463 = arith.constant 80 : index
    %get3A_1464 = tpu.vector_load %arg5[%get3A_1462, %get3A_1463] {strides = array<i32>} : memref<32x128xi32, #tpu.memory_space<vmem>>, vector<1x16xi32>,
    %get3A_1465 = vector.shape_cast %get3A_1464 : vector<1x16xi32> to vector<16xi32>
    %add3A_1466 = arith.addi %get3A_1465, %mul3A_23 : vector<16xi32>
    %swap3A_1467 = arith.constant 12 : i32
    %swap3A_1468 = arith.index_cast %swap3A_1467 : i32 to index
    %swap3A_1469 = arith.constant 80 : index
    %swap3A_1470 = tpu.vector_load %arg5[%swap3A_1468, %swap3A_1469] {strides = array<i32>} : memref<32x128xi32, #tpu.memory_space<vmem>>, vector<1x16xi32>,
    %swap3A_1471 = vector.shape_cast %swap3A_1470 : vector<1x16xi32> to vector<16xi32>
    %swap3A_1472 = vector.shape_cast %add3A_1466 : vector<16xi32> to vector<1x16xi32>
    tpu.vector_store %arg5[%swap3A_1468, %swap3A_1469], %swap3A_1472 {strides = array<i32>} : memref<32x128xi32, #tpu.memory_space<vmem>>, vector<1x16xi32>,
    %get3A_1473 = arith.constant 12 : i32
    %get3A_1474 = arith.index_cast %get3A_1473 : i32 to index
    %get3A_1475 = arith.constant 96 : index
    %get3A_1476 = tpu.vector_load %arg5[%get3A_1474, %get3A_1475] {strides = array<i32>} : memref<32x128xi32, #tpu.memory_space<vmem>>, vector<1x16xi32>,
    %get3A_1477 = vector.shape_cast %get3A_1476 : vector<1x16xi32> to vector<16xi32>
    %add3A_1478 = arith.addi %get3A_1477, %mul3A_23 : vector<16xi32>
    %swap3A_1479 = arith.constant 12 : i32
    %swap3A_1480 = arith.index_cast %swap3A_1479 : i32 to index
    %swap3A_1481 = arith.constant 96 : index
    %swap3A_1482 = tpu.vector_load %arg5[%swap3A_1480, %swap3A_1481] {strides = array<i32>} : memref<32x128xi32, #tpu.memory_space<vmem>>, vector<1x16xi32>,
    %swap3A_1483 = vector.shape_cast %swap3A_1482 : vector<1x16xi32> to vector<16xi32>
    %swap3A_1484 = vector.shape_cast %add3A_1478 : vector<16xi32> to vector<1x16xi32>
    tpu.vector_store %arg5[%swap3A_1480, %swap3A_1481], %swap3A_1484 {strides = array<i32>} : memref<32x128xi32, #tpu.memory_space<vmem>>, vector<1x16xi32>,
    %get3A_1485 = arith.constant 12 : i32
    %get3A_1486 = arith.index_cast %get3A_1485 : i32 to index
    %get3A_1487 = arith.constant 112 : index
    %get3A_1488 = tpu.vector_load %arg5[%get3A_1486, %get3A_1487] {strides = array<i32>} : memref<32x128xi32, #tpu.memory_space<vmem>>, vector<1x16xi32>,
    %get3A_1489 = vector.shape_cast %get3A_1488 : vector<1x16xi32> to vector<16xi32>
    %add3A_1490 = arith.addi %get3A_1489, %mul3A_23 : vector<16xi32>
    %swap3A_1491 = arith.constant 12 : i32
    %swap3A_1492 = arith.index_cast %swap3A_1491 : i32 to index
    %swap3A_1493 = arith.constant 112 : index
    %swap3A_1494 = tpu.vector_load %arg5[%swap3A_1492, %swap3A_1493] {strides = array<i32>} : memref<32x128xi32, #tpu.memory_space<vmem>>, vector<1x16xi32>,
    %swap3A_1495 = vector.shape_cast %swap3A_1494 : vector<1x16xi32> to vector<16xi32>
    %swap3A_1496 = vector.shape_cast %add3A_1490 : vector<16xi32> to vector<1x16xi32>
    tpu.vector_store %arg5[%swap3A_1492, %swap3A_1493], %swap3A_1496 {strides = array<i32>} : memref<32x128xi32, #tpu.memory_space<vmem>>, vector<1x16xi32>,
    %dma_start3A_1497 = arith.constant 12 : i32
    %dma_start3A_1498 = arith.constant 0 : i32
    %dma_start3A_1499 = tpu.memref_slice %arg5[%dma_start3A_1497, %dma_start3A_1498] : memref<32x128xi32, #tpu.memory_space<vmem>> -> memref<1x128xi32, #tpu.memory_space<vmem>>
    %dma_start3A_1500 = tpu.memref_squeeze %dma_start3A_1499 : memref<1x128xi32, #tpu.memory_space<vmem>> -> memref<128xi32, #tpu.memory_space<vmem>>
    %dma_start3A_1501 = arith.constant 0 : i32
    %dma_start3A_1502 = arith.constant 0 : i32
    %dma_start3A_1503 = tpu.memref_slice %arg7[%dma_start3A_1501, %dma_start3A_1502] : memref<96x128xf32, #tpu.memory_space<vmem_shared>> -> memref<96x128xf32, #tpu.memory_space<vmem_shared>>
    tpu.enqueue_indirect_dma source(%dma_start3A_1503 : memref<96x128xf32, #tpu.memory_space<vmem_shared>>) target(%arg8 : memref<128x128xf32, #tpu.memory_space<vmem>>) offsets(%dma_start3A_1500 : memref<128xi32, #tpu.memory_space<vmem>>) semaphore(%arg14 : memref<!tpu.dma_semaphore, #tpu.memory_space<semaphore_mem>>)
    %dma_wait3A_1504 = arith.constant 9 : i32
    %dma_wait3A_1505 = arith.constant 0 : i32
    %dma_wait3A_1506 = tpu.memref_slice %arg5[%dma_wait3A_1504, %dma_wait3A_1505] : memref<32x128xi32, #tpu.memory_space<vmem>> -> memref<1x128xi32, #tpu.memory_space<vmem>>
    %dma_wait3A_1507 = tpu.memref_squeeze %dma_wait3A_1506 : memref<1x128xi32, #tpu.memory_space<vmem>> -> memref<128xi32, #tpu.memory_space<vmem>>
    %dma_wait3A_1508 = arith.constant 0 : i32
    %dma_wait3A_1509 = arith.constant 0 : i32
    %dma_wait3A_1510 = tpu.memref_slice %arg7[%dma_wait3A_1508, %dma_wait3A_1509] : memref<96x128xf32, #tpu.memory_space<vmem_shared>> -> memref<96x128xf32, #tpu.memory_space<vmem_shared>>
    tpu.wait_indirect_dma semaphore(%arg17 : memref<!tpu.dma_semaphore, #tpu.memory_space<semaphore_mem>>) src(%dma_wait3A_1510 : memref<96x128xf32, #tpu.memory_space<vmem_shared>>) dst(%arg11 : memref<128x128xf32, #tpu.memory_space<vmem>>)
    %add3A_1511 = arith.constant 1152 : i32
    %add3A_1512 = arith.addi %mul3A_2, %add3A_1511 : i32
    %dma_start3A_1513 = arith.constant 0 : i32
    %dma_start3A_1514 = tpu.memref_slice %arg4[%add3A_1512, %dma_start3A_1513] : memref<131072x128xf32, #tpu.memory_space<hbm>> -> memref<128x128xf32, #tpu.memory_space<hbm>>
    %dma_start3A_1515 = arith.constant 0 : i32
    %dma_start3A_1516 = tpu.memref_slice %arg4[%add3A_1512, %dma_start3A_1515] : memref<131072x128xf32, #tpu.memory_space<hbm>> -> memref<128x128xf32, #tpu.memory_space<hbm>>
    tpu.enqueue_dma source(%arg11 : memref<128x128xf32, #tpu.memory_space<vmem>>) target(%dma_start3A_1516 : memref<128x128xf32, #tpu.memory_space<hbm>>) target_semaphore(%arg23 : memref<!tpu.dma_semaphore, #tpu.memory_space<semaphore_mem>>)
    %dma_wait3A_1517 = arith.constant 0 : i32
    %dma_wait3A_1518 = tpu.memref_slice %arg4[%add3A_1272, %dma_wait3A_1517] : memref<131072x128xf32, #tpu.memory_space<hbm>> -> memref<128x128xf32, #tpu.memory_space<hbm>>
    %dma_wait3A_1519 = arith.constant 0 : i32
    %dma_wait3A_1520 = tpu.memref_slice %arg4[%add3A_1272, %dma_wait3A_1519] : memref<131072x128xf32, #tpu.memory_space<hbm>> -> memref<128x128xf32, #tpu.memory_space<hbm>>
    tpu.wait_dma2 semaphore(%arg21 : memref<!tpu.dma_semaphore, #tpu.memory_space<semaphore_mem>>) src(%arg9 : memref<128x128xf32, #tpu.memory_space<vmem>>) dst(%dma_wait3A_1520 : memref<128x128xf32, #tpu.memory_space<hbm>>)
    %get3A_1521 = arith.constant 13 : i32
    %get3A_1522 = arith.index_cast %get3A_1521 : i32 to index
    %get3A_1523 = arith.constant 0 : index
    %get3A_1524 = tpu.vector_load %arg5[%get3A_1522, %get3A_1523] {strides = array<i32>} : memref<32x128xi32, #tpu.memory_space<vmem>>, vector<1x16xi32>,
    %get3A_1525 = vector.shape_cast %get3A_1524 : vector<1x16xi32> to vector<16xi32>
    %add3A_1526 = arith.addi %get3A_1525, %mul3A_23 : vector<16xi32>
    %swap3A_1527 = arith.constant 13 : i32
    %swap3A_1528 = arith.index_cast %swap3A_1527 : i32 to index
    %swap3A_1529 = arith.constant 0 : index
    %swap3A_1530 = tpu.vector_load %arg5[%swap3A_1528, %swap3A_1529] {strides = array<i32>} : memref<32x128xi32, #tpu.memory_space<vmem>>, vector<1x16xi32>,
    %swap3A_1531 = vector.shape_cast %swap3A_1530 : vector<1x16xi32> to vector<16xi32>
    %swap3A_1532 = vector.shape_cast %add3A_1526 : vector<16xi32> to vector<1x16xi32>
    tpu.vector_store %arg5[%swap3A_1528, %swap3A_1529], %swap3A_1532 {strides = array<i32>} : memref<32x128xi32, #tpu.memory_space<vmem>>, vector<1x16xi32>,
    %get3A_1533 = arith.constant 13 : i32
    %get3A_1534 = arith.index_cast %get3A_1533 : i32 to index
    %get3A_1535 = arith.constant 16 : index
    %get3A_1536 = tpu.vector_load %arg5[%get3A_1534, %get3A_1535] {strides = array<i32>} : memref<32x128xi32, #tpu.memory_space<vmem>>, vector<1x16xi32>,
    %get3A_1537 = vector.shape_cast %get3A_1536 : vector<1x16xi32> to vector<16xi32>
    %add3A_1538 = arith.addi %get3A_1537, %mul3A_23 : vector<16xi32>
    %swap3A_1539 = arith.constant 13 : i32
    %swap3A_1540 = arith.index_cast %swap3A_1539 : i32 to index
    %swap3A_1541 = arith.constant 16 : index
    %swap3A_1542 = tpu.vector_load %arg5[%swap3A_1540, %swap3A_1541] {strides = array<i32>} : memref<32x128xi32, #tpu.memory_space<vmem>>, vector<1x16xi32>,
    %swap3A_1543 = vector.shape_cast %swap3A_1542 : vector<1x16xi32> to vector<16xi32>
    %swap3A_1544 = vector.shape_cast %add3A_1538 : vector<16xi32> to vector<1x16xi32>
    tpu.vector_store %arg5[%swap3A_1540, %swap3A_1541], %swap3A_1544 {strides = array<i32>} : memref<32x128xi32, #tpu.memory_space<vmem>>, vector<1x16xi32>,
    %get3A_1545 = arith.constant 13 : i32
    %get3A_1546 = arith.index_cast %get3A_1545 : i32 to index
    %get3A_1547 = arith.constant 32 : index
    %get3A_1548 = tpu.vector_load %arg5[%get3A_1546, %get3A_1547] {strides = array<i32>} : memref<32x128xi32, #tpu.memory_space<vmem>>, vector<1x16xi32>,
    %get3A_1549 = vector.shape_cast %get3A_1548 : vector<1x16xi32> to vector<16xi32>
    %add3A_1550 = arith.addi %get3A_1549, %mul3A_23 : vector<16xi32>
    %swap3A_1551 = arith.constant 13 : i32
    %swap3A_1552 = arith.index_cast %swap3A_1551 : i32 to index
    %swap3A_1553 = arith.constant 32 : index
    %swap3A_1554 = tpu.vector_load %arg5[%swap3A_1552, %swap3A_1553] {strides = array<i32>} : memref<32x128xi32, #tpu.memory_space<vmem>>, vector<1x16xi32>,
    %swap3A_1555 = vector.shape_cast %swap3A_1554 : vector<1x16xi32> to vector<16xi32>
    %swap3A_1556 = vector.shape_cast %add3A_1550 : vector<16xi32> to vector<1x16xi32>
    tpu.vector_store %arg5[%swap3A_1552, %swap3A_1553], %swap3A_1556 {strides = array<i32>} : memref<32x128xi32, #tpu.memory_space<vmem>>, vector<1x16xi32>,
    %get3A_1557 = arith.constant 13 : i32
    %get3A_1558 = arith.index_cast %get3A_1557 : i32 to index
    %get3A_1559 = arith.constant 48 : index
    %get3A_1560 = tpu.vector_load %arg5[%get3A_1558, %get3A_1559] {strides = array<i32>} : memref<32x128xi32, #tpu.memory_space<vmem>>, vector<1x16xi32>,
    %get3A_1561 = vector.shape_cast %get3A_1560 : vector<1x16xi32> to vector<16xi32>
    %add3A_1562 = arith.addi %get3A_1561, %mul3A_23 : vector<16xi32>
    %swap3A_1563 = arith.constant 13 : i32
    %swap3A_1564 = arith.index_cast %swap3A_1563 : i32 to index
    %swap3A_1565 = arith.constant 48 : index
    %swap3A_1566 = tpu.vector_load %arg5[%swap3A_1564, %swap3A_1565] {strides = array<i32>} : memref<32x128xi32, #tpu.memory_space<vmem>>, vector<1x16xi32>,
    %swap3A_1567 = vector.shape_cast %swap3A_1566 : vector<1x16xi32> to vector<16xi32>
    %swap3A_1568 = vector.shape_cast %add3A_1562 : vector<16xi32> to vector<1x16xi32>
    tpu.vector_store %arg5[%swap3A_1564, %swap3A_1565], %swap3A_1568 {strides = array<i32>} : memref<32x128xi32, #tpu.memory_space<vmem>>, vector<1x16xi32>,
    %get3A_1569 = arith.constant 13 : i32
    %get3A_1570 = arith.index_cast %get3A_1569 : i32 to index
    %get3A_1571 = arith.constant 64 : index
    %get3A_1572 = tpu.vector_load %arg5[%get3A_1570, %get3A_1571] {strides = array<i32>} : memref<32x128xi32, #tpu.memory_space<vmem>>, vector<1x16xi32>,
    %get3A_1573 = vector.shape_cast %get3A_1572 : vector<1x16xi32> to vector<16xi32>
    %add3A_1574 = arith.addi %get3A_1573, %mul3A_23 : vector<16xi32>
    %swap3A_1575 = arith.constant 13 : i32
    %swap3A_1576 = arith.index_cast %swap3A_1575 : i32 to index
    %swap3A_1577 = arith.constant 64 : index
    %swap3A_1578 = tpu.vector_load %arg5[%swap3A_1576, %swap3A_1577] {strides = array<i32>} : memref<32x128xi32, #tpu.memory_space<vmem>>, vector<1x16xi32>,
    %swap3A_1579 = vector.shape_cast %swap3A_1578 : vector<1x16xi32> to vector<16xi32>
    %swap3A_1580 = vector.shape_cast %add3A_1574 : vector<16xi32> to vector<1x16xi32>
    tpu.vector_store %arg5[%swap3A_1576, %swap3A_1577], %swap3A_1580 {strides = array<i32>} : memref<32x128xi32, #tpu.memory_space<vmem>>, vector<1x16xi32>,
    %get3A_1581 = arith.constant 13 : i32
    %get3A_1582 = arith.index_cast %get3A_1581 : i32 to index
    %get3A_1583 = arith.constant 80 : index
    %get3A_1584 = tpu.vector_load %arg5[%get3A_1582, %get3A_1583] {strides = array<i32>} : memref<32x128xi32, #tpu.memory_space<vmem>>, vector<1x16xi32>,
    %get3A_1585 = vector.shape_cast %get3A_1584 : vector<1x16xi32> to vector<16xi32>
    %add3A_1586 = arith.addi %get3A_1585, %mul3A_23 : vector<16xi32>
    %swap3A_1587 = arith.constant 13 : i32
    %swap3A_1588 = arith.index_cast %swap3A_1587 : i32 to index
    %swap3A_1589 = arith.constant 80 : index
    %swap3A_1590 = tpu.vector_load %arg5[%swap3A_1588, %swap3A_1589] {strides = array<i32>} : memref<32x128xi32, #tpu.memory_space<vmem>>, vector<1x16xi32>,
    %swap3A_1591 = vector.shape_cast %swap3A_1590 : vector<1x16xi32> to vector<16xi32>
    %swap3A_1592 = vector.shape_cast %add3A_1586 : vector<16xi32> to vector<1x16xi32>
    tpu.vector_store %arg5[%swap3A_1588, %swap3A_1589], %swap3A_1592 {strides = array<i32>} : memref<32x128xi32, #tpu.memory_space<vmem>>, vector<1x16xi32>,
    %get3A_1593 = arith.constant 13 : i32
    %get3A_1594 = arith.index_cast %get3A_1593 : i32 to index
    %get3A_1595 = arith.constant 96 : index
    %get3A_1596 = tpu.vector_load %arg5[%get3A_1594, %get3A_1595] {strides = array<i32>} : memref<32x128xi32, #tpu.memory_space<vmem>>, vector<1x16xi32>,
    %get3A_1597 = vector.shape_cast %get3A_1596 : vector<1x16xi32> to vector<16xi32>
    %add3A_1598 = arith.addi %get3A_1597, %mul3A_23 : vector<16xi32>
    %swap3A_1599 = arith.constant 13 : i32
    %swap3A_1600 = arith.index_cast %swap3A_1599 : i32 to index
    %swap3A_1601 = arith.constant 96 : index
    %swap3A_1602 = tpu.vector_load %arg5[%swap3A_1600, %swap3A_1601] {strides = array<i32>} : memref<32x128xi32, #tpu.memory_space<vmem>>, vector<1x16xi32>,
    %swap3A_1603 = vector.shape_cast %swap3A_1602 : vector<1x16xi32> to vector<16xi32>
    %swap3A_1604 = vector.shape_cast %add3A_1598 : vector<16xi32> to vector<1x16xi32>
    tpu.vector_store %arg5[%swap3A_1600, %swap3A_1601], %swap3A_1604 {strides = array<i32>} : memref<32x128xi32, #tpu.memory_space<vmem>>, vector<1x16xi32>,
    %get3A_1605 = arith.constant 13 : i32
    %get3A_1606 = arith.index_cast %get3A_1605 : i32 to index
    %get3A_1607 = arith.constant 112 : index
    %get3A_1608 = tpu.vector_load %arg5[%get3A_1606, %get3A_1607] {strides = array<i32>} : memref<32x128xi32, #tpu.memory_space<vmem>>, vector<1x16xi32>,
    %get3A_1609 = vector.shape_cast %get3A_1608 : vector<1x16xi32> to vector<16xi32>
    %add3A_1610 = arith.addi %get3A_1609, %mul3A_23 : vector<16xi32>
    %swap3A_1611 = arith.constant 13 : i32
    %swap3A_1612 = arith.index_cast %swap3A_1611 : i32 to index
    %swap3A_1613 = arith.constant 112 : index
    %swap3A_1614 = tpu.vector_load %arg5[%swap3A_1612, %swap3A_1613] {strides = array<i32>} : memref<32x128xi32, #tpu.memory_space<vmem>>, vector<1x16xi32>,
    %swap3A_1615 = vector.shape_cast %swap3A_1614 : vector<1x16xi32> to vector<16xi32>
    %swap3A_1616 = vector.shape_cast %add3A_1610 : vector<16xi32> to vector<1x16xi32>
    tpu.vector_store %arg5[%swap3A_1612, %swap3A_1613], %swap3A_1616 {strides = array<i32>} : memref<32x128xi32, #tpu.memory_space<vmem>>, vector<1x16xi32>,
    %dma_start3A_1617 = arith.constant 13 : i32
    %dma_start3A_1618 = arith.constant 0 : i32
    %dma_start3A_1619 = tpu.memref_slice %arg5[%dma_start3A_1617, %dma_start3A_1618] : memref<32x128xi32, #tpu.memory_space<vmem>> -> memref<1x128xi32, #tpu.memory_space<vmem>>
    %dma_start3A_1620 = tpu.memref_squeeze %dma_start3A_1619 : memref<1x128xi32, #tpu.memory_space<vmem>> -> memref<128xi32, #tpu.memory_space<vmem>>
    %dma_start3A_1621 = arith.constant 0 : i32
    %dma_start3A_1622 = arith.constant 0 : i32
    %dma_start3A_1623 = tpu.memref_slice %arg7[%dma_start3A_1621, %dma_start3A_1622] : memref<96x128xf32, #tpu.memory_space<vmem_shared>> -> memref<96x128xf32, #tpu.memory_space<vmem_shared>>
    tpu.enqueue_indirect_dma source(%dma_start3A_1623 : memref<96x128xf32, #tpu.memory_space<vmem_shared>>) target(%arg9 : memref<128x128xf32, #tpu.memory_space<vmem>>) offsets(%dma_start3A_1620 : memref<128xi32, #tpu.memory_space<vmem>>) semaphore(%arg15 : memref<!tpu.dma_semaphore, #tpu.memory_space<semaphore_mem>>)
    %dma_wait3A_1624 = arith.constant 10 : i32
    %dma_wait3A_1625 = arith.constant 0 : i32
    %dma_wait3A_1626 = tpu.memref_slice %arg5[%dma_wait3A_1624, %dma_wait3A_1625] : memref<32x128xi32, #tpu.memory_space<vmem>> -> memref<1x128xi32, #tpu.memory_space<vmem>>
    %dma_wait3A_1627 = tpu.memref_squeeze %dma_wait3A_1626 : memref<1x128xi32, #tpu.memory_space<vmem>> -> memref<128xi32, #tpu.memory_space<vmem>>
    %dma_wait3A_1628 = arith.constant 0 : i32
    %dma_wait3A_1629 = arith.constant 0 : i32
    %dma_wait3A_1630 = tpu.memref_slice %arg7[%dma_wait3A_1628, %dma_wait3A_1629] : memref<96x128xf32, #tpu.memory_space<vmem_shared>> -> memref<96x128xf32, #tpu.memory_space<vmem_shared>>
    tpu.wait_indirect_dma semaphore(%arg18 : memref<!tpu.dma_semaphore, #tpu.memory_space<semaphore_mem>>) src(%dma_wait3A_1630 : memref<96x128xf32, #tpu.memory_space<vmem_shared>>) dst(%arg12 : memref<128x128xf32, #tpu.memory_space<vmem>>)
    %add3A_1631 = arith.constant 1280 : i32
    %add3A_1632 = arith.addi %mul3A_2, %add3A_1631 : i32
    %dma_start3A_1633 = arith.constant 0 : i32
    %dma_start3A_1634 = tpu.memref_slice %arg4[%add3A_1632, %dma_start3A_1633] : memref<131072x128xf32, #tpu.memory_space<hbm>> -> memref<128x128xf32, #tpu.memory_space<hbm>>
    %dma_start3A_1635 = arith.constant 0 : i32
    %dma_start3A_1636 = tpu.memref_slice %arg4[%add3A_1632, %dma_start3A_1635] : memref<131072x128xf32, #tpu.memory_space<hbm>> -> memref<128x128xf32, #tpu.memory_space<hbm>>
    tpu.enqueue_dma source(%arg12 : memref<128x128xf32, #tpu.memory_space<vmem>>) target(%dma_start3A_1636 : memref<128x128xf32, #tpu.memory_space<hbm>>) target_semaphore(%arg24 : memref<!tpu.dma_semaphore, #tpu.memory_space<semaphore_mem>>)
    %dma_wait3A_1637 = arith.constant 0 : i32
    %dma_wait3A_1638 = tpu.memref_slice %arg4[%add3A_1392, %dma_wait3A_1637] : memref<131072x128xf32, #tpu.memory_space<hbm>> -> memref<128x128xf32, #tpu.memory_space<hbm>>
    %dma_wait3A_1639 = arith.constant 0 : i32
    %dma_wait3A_1640 = tpu.memref_slice %arg4[%add3A_1392, %dma_wait3A_1639] : memref<131072x128xf32, #tpu.memory_space<hbm>> -> memref<128x128xf32, #tpu.memory_space<hbm>>
    tpu.wait_dma2 semaphore(%arg22 : memref<!tpu.dma_semaphore, #tpu.memory_space<semaphore_mem>>) src(%arg10 : memref<128x128xf32, #tpu.memory_space<vmem>>) dst(%dma_wait3A_1640 : memref<128x128xf32, #tpu.memory_space<hbm>>)
    %get3A_1641 = arith.constant 14 : i32
    %get3A_1642 = arith.index_cast %get3A_1641 : i32 to index
    %get3A_1643 = arith.constant 0 : index
    %get3A_1644 = tpu.vector_load %arg5[%get3A_1642, %get3A_1643] {strides = array<i32>} : memref<32x128xi32, #tpu.memory_space<vmem>>, vector<1x16xi32>,
    %get3A_1645 = vector.shape_cast %get3A_1644 : vector<1x16xi32> to vector<16xi32>
    %add3A_1646 = arith.addi %get3A_1645, %mul3A_23 : vector<16xi32>
    %swap3A_1647 = arith.constant 14 : i32
    %swap3A_1648 = arith.index_cast %swap3A_1647 : i32 to index
    %swap3A_1649 = arith.constant 0 : index
    %swap3A_1650 = tpu.vector_load %arg5[%swap3A_1648, %swap3A_1649] {strides = array<i32>} : memref<32x128xi32, #tpu.memory_space<vmem>>, vector<1x16xi32>,
    %swap3A_1651 = vector.shape_cast %swap3A_1650 : vector<1x16xi32> to vector<16xi32>
    %swap3A_1652 = vector.shape_cast %add3A_1646 : vector<16xi32> to vector<1x16xi32>
    tpu.vector_store %arg5[%swap3A_1648, %swap3A_1649], %swap3A_1652 {strides = array<i32>} : memref<32x128xi32, #tpu.memory_space<vmem>>, vector<1x16xi32>,
    %get3A_1653 = arith.constant 14 : i32
    %get3A_1654 = arith.index_cast %get3A_1653 : i32 to index
    %get3A_1655 = arith.constant 16 : index
    %get3A_1656 = tpu.vector_load %arg5[%get3A_1654, %get3A_1655] {strides = array<i32>} : memref<32x128xi32, #tpu.memory_space<vmem>>, vector<1x16xi32>,
    %get3A_1657 = vector.shape_cast %get3A_1656 : vector<1x16xi32> to vector<16xi32>
    %add3A_1658 = arith.addi %get3A_1657, %mul3A_23 : vector<16xi32>
    %swap3A_1659 = arith.constant 14 : i32
    %swap3A_1660 = arith.index_cast %swap3A_1659 : i32 to index
    %swap3A_1661 = arith.constant 16 : index
    %swap3A_1662 = tpu.vector_load %arg5[%swap3A_1660, %swap3A_1661] {strides = array<i32>} : memref<32x128xi32, #tpu.memory_space<vmem>>, vector<1x16xi32>,
    %swap3A_1663 = vector.shape_cast %swap3A_1662 : vector<1x16xi32> to vector<16xi32>
    %swap3A_1664 = vector.shape_cast %add3A_1658 : vector<16xi32> to vector<1x16xi32>
    tpu.vector_store %arg5[%swap3A_1660, %swap3A_1661], %swap3A_1664 {strides = array<i32>} : memref<32x128xi32, #tpu.memory_space<vmem>>, vector<1x16xi32>,
    %get3A_1665 = arith.constant 14 : i32
    %get3A_1666 = arith.index_cast %get3A_1665 : i32 to index
    %get3A_1667 = arith.constant 32 : index
    %get3A_1668 = tpu.vector_load %arg5[%get3A_1666, %get3A_1667] {strides = array<i32>} : memref<32x128xi32, #tpu.memory_space<vmem>>, vector<1x16xi32>,
    %get3A_1669 = vector.shape_cast %get3A_1668 : vector<1x16xi32> to vector<16xi32>
    %add3A_1670 = arith.addi %get3A_1669, %mul3A_23 : vector<16xi32>
    %swap3A_1671 = arith.constant 14 : i32
    %swap3A_1672 = arith.index_cast %swap3A_1671 : i32 to index
    %swap3A_1673 = arith.constant 32 : index
    %swap3A_1674 = tpu.vector_load %arg5[%swap3A_1672, %swap3A_1673] {strides = array<i32>} : memref<32x128xi32, #tpu.memory_space<vmem>>, vector<1x16xi32>,
    %swap3A_1675 = vector.shape_cast %swap3A_1674 : vector<1x16xi32> to vector<16xi32>
    %swap3A_1676 = vector.shape_cast %add3A_1670 : vector<16xi32> to vector<1x16xi32>
    tpu.vector_store %arg5[%swap3A_1672, %swap3A_1673], %swap3A_1676 {strides = array<i32>} : memref<32x128xi32, #tpu.memory_space<vmem>>, vector<1x16xi32>,
    %get3A_1677 = arith.constant 14 : i32
    %get3A_1678 = arith.index_cast %get3A_1677 : i32 to index
    %get3A_1679 = arith.constant 48 : index
    %get3A_1680 = tpu.vector_load %arg5[%get3A_1678, %get3A_1679] {strides = array<i32>} : memref<32x128xi32, #tpu.memory_space<vmem>>, vector<1x16xi32>,
    %get3A_1681 = vector.shape_cast %get3A_1680 : vector<1x16xi32> to vector<16xi32>
    %add3A_1682 = arith.addi %get3A_1681, %mul3A_23 : vector<16xi32>
    %swap3A_1683 = arith.constant 14 : i32
    %swap3A_1684 = arith.index_cast %swap3A_1683 : i32 to index
    %swap3A_1685 = arith.constant 48 : index
    %swap3A_1686 = tpu.vector_load %arg5[%swap3A_1684, %swap3A_1685] {strides = array<i32>} : memref<32x128xi32, #tpu.memory_space<vmem>>, vector<1x16xi32>,
    %swap3A_1687 = vector.shape_cast %swap3A_1686 : vector<1x16xi32> to vector<16xi32>
    %swap3A_1688 = vector.shape_cast %add3A_1682 : vector<16xi32> to vector<1x16xi32>
    tpu.vector_store %arg5[%swap3A_1684, %swap3A_1685], %swap3A_1688 {strides = array<i32>} : memref<32x128xi32, #tpu.memory_space<vmem>>, vector<1x16xi32>,
    %get3A_1689 = arith.constant 14 : i32
    %get3A_1690 = arith.index_cast %get3A_1689 : i32 to index
    %get3A_1691 = arith.constant 64 : index
    %get3A_1692 = tpu.vector_load %arg5[%get3A_1690, %get3A_1691] {strides = array<i32>} : memref<32x128xi32, #tpu.memory_space<vmem>>, vector<1x16xi32>,
    %get3A_1693 = vector.shape_cast %get3A_1692 : vector<1x16xi32> to vector<16xi32>
    %add3A_1694 = arith.addi %get3A_1693, %mul3A_23 : vector<16xi32>
    %swap3A_1695 = arith.constant 14 : i32
    %swap3A_1696 = arith.index_cast %swap3A_1695 : i32 to index
    %swap3A_1697 = arith.constant 64 : index
    %swap3A_1698 = tpu.vector_load %arg5[%swap3A_1696, %swap3A_1697] {strides = array<i32>} : memref<32x128xi32, #tpu.memory_space<vmem>>, vector<1x16xi32>,
    %swap3A_1699 = vector.shape_cast %swap3A_1698 : vector<1x16xi32> to vector<16xi32>
    %swap3A_1700 = vector.shape_cast %add3A_1694 : vector<16xi32> to vector<1x16xi32>
    tpu.vector_store %arg5[%swap3A_1696, %swap3A_1697], %swap3A_1700 {strides = array<i32>} : memref<32x128xi32, #tpu.memory_space<vmem>>, vector<1x16xi32>,
    %get3A_1701 = arith.constant 14 : i32
    %get3A_1702 = arith.index_cast %get3A_1701 : i32 to index
    %get3A_1703 = arith.constant 80 : index
    %get3A_1704 = tpu.vector_load %arg5[%get3A_1702, %get3A_1703] {strides = array<i32>} : memref<32x128xi32, #tpu.memory_space<vmem>>, vector<1x16xi32>,
    %get3A_1705 = vector.shape_cast %get3A_1704 : vector<1x16xi32> to vector<16xi32>
    %add3A_1706 = arith.addi %get3A_1705, %mul3A_23 : vector<16xi32>
    %swap3A_1707 = arith.constant 14 : i32
    %swap3A_1708 = arith.index_cast %swap3A_1707 : i32 to index
    %swap3A_1709 = arith.constant 80 : index
    %swap3A_1710 = tpu.vector_load %arg5[%swap3A_1708, %swap3A_1709] {strides = array<i32>} : memref<32x128xi32, #tpu.memory_space<vmem>>, vector<1x16xi32>,
    %swap3A_1711 = vector.shape_cast %swap3A_1710 : vector<1x16xi32> to vector<16xi32>
    %swap3A_1712 = vector.shape_cast %add3A_1706 : vector<16xi32> to vector<1x16xi32>
    tpu.vector_store %arg5[%swap3A_1708, %swap3A_1709], %swap3A_1712 {strides = array<i32>} : memref<32x128xi32, #tpu.memory_space<vmem>>, vector<1x16xi32>,
    %get3A_1713 = arith.constant 14 : i32
    %get3A_1714 = arith.index_cast %get3A_1713 : i32 to index
    %get3A_1715 = arith.constant 96 : index
    %get3A_1716 = tpu.vector_load %arg5[%get3A_1714, %get3A_1715] {strides = array<i32>} : memref<32x128xi32, #tpu.memory_space<vmem>>, vector<1x16xi32>,
    %get3A_1717 = vector.shape_cast %get3A_1716 : vector<1x16xi32> to vector<16xi32>
    %add3A_1718 = arith.addi %get3A_1717, %mul3A_23 : vector<16xi32>
    %swap3A_1719 = arith.constant 14 : i32
    %swap3A_1720 = arith.index_cast %swap3A_1719 : i32 to index
    %swap3A_1721 = arith.constant 96 : index
    %swap3A_1722 = tpu.vector_load %arg5[%swap3A_1720, %swap3A_1721] {strides = array<i32>} : memref<32x128xi32, #tpu.memory_space<vmem>>, vector<1x16xi32>,
    %swap3A_1723 = vector.shape_cast %swap3A_1722 : vector<1x16xi32> to vector<16xi32>
    %swap3A_1724 = vector.shape_cast %add3A_1718 : vector<16xi32> to vector<1x16xi32>
    tpu.vector_store %arg5[%swap3A_1720, %swap3A_1721], %swap3A_1724 {strides = array<i32>} : memref<32x128xi32, #tpu.memory_space<vmem>>, vector<1x16xi32>,
    %get3A_1725 = arith.constant 14 : i32
    %get3A_1726 = arith.index_cast %get3A_1725 : i32 to index
    %get3A_1727 = arith.constant 112 : index
    %get3A_1728 = tpu.vector_load %arg5[%get3A_1726, %get3A_1727] {strides = array<i32>} : memref<32x128xi32, #tpu.memory_space<vmem>>, vector<1x16xi32>,
    %get3A_1729 = vector.shape_cast %get3A_1728 : vector<1x16xi32> to vector<16xi32>
    %add3A_1730 = arith.addi %get3A_1729, %mul3A_23 : vector<16xi32>
    %swap3A_1731 = arith.constant 14 : i32
    %swap3A_1732 = arith.index_cast %swap3A_1731 : i32 to index
    %swap3A_1733 = arith.constant 112 : index
    %swap3A_1734 = tpu.vector_load %arg5[%swap3A_1732, %swap3A_1733] {strides = array<i32>} : memref<32x128xi32, #tpu.memory_space<vmem>>, vector<1x16xi32>,
    %swap3A_1735 = vector.shape_cast %swap3A_1734 : vector<1x16xi32> to vector<16xi32>
    %swap3A_1736 = vector.shape_cast %add3A_1730 : vector<16xi32> to vector<1x16xi32>
    tpu.vector_store %arg5[%swap3A_1732, %swap3A_1733], %swap3A_1736 {strides = array<i32>} : memref<32x128xi32, #tpu.memory_space<vmem>>, vector<1x16xi32>,
    %dma_start3A_1737 = arith.constant 14 : i32
    %dma_start3A_1738 = arith.constant 0 : i32
    %dma_start3A_1739 = tpu.memref_slice %arg5[%dma_start3A_1737, %dma_start3A_1738] : memref<32x128xi32, #tpu.memory_space<vmem>> -> memref<1x128xi32, #tpu.memory_space<vmem>>
    %dma_start3A_1740 = tpu.memref_squeeze %dma_start3A_1739 : memref<1x128xi32, #tpu.memory_space<vmem>> -> memref<128xi32, #tpu.memory_space<vmem>>
    %dma_start3A_1741 = arith.constant 0 : i32
    %dma_start3A_1742 = arith.constant 0 : i32
    %dma_start3A_1743 = tpu.memref_slice %arg7[%dma_start3A_1741, %dma_start3A_1742] : memref<96x128xf32, #tpu.memory_space<vmem_shared>> -> memref<96x128xf32, #tpu.memory_space<vmem_shared>>
    tpu.enqueue_indirect_dma source(%dma_start3A_1743 : memref<96x128xf32, #tpu.memory_space<vmem_shared>>) target(%arg10 : memref<128x128xf32, #tpu.memory_space<vmem>>) offsets(%dma_start3A_1740 : memref<128xi32, #tpu.memory_space<vmem>>) semaphore(%arg16 : memref<!tpu.dma_semaphore, #tpu.memory_space<semaphore_mem>>)
    %dma_wait3A_1744 = arith.constant 11 : i32
    %dma_wait3A_1745 = arith.constant 0 : i32
    %dma_wait3A_1746 = tpu.memref_slice %arg5[%dma_wait3A_1744, %dma_wait3A_1745] : memref<32x128xi32, #tpu.memory_space<vmem>> -> memref<1x128xi32, #tpu.memory_space<vmem>>
    %dma_wait3A_1747 = tpu.memref_squeeze %dma_wait3A_1746 : memref<1x128xi32, #tpu.memory_space<vmem>> -> memref<128xi32, #tpu.memory_space<vmem>>
    %dma_wait3A_1748 = arith.constant 0 : i32
    %dma_wait3A_1749 = arith.constant 0 : i32
    %dma_wait3A_1750 = tpu.memref_slice %arg7[%dma_wait3A_1748, %dma_wait3A_1749] : memref<96x128xf32, #tpu.memory_space<vmem_shared>> -> memref<96x128xf32, #tpu.memory_space<vmem_shared>>
    tpu.wait_indirect_dma semaphore(%arg19 : memref<!tpu.dma_semaphore, #tpu.memory_space<semaphore_mem>>) src(%dma_wait3A_1750 : memref<96x128xf32, #tpu.memory_space<vmem_shared>>) dst(%arg13 : memref<128x128xf32, #tpu.memory_space<vmem>>)
    %add3A_1751 = arith.constant 1408 : i32
    %add3A_1752 = arith.addi %mul3A_2, %add3A_1751 : i32
    %dma_start3A_1753 = arith.constant 0 : i32
    %dma_start3A_1754 = tpu.memref_slice %arg4[%add3A_1752, %dma_start3A_1753] : memref<131072x128xf32, #tpu.memory_space<hbm>> -> memref<128x128xf32, #tpu.memory_space<hbm>>
    %dma_start3A_1755 = arith.constant 0 : i32
    %dma_start3A_1756 = tpu.memref_slice %arg4[%add3A_1752, %dma_start3A_1755] : memref<131072x128xf32, #tpu.memory_space<hbm>> -> memref<128x128xf32, #tpu.memory_space<hbm>>
    tpu.enqueue_dma source(%arg13 : memref<128x128xf32, #tpu.memory_space<vmem>>) target(%dma_start3A_1756 : memref<128x128xf32, #tpu.memory_space<hbm>>) target_semaphore(%arg25 : memref<!tpu.dma_semaphore, #tpu.memory_space<semaphore_mem>>)
    %dma_wait3A_1757 = arith.constant 0 : i32
    %dma_wait3A_1758 = tpu.memref_slice %arg4[%add3A_1512, %dma_wait3A_1757] : memref<131072x128xf32, #tpu.memory_space<hbm>> -> memref<128x128xf32, #tpu.memory_space<hbm>>
    %dma_wait3A_1759 = arith.constant 0 : i32
    %dma_wait3A_1760 = tpu.memref_slice %arg4[%add3A_1512, %dma_wait3A_1759] : memref<131072x128xf32, #tpu.memory_space<hbm>> -> memref<128x128xf32, #tpu.memory_space<hbm>>
    tpu.wait_dma2 semaphore(%arg23 : memref<!tpu.dma_semaphore, #tpu.memory_space<semaphore_mem>>) src(%arg11 : memref<128x128xf32, #tpu.memory_space<vmem>>) dst(%dma_wait3A_1760 : memref<128x128xf32, #tpu.memory_space<hbm>>)
    %get3A_1761 = arith.constant 15 : i32
    %get3A_1762 = arith.index_cast %get3A_1761 : i32 to index
    %get3A_1763 = arith.constant 0 : index
    %get3A_1764 = tpu.vector_load %arg5[%get3A_1762, %get3A_1763] {strides = array<i32>} : memref<32x128xi32, #tpu.memory_space<vmem>>, vector<1x16xi32>,
    %get3A_1765 = vector.shape_cast %get3A_1764 : vector<1x16xi32> to vector<16xi32>
    %add3A_1766 = arith.addi %get3A_1765, %mul3A_23 : vector<16xi32>
    %swap3A_1767 = arith.constant 15 : i32
    %swap3A_1768 = arith.index_cast %swap3A_1767 : i32 to index
    %swap3A_1769 = arith.constant 0 : index
    %swap3A_1770 = tpu.vector_load %arg5[%swap3A_1768, %swap3A_1769] {strides = array<i32>} : memref<32x128xi32, #tpu.memory_space<vmem>>, vector<1x16xi32>,
    %swap3A_1771 = vector.shape_cast %swap3A_1770 : vector<1x16xi32> to vector<16xi32>
    %swap3A_1772 = vector.shape_cast %add3A_1766 : vector<16xi32> to vector<1x16xi32>
    tpu.vector_store %arg5[%swap3A_1768, %swap3A_1769], %swap3A_1772 {strides = array<i32>} : memref<32x128xi32, #tpu.memory_space<vmem>>, vector<1x16xi32>,
    %get3A_1773 = arith.constant 15 : i32
    %get3A_1774 = arith.index_cast %get3A_1773 : i32 to index
    %get3A_1775 = arith.constant 16 : index
    %get3A_1776 = tpu.vector_load %arg5[%get3A_1774, %get3A_1775] {strides = array<i32>} : memref<32x128xi32, #tpu.memory_space<vmem>>, vector<1x16xi32>,
    %get3A_1777 = vector.shape_cast %get3A_1776 : vector<1x16xi32> to vector<16xi32>
    %add3A_1778 = arith.addi %get3A_1777, %mul3A_23 : vector<16xi32>
    %swap3A_1779 = arith.constant 15 : i32
    %swap3A_1780 = arith.index_cast %swap3A_1779 : i32 to index
    %swap3A_1781 = arith.constant 16 : index
    %swap3A_1782 = tpu.vector_load %arg5[%swap3A_1780, %swap3A_1781] {strides = array<i32>} : memref<32x128xi32, #tpu.memory_space<vmem>>, vector<1x16xi32>,
    %swap3A_1783 = vector.shape_cast %swap3A_1782 : vector<1x16xi32> to vector<16xi32>
    %swap3A_1784 = vector.shape_cast %add3A_1778 : vector<16xi32> to vector<1x16xi32>
    tpu.vector_store %arg5[%swap3A_1780, %swap3A_1781], %swap3A_1784 {strides = array<i32>} : memref<32x128xi32, #tpu.memory_space<vmem>>, vector<1x16xi32>,
    %get3A_1785 = arith.constant 15 : i32
    %get3A_1786 = arith.index_cast %get3A_1785 : i32 to index
    %get3A_1787 = arith.constant 32 : index
    %get3A_1788 = tpu.vector_load %arg5[%get3A_1786, %get3A_1787] {strides = array<i32>} : memref<32x128xi32, #tpu.memory_space<vmem>>, vector<1x16xi32>,
    %get3A_1789 = vector.shape_cast %get3A_1788 : vector<1x16xi32> to vector<16xi32>
    %add3A_1790 = arith.addi %get3A_1789, %mul3A_23 : vector<16xi32>
    %swap3A_1791 = arith.constant 15 : i32
    %swap3A_1792 = arith.index_cast %swap3A_1791 : i32 to index
    %swap3A_1793 = arith.constant 32 : index
    %swap3A_1794 = tpu.vector_load %arg5[%swap3A_1792, %swap3A_1793] {strides = array<i32>} : memref<32x128xi32, #tpu.memory_space<vmem>>, vector<1x16xi32>,
    %swap3A_1795 = vector.shape_cast %swap3A_1794 : vector<1x16xi32> to vector<16xi32>
    %swap3A_1796 = vector.shape_cast %add3A_1790 : vector<16xi32> to vector<1x16xi32>
    tpu.vector_store %arg5[%swap3A_1792, %swap3A_1793], %swap3A_1796 {strides = array<i32>} : memref<32x128xi32, #tpu.memory_space<vmem>>, vector<1x16xi32>,
    %get3A_1797 = arith.constant 15 : i32
    %get3A_1798 = arith.index_cast %get3A_1797 : i32 to index
    %get3A_1799 = arith.constant 48 : index
    %get3A_1800 = tpu.vector_load %arg5[%get3A_1798, %get3A_1799] {strides = array<i32>} : memref<32x128xi32, #tpu.memory_space<vmem>>, vector<1x16xi32>,
    %get3A_1801 = vector.shape_cast %get3A_1800 : vector<1x16xi32> to vector<16xi32>
    %add3A_1802 = arith.addi %get3A_1801, %mul3A_23 : vector<16xi32>
    %swap3A_1803 = arith.constant 15 : i32
    %swap3A_1804 = arith.index_cast %swap3A_1803 : i32 to index
    %swap3A_1805 = arith.constant 48 : index
    %swap3A_1806 = tpu.vector_load %arg5[%swap3A_1804, %swap3A_1805] {strides = array<i32>} : memref<32x128xi32, #tpu.memory_space<vmem>>, vector<1x16xi32>,
    %swap3A_1807 = vector.shape_cast %swap3A_1806 : vector<1x16xi32> to vector<16xi32>
    %swap3A_1808 = vector.shape_cast %add3A_1802 : vector<16xi32> to vector<1x16xi32>
    tpu.vector_store %arg5[%swap3A_1804, %swap3A_1805], %swap3A_1808 {strides = array<i32>} : memref<32x128xi32, #tpu.memory_space<vmem>>, vector<1x16xi32>,
    %get3A_1809 = arith.constant 15 : i32
    %get3A_1810 = arith.index_cast %get3A_1809 : i32 to index
    %get3A_1811 = arith.constant 64 : index
    %get3A_1812 = tpu.vector_load %arg5[%get3A_1810, %get3A_1811] {strides = array<i32>} : memref<32x128xi32, #tpu.memory_space<vmem>>, vector<1x16xi32>,
    %get3A_1813 = vector.shape_cast %get3A_1812 : vector<1x16xi32> to vector<16xi32>
    %add3A_1814 = arith.addi %get3A_1813, %mul3A_23 : vector<16xi32>
    %swap3A_1815 = arith.constant 15 : i32
    %swap3A_1816 = arith.index_cast %swap3A_1815 : i32 to index
    %swap3A_1817 = arith.constant 64 : index
    %swap3A_1818 = tpu.vector_load %arg5[%swap3A_1816, %swap3A_1817] {strides = array<i32>} : memref<32x128xi32, #tpu.memory_space<vmem>>, vector<1x16xi32>,
    %swap3A_1819 = vector.shape_cast %swap3A_1818 : vector<1x16xi32> to vector<16xi32>
    %swap3A_1820 = vector.shape_cast %add3A_1814 : vector<16xi32> to vector<1x16xi32>
    tpu.vector_store %arg5[%swap3A_1816, %swap3A_1817], %swap3A_1820 {strides = array<i32>} : memref<32x128xi32, #tpu.memory_space<vmem>>, vector<1x16xi32>,
    %get3A_1821 = arith.constant 15 : i32
    %get3A_1822 = arith.index_cast %get3A_1821 : i32 to index
    %get3A_1823 = arith.constant 80 : index
    %get3A_1824 = tpu.vector_load %arg5[%get3A_1822, %get3A_1823] {strides = array<i32>} : memref<32x128xi32, #tpu.memory_space<vmem>>, vector<1x16xi32>,
    %get3A_1825 = vector.shape_cast %get3A_1824 : vector<1x16xi32> to vector<16xi32>
    %add3A_1826 = arith.addi %get3A_1825, %mul3A_23 : vector<16xi32>
    %swap3A_1827 = arith.constant 15 : i32
    %swap3A_1828 = arith.index_cast %swap3A_1827 : i32 to index
    %swap3A_1829 = arith.constant 80 : index
    %swap3A_1830 = tpu.vector_load %arg5[%swap3A_1828, %swap3A_1829] {strides = array<i32>} : memref<32x128xi32, #tpu.memory_space<vmem>>, vector<1x16xi32>,
    %swap3A_1831 = vector.shape_cast %swap3A_1830 : vector<1x16xi32> to vector<16xi32>
    %swap3A_1832 = vector.shape_cast %add3A_1826 : vector<16xi32> to vector<1x16xi32>
    tpu.vector_store %arg5[%swap3A_1828, %swap3A_1829], %swap3A_1832 {strides = array<i32>} : memref<32x128xi32, #tpu.memory_space<vmem>>, vector<1x16xi32>,
    %get3A_1833 = arith.constant 15 : i32
    %get3A_1834 = arith.index_cast %get3A_1833 : i32 to index
    %get3A_1835 = arith.constant 96 : index
    %get3A_1836 = tpu.vector_load %arg5[%get3A_1834, %get3A_1835] {strides = array<i32>} : memref<32x128xi32, #tpu.memory_space<vmem>>, vector<1x16xi32>,
    %get3A_1837 = vector.shape_cast %get3A_1836 : vector<1x16xi32> to vector<16xi32>
    %add3A_1838 = arith.addi %get3A_1837, %mul3A_23 : vector<16xi32>
    %swap3A_1839 = arith.constant 15 : i32
    %swap3A_1840 = arith.index_cast %swap3A_1839 : i32 to index
    %swap3A_1841 = arith.constant 96 : index
    %swap3A_1842 = tpu.vector_load %arg5[%swap3A_1840, %swap3A_1841] {strides = array<i32>} : memref<32x128xi32, #tpu.memory_space<vmem>>, vector<1x16xi32>,
    %swap3A_1843 = vector.shape_cast %swap3A_1842 : vector<1x16xi32> to vector<16xi32>
    %swap3A_1844 = vector.shape_cast %add3A_1838 : vector<16xi32> to vector<1x16xi32>
    tpu.vector_store %arg5[%swap3A_1840, %swap3A_1841], %swap3A_1844 {strides = array<i32>} : memref<32x128xi32, #tpu.memory_space<vmem>>, vector<1x16xi32>,
    %get3A_1845 = arith.constant 15 : i32
    %get3A_1846 = arith.index_cast %get3A_1845 : i32 to index
    %get3A_1847 = arith.constant 112 : index
    %get3A_1848 = tpu.vector_load %arg5[%get3A_1846, %get3A_1847] {strides = array<i32>} : memref<32x128xi32, #tpu.memory_space<vmem>>, vector<1x16xi32>,
    %get3A_1849 = vector.shape_cast %get3A_1848 : vector<1x16xi32> to vector<16xi32>
    %add3A_1850 = arith.addi %get3A_1849, %mul3A_23 : vector<16xi32>
    %swap3A_1851 = arith.constant 15 : i32
    %swap3A_1852 = arith.index_cast %swap3A_1851 : i32 to index
    %swap3A_1853 = arith.constant 112 : index
    %swap3A_1854 = tpu.vector_load %arg5[%swap3A_1852, %swap3A_1853] {strides = array<i32>} : memref<32x128xi32, #tpu.memory_space<vmem>>, vector<1x16xi32>,
    %swap3A_1855 = vector.shape_cast %swap3A_1854 : vector<1x16xi32> to vector<16xi32>
    %swap3A_1856 = vector.shape_cast %add3A_1850 : vector<16xi32> to vector<1x16xi32>
    tpu.vector_store %arg5[%swap3A_1852, %swap3A_1853], %swap3A_1856 {strides = array<i32>} : memref<32x128xi32, #tpu.memory_space<vmem>>, vector<1x16xi32>,
    %dma_start3A_1857 = arith.constant 15 : i32
    %dma_start3A_1858 = arith.constant 0 : i32
    %dma_start3A_1859 = tpu.memref_slice %arg5[%dma_start3A_1857, %dma_start3A_1858] : memref<32x128xi32, #tpu.memory_space<vmem>> -> memref<1x128xi32, #tpu.memory_space<vmem>>
    %dma_start3A_1860 = tpu.memref_squeeze %dma_start3A_1859 : memref<1x128xi32, #tpu.memory_space<vmem>> -> memref<128xi32, #tpu.memory_space<vmem>>
    %dma_start3A_1861 = arith.constant 0 : i32
    %dma_start3A_1862 = arith.constant 0 : i32
    %dma_start3A_1863 = tpu.memref_slice %arg7[%dma_start3A_1861, %dma_start3A_1862] : memref<96x128xf32, #tpu.memory_space<vmem_shared>> -> memref<96x128xf32, #tpu.memory_space<vmem_shared>>
    tpu.enqueue_indirect_dma source(%dma_start3A_1863 : memref<96x128xf32, #tpu.memory_space<vmem_shared>>) target(%arg11 : memref<128x128xf32, #tpu.memory_space<vmem>>) offsets(%dma_start3A_1860 : memref<128xi32, #tpu.memory_space<vmem>>) semaphore(%arg17 : memref<!tpu.dma_semaphore, #tpu.memory_space<semaphore_mem>>)
    %dma_wait3A_1864 = arith.constant 12 : i32
    %dma_wait3A_1865 = arith.constant 0 : i32
    %dma_wait3A_1866 = tpu.memref_slice %arg5[%dma_wait3A_1864, %dma_wait3A_1865] : memref<32x128xi32, #tpu.memory_space<vmem>> -> memref<1x128xi32, #tpu.memory_space<vmem>>
    %dma_wait3A_1867 = tpu.memref_squeeze %dma_wait3A_1866 : memref<1x128xi32, #tpu.memory_space<vmem>> -> memref<128xi32, #tpu.memory_space<vmem>>
    %dma_wait3A_1868 = arith.constant 0 : i32
    %dma_wait3A_1869 = arith.constant 0 : i32
    %dma_wait3A_1870 = tpu.memref_slice %arg7[%dma_wait3A_1868, %dma_wait3A_1869] : memref<96x128xf32, #tpu.memory_space<vmem_shared>> -> memref<96x128xf32, #tpu.memory_space<vmem_shared>>
    tpu.wait_indirect_dma semaphore(%arg14 : memref<!tpu.dma_semaphore, #tpu.memory_space<semaphore_mem>>) src(%dma_wait3A_1870 : memref<96x128xf32, #tpu.memory_space<vmem_shared>>) dst(%arg8 : memref<128x128xf32, #tpu.memory_space<vmem>>)
    %add3A_1871 = arith.constant 1536 : i32
    %add3A_1872 = arith.addi %mul3A_2, %add3A_1871 : i32
    %dma_start3A_1873 = arith.constant 0 : i32
    %dma_start3A_1874 = tpu.memref_slice %arg4[%add3A_1872, %dma_start3A_1873] : memref<131072x128xf32, #tpu.memory_space<hbm>> -> memref<128x128xf32, #tpu.memory_space<hbm>>
    %dma_start3A_1875 = arith.constant 0 : i32
    %dma_start3A_1876 = tpu.memref_slice %arg4[%add3A_1872, %dma_start3A_1875] : memref<131072x128xf32, #tpu.memory_space<hbm>> -> memref<128x128xf32, #tpu.memory_space<hbm>>
    tpu.enqueue_dma source(%arg8 : memref<128x128xf32, #tpu.memory_space<vmem>>) target(%dma_start3A_1876 : memref<128x128xf32, #tpu.memory_space<hbm>>) target_semaphore(%arg20 : memref<!tpu.dma_semaphore, #tpu.memory_space<semaphore_mem>>)
    %dma_wait3A_1877 = arith.constant 0 : i32
    %dma_wait3A_1878 = tpu.memref_slice %arg4[%add3A_1632, %dma_wait3A_1877] : memref<131072x128xf32, #tpu.memory_space<hbm>> -> memref<128x128xf32, #tpu.memory_space<hbm>>
    %dma_wait3A_1879 = arith.constant 0 : i32
    %dma_wait3A_1880 = tpu.memref_slice %arg4[%add3A_1632, %dma_wait3A_1879] : memref<131072x128xf32, #tpu.memory_space<hbm>> -> memref<128x128xf32, #tpu.memory_space<hbm>>
    tpu.wait_dma2 semaphore(%arg24 : memref<!tpu.dma_semaphore, #tpu.memory_space<semaphore_mem>>) src(%arg12 : memref<128x128xf32, #tpu.memory_space<vmem>>) dst(%dma_wait3A_1880 : memref<128x128xf32, #tpu.memory_space<hbm>>)
    %get3A_1881 = arith.constant 16 : i32
    %get3A_1882 = arith.index_cast %get3A_1881 : i32 to index
    %get3A_1883 = arith.constant 0 : index
    %get3A_1884 = tpu.vector_load %arg5[%get3A_1882, %get3A_1883] {strides = array<i32>} : memref<32x128xi32, #tpu.memory_space<vmem>>, vector<1x16xi32>,
    %get3A_1885 = vector.shape_cast %get3A_1884 : vector<1x16xi32> to vector<16xi32>
    %add3A_1886 = arith.addi %get3A_1885, %mul3A_23 : vector<16xi32>
    %swap3A_1887 = arith.constant 16 : i32
    %swap3A_1888 = arith.index_cast %swap3A_1887 : i32 to index
    %swap3A_1889 = arith.constant 0 : index
    %swap3A_1890 = tpu.vector_load %arg5[%swap3A_1888, %swap3A_1889] {strides = array<i32>} : memref<32x128xi32, #tpu.memory_space<vmem>>, vector<1x16xi32>,
    %swap3A_1891 = vector.shape_cast %swap3A_1890 : vector<1x16xi32> to vector<16xi32>
    %swap3A_1892 = vector.shape_cast %add3A_1886 : vector<16xi32> to vector<1x16xi32>
    tpu.vector_store %arg5[%swap3A_1888, %swap3A_1889], %swap3A_1892 {strides = array<i32>} : memref<32x128xi32, #tpu.memory_space<vmem>>, vector<1x16xi32>,
    %get3A_1893 = arith.constant 16 : i32
    %get3A_1894 = arith.index_cast %get3A_1893 : i32 to index
    %get3A_1895 = arith.constant 16 : index
    %get3A_1896 = tpu.vector_load %arg5[%get3A_1894, %get3A_1895] {strides = array<i32>} : memref<32x128xi32, #tpu.memory_space<vmem>>, vector<1x16xi32>,
    %get3A_1897 = vector.shape_cast %get3A_1896 : vector<1x16xi32> to vector<16xi32>
    %add3A_1898 = arith.addi %get3A_1897, %mul3A_23 : vector<16xi32>
    %swap3A_1899 = arith.constant 16 : i32
    %swap3A_1900 = arith.index_cast %swap3A_1899 : i32 to index
    %swap3A_1901 = arith.constant 16 : index
    %swap3A_1902 = tpu.vector_load %arg5[%swap3A_1900, %swap3A_1901] {strides = array<i32>} : memref<32x128xi32, #tpu.memory_space<vmem>>, vector<1x16xi32>,
    %swap3A_1903 = vector.shape_cast %swap3A_1902 : vector<1x16xi32> to vector<16xi32>
    %swap3A_1904 = vector.shape_cast %add3A_1898 : vector<16xi32> to vector<1x16xi32>
    tpu.vector_store %arg5[%swap3A_1900, %swap3A_1901], %swap3A_1904 {strides = array<i32>} : memref<32x128xi32, #tpu.memory_space<vmem>>, vector<1x16xi32>,
    %get3A_1905 = arith.constant 16 : i32
    %get3A_1906 = arith.index_cast %get3A_1905 : i32 to index
    %get3A_1907 = arith.constant 32 : index
    %get3A_1908 = tpu.vector_load %arg5[%get3A_1906, %get3A_1907] {strides = array<i32>} : memref<32x128xi32, #tpu.memory_space<vmem>>, vector<1x16xi32>,
    %get3A_1909 = vector.shape_cast %get3A_1908 : vector<1x16xi32> to vector<16xi32>
    %add3A_1910 = arith.addi %get3A_1909, %mul3A_23 : vector<16xi32>
    %swap3A_1911 = arith.constant 16 : i32
    %swap3A_1912 = arith.index_cast %swap3A_1911 : i32 to index
    %swap3A_1913 = arith.constant 32 : index
    %swap3A_1914 = tpu.vector_load %arg5[%swap3A_1912, %swap3A_1913] {strides = array<i32>} : memref<32x128xi32, #tpu.memory_space<vmem>>, vector<1x16xi32>,
    %swap3A_1915 = vector.shape_cast %swap3A_1914 : vector<1x16xi32> to vector<16xi32>
    %swap3A_1916 = vector.shape_cast %add3A_1910 : vector<16xi32> to vector<1x16xi32>
    tpu.vector_store %arg5[%swap3A_1912, %swap3A_1913], %swap3A_1916 {strides = array<i32>} : memref<32x128xi32, #tpu.memory_space<vmem>>, vector<1x16xi32>,
    %get3A_1917 = arith.constant 16 : i32
    %get3A_1918 = arith.index_cast %get3A_1917 : i32 to index
    %get3A_1919 = arith.constant 48 : index
    %get3A_1920 = tpu.vector_load %arg5[%get3A_1918, %get3A_1919] {strides = array<i32>} : memref<32x128xi32, #tpu.memory_space<vmem>>, vector<1x16xi32>,
    %get3A_1921 = vector.shape_cast %get3A_1920 : vector<1x16xi32> to vector<16xi32>
    %add3A_1922 = arith.addi %get3A_1921, %mul3A_23 : vector<16xi32>
    %swap3A_1923 = arith.constant 16 : i32
    %swap3A_1924 = arith.index_cast %swap3A_1923 : i32 to index
    %swap3A_1925 = arith.constant 48 : index
    %swap3A_1926 = tpu.vector_load %arg5[%swap3A_1924, %swap3A_1925] {strides = array<i32>} : memref<32x128xi32, #tpu.memory_space<vmem>>, vector<1x16xi32>,
    %swap3A_1927 = vector.shape_cast %swap3A_1926 : vector<1x16xi32> to vector<16xi32>
    %swap3A_1928 = vector.shape_cast %add3A_1922 : vector<16xi32> to vector<1x16xi32>
    tpu.vector_store %arg5[%swap3A_1924, %swap3A_1925], %swap3A_1928 {strides = array<i32>} : memref<32x128xi32, #tpu.memory_space<vmem>>, vector<1x16xi32>,
    %get3A_1929 = arith.constant 16 : i32
    %get3A_1930 = arith.index_cast %get3A_1929 : i32 to index
    %get3A_1931 = arith.constant 64 : index
    %get3A_1932 = tpu.vector_load %arg5[%get3A_1930, %get3A_1931] {strides = array<i32>} : memref<32x128xi32, #tpu.memory_space<vmem>>, vector<1x16xi32>,
    %get3A_1933 = vector.shape_cast %get3A_1932 : vector<1x16xi32> to vector<16xi32>
    %add3A_1934 = arith.addi %get3A_1933, %mul3A_23 : vector<16xi32>
    %swap3A_1935 = arith.constant 16 : i32
    %swap3A_1936 = arith.index_cast %swap3A_1935 : i32 to index
    %swap3A_1937 = arith.constant 64 : index
    %swap3A_1938 = tpu.vector_load %arg5[%swap3A_1936, %swap3A_1937] {strides = array<i32>} : memref<32x128xi32, #tpu.memory_space<vmem>>, vector<1x16xi32>,
    %swap3A_1939 = vector.shape_cast %swap3A_1938 : vector<1x16xi32> to vector<16xi32>
    %swap3A_1940 = vector.shape_cast %add3A_1934 : vector<16xi32> to vector<1x16xi32>
    tpu.vector_store %arg5[%swap3A_1936, %swap3A_1937], %swap3A_1940 {strides = array<i32>} : memref<32x128xi32, #tpu.memory_space<vmem>>, vector<1x16xi32>,
    %get3A_1941 = arith.constant 16 : i32
    %get3A_1942 = arith.index_cast %get3A_1941 : i32 to index
    %get3A_1943 = arith.constant 80 : index
    %get3A_1944 = tpu.vector_load %arg5[%get3A_1942, %get3A_1943] {strides = array<i32>} : memref<32x128xi32, #tpu.memory_space<vmem>>, vector<1x16xi32>,
    %get3A_1945 = vector.shape_cast %get3A_1944 : vector<1x16xi32> to vector<16xi32>
    %add3A_1946 = arith.addi %get3A_1945, %mul3A_23 : vector<16xi32>
    %swap3A_1947 = arith.constant 16 : i32
    %swap3A_1948 = arith.index_cast %swap3A_1947 : i32 to index
    %swap3A_1949 = arith.constant 80 : index
    %swap3A_1950 = tpu.vector_load %arg5[%swap3A_1948, %swap3A_1949] {strides = array<i32>} : memref<32x128xi32, #tpu.memory_space<vmem>>, vector<1x16xi32>,
    %swap3A_1951 = vector.shape_cast %swap3A_1950 : vector<1x16xi32> to vector<16xi32>
    %swap3A_1952 = vector.shape_cast %add3A_1946 : vector<16xi32> to vector<1x16xi32>
    tpu.vector_store %arg5[%swap3A_1948, %swap3A_1949], %swap3A_1952 {strides = array<i32>} : memref<32x128xi32, #tpu.memory_space<vmem>>, vector<1x16xi32>,
    %get3A_1953 = arith.constant 16 : i32
    %get3A_1954 = arith.index_cast %get3A_1953 : i32 to index
    %get3A_1955 = arith.constant 96 : index
    %get3A_1956 = tpu.vector_load %arg5[%get3A_1954, %get3A_1955] {strides = array<i32>} : memref<32x128xi32, #tpu.memory_space<vmem>>, vector<1x16xi32>,
    %get3A_1957 = vector.shape_cast %get3A_1956 : vector<1x16xi32> to vector<16xi32>
    %add3A_1958 = arith.addi %get3A_1957, %mul3A_23 : vector<16xi32>
    %swap3A_1959 = arith.constant 16 : i32
    %swap3A_1960 = arith.index_cast %swap3A_1959 : i32 to index
    %swap3A_1961 = arith.constant 96 : index
    %swap3A_1962 = tpu.vector_load %arg5[%swap3A_1960, %swap3A_1961] {strides = array<i32>} : memref<32x128xi32, #tpu.memory_space<vmem>>, vector<1x16xi32>,
    %swap3A_1963 = vector.shape_cast %swap3A_1962 : vector<1x16xi32> to vector<16xi32>
    %swap3A_1964 = vector.shape_cast %add3A_1958 : vector<16xi32> to vector<1x16xi32>
    tpu.vector_store %arg5[%swap3A_1960, %swap3A_1961], %swap3A_1964 {strides = array<i32>} : memref<32x128xi32, #tpu.memory_space<vmem>>, vector<1x16xi32>,
    %get3A_1965 = arith.constant 16 : i32
    %get3A_1966 = arith.index_cast %get3A_1965 : i32 to index
    %get3A_1967 = arith.constant 112 : index
    %get3A_1968 = tpu.vector_load %arg5[%get3A_1966, %get3A_1967] {strides = array<i32>} : memref<32x128xi32, #tpu.memory_space<vmem>>, vector<1x16xi32>,
    %get3A_1969 = vector.shape_cast %get3A_1968 : vector<1x16xi32> to vector<16xi32>
    %add3A_1970 = arith.addi %get3A_1969, %mul3A_23 : vector<16xi32>
    %swap3A_1971 = arith.constant 16 : i32
    %swap3A_1972 = arith.index_cast %swap3A_1971 : i32 to index
    %swap3A_1973 = arith.constant 112 : index
    %swap3A_1974 = tpu.vector_load %arg5[%swap3A_1972, %swap3A_1973] {strides = array<i32>} : memref<32x128xi32, #tpu.memory_space<vmem>>, vector<1x16xi32>,
    %swap3A_1975 = vector.shape_cast %swap3A_1974 : vector<1x16xi32> to vector<16xi32>
    %swap3A_1976 = vector.shape_cast %add3A_1970 : vector<16xi32> to vector<1x16xi32>
    tpu.vector_store %arg5[%swap3A_1972, %swap3A_1973], %swap3A_1976 {strides = array<i32>} : memref<32x128xi32, #tpu.memory_space<vmem>>, vector<1x16xi32>,
    %dma_start3A_1977 = arith.constant 16 : i32
    %dma_start3A_1978 = arith.constant 0 : i32
    %dma_start3A_1979 = tpu.memref_slice %arg5[%dma_start3A_1977, %dma_start3A_1978] : memref<32x128xi32, #tpu.memory_space<vmem>> -> memref<1x128xi32, #tpu.memory_space<vmem>>
    %dma_start3A_1980 = tpu.memref_squeeze %dma_start3A_1979 : memref<1x128xi32, #tpu.memory_space<vmem>> -> memref<128xi32, #tpu.memory_space<vmem>>
    %dma_start3A_1981 = arith.constant 0 : i32
    %dma_start3A_1982 = arith.constant 0 : i32
    %dma_start3A_1983 = tpu.memref_slice %arg7[%dma_start3A_1981, %dma_start3A_1982] : memref<96x128xf32, #tpu.memory_space<vmem_shared>> -> memref<96x128xf32, #tpu.memory_space<vmem_shared>>
    tpu.enqueue_indirect_dma source(%dma_start3A_1983 : memref<96x128xf32, #tpu.memory_space<vmem_shared>>) target(%arg12 : memref<128x128xf32, #tpu.memory_space<vmem>>) offsets(%dma_start3A_1980 : memref<128xi32, #tpu.memory_space<vmem>>) semaphore(%arg18 : memref<!tpu.dma_semaphore, #tpu.memory_space<semaphore_mem>>)
    %dma_wait3A_1984 = arith.constant 13 : i32
    %dma_wait3A_1985 = arith.constant 0 : i32
    %dma_wait3A_1986 = tpu.memref_slice %arg5[%dma_wait3A_1984, %dma_wait3A_1985] : memref<32x128xi32, #tpu.memory_space<vmem>> -> memref<1x128xi32, #tpu.memory_space<vmem>>
    %dma_wait3A_1987 = tpu.memref_squeeze %dma_wait3A_1986 : memref<1x128xi32, #tpu.memory_space<vmem>> -> memref<128xi32, #tpu.memory_space<vmem>>
    %dma_wait3A_1988 = arith.constant 0 : i32
    %dma_wait3A_1989 = arith.constant 0 : i32
    %dma_wait3A_1990 = tpu.memref_slice %arg7[%dma_wait3A_1988, %dma_wait3A_1989] : memref<96x128xf32, #tpu.memory_space<vmem_shared>> -> memref<96x128xf32, #tpu.memory_space<vmem_shared>>
    tpu.wait_indirect_dma semaphore(%arg15 : memref<!tpu.dma_semaphore, #tpu.memory_space<semaphore_mem>>) src(%dma_wait3A_1990 : memref<96x128xf32, #tpu.memory_space<vmem_shared>>) dst(%arg9 : memref<128x128xf32, #tpu.memory_space<vmem>>)
    %add3A_1991 = arith.constant 1664 : i32
    %add3A_1992 = arith.addi %mul3A_2, %add3A_1991 : i32
    %dma_start3A_1993 = arith.constant 0 : i32
    %dma_start3A_1994 = tpu.memref_slice %arg4[%add3A_1992, %dma_start3A_1993] : memref<131072x128xf32, #tpu.memory_space<hbm>> -> memref<128x128xf32, #tpu.memory_space<hbm>>
    %dma_start3A_1995 = arith.constant 0 : i32
    %dma_start3A_1996 = tpu.memref_slice %arg4[%add3A_1992, %dma_start3A_1995] : memref<131072x128xf32, #tpu.memory_space<hbm>> -> memref<128x128xf32, #tpu.memory_space<hbm>>
    tpu.enqueue_dma source(%arg9 : memref<128x128xf32, #tpu.memory_space<vmem>>) target(%dma_start3A_1996 : memref<128x128xf32, #tpu.memory_space<hbm>>) target_semaphore(%arg21 : memref<!tpu.dma_semaphore, #tpu.memory_space<semaphore_mem>>)
    %dma_wait3A_1997 = arith.constant 0 : i32
    %dma_wait3A_1998 = tpu.memref_slice %arg4[%add3A_1752, %dma_wait3A_1997] : memref<131072x128xf32, #tpu.memory_space<hbm>> -> memref<128x128xf32, #tpu.memory_space<hbm>>
    %dma_wait3A_1999 = arith.constant 0 : i32
    %dma_wait3A_2000 = tpu.memref_slice %arg4[%add3A_1752, %dma_wait3A_1999] : memref<131072x128xf32, #tpu.memory_space<hbm>> -> memref<128x128xf32, #tpu.memory_space<hbm>>
    tpu.wait_dma2 semaphore(%arg25 : memref<!tpu.dma_semaphore, #tpu.memory_space<semaphore_mem>>) src(%arg13 : memref<128x128xf32, #tpu.memory_space<vmem>>) dst(%dma_wait3A_2000 : memref<128x128xf32, #tpu.memory_space<hbm>>)
    %get3A_2001 = arith.constant 17 : i32
    %get3A_2002 = arith.index_cast %get3A_2001 : i32 to index
    %get3A_2003 = arith.constant 0 : index
    %get3A_2004 = tpu.vector_load %arg5[%get3A_2002, %get3A_2003] {strides = array<i32>} : memref<32x128xi32, #tpu.memory_space<vmem>>, vector<1x16xi32>,
    %get3A_2005 = vector.shape_cast %get3A_2004 : vector<1x16xi32> to vector<16xi32>
    %add3A_2006 = arith.addi %get3A_2005, %mul3A_23 : vector<16xi32>
    %swap3A_2007 = arith.constant 17 : i32
    %swap3A_2008 = arith.index_cast %swap3A_2007 : i32 to index
    %swap3A_2009 = arith.constant 0 : index
    %swap3A_2010 = tpu.vector_load %arg5[%swap3A_2008, %swap3A_2009] {strides = array<i32>} : memref<32x128xi32, #tpu.memory_space<vmem>>, vector<1x16xi32>,
    %swap3A_2011 = vector.shape_cast %swap3A_2010 : vector<1x16xi32> to vector<16xi32>
    %swap3A_2012 = vector.shape_cast %add3A_2006 : vector<16xi32> to vector<1x16xi32>
    tpu.vector_store %arg5[%swap3A_2008, %swap3A_2009], %swap3A_2012 {strides = array<i32>} : memref<32x128xi32, #tpu.memory_space<vmem>>, vector<1x16xi32>,
    %get3A_2013 = arith.constant 17 : i32
    %get3A_2014 = arith.index_cast %get3A_2013 : i32 to index
    %get3A_2015 = arith.constant 16 : index
    %get3A_2016 = tpu.vector_load %arg5[%get3A_2014, %get3A_2015] {strides = array<i32>} : memref<32x128xi32, #tpu.memory_space<vmem>>, vector<1x16xi32>,
    %get3A_2017 = vector.shape_cast %get3A_2016 : vector<1x16xi32> to vector<16xi32>
    %add3A_2018 = arith.addi %get3A_2017, %mul3A_23 : vector<16xi32>
    %swap3A_2019 = arith.constant 17 : i32
    %swap3A_2020 = arith.index_cast %swap3A_2019 : i32 to index
    %swap3A_2021 = arith.constant 16 : index
    %swap3A_2022 = tpu.vector_load %arg5[%swap3A_2020, %swap3A_2021] {strides = array<i32>} : memref<32x128xi32, #tpu.memory_space<vmem>>, vector<1x16xi32>,
    %swap3A_2023 = vector.shape_cast %swap3A_2022 : vector<1x16xi32> to vector<16xi32>
    %swap3A_2024 = vector.shape_cast %add3A_2018 : vector<16xi32> to vector<1x16xi32>
    tpu.vector_store %arg5[%swap3A_2020, %swap3A_2021], %swap3A_2024 {strides = array<i32>} : memref<32x128xi32, #tpu.memory_space<vmem>>, vector<1x16xi32>,
    %get3A_2025 = arith.constant 17 : i32
    %get3A_2026 = arith.index_cast %get3A_2025 : i32 to index
    %get3A_2027 = arith.constant 32 : index
    %get3A_2028 = tpu.vector_load %arg5[%get3A_2026, %get3A_2027] {strides = array<i32>} : memref<32x128xi32, #tpu.memory_space<vmem>>, vector<1x16xi32>,
    %get3A_2029 = vector.shape_cast %get3A_2028 : vector<1x16xi32> to vector<16xi32>
    %add3A_2030 = arith.addi %get3A_2029, %mul3A_23 : vector<16xi32>
    %swap3A_2031 = arith.constant 17 : i32
    %swap3A_2032 = arith.index_cast %swap3A_2031 : i32 to index
    %swap3A_2033 = arith.constant 32 : index
    %swap3A_2034 = tpu.vector_load %arg5[%swap3A_2032, %swap3A_2033] {strides = array<i32>} : memref<32x128xi32, #tpu.memory_space<vmem>>, vector<1x16xi32>,
    %swap3A_2035 = vector.shape_cast %swap3A_2034 : vector<1x16xi32> to vector<16xi32>
    %swap3A_2036 = vector.shape_cast %add3A_2030 : vector<16xi32> to vector<1x16xi32>
    tpu.vector_store %arg5[%swap3A_2032, %swap3A_2033], %swap3A_2036 {strides = array<i32>} : memref<32x128xi32, #tpu.memory_space<vmem>>, vector<1x16xi32>,
    %get3A_2037 = arith.constant 17 : i32
    %get3A_2038 = arith.index_cast %get3A_2037 : i32 to index
    %get3A_2039 = arith.constant 48 : index
    %get3A_2040 = tpu.vector_load %arg5[%get3A_2038, %get3A_2039] {strides = array<i32>} : memref<32x128xi32, #tpu.memory_space<vmem>>, vector<1x16xi32>,
    %get3A_2041 = vector.shape_cast %get3A_2040 : vector<1x16xi32> to vector<16xi32>
    %add3A_2042 = arith.addi %get3A_2041, %mul3A_23 : vector<16xi32>
    %swap3A_2043 = arith.constant 17 : i32
    %swap3A_2044 = arith.index_cast %swap3A_2043 : i32 to index
    %swap3A_2045 = arith.constant 48 : index
    %swap3A_2046 = tpu.vector_load %arg5[%swap3A_2044, %swap3A_2045] {strides = array<i32>} : memref<32x128xi32, #tpu.memory_space<vmem>>, vector<1x16xi32>,
    %swap3A_2047 = vector.shape_cast %swap3A_2046 : vector<1x16xi32> to vector<16xi32>
    %swap3A_2048 = vector.shape_cast %add3A_2042 : vector<16xi32> to vector<1x16xi32>
    tpu.vector_store %arg5[%swap3A_2044, %swap3A_2045], %swap3A_2048 {strides = array<i32>} : memref<32x128xi32, #tpu.memory_space<vmem>>, vector<1x16xi32>,
    %get3A_2049 = arith.constant 17 : i32
    %get3A_2050 = arith.index_cast %get3A_2049 : i32 to index
    %get3A_2051 = arith.constant 64 : index
    %get3A_2052 = tpu.vector_load %arg5[%get3A_2050, %get3A_2051] {strides = array<i32>} : memref<32x128xi32, #tpu.memory_space<vmem>>, vector<1x16xi32>,
    %get3A_2053 = vector.shape_cast %get3A_2052 : vector<1x16xi32> to vector<16xi32>
    %add3A_2054 = arith.addi %get3A_2053, %mul3A_23 : vector<16xi32>
    %swap3A_2055 = arith.constant 17 : i32
    %swap3A_2056 = arith.index_cast %swap3A_2055 : i32 to index
    %swap3A_2057 = arith.constant 64 : index
    %swap3A_2058 = tpu.vector_load %arg5[%swap3A_2056, %swap3A_2057] {strides = array<i32>} : memref<32x128xi32, #tpu.memory_space<vmem>>, vector<1x16xi32>,
    %swap3A_2059 = vector.shape_cast %swap3A_2058 : vector<1x16xi32> to vector<16xi32>
    %swap3A_2060 = vector.shape_cast %add3A_2054 : vector<16xi32> to vector<1x16xi32>
    tpu.vector_store %arg5[%swap3A_2056, %swap3A_2057], %swap3A_2060 {strides = array<i32>} : memref<32x128xi32, #tpu.memory_space<vmem>>, vector<1x16xi32>,
    %get3A_2061 = arith.constant 17 : i32
    %get3A_2062 = arith.index_cast %get3A_2061 : i32 to index
    %get3A_2063 = arith.constant 80 : index
    %get3A_2064 = tpu.vector_load %arg5[%get3A_2062, %get3A_2063] {strides = array<i32>} : memref<32x128xi32, #tpu.memory_space<vmem>>, vector<1x16xi32>,
    %get3A_2065 = vector.shape_cast %get3A_2064 : vector<1x16xi32> to vector<16xi32>
    %add3A_2066 = arith.addi %get3A_2065, %mul3A_23 : vector<16xi32>
    %swap3A_2067 = arith.constant 17 : i32
    %swap3A_2068 = arith.index_cast %swap3A_2067 : i32 to index
    %swap3A_2069 = arith.constant 80 : index
    %swap3A_2070 = tpu.vector_load %arg5[%swap3A_2068, %swap3A_2069] {strides = array<i32>} : memref<32x128xi32, #tpu.memory_space<vmem>>, vector<1x16xi32>,
    %swap3A_2071 = vector.shape_cast %swap3A_2070 : vector<1x16xi32> to vector<16xi32>
    %swap3A_2072 = vector.shape_cast %add3A_2066 : vector<16xi32> to vector<1x16xi32>
    tpu.vector_store %arg5[%swap3A_2068, %swap3A_2069], %swap3A_2072 {strides = array<i32>} : memref<32x128xi32, #tpu.memory_space<vmem>>, vector<1x16xi32>,
    %get3A_2073 = arith.constant 17 : i32
    %get3A_2074 = arith.index_cast %get3A_2073 : i32 to index
    %get3A_2075 = arith.constant 96 : index
    %get3A_2076 = tpu.vector_load %arg5[%get3A_2074, %get3A_2075] {strides = array<i32>} : memref<32x128xi32, #tpu.memory_space<vmem>>, vector<1x16xi32>,
    %get3A_2077 = vector.shape_cast %get3A_2076 : vector<1x16xi32> to vector<16xi32>
    %add3A_2078 = arith.addi %get3A_2077, %mul3A_23 : vector<16xi32>
    %swap3A_2079 = arith.constant 17 : i32
    %swap3A_2080 = arith.index_cast %swap3A_2079 : i32 to index
    %swap3A_2081 = arith.constant 96 : index
    %swap3A_2082 = tpu.vector_load %arg5[%swap3A_2080, %swap3A_2081] {strides = array<i32>} : memref<32x128xi32, #tpu.memory_space<vmem>>, vector<1x16xi32>,
    %swap3A_2083 = vector.shape_cast %swap3A_2082 : vector<1x16xi32> to vector<16xi32>
    %swap3A_2084 = vector.shape_cast %add3A_2078 : vector<16xi32> to vector<1x16xi32>
    tpu.vector_store %arg5[%swap3A_2080, %swap3A_2081], %swap3A_2084 {strides = array<i32>} : memref<32x128xi32, #tpu.memory_space<vmem>>, vector<1x16xi32>,
    %get3A_2085 = arith.constant 17 : i32
    %get3A_2086 = arith.index_cast %get3A_2085 : i32 to index
    %get3A_2087 = arith.constant 112 : index
    %get3A_2088 = tpu.vector_load %arg5[%get3A_2086, %get3A_2087] {strides = array<i32>} : memref<32x128xi32, #tpu.memory_space<vmem>>, vector<1x16xi32>,
    %get3A_2089 = vector.shape_cast %get3A_2088 : vector<1x16xi32> to vector<16xi32>
    %add3A_2090 = arith.addi %get3A_2089, %mul3A_23 : vector<16xi32>
    %swap3A_2091 = arith.constant 17 : i32
    %swap3A_2092 = arith.index_cast %swap3A_2091 : i32 to index
    %swap3A_2093 = arith.constant 112 : index
    %swap3A_2094 = tpu.vector_load %arg5[%swap3A_2092, %swap3A_2093] {strides = array<i32>} : memref<32x128xi32, #tpu.memory_space<vmem>>, vector<1x16xi32>,
    %swap3A_2095 = vector.shape_cast %swap3A_2094 : vector<1x16xi32> to vector<16xi32>
    %swap3A_2096 = vector.shape_cast %add3A_2090 : vector<16xi32> to vector<1x16xi32>
    tpu.vector_store %arg5[%swap3A_2092, %swap3A_2093], %swap3A_2096 {strides = array<i32>} : memref<32x128xi32, #tpu.memory_space<vmem>>, vector<1x16xi32>,
    %dma_start3A_2097 = arith.constant 17 : i32
    %dma_start3A_2098 = arith.constant 0 : i32
    %dma_start3A_2099 = tpu.memref_slice %arg5[%dma_start3A_2097, %dma_start3A_2098] : memref<32x128xi32, #tpu.memory_space<vmem>> -> memref<1x128xi32, #tpu.memory_space<vmem>>
    %dma_start3A_2100 = tpu.memref_squeeze %dma_start3A_2099 : memref<1x128xi32, #tpu.memory_space<vmem>> -> memref<128xi32, #tpu.memory_space<vmem>>
    %dma_start3A_2101 = arith.constant 0 : i32
    %dma_start3A_2102 = arith.constant 0 : i32
    %dma_start3A_2103 = tpu.memref_slice %arg7[%dma_start3A_2101, %dma_start3A_2102] : memref<96x128xf32, #tpu.memory_space<vmem_shared>> -> memref<96x128xf32, #tpu.memory_space<vmem_shared>>
    tpu.enqueue_indirect_dma source(%dma_start3A_2103 : memref<96x128xf32, #tpu.memory_space<vmem_shared>>) target(%arg13 : memref<128x128xf32, #tpu.memory_space<vmem>>) offsets(%dma_start3A_2100 : memref<128xi32, #tpu.memory_space<vmem>>) semaphore(%arg19 : memref<!tpu.dma_semaphore, #tpu.memory_space<semaphore_mem>>)
    %dma_wait3A_2104 = arith.constant 14 : i32
    %dma_wait3A_2105 = arith.constant 0 : i32
    %dma_wait3A_2106 = tpu.memref_slice %arg5[%dma_wait3A_2104, %dma_wait3A_2105] : memref<32x128xi32, #tpu.memory_space<vmem>> -> memref<1x128xi32, #tpu.memory_space<vmem>>
    %dma_wait3A_2107 = tpu.memref_squeeze %dma_wait3A_2106 : memref<1x128xi32, #tpu.memory_space<vmem>> -> memref<128xi32, #tpu.memory_space<vmem>>
    %dma_wait3A_2108 = arith.constant 0 : i32
    %dma_wait3A_2109 = arith.constant 0 : i32
    %dma_wait3A_2110 = tpu.memref_slice %arg7[%dma_wait3A_2108, %dma_wait3A_2109] : memref<96x128xf32, #tpu.memory_space<vmem_shared>> -> memref<96x128xf32, #tpu.memory_space<vmem_shared>>
    tpu.wait_indirect_dma semaphore(%arg16 : memref<!tpu.dma_semaphore, #tpu.memory_space<semaphore_mem>>) src(%dma_wait3A_2110 : memref<96x128xf32, #tpu.memory_space<vmem_shared>>) dst(%arg10 : memref<128x128xf32, #tpu.memory_space<vmem>>)
    %add3A_2111 = arith.constant 1792 : i32
    %add3A_2112 = arith.addi %mul3A_2, %add3A_2111 : i32
    %dma_start3A_2113 = arith.constant 0 : i32
    %dma_start3A_2114 = tpu.memref_slice %arg4[%add3A_2112, %dma_start3A_2113] : memref<131072x128xf32, #tpu.memory_space<hbm>> -> memref<128x128xf32, #tpu.memory_space<hbm>>
    %dma_start3A_2115 = arith.constant 0 : i32
    %dma_start3A_2116 = tpu.memref_slice %arg4[%add3A_2112, %dma_start3A_2115] : memref<131072x128xf32, #tpu.memory_space<hbm>> -> memref<128x128xf32, #tpu.memory_space<hbm>>
    tpu.enqueue_dma source(%arg10 : memref<128x128xf32, #tpu.memory_space<vmem>>) target(%dma_start3A_2116 : memref<128x128xf32, #tpu.memory_space<hbm>>) target_semaphore(%arg22 : memref<!tpu.dma_semaphore, #tpu.memory_space<semaphore_mem>>)
    %dma_wait3A_2117 = arith.constant 0 : i32
    %dma_wait3A_2118 = tpu.memref_slice %arg4[%add3A_1872, %dma_wait3A_2117] : memref<131072x128xf32, #tpu.memory_space<hbm>> -> memref<128x128xf32, #tpu.memory_space<hbm>>
    %dma_wait3A_2119 = arith.constant 0 : i32
    %dma_wait3A_2120 = tpu.memref_slice %arg4[%add3A_1872, %dma_wait3A_2119] : memref<131072x128xf32, #tpu.memory_space<hbm>> -> memref<128x128xf32, #tpu.memory_space<hbm>>
    tpu.wait_dma2 semaphore(%arg20 : memref<!tpu.dma_semaphore, #tpu.memory_space<semaphore_mem>>) src(%arg8 : memref<128x128xf32, #tpu.memory_space<vmem>>) dst(%dma_wait3A_2120 : memref<128x128xf32, #tpu.memory_space<hbm>>)
    %get3A_2121 = arith.constant 18 : i32
    %get3A_2122 = arith.index_cast %get3A_2121 : i32 to index
    %get3A_2123 = arith.constant 0 : index
    %get3A_2124 = tpu.vector_load %arg5[%get3A_2122, %get3A_2123] {strides = array<i32>} : memref<32x128xi32, #tpu.memory_space<vmem>>, vector<1x16xi32>,
    %get3A_2125 = vector.shape_cast %get3A_2124 : vector<1x16xi32> to vector<16xi32>
    %add3A_2126 = arith.addi %get3A_2125, %mul3A_23 : vector<16xi32>
    %swap3A_2127 = arith.constant 18 : i32
    %swap3A_2128 = arith.index_cast %swap3A_2127 : i32 to index
    %swap3A_2129 = arith.constant 0 : index
    %swap3A_2130 = tpu.vector_load %arg5[%swap3A_2128, %swap3A_2129] {strides = array<i32>} : memref<32x128xi32, #tpu.memory_space<vmem>>, vector<1x16xi32>,
    %swap3A_2131 = vector.shape_cast %swap3A_2130 : vector<1x16xi32> to vector<16xi32>
    %swap3A_2132 = vector.shape_cast %add3A_2126 : vector<16xi32> to vector<1x16xi32>
    tpu.vector_store %arg5[%swap3A_2128, %swap3A_2129], %swap3A_2132 {strides = array<i32>} : memref<32x128xi32, #tpu.memory_space<vmem>>, vector<1x16xi32>,
    %get3A_2133 = arith.constant 18 : i32
    %get3A_2134 = arith.index_cast %get3A_2133 : i32 to index
    %get3A_2135 = arith.constant 16 : index
    %get3A_2136 = tpu.vector_load %arg5[%get3A_2134, %get3A_2135] {strides = array<i32>} : memref<32x128xi32, #tpu.memory_space<vmem>>, vector<1x16xi32>,
    %get3A_2137 = vector.shape_cast %get3A_2136 : vector<1x16xi32> to vector<16xi32>
    %add3A_2138 = arith.addi %get3A_2137, %mul3A_23 : vector<16xi32>
    %swap3A_2139 = arith.constant 18 : i32
    %swap3A_2140 = arith.index_cast %swap3A_2139 : i32 to index
    %swap3A_2141 = arith.constant 16 : index
    %swap3A_2142 = tpu.vector_load %arg5[%swap3A_2140, %swap3A_2141] {strides = array<i32>} : memref<32x128xi32, #tpu.memory_space<vmem>>, vector<1x16xi32>,
    %swap3A_2143 = vector.shape_cast %swap3A_2142 : vector<1x16xi32> to vector<16xi32>
    %swap3A_2144 = vector.shape_cast %add3A_2138 : vector<16xi32> to vector<1x16xi32>
    tpu.vector_store %arg5[%swap3A_2140, %swap3A_2141], %swap3A_2144 {strides = array<i32>} : memref<32x128xi32, #tpu.memory_space<vmem>>, vector<1x16xi32>,
    %get3A_2145 = arith.constant 18 : i32
    %get3A_2146 = arith.index_cast %get3A_2145 : i32 to index
    %get3A_2147 = arith.constant 32 : index
    %get3A_2148 = tpu.vector_load %arg5[%get3A_2146, %get3A_2147] {strides = array<i32>} : memref<32x128xi32, #tpu.memory_space<vmem>>, vector<1x16xi32>,
    %get3A_2149 = vector.shape_cast %get3A_2148 : vector<1x16xi32> to vector<16xi32>
    %add3A_2150 = arith.addi %get3A_2149, %mul3A_23 : vector<16xi32>
    %swap3A_2151 = arith.constant 18 : i32
    %swap3A_2152 = arith.index_cast %swap3A_2151 : i32 to index
    %swap3A_2153 = arith.constant 32 : index
    %swap3A_2154 = tpu.vector_load %arg5[%swap3A_2152, %swap3A_2153] {strides = array<i32>} : memref<32x128xi32, #tpu.memory_space<vmem>>, vector<1x16xi32>,
    %swap3A_2155 = vector.shape_cast %swap3A_2154 : vector<1x16xi32> to vector<16xi32>
    %swap3A_2156 = vector.shape_cast %add3A_2150 : vector<16xi32> to vector<1x16xi32>
    tpu.vector_store %arg5[%swap3A_2152, %swap3A_2153], %swap3A_2156 {strides = array<i32>} : memref<32x128xi32, #tpu.memory_space<vmem>>, vector<1x16xi32>,
    %get3A_2157 = arith.constant 18 : i32
    %get3A_2158 = arith.index_cast %get3A_2157 : i32 to index
    %get3A_2159 = arith.constant 48 : index
    %get3A_2160 = tpu.vector_load %arg5[%get3A_2158, %get3A_2159] {strides = array<i32>} : memref<32x128xi32, #tpu.memory_space<vmem>>, vector<1x16xi32>,
    %get3A_2161 = vector.shape_cast %get3A_2160 : vector<1x16xi32> to vector<16xi32>
    %add3A_2162 = arith.addi %get3A_2161, %mul3A_23 : vector<16xi32>
    %swap3A_2163 = arith.constant 18 : i32
    %swap3A_2164 = arith.index_cast %swap3A_2163 : i32 to index
    %swap3A_2165 = arith.constant 48 : index
    %swap3A_2166 = tpu.vector_load %arg5[%swap3A_2164, %swap3A_2165] {strides = array<i32>} : memref<32x128xi32, #tpu.memory_space<vmem>>, vector<1x16xi32>,
    %swap3A_2167 = vector.shape_cast %swap3A_2166 : vector<1x16xi32> to vector<16xi32>
    %swap3A_2168 = vector.shape_cast %add3A_2162 : vector<16xi32> to vector<1x16xi32>
    tpu.vector_store %arg5[%swap3A_2164, %swap3A_2165], %swap3A_2168 {strides = array<i32>} : memref<32x128xi32, #tpu.memory_space<vmem>>, vector<1x16xi32>,
    %get3A_2169 = arith.constant 18 : i32
    %get3A_2170 = arith.index_cast %get3A_2169 : i32 to index
    %get3A_2171 = arith.constant 64 : index
    %get3A_2172 = tpu.vector_load %arg5[%get3A_2170, %get3A_2171] {strides = array<i32>} : memref<32x128xi32, #tpu.memory_space<vmem>>, vector<1x16xi32>,
    %get3A_2173 = vector.shape_cast %get3A_2172 : vector<1x16xi32> to vector<16xi32>
    %add3A_2174 = arith.addi %get3A_2173, %mul3A_23 : vector<16xi32>
    %swap3A_2175 = arith.constant 18 : i32
    %swap3A_2176 = arith.index_cast %swap3A_2175 : i32 to index
    %swap3A_2177 = arith.constant 64 : index
    %swap3A_2178 = tpu.vector_load %arg5[%swap3A_2176, %swap3A_2177] {strides = array<i32>} : memref<32x128xi32, #tpu.memory_space<vmem>>, vector<1x16xi32>,
    %swap3A_2179 = vector.shape_cast %swap3A_2178 : vector<1x16xi32> to vector<16xi32>
    %swap3A_2180 = vector.shape_cast %add3A_2174 : vector<16xi32> to vector<1x16xi32>
    tpu.vector_store %arg5[%swap3A_2176, %swap3A_2177], %swap3A_2180 {strides = array<i32>} : memref<32x128xi32, #tpu.memory_space<vmem>>, vector<1x16xi32>,
    %get3A_2181 = arith.constant 18 : i32
    %get3A_2182 = arith.index_cast %get3A_2181 : i32 to index
    %get3A_2183 = arith.constant 80 : index
    %get3A_2184 = tpu.vector_load %arg5[%get3A_2182, %get3A_2183] {strides = array<i32>} : memref<32x128xi32, #tpu.memory_space<vmem>>, vector<1x16xi32>,
    %get3A_2185 = vector.shape_cast %get3A_2184 : vector<1x16xi32> to vector<16xi32>
    %add3A_2186 = arith.addi %get3A_2185, %mul3A_23 : vector<16xi32>
    %swap3A_2187 = arith.constant 18 : i32
    %swap3A_2188 = arith.index_cast %swap3A_2187 : i32 to index
    %swap3A_2189 = arith.constant 80 : index
    %swap3A_2190 = tpu.vector_load %arg5[%swap3A_2188, %swap3A_2189] {strides = array<i32>} : memref<32x128xi32, #tpu.memory_space<vmem>>, vector<1x16xi32>,
    %swap3A_2191 = vector.shape_cast %swap3A_2190 : vector<1x16xi32> to vector<16xi32>
    %swap3A_2192 = vector.shape_cast %add3A_2186 : vector<16xi32> to vector<1x16xi32>
    tpu.vector_store %arg5[%swap3A_2188, %swap3A_2189], %swap3A_2192 {strides = array<i32>} : memref<32x128xi32, #tpu.memory_space<vmem>>, vector<1x16xi32>,
    %get3A_2193 = arith.constant 18 : i32
    %get3A_2194 = arith.index_cast %get3A_2193 : i32 to index
    %get3A_2195 = arith.constant 96 : index
    %get3A_2196 = tpu.vector_load %arg5[%get3A_2194, %get3A_2195] {strides = array<i32>} : memref<32x128xi32, #tpu.memory_space<vmem>>, vector<1x16xi32>,
    %get3A_2197 = vector.shape_cast %get3A_2196 : vector<1x16xi32> to vector<16xi32>
    %add3A_2198 = arith.addi %get3A_2197, %mul3A_23 : vector<16xi32>
    %swap3A_2199 = arith.constant 18 : i32
    %swap3A_2200 = arith.index_cast %swap3A_2199 : i32 to index
    %swap3A_2201 = arith.constant 96 : index
    %swap3A_2202 = tpu.vector_load %arg5[%swap3A_2200, %swap3A_2201] {strides = array<i32>} : memref<32x128xi32, #tpu.memory_space<vmem>>, vector<1x16xi32>,
    %swap3A_2203 = vector.shape_cast %swap3A_2202 : vector<1x16xi32> to vector<16xi32>
    %swap3A_2204 = vector.shape_cast %add3A_2198 : vector<16xi32> to vector<1x16xi32>
    tpu.vector_store %arg5[%swap3A_2200, %swap3A_2201], %swap3A_2204 {strides = array<i32>} : memref<32x128xi32, #tpu.memory_space<vmem>>, vector<1x16xi32>,
    %get3A_2205 = arith.constant 18 : i32
    %get3A_2206 = arith.index_cast %get3A_2205 : i32 to index
    %get3A_2207 = arith.constant 112 : index
    %get3A_2208 = tpu.vector_load %arg5[%get3A_2206, %get3A_2207] {strides = array<i32>} : memref<32x128xi32, #tpu.memory_space<vmem>>, vector<1x16xi32>,
    %get3A_2209 = vector.shape_cast %get3A_2208 : vector<1x16xi32> to vector<16xi32>
    %add3A_2210 = arith.addi %get3A_2209, %mul3A_23 : vector<16xi32>
    %swap3A_2211 = arith.constant 18 : i32
    %swap3A_2212 = arith.index_cast %swap3A_2211 : i32 to index
    %swap3A_2213 = arith.constant 112 : index
    %swap3A_2214 = tpu.vector_load %arg5[%swap3A_2212, %swap3A_2213] {strides = array<i32>} : memref<32x128xi32, #tpu.memory_space<vmem>>, vector<1x16xi32>,
    %swap3A_2215 = vector.shape_cast %swap3A_2214 : vector<1x16xi32> to vector<16xi32>
    %swap3A_2216 = vector.shape_cast %add3A_2210 : vector<16xi32> to vector<1x16xi32>
    tpu.vector_store %arg5[%swap3A_2212, %swap3A_2213], %swap3A_2216 {strides = array<i32>} : memref<32x128xi32, #tpu.memory_space<vmem>>, vector<1x16xi32>,
    %dma_start3A_2217 = arith.constant 18 : i32
    %dma_start3A_2218 = arith.constant 0 : i32
    %dma_start3A_2219 = tpu.memref_slice %arg5[%dma_start3A_2217, %dma_start3A_2218] : memref<32x128xi32, #tpu.memory_space<vmem>> -> memref<1x128xi32, #tpu.memory_space<vmem>>
    %dma_start3A_2220 = tpu.memref_squeeze %dma_start3A_2219 : memref<1x128xi32, #tpu.memory_space<vmem>> -> memref<128xi32, #tpu.memory_space<vmem>>
    %dma_start3A_2221 = arith.constant 0 : i32
    %dma_start3A_2222 = arith.constant 0 : i32
    %dma_start3A_2223 = tpu.memref_slice %arg7[%dma_start3A_2221, %dma_start3A_2222] : memref<96x128xf32, #tpu.memory_space<vmem_shared>> -> memref<96x128xf32, #tpu.memory_space<vmem_shared>>
    tpu.enqueue_indirect_dma source(%dma_start3A_2223 : memref<96x128xf32, #tpu.memory_space<vmem_shared>>) target(%arg8 : memref<128x128xf32, #tpu.memory_space<vmem>>) offsets(%dma_start3A_2220 : memref<128xi32, #tpu.memory_space<vmem>>) semaphore(%arg14 : memref<!tpu.dma_semaphore, #tpu.memory_space<semaphore_mem>>)
    %dma_wait3A_2224 = arith.constant 15 : i32
    %dma_wait3A_2225 = arith.constant 0 : i32
    %dma_wait3A_2226 = tpu.memref_slice %arg5[%dma_wait3A_2224, %dma_wait3A_2225] : memref<32x128xi32, #tpu.memory_space<vmem>> -> memref<1x128xi32, #tpu.memory_space<vmem>>
    %dma_wait3A_2227 = tpu.memref_squeeze %dma_wait3A_2226 : memref<1x128xi32, #tpu.memory_space<vmem>> -> memref<128xi32, #tpu.memory_space<vmem>>
    %dma_wait3A_2228 = arith.constant 0 : i32
    %dma_wait3A_2229 = arith.constant 0 : i32
    %dma_wait3A_2230 = tpu.memref_slice %arg7[%dma_wait3A_2228, %dma_wait3A_2229] : memref<96x128xf32, #tpu.memory_space<vmem_shared>> -> memref<96x128xf32, #tpu.memory_space<vmem_shared>>
    tpu.wait_indirect_dma semaphore(%arg17 : memref<!tpu.dma_semaphore, #tpu.memory_space<semaphore_mem>>) src(%dma_wait3A_2230 : memref<96x128xf32, #tpu.memory_space<vmem_shared>>) dst(%arg11 : memref<128x128xf32, #tpu.memory_space<vmem>>)
    %add3A_2231 = arith.constant 1920 : i32
    %add3A_2232 = arith.addi %mul3A_2, %add3A_2231 : i32
    %dma_start3A_2233 = arith.constant 0 : i32
    %dma_start3A_2234 = tpu.memref_slice %arg4[%add3A_2232, %dma_start3A_2233] : memref<131072x128xf32, #tpu.memory_space<hbm>> -> memref<128x128xf32, #tpu.memory_space<hbm>>
    %dma_start3A_2235 = arith.constant 0 : i32
    %dma_start3A_2236 = tpu.memref_slice %arg4[%add3A_2232, %dma_start3A_2235] : memref<131072x128xf32, #tpu.memory_space<hbm>> -> memref<128x128xf32, #tpu.memory_space<hbm>>
    tpu.enqueue_dma source(%arg11 : memref<128x128xf32, #tpu.memory_space<vmem>>) target(%dma_start3A_2236 : memref<128x128xf32, #tpu.memory_space<hbm>>) target_semaphore(%arg23 : memref<!tpu.dma_semaphore, #tpu.memory_space<semaphore_mem>>)
    %dma_wait3A_2237 = arith.constant 0 : i32
    %dma_wait3A_2238 = tpu.memref_slice %arg4[%add3A_1992, %dma_wait3A_2237] : memref<131072x128xf32, #tpu.memory_space<hbm>> -> memref<128x128xf32, #tpu.memory_space<hbm>>
    %dma_wait3A_2239 = arith.constant 0 : i32
    %dma_wait3A_2240 = tpu.memref_slice %arg4[%add3A_1992, %dma_wait3A_2239] : memref<131072x128xf32, #tpu.memory_space<hbm>> -> memref<128x128xf32, #tpu.memory_space<hbm>>
    tpu.wait_dma2 semaphore(%arg21 : memref<!tpu.dma_semaphore, #tpu.memory_space<semaphore_mem>>) src(%arg9 : memref<128x128xf32, #tpu.memory_space<vmem>>) dst(%dma_wait3A_2240 : memref<128x128xf32, #tpu.memory_space<hbm>>)
    %get3A_2241 = arith.constant 19 : i32
    %get3A_2242 = arith.index_cast %get3A_2241 : i32 to index
    %get3A_2243 = arith.constant 0 : index
    %get3A_2244 = tpu.vector_load %arg5[%get3A_2242, %get3A_2243] {strides = array<i32>} : memref<32x128xi32, #tpu.memory_space<vmem>>, vector<1x16xi32>,
    %get3A_2245 = vector.shape_cast %get3A_2244 : vector<1x16xi32> to vector<16xi32>
    %add3A_2246 = arith.addi %get3A_2245, %mul3A_23 : vector<16xi32>
    %swap3A_2247 = arith.constant 19 : i32
    %swap3A_2248 = arith.index_cast %swap3A_2247 : i32 to index
    %swap3A_2249 = arith.constant 0 : index
    %swap3A_2250 = tpu.vector_load %arg5[%swap3A_2248, %swap3A_2249] {strides = array<i32>} : memref<32x128xi32, #tpu.memory_space<vmem>>, vector<1x16xi32>,
    %swap3A_2251 = vector.shape_cast %swap3A_2250 : vector<1x16xi32> to vector<16xi32>
    %swap3A_2252 = vector.shape_cast %add3A_2246 : vector<16xi32> to vector<1x16xi32>
    tpu.vector_store %arg5[%swap3A_2248, %swap3A_2249], %swap3A_2252 {strides = array<i32>} : memref<32x128xi32, #tpu.memory_space<vmem>>, vector<1x16xi32>,
    %get3A_2253 = arith.constant 19 : i32
    %get3A_2254 = arith.index_cast %get3A_2253 : i32 to index
    %get3A_2255 = arith.constant 16 : index
    %get3A_2256 = tpu.vector_load %arg5[%get3A_2254, %get3A_2255] {strides = array<i32>} : memref<32x128xi32, #tpu.memory_space<vmem>>, vector<1x16xi32>,
    %get3A_2257 = vector.shape_cast %get3A_2256 : vector<1x16xi32> to vector<16xi32>
    %add3A_2258 = arith.addi %get3A_2257, %mul3A_23 : vector<16xi32>
    %swap3A_2259 = arith.constant 19 : i32
    %swap3A_2260 = arith.index_cast %swap3A_2259 : i32 to index
    %swap3A_2261 = arith.constant 16 : index
    %swap3A_2262 = tpu.vector_load %arg5[%swap3A_2260, %swap3A_2261] {strides = array<i32>} : memref<32x128xi32, #tpu.memory_space<vmem>>, vector<1x16xi32>,
    %swap3A_2263 = vector.shape_cast %swap3A_2262 : vector<1x16xi32> to vector<16xi32>
    %swap3A_2264 = vector.shape_cast %add3A_2258 : vector<16xi32> to vector<1x16xi32>
    tpu.vector_store %arg5[%swap3A_2260, %swap3A_2261], %swap3A_2264 {strides = array<i32>} : memref<32x128xi32, #tpu.memory_space<vmem>>, vector<1x16xi32>,
    %get3A_2265 = arith.constant 19 : i32
    %get3A_2266 = arith.index_cast %get3A_2265 : i32 to index
    %get3A_2267 = arith.constant 32 : index
    %get3A_2268 = tpu.vector_load %arg5[%get3A_2266, %get3A_2267] {strides = array<i32>} : memref<32x128xi32, #tpu.memory_space<vmem>>, vector<1x16xi32>,
    %get3A_2269 = vector.shape_cast %get3A_2268 : vector<1x16xi32> to vector<16xi32>
    %add3A_2270 = arith.addi %get3A_2269, %mul3A_23 : vector<16xi32>
    %swap3A_2271 = arith.constant 19 : i32
    %swap3A_2272 = arith.index_cast %swap3A_2271 : i32 to index
    %swap3A_2273 = arith.constant 32 : index
    %swap3A_2274 = tpu.vector_load %arg5[%swap3A_2272, %swap3A_2273] {strides = array<i32>} : memref<32x128xi32, #tpu.memory_space<vmem>>, vector<1x16xi32>,
    %swap3A_2275 = vector.shape_cast %swap3A_2274 : vector<1x16xi32> to vector<16xi32>
    %swap3A_2276 = vector.shape_cast %add3A_2270 : vector<16xi32> to vector<1x16xi32>
    tpu.vector_store %arg5[%swap3A_2272, %swap3A_2273], %swap3A_2276 {strides = array<i32>} : memref<32x128xi32, #tpu.memory_space<vmem>>, vector<1x16xi32>,
    %get3A_2277 = arith.constant 19 : i32
    %get3A_2278 = arith.index_cast %get3A_2277 : i32 to index
    %get3A_2279 = arith.constant 48 : index
    %get3A_2280 = tpu.vector_load %arg5[%get3A_2278, %get3A_2279] {strides = array<i32>} : memref<32x128xi32, #tpu.memory_space<vmem>>, vector<1x16xi32>,
    %get3A_2281 = vector.shape_cast %get3A_2280 : vector<1x16xi32> to vector<16xi32>
    %add3A_2282 = arith.addi %get3A_2281, %mul3A_23 : vector<16xi32>
    %swap3A_2283 = arith.constant 19 : i32
    %swap3A_2284 = arith.index_cast %swap3A_2283 : i32 to index
    %swap3A_2285 = arith.constant 48 : index
    %swap3A_2286 = tpu.vector_load %arg5[%swap3A_2284, %swap3A_2285] {strides = array<i32>} : memref<32x128xi32, #tpu.memory_space<vmem>>, vector<1x16xi32>,
    %swap3A_2287 = vector.shape_cast %swap3A_2286 : vector<1x16xi32> to vector<16xi32>
    %swap3A_2288 = vector.shape_cast %add3A_2282 : vector<16xi32> to vector<1x16xi32>
    tpu.vector_store %arg5[%swap3A_2284, %swap3A_2285], %swap3A_2288 {strides = array<i32>} : memref<32x128xi32, #tpu.memory_space<vmem>>, vector<1x16xi32>,
    %get3A_2289 = arith.constant 19 : i32
    %get3A_2290 = arith.index_cast %get3A_2289 : i32 to index
    %get3A_2291 = arith.constant 64 : index
    %get3A_2292 = tpu.vector_load %arg5[%get3A_2290, %get3A_2291] {strides = array<i32>} : memref<32x128xi32, #tpu.memory_space<vmem>>, vector<1x16xi32>,
    %get3A_2293 = vector.shape_cast %get3A_2292 : vector<1x16xi32> to vector<16xi32>
    %add3A_2294 = arith.addi %get3A_2293, %mul3A_23 : vector<16xi32>
    %swap3A_2295 = arith.constant 19 : i32
    %swap3A_2296 = arith.index_cast %swap3A_2295 : i32 to index
    %swap3A_2297 = arith.constant 64 : index
    %swap3A_2298 = tpu.vector_load %arg5[%swap3A_2296, %swap3A_2297] {strides = array<i32>} : memref<32x128xi32, #tpu.memory_space<vmem>>, vector<1x16xi32>,
    %swap3A_2299 = vector.shape_cast %swap3A_2298 : vector<1x16xi32> to vector<16xi32>
    %swap3A_2300 = vector.shape_cast %add3A_2294 : vector<16xi32> to vector<1x16xi32>
    tpu.vector_store %arg5[%swap3A_2296, %swap3A_2297], %swap3A_2300 {strides = array<i32>} : memref<32x128xi32, #tpu.memory_space<vmem>>, vector<1x16xi32>,
    %get3A_2301 = arith.constant 19 : i32
    %get3A_2302 = arith.index_cast %get3A_2301 : i32 to index
    %get3A_2303 = arith.constant 80 : index
    %get3A_2304 = tpu.vector_load %arg5[%get3A_2302, %get3A_2303] {strides = array<i32>} : memref<32x128xi32, #tpu.memory_space<vmem>>, vector<1x16xi32>,
    %get3A_2305 = vector.shape_cast %get3A_2304 : vector<1x16xi32> to vector<16xi32>
    %add3A_2306 = arith.addi %get3A_2305, %mul3A_23 : vector<16xi32>
    %swap3A_2307 = arith.constant 19 : i32
    %swap3A_2308 = arith.index_cast %swap3A_2307 : i32 to index
    %swap3A_2309 = arith.constant 80 : index
    %swap3A_2310 = tpu.vector_load %arg5[%swap3A_2308, %swap3A_2309] {strides = array<i32>} : memref<32x128xi32, #tpu.memory_space<vmem>>, vector<1x16xi32>,
    %swap3A_2311 = vector.shape_cast %swap3A_2310 : vector<1x16xi32> to vector<16xi32>
    %swap3A_2312 = vector.shape_cast %add3A_2306 : vector<16xi32> to vector<1x16xi32>
    tpu.vector_store %arg5[%swap3A_2308, %swap3A_2309], %swap3A_2312 {strides = array<i32>} : memref<32x128xi32, #tpu.memory_space<vmem>>, vector<1x16xi32>,
    %get3A_2313 = arith.constant 19 : i32
    %get3A_2314 = arith.index_cast %get3A_2313 : i32 to index
    %get3A_2315 = arith.constant 96 : index
    %get3A_2316 = tpu.vector_load %arg5[%get3A_2314, %get3A_2315] {strides = array<i32>} : memref<32x128xi32, #tpu.memory_space<vmem>>, vector<1x16xi32>,
    %get3A_2317 = vector.shape_cast %get3A_2316 : vector<1x16xi32> to vector<16xi32>
    %add3A_2318 = arith.addi %get3A_2317, %mul3A_23 : vector<16xi32>
    %swap3A_2319 = arith.constant 19 : i32
    %swap3A_2320 = arith.index_cast %swap3A_2319 : i32 to index
    %swap3A_2321 = arith.constant 96 : index
    %swap3A_2322 = tpu.vector_load %arg5[%swap3A_2320, %swap3A_2321] {strides = array<i32>} : memref<32x128xi32, #tpu.memory_space<vmem>>, vector<1x16xi32>,
    %swap3A_2323 = vector.shape_cast %swap3A_2322 : vector<1x16xi32> to vector<16xi32>
    %swap3A_2324 = vector.shape_cast %add3A_2318 : vector<16xi32> to vector<1x16xi32>
    tpu.vector_store %arg5[%swap3A_2320, %swap3A_2321], %swap3A_2324 {strides = array<i32>} : memref<32x128xi32, #tpu.memory_space<vmem>>, vector<1x16xi32>,
    %get3A_2325 = arith.constant 19 : i32
    %get3A_2326 = arith.index_cast %get3A_2325 : i32 to index
    %get3A_2327 = arith.constant 112 : index
    %get3A_2328 = tpu.vector_load %arg5[%get3A_2326, %get3A_2327] {strides = array<i32>} : memref<32x128xi32, #tpu.memory_space<vmem>>, vector<1x16xi32>,
    %get3A_2329 = vector.shape_cast %get3A_2328 : vector<1x16xi32> to vector<16xi32>
    %add3A_2330 = arith.addi %get3A_2329, %mul3A_23 : vector<16xi32>
    %swap3A_2331 = arith.constant 19 : i32
    %swap3A_2332 = arith.index_cast %swap3A_2331 : i32 to index
    %swap3A_2333 = arith.constant 112 : index
    %swap3A_2334 = tpu.vector_load %arg5[%swap3A_2332, %swap3A_2333] {strides = array<i32>} : memref<32x128xi32, #tpu.memory_space<vmem>>, vector<1x16xi32>,
    %swap3A_2335 = vector.shape_cast %swap3A_2334 : vector<1x16xi32> to vector<16xi32>
    %swap3A_2336 = vector.shape_cast %add3A_2330 : vector<16xi32> to vector<1x16xi32>
    tpu.vector_store %arg5[%swap3A_2332, %swap3A_2333], %swap3A_2336 {strides = array<i32>} : memref<32x128xi32, #tpu.memory_space<vmem>>, vector<1x16xi32>,
    %dma_start3A_2337 = arith.constant 19 : i32
    %dma_start3A_2338 = arith.constant 0 : i32
    %dma_start3A_2339 = tpu.memref_slice %arg5[%dma_start3A_2337, %dma_start3A_2338] : memref<32x128xi32, #tpu.memory_space<vmem>> -> memref<1x128xi32, #tpu.memory_space<vmem>>
    %dma_start3A_2340 = tpu.memref_squeeze %dma_start3A_2339 : memref<1x128xi32, #tpu.memory_space<vmem>> -> memref<128xi32, #tpu.memory_space<vmem>>
    %dma_start3A_2341 = arith.constant 0 : i32
    %dma_start3A_2342 = arith.constant 0 : i32
    %dma_start3A_2343 = tpu.memref_slice %arg7[%dma_start3A_2341, %dma_start3A_2342] : memref<96x128xf32, #tpu.memory_space<vmem_shared>> -> memref<96x128xf32, #tpu.memory_space<vmem_shared>>
    tpu.enqueue_indirect_dma source(%dma_start3A_2343 : memref<96x128xf32, #tpu.memory_space<vmem_shared>>) target(%arg9 : memref<128x128xf32, #tpu.memory_space<vmem>>) offsets(%dma_start3A_2340 : memref<128xi32, #tpu.memory_space<vmem>>) semaphore(%arg15 : memref<!tpu.dma_semaphore, #tpu.memory_space<semaphore_mem>>)
    %dma_wait3A_2344 = arith.constant 16 : i32
    %dma_wait3A_2345 = arith.constant 0 : i32
    %dma_wait3A_2346 = tpu.memref_slice %arg5[%dma_wait3A_2344, %dma_wait3A_2345] : memref<32x128xi32, #tpu.memory_space<vmem>> -> memref<1x128xi32, #tpu.memory_space<vmem>>
    %dma_wait3A_2347 = tpu.memref_squeeze %dma_wait3A_2346 : memref<1x128xi32, #tpu.memory_space<vmem>> -> memref<128xi32, #tpu.memory_space<vmem>>
    %dma_wait3A_2348 = arith.constant 0 : i32
    %dma_wait3A_2349 = arith.constant 0 : i32
    %dma_wait3A_2350 = tpu.memref_slice %arg7[%dma_wait3A_2348, %dma_wait3A_2349] : memref<96x128xf32, #tpu.memory_space<vmem_shared>> -> memref<96x128xf32, #tpu.memory_space<vmem_shared>>
    tpu.wait_indirect_dma semaphore(%arg18 : memref<!tpu.dma_semaphore, #tpu.memory_space<semaphore_mem>>) src(%dma_wait3A_2350 : memref<96x128xf32, #tpu.memory_space<vmem_shared>>) dst(%arg12 : memref<128x128xf32, #tpu.memory_space<vmem>>)
    %add3A_2351 = arith.constant 2048 : i32
    %add3A_2352 = arith.addi %mul3A_2, %add3A_2351 : i32
    %dma_start3A_2353 = arith.constant 0 : i32
    %dma_start3A_2354 = tpu.memref_slice %arg4[%add3A_2352, %dma_start3A_2353] : memref<131072x128xf32, #tpu.memory_space<hbm>> -> memref<128x128xf32, #tpu.memory_space<hbm>>
    %dma_start3A_2355 = arith.constant 0 : i32
    %dma_start3A_2356 = tpu.memref_slice %arg4[%add3A_2352, %dma_start3A_2355] : memref<131072x128xf32, #tpu.memory_space<hbm>> -> memref<128x128xf32, #tpu.memory_space<hbm>>
    tpu.enqueue_dma source(%arg12 : memref<128x128xf32, #tpu.memory_space<vmem>>) target(%dma_start3A_2356 : memref<128x128xf32, #tpu.memory_space<hbm>>) target_semaphore(%arg24 : memref<!tpu.dma_semaphore, #tpu.memory_space<semaphore_mem>>)
    %dma_wait3A_2357 = arith.constant 0 : i32
    %dma_wait3A_2358 = tpu.memref_slice %arg4[%add3A_2112, %dma_wait3A_2357] : memref<131072x128xf32, #tpu.memory_space<hbm>> -> memref<128x128xf32, #tpu.memory_space<hbm>>
    %dma_wait3A_2359 = arith.constant 0 : i32
    %dma_wait3A_2360 = tpu.memref_slice %arg4[%add3A_2112, %dma_wait3A_2359] : memref<131072x128xf32, #tpu.memory_space<hbm>> -> memref<128x128xf32, #tpu.memory_space<hbm>>
    tpu.wait_dma2 semaphore(%arg22 : memref<!tpu.dma_semaphore, #tpu.memory_space<semaphore_mem>>) src(%arg10 : memref<128x128xf32, #tpu.memory_space<vmem>>) dst(%dma_wait3A_2360 : memref<128x128xf32, #tpu.memory_space<hbm>>)
    %get3A_2361 = arith.constant 20 : i32
    %get3A_2362 = arith.index_cast %get3A_2361 : i32 to index
    %get3A_2363 = arith.constant 0 : index
    %get3A_2364 = tpu.vector_load %arg5[%get3A_2362, %get3A_2363] {strides = array<i32>} : memref<32x128xi32, #tpu.memory_space<vmem>>, vector<1x16xi32>,
    %get3A_2365 = vector.shape_cast %get3A_2364 : vector<1x16xi32> to vector<16xi32>
    %add3A_2366 = arith.addi %get3A_2365, %mul3A_23 : vector<16xi32>
    %swap3A_2367 = arith.constant 20 : i32
    %swap3A_2368 = arith.index_cast %swap3A_2367 : i32 to index
    %swap3A_2369 = arith.constant 0 : index
    %swap3A_2370 = tpu.vector_load %arg5[%swap3A_2368, %swap3A_2369] {strides = array<i32>} : memref<32x128xi32, #tpu.memory_space<vmem>>, vector<1x16xi32>,
    %swap3A_2371 = vector.shape_cast %swap3A_2370 : vector<1x16xi32> to vector<16xi32>
    %swap3A_2372 = vector.shape_cast %add3A_2366 : vector<16xi32> to vector<1x16xi32>
    tpu.vector_store %arg5[%swap3A_2368, %swap3A_2369], %swap3A_2372 {strides = array<i32>} : memref<32x128xi32, #tpu.memory_space<vmem>>, vector<1x16xi32>,
    %get3A_2373 = arith.constant 20 : i32
    %get3A_2374 = arith.index_cast %get3A_2373 : i32 to index
    %get3A_2375 = arith.constant 16 : index
    %get3A_2376 = tpu.vector_load %arg5[%get3A_2374, %get3A_2375] {strides = array<i32>} : memref<32x128xi32, #tpu.memory_space<vmem>>, vector<1x16xi32>,
    %get3A_2377 = vector.shape_cast %get3A_2376 : vector<1x16xi32> to vector<16xi32>
    %add3A_2378 = arith.addi %get3A_2377, %mul3A_23 : vector<16xi32>
    %swap3A_2379 = arith.constant 20 : i32
    %swap3A_2380 = arith.index_cast %swap3A_2379 : i32 to index
    %swap3A_2381 = arith.constant 16 : index
    %swap3A_2382 = tpu.vector_load %arg5[%swap3A_2380, %swap3A_2381] {strides = array<i32>} : memref<32x128xi32, #tpu.memory_space<vmem>>, vector<1x16xi32>,
    %swap3A_2383 = vector.shape_cast %swap3A_2382 : vector<1x16xi32> to vector<16xi32>
    %swap3A_2384 = vector.shape_cast %add3A_2378 : vector<16xi32> to vector<1x16xi32>
    tpu.vector_store %arg5[%swap3A_2380, %swap3A_2381], %swap3A_2384 {strides = array<i32>} : memref<32x128xi32, #tpu.memory_space<vmem>>, vector<1x16xi32>,
    %get3A_2385 = arith.constant 20 : i32
    %get3A_2386 = arith.index_cast %get3A_2385 : i32 to index
    %get3A_2387 = arith.constant 32 : index
    %get3A_2388 = tpu.vector_load %arg5[%get3A_2386, %get3A_2387] {strides = array<i32>} : memref<32x128xi32, #tpu.memory_space<vmem>>, vector<1x16xi32>,
    %get3A_2389 = vector.shape_cast %get3A_2388 : vector<1x16xi32> to vector<16xi32>
    %add3A_2390 = arith.addi %get3A_2389, %mul3A_23 : vector<16xi32>
    %swap3A_2391 = arith.constant 20 : i32
    %swap3A_2392 = arith.index_cast %swap3A_2391 : i32 to index
    %swap3A_2393 = arith.constant 32 : index
    %swap3A_2394 = tpu.vector_load %arg5[%swap3A_2392, %swap3A_2393] {strides = array<i32>} : memref<32x128xi32, #tpu.memory_space<vmem>>, vector<1x16xi32>,
    %swap3A_2395 = vector.shape_cast %swap3A_2394 : vector<1x16xi32> to vector<16xi32>
    %swap3A_2396 = vector.shape_cast %add3A_2390 : vector<16xi32> to vector<1x16xi32>
    tpu.vector_store %arg5[%swap3A_2392, %swap3A_2393], %swap3A_2396 {strides = array<i32>} : memref<32x128xi32, #tpu.memory_space<vmem>>, vector<1x16xi32>,
    %get3A_2397 = arith.constant 20 : i32
    %get3A_2398 = arith.index_cast %get3A_2397 : i32 to index
    %get3A_2399 = arith.constant 48 : index
    %get3A_2400 = tpu.vector_load %arg5[%get3A_2398, %get3A_2399] {strides = array<i32>} : memref<32x128xi32, #tpu.memory_space<vmem>>, vector<1x16xi32>,
    %get3A_2401 = vector.shape_cast %get3A_2400 : vector<1x16xi32> to vector<16xi32>
    %add3A_2402 = arith.addi %get3A_2401, %mul3A_23 : vector<16xi32>
    %swap3A_2403 = arith.constant 20 : i32
    %swap3A_2404 = arith.index_cast %swap3A_2403 : i32 to index
    %swap3A_2405 = arith.constant 48 : index
    %swap3A_2406 = tpu.vector_load %arg5[%swap3A_2404, %swap3A_2405] {strides = array<i32>} : memref<32x128xi32, #tpu.memory_space<vmem>>, vector<1x16xi32>,
    %swap3A_2407 = vector.shape_cast %swap3A_2406 : vector<1x16xi32> to vector<16xi32>
    %swap3A_2408 = vector.shape_cast %add3A_2402 : vector<16xi32> to vector<1x16xi32>
    tpu.vector_store %arg5[%swap3A_2404, %swap3A_2405], %swap3A_2408 {strides = array<i32>} : memref<32x128xi32, #tpu.memory_space<vmem>>, vector<1x16xi32>,
    %get3A_2409 = arith.constant 20 : i32
    %get3A_2410 = arith.index_cast %get3A_2409 : i32 to index
    %get3A_2411 = arith.constant 64 : index
    %get3A_2412 = tpu.vector_load %arg5[%get3A_2410, %get3A_2411] {strides = array<i32>} : memref<32x128xi32, #tpu.memory_space<vmem>>, vector<1x16xi32>,
    %get3A_2413 = vector.shape_cast %get3A_2412 : vector<1x16xi32> to vector<16xi32>
    %add3A_2414 = arith.addi %get3A_2413, %mul3A_23 : vector<16xi32>
    %swap3A_2415 = arith.constant 20 : i32
    %swap3A_2416 = arith.index_cast %swap3A_2415 : i32 to index
    %swap3A_2417 = arith.constant 64 : index
    %swap3A_2418 = tpu.vector_load %arg5[%swap3A_2416, %swap3A_2417] {strides = array<i32>} : memref<32x128xi32, #tpu.memory_space<vmem>>, vector<1x16xi32>,
    %swap3A_2419 = vector.shape_cast %swap3A_2418 : vector<1x16xi32> to vector<16xi32>
    %swap3A_2420 = vector.shape_cast %add3A_2414 : vector<16xi32> to vector<1x16xi32>
    tpu.vector_store %arg5[%swap3A_2416, %swap3A_2417], %swap3A_2420 {strides = array<i32>} : memref<32x128xi32, #tpu.memory_space<vmem>>, vector<1x16xi32>,
    %get3A_2421 = arith.constant 20 : i32
    %get3A_2422 = arith.index_cast %get3A_2421 : i32 to index
    %get3A_2423 = arith.constant 80 : index
    %get3A_2424 = tpu.vector_load %arg5[%get3A_2422, %get3A_2423] {strides = array<i32>} : memref<32x128xi32, #tpu.memory_space<vmem>>, vector<1x16xi32>,
    %get3A_2425 = vector.shape_cast %get3A_2424 : vector<1x16xi32> to vector<16xi32>
    %add3A_2426 = arith.addi %get3A_2425, %mul3A_23 : vector<16xi32>
    %swap3A_2427 = arith.constant 20 : i32
    %swap3A_2428 = arith.index_cast %swap3A_2427 : i32 to index
    %swap3A_2429 = arith.constant 80 : index
    %swap3A_2430 = tpu.vector_load %arg5[%swap3A_2428, %swap3A_2429] {strides = array<i32>} : memref<32x128xi32, #tpu.memory_space<vmem>>, vector<1x16xi32>,
    %swap3A_2431 = vector.shape_cast %swap3A_2430 : vector<1x16xi32> to vector<16xi32>
    %swap3A_2432 = vector.shape_cast %add3A_2426 : vector<16xi32> to vector<1x16xi32>
    tpu.vector_store %arg5[%swap3A_2428, %swap3A_2429], %swap3A_2432 {strides = array<i32>} : memref<32x128xi32, #tpu.memory_space<vmem>>, vector<1x16xi32>,
    %get3A_2433 = arith.constant 20 : i32
    %get3A_2434 = arith.index_cast %get3A_2433 : i32 to index
    %get3A_2435 = arith.constant 96 : index
    %get3A_2436 = tpu.vector_load %arg5[%get3A_2434, %get3A_2435] {strides = array<i32>} : memref<32x128xi32, #tpu.memory_space<vmem>>, vector<1x16xi32>,
    %get3A_2437 = vector.shape_cast %get3A_2436 : vector<1x16xi32> to vector<16xi32>
    %add3A_2438 = arith.addi %get3A_2437, %mul3A_23 : vector<16xi32>
    %swap3A_2439 = arith.constant 20 : i32
    %swap3A_2440 = arith.index_cast %swap3A_2439 : i32 to index
    %swap3A_2441 = arith.constant 96 : index
    %swap3A_2442 = tpu.vector_load %arg5[%swap3A_2440, %swap3A_2441] {strides = array<i32>} : memref<32x128xi32, #tpu.memory_space<vmem>>, vector<1x16xi32>,
    %swap3A_2443 = vector.shape_cast %swap3A_2442 : vector<1x16xi32> to vector<16xi32>
    %swap3A_2444 = vector.shape_cast %add3A_2438 : vector<16xi32> to vector<1x16xi32>
    tpu.vector_store %arg5[%swap3A_2440, %swap3A_2441], %swap3A_2444 {strides = array<i32>} : memref<32x128xi32, #tpu.memory_space<vmem>>, vector<1x16xi32>,
    %get3A_2445 = arith.constant 20 : i32
    %get3A_2446 = arith.index_cast %get3A_2445 : i32 to index
    %get3A_2447 = arith.constant 112 : index
    %get3A_2448 = tpu.vector_load %arg5[%get3A_2446, %get3A_2447] {strides = array<i32>} : memref<32x128xi32, #tpu.memory_space<vmem>>, vector<1x16xi32>,
    %get3A_2449 = vector.shape_cast %get3A_2448 : vector<1x16xi32> to vector<16xi32>
    %add3A_2450 = arith.addi %get3A_2449, %mul3A_23 : vector<16xi32>
    %swap3A_2451 = arith.constant 20 : i32
    %swap3A_2452 = arith.index_cast %swap3A_2451 : i32 to index
    %swap3A_2453 = arith.constant 112 : index
    %swap3A_2454 = tpu.vector_load %arg5[%swap3A_2452, %swap3A_2453] {strides = array<i32>} : memref<32x128xi32, #tpu.memory_space<vmem>>, vector<1x16xi32>,
    %swap3A_2455 = vector.shape_cast %swap3A_2454 : vector<1x16xi32> to vector<16xi32>
    %swap3A_2456 = vector.shape_cast %add3A_2450 : vector<16xi32> to vector<1x16xi32>
    tpu.vector_store %arg5[%swap3A_2452, %swap3A_2453], %swap3A_2456 {strides = array<i32>} : memref<32x128xi32, #tpu.memory_space<vmem>>, vector<1x16xi32>,
    %dma_start3A_2457 = arith.constant 20 : i32
    %dma_start3A_2458 = arith.constant 0 : i32
    %dma_start3A_2459 = tpu.memref_slice %arg5[%dma_start3A_2457, %dma_start3A_2458] : memref<32x128xi32, #tpu.memory_space<vmem>> -> memref<1x128xi32, #tpu.memory_space<vmem>>
    %dma_start3A_2460 = tpu.memref_squeeze %dma_start3A_2459 : memref<1x128xi32, #tpu.memory_space<vmem>> -> memref<128xi32, #tpu.memory_space<vmem>>
    %dma_start3A_2461 = arith.constant 0 : i32
    %dma_start3A_2462 = arith.constant 0 : i32
    %dma_start3A_2463 = tpu.memref_slice %arg7[%dma_start3A_2461, %dma_start3A_2462] : memref<96x128xf32, #tpu.memory_space<vmem_shared>> -> memref<96x128xf32, #tpu.memory_space<vmem_shared>>
    tpu.enqueue_indirect_dma source(%dma_start3A_2463 : memref<96x128xf32, #tpu.memory_space<vmem_shared>>) target(%arg10 : memref<128x128xf32, #tpu.memory_space<vmem>>) offsets(%dma_start3A_2460 : memref<128xi32, #tpu.memory_space<vmem>>) semaphore(%arg16 : memref<!tpu.dma_semaphore, #tpu.memory_space<semaphore_mem>>)
    %dma_wait3A_2464 = arith.constant 17 : i32
    %dma_wait3A_2465 = arith.constant 0 : i32
    %dma_wait3A_2466 = tpu.memref_slice %arg5[%dma_wait3A_2464, %dma_wait3A_2465] : memref<32x128xi32, #tpu.memory_space<vmem>> -> memref<1x128xi32, #tpu.memory_space<vmem>>
    %dma_wait3A_2467 = tpu.memref_squeeze %dma_wait3A_2466 : memref<1x128xi32, #tpu.memory_space<vmem>> -> memref<128xi32, #tpu.memory_space<vmem>>
    %dma_wait3A_2468 = arith.constant 0 : i32
    %dma_wait3A_2469 = arith.constant 0 : i32
    %dma_wait3A_2470 = tpu.memref_slice %arg7[%dma_wait3A_2468, %dma_wait3A_2469] : memref<96x128xf32, #tpu.memory_space<vmem_shared>> -> memref<96x128xf32, #tpu.memory_space<vmem_shared>>
    tpu.wait_indirect_dma semaphore(%arg19 : memref<!tpu.dma_semaphore, #tpu.memory_space<semaphore_mem>>) src(%dma_wait3A_2470 : memref<96x128xf32, #tpu.memory_space<vmem_shared>>) dst(%arg13 : memref<128x128xf32, #tpu.memory_space<vmem>>)
    %add3A_2471 = arith.constant 2176 : i32
    %add3A_2472 = arith.addi %mul3A_2, %add3A_2471 : i32
    %dma_start3A_2473 = arith.constant 0 : i32
    %dma_start3A_2474 = tpu.memref_slice %arg4[%add3A_2472, %dma_start3A_2473] : memref<131072x128xf32, #tpu.memory_space<hbm>> -> memref<128x128xf32, #tpu.memory_space<hbm>>
    %dma_start3A_2475 = arith.constant 0 : i32
    %dma_start3A_2476 = tpu.memref_slice %arg4[%add3A_2472, %dma_start3A_2475] : memref<131072x128xf32, #tpu.memory_space<hbm>> -> memref<128x128xf32, #tpu.memory_space<hbm>>
    tpu.enqueue_dma source(%arg13 : memref<128x128xf32, #tpu.memory_space<vmem>>) target(%dma_start3A_2476 : memref<128x128xf32, #tpu.memory_space<hbm>>) target_semaphore(%arg25 : memref<!tpu.dma_semaphore, #tpu.memory_space<semaphore_mem>>)
    %dma_wait3A_2477 = arith.constant 0 : i32
    %dma_wait3A_2478 = tpu.memref_slice %arg4[%add3A_2232, %dma_wait3A_2477] : memref<131072x128xf32, #tpu.memory_space<hbm>> -> memref<128x128xf32, #tpu.memory_space<hbm>>
    %dma_wait3A_2479 = arith.constant 0 : i32
    %dma_wait3A_2480 = tpu.memref_slice %arg4[%add3A_2232, %dma_wait3A_2479] : memref<131072x128xf32, #tpu.memory_space<hbm>> -> memref<128x128xf32, #tpu.memory_space<hbm>>
    tpu.wait_dma2 semaphore(%arg23 : memref<!tpu.dma_semaphore, #tpu.memory_space<semaphore_mem>>) src(%arg11 : memref<128x128xf32, #tpu.memory_space<vmem>>) dst(%dma_wait3A_2480 : memref<128x128xf32, #tpu.memory_space<hbm>>)
    %get3A_2481 = arith.constant 21 : i32
    %get3A_2482 = arith.index_cast %get3A_2481 : i32 to index
    %get3A_2483 = arith.constant 0 : index
    %get3A_2484 = tpu.vector_load %arg5[%get3A_2482, %get3A_2483] {strides = array<i32>} : memref<32x128xi32, #tpu.memory_space<vmem>>, vector<1x16xi32>,
    %get3A_2485 = vector.shape_cast %get3A_2484 : vector<1x16xi32> to vector<16xi32>
    %add3A_2486 = arith.addi %get3A_2485, %mul3A_23 : vector<16xi32>
    %swap3A_2487 = arith.constant 21 : i32
    %swap3A_2488 = arith.index_cast %swap3A_2487 : i32 to index
    %swap3A_2489 = arith.constant 0 : index
    %swap3A_2490 = tpu.vector_load %arg5[%swap3A_2488, %swap3A_2489] {strides = array<i32>} : memref<32x128xi32, #tpu.memory_space<vmem>>, vector<1x16xi32>,
    %swap3A_2491 = vector.shape_cast %swap3A_2490 : vector<1x16xi32> to vector<16xi32>
    %swap3A_2492 = vector.shape_cast %add3A_2486 : vector<16xi32> to vector<1x16xi32>
    tpu.vector_store %arg5[%swap3A_2488, %swap3A_2489], %swap3A_2492 {strides = array<i32>} : memref<32x128xi32, #tpu.memory_space<vmem>>, vector<1x16xi32>,
    %get3A_2493 = arith.constant 21 : i32
    %get3A_2494 = arith.index_cast %get3A_2493 : i32 to index
    %get3A_2495 = arith.constant 16 : index
    %get3A_2496 = tpu.vector_load %arg5[%get3A_2494, %get3A_2495] {strides = array<i32>} : memref<32x128xi32, #tpu.memory_space<vmem>>, vector<1x16xi32>,
    %get3A_2497 = vector.shape_cast %get3A_2496 : vector<1x16xi32> to vector<16xi32>
    %add3A_2498 = arith.addi %get3A_2497, %mul3A_23 : vector<16xi32>
    %swap3A_2499 = arith.constant 21 : i32
    %swap3A_2500 = arith.index_cast %swap3A_2499 : i32 to index
    %swap3A_2501 = arith.constant 16 : index
    %swap3A_2502 = tpu.vector_load %arg5[%swap3A_2500, %swap3A_2501] {strides = array<i32>} : memref<32x128xi32, #tpu.memory_space<vmem>>, vector<1x16xi32>,
    %swap3A_2503 = vector.shape_cast %swap3A_2502 : vector<1x16xi32> to vector<16xi32>
    %swap3A_2504 = vector.shape_cast %add3A_2498 : vector<16xi32> to vector<1x16xi32>
    tpu.vector_store %arg5[%swap3A_2500, %swap3A_2501], %swap3A_2504 {strides = array<i32>} : memref<32x128xi32, #tpu.memory_space<vmem>>, vector<1x16xi32>,
    %get3A_2505 = arith.constant 21 : i32
    %get3A_2506 = arith.index_cast %get3A_2505 : i32 to index
    %get3A_2507 = arith.constant 32 : index
    %get3A_2508 = tpu.vector_load %arg5[%get3A_2506, %get3A_2507] {strides = array<i32>} : memref<32x128xi32, #tpu.memory_space<vmem>>, vector<1x16xi32>,
    %get3A_2509 = vector.shape_cast %get3A_2508 : vector<1x16xi32> to vector<16xi32>
    %add3A_2510 = arith.addi %get3A_2509, %mul3A_23 : vector<16xi32>
    %swap3A_2511 = arith.constant 21 : i32
    %swap3A_2512 = arith.index_cast %swap3A_2511 : i32 to index
    %swap3A_2513 = arith.constant 32 : index
    %swap3A_2514 = tpu.vector_load %arg5[%swap3A_2512, %swap3A_2513] {strides = array<i32>} : memref<32x128xi32, #tpu.memory_space<vmem>>, vector<1x16xi32>,
    %swap3A_2515 = vector.shape_cast %swap3A_2514 : vector<1x16xi32> to vector<16xi32>
    %swap3A_2516 = vector.shape_cast %add3A_2510 : vector<16xi32> to vector<1x16xi32>
    tpu.vector_store %arg5[%swap3A_2512, %swap3A_2513], %swap3A_2516 {strides = array<i32>} : memref<32x128xi32, #tpu.memory_space<vmem>>, vector<1x16xi32>,
    %get3A_2517 = arith.constant 21 : i32
    %get3A_2518 = arith.index_cast %get3A_2517 : i32 to index
    %get3A_2519 = arith.constant 48 : index
    %get3A_2520 = tpu.vector_load %arg5[%get3A_2518, %get3A_2519] {strides = array<i32>} : memref<32x128xi32, #tpu.memory_space<vmem>>, vector<1x16xi32>,
    %get3A_2521 = vector.shape_cast %get3A_2520 : vector<1x16xi32> to vector<16xi32>
    %add3A_2522 = arith.addi %get3A_2521, %mul3A_23 : vector<16xi32>
    %swap3A_2523 = arith.constant 21 : i32
    %swap3A_2524 = arith.index_cast %swap3A_2523 : i32 to index
    %swap3A_2525 = arith.constant 48 : index
    %swap3A_2526 = tpu.vector_load %arg5[%swap3A_2524, %swap3A_2525] {strides = array<i32>} : memref<32x128xi32, #tpu.memory_space<vmem>>, vector<1x16xi32>,
    %swap3A_2527 = vector.shape_cast %swap3A_2526 : vector<1x16xi32> to vector<16xi32>
    %swap3A_2528 = vector.shape_cast %add3A_2522 : vector<16xi32> to vector<1x16xi32>
    tpu.vector_store %arg5[%swap3A_2524, %swap3A_2525], %swap3A_2528 {strides = array<i32>} : memref<32x128xi32, #tpu.memory_space<vmem>>, vector<1x16xi32>,
    %get3A_2529 = arith.constant 21 : i32
    %get3A_2530 = arith.index_cast %get3A_2529 : i32 to index
    %get3A_2531 = arith.constant 64 : index
    %get3A_2532 = tpu.vector_load %arg5[%get3A_2530, %get3A_2531] {strides = array<i32>} : memref<32x128xi32, #tpu.memory_space<vmem>>, vector<1x16xi32>,
    %get3A_2533 = vector.shape_cast %get3A_2532 : vector<1x16xi32> to vector<16xi32>
    %add3A_2534 = arith.addi %get3A_2533, %mul3A_23 : vector<16xi32>
    %swap3A_2535 = arith.constant 21 : i32
    %swap3A_2536 = arith.index_cast %swap3A_2535 : i32 to index
    %swap3A_2537 = arith.constant 64 : index
    %swap3A_2538 = tpu.vector_load %arg5[%swap3A_2536, %swap3A_2537] {strides = array<i32>} : memref<32x128xi32, #tpu.memory_space<vmem>>, vector<1x16xi32>,
    %swap3A_2539 = vector.shape_cast %swap3A_2538 : vector<1x16xi32> to vector<16xi32>
    %swap3A_2540 = vector.shape_cast %add3A_2534 : vector<16xi32> to vector<1x16xi32>
    tpu.vector_store %arg5[%swap3A_2536, %swap3A_2537], %swap3A_2540 {strides = array<i32>} : memref<32x128xi32, #tpu.memory_space<vmem>>, vector<1x16xi32>,
    %get3A_2541 = arith.constant 21 : i32
    %get3A_2542 = arith.index_cast %get3A_2541 : i32 to index
    %get3A_2543 = arith.constant 80 : index
    %get3A_2544 = tpu.vector_load %arg5[%get3A_2542, %get3A_2543] {strides = array<i32>} : memref<32x128xi32, #tpu.memory_space<vmem>>, vector<1x16xi32>,
    %get3A_2545 = vector.shape_cast %get3A_2544 : vector<1x16xi32> to vector<16xi32>
    %add3A_2546 = arith.addi %get3A_2545, %mul3A_23 : vector<16xi32>
    %swap3A_2547 = arith.constant 21 : i32
    %swap3A_2548 = arith.index_cast %swap3A_2547 : i32 to index
    %swap3A_2549 = arith.constant 80 : index
    %swap3A_2550 = tpu.vector_load %arg5[%swap3A_2548, %swap3A_2549] {strides = array<i32>} : memref<32x128xi32, #tpu.memory_space<vmem>>, vector<1x16xi32>,
    %swap3A_2551 = vector.shape_cast %swap3A_2550 : vector<1x16xi32> to vector<16xi32>
    %swap3A_2552 = vector.shape_cast %add3A_2546 : vector<16xi32> to vector<1x16xi32>
    tpu.vector_store %arg5[%swap3A_2548, %swap3A_2549], %swap3A_2552 {strides = array<i32>} : memref<32x128xi32, #tpu.memory_space<vmem>>, vector<1x16xi32>,
    %get3A_2553 = arith.constant 21 : i32
    %get3A_2554 = arith.index_cast %get3A_2553 : i32 to index
    %get3A_2555 = arith.constant 96 : index
    %get3A_2556 = tpu.vector_load %arg5[%get3A_2554, %get3A_2555] {strides = array<i32>} : memref<32x128xi32, #tpu.memory_space<vmem>>, vector<1x16xi32>,
    %get3A_2557 = vector.shape_cast %get3A_2556 : vector<1x16xi32> to vector<16xi32>
    %add3A_2558 = arith.addi %get3A_2557, %mul3A_23 : vector<16xi32>
    %swap3A_2559 = arith.constant 21 : i32
    %swap3A_2560 = arith.index_cast %swap3A_2559 : i32 to index
    %swap3A_2561 = arith.constant 96 : index
    %swap3A_2562 = tpu.vector_load %arg5[%swap3A_2560, %swap3A_2561] {strides = array<i32>} : memref<32x128xi32, #tpu.memory_space<vmem>>, vector<1x16xi32>,
    %swap3A_2563 = vector.shape_cast %swap3A_2562 : vector<1x16xi32> to vector<16xi32>
    %swap3A_2564 = vector.shape_cast %add3A_2558 : vector<16xi32> to vector<1x16xi32>
    tpu.vector_store %arg5[%swap3A_2560, %swap3A_2561], %swap3A_2564 {strides = array<i32>} : memref<32x128xi32, #tpu.memory_space<vmem>>, vector<1x16xi32>,
    %get3A_2565 = arith.constant 21 : i32
    %get3A_2566 = arith.index_cast %get3A_2565 : i32 to index
    %get3A_2567 = arith.constant 112 : index
    %get3A_2568 = tpu.vector_load %arg5[%get3A_2566, %get3A_2567] {strides = array<i32>} : memref<32x128xi32, #tpu.memory_space<vmem>>, vector<1x16xi32>,
    %get3A_2569 = vector.shape_cast %get3A_2568 : vector<1x16xi32> to vector<16xi32>
    %add3A_2570 = arith.addi %get3A_2569, %mul3A_23 : vector<16xi32>
    %swap3A_2571 = arith.constant 21 : i32
    %swap3A_2572 = arith.index_cast %swap3A_2571 : i32 to index
    %swap3A_2573 = arith.constant 112 : index
    %swap3A_2574 = tpu.vector_load %arg5[%swap3A_2572, %swap3A_2573] {strides = array<i32>} : memref<32x128xi32, #tpu.memory_space<vmem>>, vector<1x16xi32>,
    %swap3A_2575 = vector.shape_cast %swap3A_2574 : vector<1x16xi32> to vector<16xi32>
    %swap3A_2576 = vector.shape_cast %add3A_2570 : vector<16xi32> to vector<1x16xi32>
    tpu.vector_store %arg5[%swap3A_2572, %swap3A_2573], %swap3A_2576 {strides = array<i32>} : memref<32x128xi32, #tpu.memory_space<vmem>>, vector<1x16xi32>,
    %dma_start3A_2577 = arith.constant 21 : i32
    %dma_start3A_2578 = arith.constant 0 : i32
    %dma_start3A_2579 = tpu.memref_slice %arg5[%dma_start3A_2577, %dma_start3A_2578] : memref<32x128xi32, #tpu.memory_space<vmem>> -> memref<1x128xi32, #tpu.memory_space<vmem>>
    %dma_start3A_2580 = tpu.memref_squeeze %dma_start3A_2579 : memref<1x128xi32, #tpu.memory_space<vmem>> -> memref<128xi32, #tpu.memory_space<vmem>>
    %dma_start3A_2581 = arith.constant 0 : i32
    %dma_start3A_2582 = arith.constant 0 : i32
    %dma_start3A_2583 = tpu.memref_slice %arg7[%dma_start3A_2581, %dma_start3A_2582] : memref<96x128xf32, #tpu.memory_space<vmem_shared>> -> memref<96x128xf32, #tpu.memory_space<vmem_shared>>
    tpu.enqueue_indirect_dma source(%dma_start3A_2583 : memref<96x128xf32, #tpu.memory_space<vmem_shared>>) target(%arg11 : memref<128x128xf32, #tpu.memory_space<vmem>>) offsets(%dma_start3A_2580 : memref<128xi32, #tpu.memory_space<vmem>>) semaphore(%arg17 : memref<!tpu.dma_semaphore, #tpu.memory_space<semaphore_mem>>)
    %dma_wait3A_2584 = arith.constant 18 : i32
    %dma_wait3A_2585 = arith.constant 0 : i32
    %dma_wait3A_2586 = tpu.memref_slice %arg5[%dma_wait3A_2584, %dma_wait3A_2585] : memref<32x128xi32, #tpu.memory_space<vmem>> -> memref<1x128xi32, #tpu.memory_space<vmem>>
    %dma_wait3A_2587 = tpu.memref_squeeze %dma_wait3A_2586 : memref<1x128xi32, #tpu.memory_space<vmem>> -> memref<128xi32, #tpu.memory_space<vmem>>
    %dma_wait3A_2588 = arith.constant 0 : i32
    %dma_wait3A_2589 = arith.constant 0 : i32
    %dma_wait3A_2590 = tpu.memref_slice %arg7[%dma_wait3A_2588, %dma_wait3A_2589] : memref<96x128xf32, #tpu.memory_space<vmem_shared>> -> memref<96x128xf32, #tpu.memory_space<vmem_shared>>
    tpu.wait_indirect_dma semaphore(%arg14 : memref<!tpu.dma_semaphore, #tpu.memory_space<semaphore_mem>>) src(%dma_wait3A_2590 : memref<96x128xf32, #tpu.memory_space<vmem_shared>>) dst(%arg8 : memref<128x128xf32, #tpu.memory_space<vmem>>)
    %add3A_2591 = arith.constant 2304 : i32
    %add3A_2592 = arith.addi %mul3A_2, %add3A_2591 : i32
    %dma_start3A_2593 = arith.constant 0 : i32
    %dma_start3A_2594 = tpu.memref_slice %arg4[%add3A_2592, %dma_start3A_2593] : memref<131072x128xf32, #tpu.memory_space<hbm>> -> memref<128x128xf32, #tpu.memory_space<hbm>>
    %dma_start3A_2595 = arith.constant 0 : i32
    %dma_start3A_2596 = tpu.memref_slice %arg4[%add3A_2592, %dma_start3A_2595] : memref<131072x128xf32, #tpu.memory_space<hbm>> -> memref<128x128xf32, #tpu.memory_space<hbm>>
    tpu.enqueue_dma source(%arg8 : memref<128x128xf32, #tpu.memory_space<vmem>>) target(%dma_start3A_2596 : memref<128x128xf32, #tpu.memory_space<hbm>>) target_semaphore(%arg20 : memref<!tpu.dma_semaphore, #tpu.memory_space<semaphore_mem>>)
    %dma_wait3A_2597 = arith.constant 0 : i32
    %dma_wait3A_2598 = tpu.memref_slice %arg4[%add3A_2352, %dma_wait3A_2597] : memref<131072x128xf32, #tpu.memory_space<hbm>> -> memref<128x128xf32, #tpu.memory_space<hbm>>
    %dma_wait3A_2599 = arith.constant 0 : i32
    %dma_wait3A_2600 = tpu.memref_slice %arg4[%add3A_2352, %dma_wait3A_2599] : memref<131072x128xf32, #tpu.memory_space<hbm>> -> memref<128x128xf32, #tpu.memory_space<hbm>>
    tpu.wait_dma2 semaphore(%arg24 : memref<!tpu.dma_semaphore, #tpu.memory_space<semaphore_mem>>) src(%arg12 : memref<128x128xf32, #tpu.memory_space<vmem>>) dst(%dma_wait3A_2600 : memref<128x128xf32, #tpu.memory_space<hbm>>)
    %get3A_2601 = arith.constant 22 : i32
    %get3A_2602 = arith.index_cast %get3A_2601 : i32 to index
    %get3A_2603 = arith.constant 0 : index
    %get3A_2604 = tpu.vector_load %arg5[%get3A_2602, %get3A_2603] {strides = array<i32>} : memref<32x128xi32, #tpu.memory_space<vmem>>, vector<1x16xi32>,
    %get3A_2605 = vector.shape_cast %get3A_2604 : vector<1x16xi32> to vector<16xi32>
    %add3A_2606 = arith.addi %get3A_2605, %mul3A_23 : vector<16xi32>
    %swap3A_2607 = arith.constant 22 : i32
    %swap3A_2608 = arith.index_cast %swap3A_2607 : i32 to index
    %swap3A_2609 = arith.constant 0 : index
    %swap3A_2610 = tpu.vector_load %arg5[%swap3A_2608, %swap3A_2609] {strides = array<i32>} : memref<32x128xi32, #tpu.memory_space<vmem>>, vector<1x16xi32>,
    %swap3A_2611 = vector.shape_cast %swap3A_2610 : vector<1x16xi32> to vector<16xi32>
    %swap3A_2612 = vector.shape_cast %add3A_2606 : vector<16xi32> to vector<1x16xi32>
    tpu.vector_store %arg5[%swap3A_2608, %swap3A_2609], %swap3A_2612 {strides = array<i32>} : memref<32x128xi32, #tpu.memory_space<vmem>>, vector<1x16xi32>,
    %get3A_2613 = arith.constant 22 : i32
    %get3A_2614 = arith.index_cast %get3A_2613 : i32 to index
    %get3A_2615 = arith.constant 16 : index
    %get3A_2616 = tpu.vector_load %arg5[%get3A_2614, %get3A_2615] {strides = array<i32>} : memref<32x128xi32, #tpu.memory_space<vmem>>, vector<1x16xi32>,
    %get3A_2617 = vector.shape_cast %get3A_2616 : vector<1x16xi32> to vector<16xi32>
    %add3A_2618 = arith.addi %get3A_2617, %mul3A_23 : vector<16xi32>
    %swap3A_2619 = arith.constant 22 : i32
    %swap3A_2620 = arith.index_cast %swap3A_2619 : i32 to index
    %swap3A_2621 = arith.constant 16 : index
    %swap3A_2622 = tpu.vector_load %arg5[%swap3A_2620, %swap3A_2621] {strides = array<i32>} : memref<32x128xi32, #tpu.memory_space<vmem>>, vector<1x16xi32>,
    %swap3A_2623 = vector.shape_cast %swap3A_2622 : vector<1x16xi32> to vector<16xi32>
    %swap3A_2624 = vector.shape_cast %add3A_2618 : vector<16xi32> to vector<1x16xi32>
    tpu.vector_store %arg5[%swap3A_2620, %swap3A_2621], %swap3A_2624 {strides = array<i32>} : memref<32x128xi32, #tpu.memory_space<vmem>>, vector<1x16xi32>,
    %get3A_2625 = arith.constant 22 : i32
    %get3A_2626 = arith.index_cast %get3A_2625 : i32 to index
    %get3A_2627 = arith.constant 32 : index
    %get3A_2628 = tpu.vector_load %arg5[%get3A_2626, %get3A_2627] {strides = array<i32>} : memref<32x128xi32, #tpu.memory_space<vmem>>, vector<1x16xi32>,
    %get3A_2629 = vector.shape_cast %get3A_2628 : vector<1x16xi32> to vector<16xi32>
    %add3A_2630 = arith.addi %get3A_2629, %mul3A_23 : vector<16xi32>
    %swap3A_2631 = arith.constant 22 : i32
    %swap3A_2632 = arith.index_cast %swap3A_2631 : i32 to index
    %swap3A_2633 = arith.constant 32 : index
    %swap3A_2634 = tpu.vector_load %arg5[%swap3A_2632, %swap3A_2633] {strides = array<i32>} : memref<32x128xi32, #tpu.memory_space<vmem>>, vector<1x16xi32>,
    %swap3A_2635 = vector.shape_cast %swap3A_2634 : vector<1x16xi32> to vector<16xi32>
    %swap3A_2636 = vector.shape_cast %add3A_2630 : vector<16xi32> to vector<1x16xi32>
    tpu.vector_store %arg5[%swap3A_2632, %swap3A_2633], %swap3A_2636 {strides = array<i32>} : memref<32x128xi32, #tpu.memory_space<vmem>>, vector<1x16xi32>,
    %get3A_2637 = arith.constant 22 : i32
    %get3A_2638 = arith.index_cast %get3A_2637 : i32 to index
    %get3A_2639 = arith.constant 48 : index
    %get3A_2640 = tpu.vector_load %arg5[%get3A_2638, %get3A_2639] {strides = array<i32>} : memref<32x128xi32, #tpu.memory_space<vmem>>, vector<1x16xi32>,
    %get3A_2641 = vector.shape_cast %get3A_2640 : vector<1x16xi32> to vector<16xi32>
    %add3A_2642 = arith.addi %get3A_2641, %mul3A_23 : vector<16xi32>
    %swap3A_2643 = arith.constant 22 : i32
    %swap3A_2644 = arith.index_cast %swap3A_2643 : i32 to index
    %swap3A_2645 = arith.constant 48 : index
    %swap3A_2646 = tpu.vector_load %arg5[%swap3A_2644, %swap3A_2645] {strides = array<i32>} : memref<32x128xi32, #tpu.memory_space<vmem>>, vector<1x16xi32>,
    %swap3A_2647 = vector.shape_cast %swap3A_2646 : vector<1x16xi32> to vector<16xi32>
    %swap3A_2648 = vector.shape_cast %add3A_2642 : vector<16xi32> to vector<1x16xi32>
    tpu.vector_store %arg5[%swap3A_2644, %swap3A_2645], %swap3A_2648 {strides = array<i32>} : memref<32x128xi32, #tpu.memory_space<vmem>>, vector<1x16xi32>,
    %get3A_2649 = arith.constant 22 : i32
    %get3A_2650 = arith.index_cast %get3A_2649 : i32 to index
    %get3A_2651 = arith.constant 64 : index
    %get3A_2652 = tpu.vector_load %arg5[%get3A_2650, %get3A_2651] {strides = array<i32>} : memref<32x128xi32, #tpu.memory_space<vmem>>, vector<1x16xi32>,
    %get3A_2653 = vector.shape_cast %get3A_2652 : vector<1x16xi32> to vector<16xi32>
    %add3A_2654 = arith.addi %get3A_2653, %mul3A_23 : vector<16xi32>
    %swap3A_2655 = arith.constant 22 : i32
    %swap3A_2656 = arith.index_cast %swap3A_2655 : i32 to index
    %swap3A_2657 = arith.constant 64 : index
    %swap3A_2658 = tpu.vector_load %arg5[%swap3A_2656, %swap3A_2657] {strides = array<i32>} : memref<32x128xi32, #tpu.memory_space<vmem>>, vector<1x16xi32>,
    %swap3A_2659 = vector.shape_cast %swap3A_2658 : vector<1x16xi32> to vector<16xi32>
    %swap3A_2660 = vector.shape_cast %add3A_2654 : vector<16xi32> to vector<1x16xi32>
    tpu.vector_store %arg5[%swap3A_2656, %swap3A_2657], %swap3A_2660 {strides = array<i32>} : memref<32x128xi32, #tpu.memory_space<vmem>>, vector<1x16xi32>,
    %get3A_2661 = arith.constant 22 : i32
    %get3A_2662 = arith.index_cast %get3A_2661 : i32 to index
    %get3A_2663 = arith.constant 80 : index
    %get3A_2664 = tpu.vector_load %arg5[%get3A_2662, %get3A_2663] {strides = array<i32>} : memref<32x128xi32, #tpu.memory_space<vmem>>, vector<1x16xi32>,
    %get3A_2665 = vector.shape_cast %get3A_2664 : vector<1x16xi32> to vector<16xi32>
    %add3A_2666 = arith.addi %get3A_2665, %mul3A_23 : vector<16xi32>
    %swap3A_2667 = arith.constant 22 : i32
    %swap3A_2668 = arith.index_cast %swap3A_2667 : i32 to index
    %swap3A_2669 = arith.constant 80 : index
    %swap3A_2670 = tpu.vector_load %arg5[%swap3A_2668, %swap3A_2669] {strides = array<i32>} : memref<32x128xi32, #tpu.memory_space<vmem>>, vector<1x16xi32>,
    %swap3A_2671 = vector.shape_cast %swap3A_2670 : vector<1x16xi32> to vector<16xi32>
    %swap3A_2672 = vector.shape_cast %add3A_2666 : vector<16xi32> to vector<1x16xi32>
    tpu.vector_store %arg5[%swap3A_2668, %swap3A_2669], %swap3A_2672 {strides = array<i32>} : memref<32x128xi32, #tpu.memory_space<vmem>>, vector<1x16xi32>,
    %get3A_2673 = arith.constant 22 : i32
    %get3A_2674 = arith.index_cast %get3A_2673 : i32 to index
    %get3A_2675 = arith.constant 96 : index
    %get3A_2676 = tpu.vector_load %arg5[%get3A_2674, %get3A_2675] {strides = array<i32>} : memref<32x128xi32, #tpu.memory_space<vmem>>, vector<1x16xi32>,
    %get3A_2677 = vector.shape_cast %get3A_2676 : vector<1x16xi32> to vector<16xi32>
    %add3A_2678 = arith.addi %get3A_2677, %mul3A_23 : vector<16xi32>
    %swap3A_2679 = arith.constant 22 : i32
    %swap3A_2680 = arith.index_cast %swap3A_2679 : i32 to index
    %swap3A_2681 = arith.constant 96 : index
    %swap3A_2682 = tpu.vector_load %arg5[%swap3A_2680, %swap3A_2681] {strides = array<i32>} : memref<32x128xi32, #tpu.memory_space<vmem>>, vector<1x16xi32>,
    %swap3A_2683 = vector.shape_cast %swap3A_2682 : vector<1x16xi32> to vector<16xi32>
    %swap3A_2684 = vector.shape_cast %add3A_2678 : vector<16xi32> to vector<1x16xi32>
    tpu.vector_store %arg5[%swap3A_2680, %swap3A_2681], %swap3A_2684 {strides = array<i32>} : memref<32x128xi32, #tpu.memory_space<vmem>>, vector<1x16xi32>,
    %get3A_2685 = arith.constant 22 : i32
    %get3A_2686 = arith.index_cast %get3A_2685 : i32 to index
    %get3A_2687 = arith.constant 112 : index
    %get3A_2688 = tpu.vector_load %arg5[%get3A_2686, %get3A_2687] {strides = array<i32>} : memref<32x128xi32, #tpu.memory_space<vmem>>, vector<1x16xi32>,
    %get3A_2689 = vector.shape_cast %get3A_2688 : vector<1x16xi32> to vector<16xi32>
    %add3A_2690 = arith.addi %get3A_2689, %mul3A_23 : vector<16xi32>
    %swap3A_2691 = arith.constant 22 : i32
    %swap3A_2692 = arith.index_cast %swap3A_2691 : i32 to index
    %swap3A_2693 = arith.constant 112 : index
    %swap3A_2694 = tpu.vector_load %arg5[%swap3A_2692, %swap3A_2693] {strides = array<i32>} : memref<32x128xi32, #tpu.memory_space<vmem>>, vector<1x16xi32>,
    %swap3A_2695 = vector.shape_cast %swap3A_2694 : vector<1x16xi32> to vector<16xi32>
    %swap3A_2696 = vector.shape_cast %add3A_2690 : vector<16xi32> to vector<1x16xi32>
    tpu.vector_store %arg5[%swap3A_2692, %swap3A_2693], %swap3A_2696 {strides = array<i32>} : memref<32x128xi32, #tpu.memory_space<vmem>>, vector<1x16xi32>,
    %dma_start3A_2697 = arith.constant 22 : i32
    %dma_start3A_2698 = arith.constant 0 : i32
    %dma_start3A_2699 = tpu.memref_slice %arg5[%dma_start3A_2697, %dma_start3A_2698] : memref<32x128xi32, #tpu.memory_space<vmem>> -> memref<1x128xi32, #tpu.memory_space<vmem>>
    %dma_start3A_2700 = tpu.memref_squeeze %dma_start3A_2699 : memref<1x128xi32, #tpu.memory_space<vmem>> -> memref<128xi32, #tpu.memory_space<vmem>>
    %dma_start3A_2701 = arith.constant 0 : i32
    %dma_start3A_2702 = arith.constant 0 : i32
    %dma_start3A_2703 = tpu.memref_slice %arg7[%dma_start3A_2701, %dma_start3A_2702] : memref<96x128xf32, #tpu.memory_space<vmem_shared>> -> memref<96x128xf32, #tpu.memory_space<vmem_shared>>
    tpu.enqueue_indirect_dma source(%dma_start3A_2703 : memref<96x128xf32, #tpu.memory_space<vmem_shared>>) target(%arg12 : memref<128x128xf32, #tpu.memory_space<vmem>>) offsets(%dma_start3A_2700 : memref<128xi32, #tpu.memory_space<vmem>>) semaphore(%arg18 : memref<!tpu.dma_semaphore, #tpu.memory_space<semaphore_mem>>)
    %dma_wait3A_2704 = arith.constant 19 : i32
    %dma_wait3A_2705 = arith.constant 0 : i32
    %dma_wait3A_2706 = tpu.memref_slice %arg5[%dma_wait3A_2704, %dma_wait3A_2705] : memref<32x128xi32, #tpu.memory_space<vmem>> -> memref<1x128xi32, #tpu.memory_space<vmem>>
    %dma_wait3A_2707 = tpu.memref_squeeze %dma_wait3A_2706 : memref<1x128xi32, #tpu.memory_space<vmem>> -> memref<128xi32, #tpu.memory_space<vmem>>
    %dma_wait3A_2708 = arith.constant 0 : i32
    %dma_wait3A_2709 = arith.constant 0 : i32
    %dma_wait3A_2710 = tpu.memref_slice %arg7[%dma_wait3A_2708, %dma_wait3A_2709] : memref<96x128xf32, #tpu.memory_space<vmem_shared>> -> memref<96x128xf32, #tpu.memory_space<vmem_shared>>
    tpu.wait_indirect_dma semaphore(%arg15 : memref<!tpu.dma_semaphore, #tpu.memory_space<semaphore_mem>>) src(%dma_wait3A_2710 : memref<96x128xf32, #tpu.memory_space<vmem_shared>>) dst(%arg9 : memref<128x128xf32, #tpu.memory_space<vmem>>)
    %add3A_2711 = arith.constant 2432 : i32
    %add3A_2712 = arith.addi %mul3A_2, %add3A_2711 : i32
    %dma_start3A_2713 = arith.constant 0 : i32
    %dma_start3A_2714 = tpu.memref_slice %arg4[%add3A_2712, %dma_start3A_2713] : memref<131072x128xf32, #tpu.memory_space<hbm>> -> memref<128x128xf32, #tpu.memory_space<hbm>>
    %dma_start3A_2715 = arith.constant 0 : i32
    %dma_start3A_2716 = tpu.memref_slice %arg4[%add3A_2712, %dma_start3A_2715] : memref<131072x128xf32, #tpu.memory_space<hbm>> -> memref<128x128xf32, #tpu.memory_space<hbm>>
    tpu.enqueue_dma source(%arg9 : memref<128x128xf32, #tpu.memory_space<vmem>>) target(%dma_start3A_2716 : memref<128x128xf32, #tpu.memory_space<hbm>>) target_semaphore(%arg21 : memref<!tpu.dma_semaphore, #tpu.memory_space<semaphore_mem>>)
    %dma_wait3A_2717 = arith.constant 0 : i32
    %dma_wait3A_2718 = tpu.memref_slice %arg4[%add3A_2472, %dma_wait3A_2717] : memref<131072x128xf32, #tpu.memory_space<hbm>> -> memref<128x128xf32, #tpu.memory_space<hbm>>
    %dma_wait3A_2719 = arith.constant 0 : i32
    %dma_wait3A_2720 = tpu.memref_slice %arg4[%add3A_2472, %dma_wait3A_2719] : memref<131072x128xf32, #tpu.memory_space<hbm>> -> memref<128x128xf32, #tpu.memory_space<hbm>>
    tpu.wait_dma2 semaphore(%arg25 : memref<!tpu.dma_semaphore, #tpu.memory_space<semaphore_mem>>) src(%arg13 : memref<128x128xf32, #tpu.memory_space<vmem>>) dst(%dma_wait3A_2720 : memref<128x128xf32, #tpu.memory_space<hbm>>)
    %get3A_2721 = arith.constant 23 : i32
    %get3A_2722 = arith.index_cast %get3A_2721 : i32 to index
    %get3A_2723 = arith.constant 0 : index
    %get3A_2724 = tpu.vector_load %arg5[%get3A_2722, %get3A_2723] {strides = array<i32>} : memref<32x128xi32, #tpu.memory_space<vmem>>, vector<1x16xi32>,
    %get3A_2725 = vector.shape_cast %get3A_2724 : vector<1x16xi32> to vector<16xi32>
    %add3A_2726 = arith.addi %get3A_2725, %mul3A_23 : vector<16xi32>
    %swap3A_2727 = arith.constant 23 : i32
    %swap3A_2728 = arith.index_cast %swap3A_2727 : i32 to index
    %swap3A_2729 = arith.constant 0 : index
    %swap3A_2730 = tpu.vector_load %arg5[%swap3A_2728, %swap3A_2729] {strides = array<i32>} : memref<32x128xi32, #tpu.memory_space<vmem>>, vector<1x16xi32>,
    %swap3A_2731 = vector.shape_cast %swap3A_2730 : vector<1x16xi32> to vector<16xi32>
    %swap3A_2732 = vector.shape_cast %add3A_2726 : vector<16xi32> to vector<1x16xi32>
    tpu.vector_store %arg5[%swap3A_2728, %swap3A_2729], %swap3A_2732 {strides = array<i32>} : memref<32x128xi32, #tpu.memory_space<vmem>>, vector<1x16xi32>,
    %get3A_2733 = arith.constant 23 : i32
    %get3A_2734 = arith.index_cast %get3A_2733 : i32 to index
    %get3A_2735 = arith.constant 16 : index
    %get3A_2736 = tpu.vector_load %arg5[%get3A_2734, %get3A_2735] {strides = array<i32>} : memref<32x128xi32, #tpu.memory_space<vmem>>, vector<1x16xi32>,
    %get3A_2737 = vector.shape_cast %get3A_2736 : vector<1x16xi32> to vector<16xi32>
    %add3A_2738 = arith.addi %get3A_2737, %mul3A_23 : vector<16xi32>
    %swap3A_2739 = arith.constant 23 : i32
    %swap3A_2740 = arith.index_cast %swap3A_2739 : i32 to index
    %swap3A_2741 = arith.constant 16 : index
    %swap3A_2742 = tpu.vector_load %arg5[%swap3A_2740, %swap3A_2741] {strides = array<i32>} : memref<32x128xi32, #tpu.memory_space<vmem>>, vector<1x16xi32>,
    %swap3A_2743 = vector.shape_cast %swap3A_2742 : vector<1x16xi32> to vector<16xi32>
    %swap3A_2744 = vector.shape_cast %add3A_2738 : vector<16xi32> to vector<1x16xi32>
    tpu.vector_store %arg5[%swap3A_2740, %swap3A_2741], %swap3A_2744 {strides = array<i32>} : memref<32x128xi32, #tpu.memory_space<vmem>>, vector<1x16xi32>,
    %get3A_2745 = arith.constant 23 : i32
    %get3A_2746 = arith.index_cast %get3A_2745 : i32 to index
    %get3A_2747 = arith.constant 32 : index
    %get3A_2748 = tpu.vector_load %arg5[%get3A_2746, %get3A_2747] {strides = array<i32>} : memref<32x128xi32, #tpu.memory_space<vmem>>, vector<1x16xi32>,
    %get3A_2749 = vector.shape_cast %get3A_2748 : vector<1x16xi32> to vector<16xi32>
    %add3A_2750 = arith.addi %get3A_2749, %mul3A_23 : vector<16xi32>
    %swap3A_2751 = arith.constant 23 : i32
    %swap3A_2752 = arith.index_cast %swap3A_2751 : i32 to index
    %swap3A_2753 = arith.constant 32 : index
    %swap3A_2754 = tpu.vector_load %arg5[%swap3A_2752, %swap3A_2753] {strides = array<i32>} : memref<32x128xi32, #tpu.memory_space<vmem>>, vector<1x16xi32>,
    %swap3A_2755 = vector.shape_cast %swap3A_2754 : vector<1x16xi32> to vector<16xi32>
    %swap3A_2756 = vector.shape_cast %add3A_2750 : vector<16xi32> to vector<1x16xi32>
    tpu.vector_store %arg5[%swap3A_2752, %swap3A_2753], %swap3A_2756 {strides = array<i32>} : memref<32x128xi32, #tpu.memory_space<vmem>>, vector<1x16xi32>,
    %get3A_2757 = arith.constant 23 : i32
    %get3A_2758 = arith.index_cast %get3A_2757 : i32 to index
    %get3A_2759 = arith.constant 48 : index
    %get3A_2760 = tpu.vector_load %arg5[%get3A_2758, %get3A_2759] {strides = array<i32>} : memref<32x128xi32, #tpu.memory_space<vmem>>, vector<1x16xi32>,
    %get3A_2761 = vector.shape_cast %get3A_2760 : vector<1x16xi32> to vector<16xi32>
    %add3A_2762 = arith.addi %get3A_2761, %mul3A_23 : vector<16xi32>
    %swap3A_2763 = arith.constant 23 : i32
    %swap3A_2764 = arith.index_cast %swap3A_2763 : i32 to index
    %swap3A_2765 = arith.constant 48 : index
    %swap3A_2766 = tpu.vector_load %arg5[%swap3A_2764, %swap3A_2765] {strides = array<i32>} : memref<32x128xi32, #tpu.memory_space<vmem>>, vector<1x16xi32>,
    %swap3A_2767 = vector.shape_cast %swap3A_2766 : vector<1x16xi32> to vector<16xi32>
    %swap3A_2768 = vector.shape_cast %add3A_2762 : vector<16xi32> to vector<1x16xi32>
    tpu.vector_store %arg5[%swap3A_2764, %swap3A_2765], %swap3A_2768 {strides = array<i32>} : memref<32x128xi32, #tpu.memory_space<vmem>>, vector<1x16xi32>,
    %get3A_2769 = arith.constant 23 : i32
    %get3A_2770 = arith.index_cast %get3A_2769 : i32 to index
    %get3A_2771 = arith.constant 64 : index
    %get3A_2772 = tpu.vector_load %arg5[%get3A_2770, %get3A_2771] {strides = array<i32>} : memref<32x128xi32, #tpu.memory_space<vmem>>, vector<1x16xi32>,
    %get3A_2773 = vector.shape_cast %get3A_2772 : vector<1x16xi32> to vector<16xi32>
    %add3A_2774 = arith.addi %get3A_2773, %mul3A_23 : vector<16xi32>
    %swap3A_2775 = arith.constant 23 : i32
    %swap3A_2776 = arith.index_cast %swap3A_2775 : i32 to index
    %swap3A_2777 = arith.constant 64 : index
    %swap3A_2778 = tpu.vector_load %arg5[%swap3A_2776, %swap3A_2777] {strides = array<i32>} : memref<32x128xi32, #tpu.memory_space<vmem>>, vector<1x16xi32>,
    %swap3A_2779 = vector.shape_cast %swap3A_2778 : vector<1x16xi32> to vector<16xi32>
    %swap3A_2780 = vector.shape_cast %add3A_2774 : vector<16xi32> to vector<1x16xi32>
    tpu.vector_store %arg5[%swap3A_2776, %swap3A_2777], %swap3A_2780 {strides = array<i32>} : memref<32x128xi32, #tpu.memory_space<vmem>>, vector<1x16xi32>,
    %get3A_2781 = arith.constant 23 : i32
    %get3A_2782 = arith.index_cast %get3A_2781 : i32 to index
    %get3A_2783 = arith.constant 80 : index
    %get3A_2784 = tpu.vector_load %arg5[%get3A_2782, %get3A_2783] {strides = array<i32>} : memref<32x128xi32, #tpu.memory_space<vmem>>, vector<1x16xi32>,
    %get3A_2785 = vector.shape_cast %get3A_2784 : vector<1x16xi32> to vector<16xi32>
    %add3A_2786 = arith.addi %get3A_2785, %mul3A_23 : vector<16xi32>
    %swap3A_2787 = arith.constant 23 : i32
    %swap3A_2788 = arith.index_cast %swap3A_2787 : i32 to index
    %swap3A_2789 = arith.constant 80 : index
    %swap3A_2790 = tpu.vector_load %arg5[%swap3A_2788, %swap3A_2789] {strides = array<i32>} : memref<32x128xi32, #tpu.memory_space<vmem>>, vector<1x16xi32>,
    %swap3A_2791 = vector.shape_cast %swap3A_2790 : vector<1x16xi32> to vector<16xi32>
    %swap3A_2792 = vector.shape_cast %add3A_2786 : vector<16xi32> to vector<1x16xi32>
    tpu.vector_store %arg5[%swap3A_2788, %swap3A_2789], %swap3A_2792 {strides = array<i32>} : memref<32x128xi32, #tpu.memory_space<vmem>>, vector<1x16xi32>,
    %get3A_2793 = arith.constant 23 : i32
    %get3A_2794 = arith.index_cast %get3A_2793 : i32 to index
    %get3A_2795 = arith.constant 96 : index
    %get3A_2796 = tpu.vector_load %arg5[%get3A_2794, %get3A_2795] {strides = array<i32>} : memref<32x128xi32, #tpu.memory_space<vmem>>, vector<1x16xi32>,
    %get3A_2797 = vector.shape_cast %get3A_2796 : vector<1x16xi32> to vector<16xi32>
    %add3A_2798 = arith.addi %get3A_2797, %mul3A_23 : vector<16xi32>
    %swap3A_2799 = arith.constant 23 : i32
    %swap3A_2800 = arith.index_cast %swap3A_2799 : i32 to index
    %swap3A_2801 = arith.constant 96 : index
    %swap3A_2802 = tpu.vector_load %arg5[%swap3A_2800, %swap3A_2801] {strides = array<i32>} : memref<32x128xi32, #tpu.memory_space<vmem>>, vector<1x16xi32>,
    %swap3A_2803 = vector.shape_cast %swap3A_2802 : vector<1x16xi32> to vector<16xi32>
    %swap3A_2804 = vector.shape_cast %add3A_2798 : vector<16xi32> to vector<1x16xi32>
    tpu.vector_store %arg5[%swap3A_2800, %swap3A_2801], %swap3A_2804 {strides = array<i32>} : memref<32x128xi32, #tpu.memory_space<vmem>>, vector<1x16xi32>,
    %get3A_2805 = arith.constant 23 : i32
    %get3A_2806 = arith.index_cast %get3A_2805 : i32 to index
    %get3A_2807 = arith.constant 112 : index
    %get3A_2808 = tpu.vector_load %arg5[%get3A_2806, %get3A_2807] {strides = array<i32>} : memref<32x128xi32, #tpu.memory_space<vmem>>, vector<1x16xi32>,
    %get3A_2809 = vector.shape_cast %get3A_2808 : vector<1x16xi32> to vector<16xi32>
    %add3A_2810 = arith.addi %get3A_2809, %mul3A_23 : vector<16xi32>
    %swap3A_2811 = arith.constant 23 : i32
    %swap3A_2812 = arith.index_cast %swap3A_2811 : i32 to index
    %swap3A_2813 = arith.constant 112 : index
    %swap3A_2814 = tpu.vector_load %arg5[%swap3A_2812, %swap3A_2813] {strides = array<i32>} : memref<32x128xi32, #tpu.memory_space<vmem>>, vector<1x16xi32>,
    %swap3A_2815 = vector.shape_cast %swap3A_2814 : vector<1x16xi32> to vector<16xi32>
    %swap3A_2816 = vector.shape_cast %add3A_2810 : vector<16xi32> to vector<1x16xi32>
    tpu.vector_store %arg5[%swap3A_2812, %swap3A_2813], %swap3A_2816 {strides = array<i32>} : memref<32x128xi32, #tpu.memory_space<vmem>>, vector<1x16xi32>,
    %dma_start3A_2817 = arith.constant 23 : i32
    %dma_start3A_2818 = arith.constant 0 : i32
    %dma_start3A_2819 = tpu.memref_slice %arg5[%dma_start3A_2817, %dma_start3A_2818] : memref<32x128xi32, #tpu.memory_space<vmem>> -> memref<1x128xi32, #tpu.memory_space<vmem>>
    %dma_start3A_2820 = tpu.memref_squeeze %dma_start3A_2819 : memref<1x128xi32, #tpu.memory_space<vmem>> -> memref<128xi32, #tpu.memory_space<vmem>>
    %dma_start3A_2821 = arith.constant 0 : i32
    %dma_start3A_2822 = arith.constant 0 : i32
    %dma_start3A_2823 = tpu.memref_slice %arg7[%dma_start3A_2821, %dma_start3A_2822] : memref<96x128xf32, #tpu.memory_space<vmem_shared>> -> memref<96x128xf32, #tpu.memory_space<vmem_shared>>
    tpu.enqueue_indirect_dma source(%dma_start3A_2823 : memref<96x128xf32, #tpu.memory_space<vmem_shared>>) target(%arg13 : memref<128x128xf32, #tpu.memory_space<vmem>>) offsets(%dma_start3A_2820 : memref<128xi32, #tpu.memory_space<vmem>>) semaphore(%arg19 : memref<!tpu.dma_semaphore, #tpu.memory_space<semaphore_mem>>)
    %dma_wait3A_2824 = arith.constant 20 : i32
    %dma_wait3A_2825 = arith.constant 0 : i32
    %dma_wait3A_2826 = tpu.memref_slice %arg5[%dma_wait3A_2824, %dma_wait3A_2825] : memref<32x128xi32, #tpu.memory_space<vmem>> -> memref<1x128xi32, #tpu.memory_space<vmem>>
    %dma_wait3A_2827 = tpu.memref_squeeze %dma_wait3A_2826 : memref<1x128xi32, #tpu.memory_space<vmem>> -> memref<128xi32, #tpu.memory_space<vmem>>
    %dma_wait3A_2828 = arith.constant 0 : i32
    %dma_wait3A_2829 = arith.constant 0 : i32
    %dma_wait3A_2830 = tpu.memref_slice %arg7[%dma_wait3A_2828, %dma_wait3A_2829] : memref<96x128xf32, #tpu.memory_space<vmem_shared>> -> memref<96x128xf32, #tpu.memory_space<vmem_shared>>
    tpu.wait_indirect_dma semaphore(%arg16 : memref<!tpu.dma_semaphore, #tpu.memory_space<semaphore_mem>>) src(%dma_wait3A_2830 : memref<96x128xf32, #tpu.memory_space<vmem_shared>>) dst(%arg10 : memref<128x128xf32, #tpu.memory_space<vmem>>)
    %add3A_2831 = arith.constant 2560 : i32
    %add3A_2832 = arith.addi %mul3A_2, %add3A_2831 : i32
    %dma_start3A_2833 = arith.constant 0 : i32
    %dma_start3A_2834 = tpu.memref_slice %arg4[%add3A_2832, %dma_start3A_2833] : memref<131072x128xf32, #tpu.memory_space<hbm>> -> memref<128x128xf32, #tpu.memory_space<hbm>>
    %dma_start3A_2835 = arith.constant 0 : i32
    %dma_start3A_2836 = tpu.memref_slice %arg4[%add3A_2832, %dma_start3A_2835] : memref<131072x128xf32, #tpu.memory_space<hbm>> -> memref<128x128xf32, #tpu.memory_space<hbm>>
    tpu.enqueue_dma source(%arg10 : memref<128x128xf32, #tpu.memory_space<vmem>>) target(%dma_start3A_2836 : memref<128x128xf32, #tpu.memory_space<hbm>>) target_semaphore(%arg22 : memref<!tpu.dma_semaphore, #tpu.memory_space<semaphore_mem>>)
    %dma_wait3A_2837 = arith.constant 0 : i32
    %dma_wait3A_2838 = tpu.memref_slice %arg4[%add3A_2592, %dma_wait3A_2837] : memref<131072x128xf32, #tpu.memory_space<hbm>> -> memref<128x128xf32, #tpu.memory_space<hbm>>
    %dma_wait3A_2839 = arith.constant 0 : i32
    %dma_wait3A_2840 = tpu.memref_slice %arg4[%add3A_2592, %dma_wait3A_2839] : memref<131072x128xf32, #tpu.memory_space<hbm>> -> memref<128x128xf32, #tpu.memory_space<hbm>>
    tpu.wait_dma2 semaphore(%arg20 : memref<!tpu.dma_semaphore, #tpu.memory_space<semaphore_mem>>) src(%arg8 : memref<128x128xf32, #tpu.memory_space<vmem>>) dst(%dma_wait3A_2840 : memref<128x128xf32, #tpu.memory_space<hbm>>)
    %get3A_2841 = arith.constant 24 : i32
    %get3A_2842 = arith.index_cast %get3A_2841 : i32 to index
    %get3A_2843 = arith.constant 0 : index
    %get3A_2844 = tpu.vector_load %arg5[%get3A_2842, %get3A_2843] {strides = array<i32>} : memref<32x128xi32, #tpu.memory_space<vmem>>, vector<1x16xi32>,
    %get3A_2845 = vector.shape_cast %get3A_2844 : vector<1x16xi32> to vector<16xi32>
    %add3A_2846 = arith.addi %get3A_2845, %mul3A_23 : vector<16xi32>
    %swap3A_2847 = arith.constant 24 : i32
    %swap3A_2848 = arith.index_cast %swap3A_2847 : i32 to index
    %swap3A_2849 = arith.constant 0 : index
    %swap3A_2850 = tpu.vector_load %arg5[%swap3A_2848, %swap3A_2849] {strides = array<i32>} : memref<32x128xi32, #tpu.memory_space<vmem>>, vector<1x16xi32>,
    %swap3A_2851 = vector.shape_cast %swap3A_2850 : vector<1x16xi32> to vector<16xi32>
    %swap3A_2852 = vector.shape_cast %add3A_2846 : vector<16xi32> to vector<1x16xi32>
    tpu.vector_store %arg5[%swap3A_2848, %swap3A_2849], %swap3A_2852 {strides = array<i32>} : memref<32x128xi32, #tpu.memory_space<vmem>>, vector<1x16xi32>,
    %get3A_2853 = arith.constant 24 : i32
    %get3A_2854 = arith.index_cast %get3A_2853 : i32 to index
    %get3A_2855 = arith.constant 16 : index
    %get3A_2856 = tpu.vector_load %arg5[%get3A_2854, %get3A_2855] {strides = array<i32>} : memref<32x128xi32, #tpu.memory_space<vmem>>, vector<1x16xi32>,
    %get3A_2857 = vector.shape_cast %get3A_2856 : vector<1x16xi32> to vector<16xi32>
    %add3A_2858 = arith.addi %get3A_2857, %mul3A_23 : vector<16xi32>
    %swap3A_2859 = arith.constant 24 : i32
    %swap3A_2860 = arith.index_cast %swap3A_2859 : i32 to index
    %swap3A_2861 = arith.constant 16 : index
    %swap3A_2862 = tpu.vector_load %arg5[%swap3A_2860, %swap3A_2861] {strides = array<i32>} : memref<32x128xi32, #tpu.memory_space<vmem>>, vector<1x16xi32>,
    %swap3A_2863 = vector.shape_cast %swap3A_2862 : vector<1x16xi32> to vector<16xi32>
    %swap3A_2864 = vector.shape_cast %add3A_2858 : vector<16xi32> to vector<1x16xi32>
    tpu.vector_store %arg5[%swap3A_2860, %swap3A_2861], %swap3A_2864 {strides = array<i32>} : memref<32x128xi32, #tpu.memory_space<vmem>>, vector<1x16xi32>,
    %get3A_2865 = arith.constant 24 : i32
    %get3A_2866 = arith.index_cast %get3A_2865 : i32 to index
    %get3A_2867 = arith.constant 32 : index
    %get3A_2868 = tpu.vector_load %arg5[%get3A_2866, %get3A_2867] {strides = array<i32>} : memref<32x128xi32, #tpu.memory_space<vmem>>, vector<1x16xi32>,
    %get3A_2869 = vector.shape_cast %get3A_2868 : vector<1x16xi32> to vector<16xi32>
    %add3A_2870 = arith.addi %get3A_2869, %mul3A_23 : vector<16xi32>
    %swap3A_2871 = arith.constant 24 : i32
    %swap3A_2872 = arith.index_cast %swap3A_2871 : i32 to index
    %swap3A_2873 = arith.constant 32 : index
    %swap3A_2874 = tpu.vector_load %arg5[%swap3A_2872, %swap3A_2873] {strides = array<i32>} : memref<32x128xi32, #tpu.memory_space<vmem>>, vector<1x16xi32>,
    %swap3A_2875 = vector.shape_cast %swap3A_2874 : vector<1x16xi32> to vector<16xi32>
    %swap3A_2876 = vector.shape_cast %add3A_2870 : vector<16xi32> to vector<1x16xi32>
    tpu.vector_store %arg5[%swap3A_2872, %swap3A_2873], %swap3A_2876 {strides = array<i32>} : memref<32x128xi32, #tpu.memory_space<vmem>>, vector<1x16xi32>,
    %get3A_2877 = arith.constant 24 : i32
    %get3A_2878 = arith.index_cast %get3A_2877 : i32 to index
    %get3A_2879 = arith.constant 48 : index
    %get3A_2880 = tpu.vector_load %arg5[%get3A_2878, %get3A_2879] {strides = array<i32>} : memref<32x128xi32, #tpu.memory_space<vmem>>, vector<1x16xi32>,
    %get3A_2881 = vector.shape_cast %get3A_2880 : vector<1x16xi32> to vector<16xi32>
    %add3A_2882 = arith.addi %get3A_2881, %mul3A_23 : vector<16xi32>
    %swap3A_2883 = arith.constant 24 : i32
    %swap3A_2884 = arith.index_cast %swap3A_2883 : i32 to index
    %swap3A_2885 = arith.constant 48 : index
    %swap3A_2886 = tpu.vector_load %arg5[%swap3A_2884, %swap3A_2885] {strides = array<i32>} : memref<32x128xi32, #tpu.memory_space<vmem>>, vector<1x16xi32>,
    %swap3A_2887 = vector.shape_cast %swap3A_2886 : vector<1x16xi32> to vector<16xi32>
    %swap3A_2888 = vector.shape_cast %add3A_2882 : vector<16xi32> to vector<1x16xi32>
    tpu.vector_store %arg5[%swap3A_2884, %swap3A_2885], %swap3A_2888 {strides = array<i32>} : memref<32x128xi32, #tpu.memory_space<vmem>>, vector<1x16xi32>,
    %get3A_2889 = arith.constant 24 : i32
    %get3A_2890 = arith.index_cast %get3A_2889 : i32 to index
    %get3A_2891 = arith.constant 64 : index
    %get3A_2892 = tpu.vector_load %arg5[%get3A_2890, %get3A_2891] {strides = array<i32>} : memref<32x128xi32, #tpu.memory_space<vmem>>, vector<1x16xi32>,
    %get3A_2893 = vector.shape_cast %get3A_2892 : vector<1x16xi32> to vector<16xi32>
    %add3A_2894 = arith.addi %get3A_2893, %mul3A_23 : vector<16xi32>
    %swap3A_2895 = arith.constant 24 : i32
    %swap3A_2896 = arith.index_cast %swap3A_2895 : i32 to index
    %swap3A_2897 = arith.constant 64 : index
    %swap3A_2898 = tpu.vector_load %arg5[%swap3A_2896, %swap3A_2897] {strides = array<i32>} : memref<32x128xi32, #tpu.memory_space<vmem>>, vector<1x16xi32>,
    %swap3A_2899 = vector.shape_cast %swap3A_2898 : vector<1x16xi32> to vector<16xi32>
    %swap3A_2900 = vector.shape_cast %add3A_2894 : vector<16xi32> to vector<1x16xi32>
    tpu.vector_store %arg5[%swap3A_2896, %swap3A_2897], %swap3A_2900 {strides = array<i32>} : memref<32x128xi32, #tpu.memory_space<vmem>>, vector<1x16xi32>,
    %get3A_2901 = arith.constant 24 : i32
    %get3A_2902 = arith.index_cast %get3A_2901 : i32 to index
    %get3A_2903 = arith.constant 80 : index
    %get3A_2904 = tpu.vector_load %arg5[%get3A_2902, %get3A_2903] {strides = array<i32>} : memref<32x128xi32, #tpu.memory_space<vmem>>, vector<1x16xi32>,
    %get3A_2905 = vector.shape_cast %get3A_2904 : vector<1x16xi32> to vector<16xi32>
    %add3A_2906 = arith.addi %get3A_2905, %mul3A_23 : vector<16xi32>
    %swap3A_2907 = arith.constant 24 : i32
    %swap3A_2908 = arith.index_cast %swap3A_2907 : i32 to index
    %swap3A_2909 = arith.constant 80 : index
    %swap3A_2910 = tpu.vector_load %arg5[%swap3A_2908, %swap3A_2909] {strides = array<i32>} : memref<32x128xi32, #tpu.memory_space<vmem>>, vector<1x16xi32>,
    %swap3A_2911 = vector.shape_cast %swap3A_2910 : vector<1x16xi32> to vector<16xi32>
    %swap3A_2912 = vector.shape_cast %add3A_2906 : vector<16xi32> to vector<1x16xi32>
    tpu.vector_store %arg5[%swap3A_2908, %swap3A_2909], %swap3A_2912 {strides = array<i32>} : memref<32x128xi32, #tpu.memory_space<vmem>>, vector<1x16xi32>,
    %get3A_2913 = arith.constant 24 : i32
    %get3A_2914 = arith.index_cast %get3A_2913 : i32 to index
    %get3A_2915 = arith.constant 96 : index
    %get3A_2916 = tpu.vector_load %arg5[%get3A_2914, %get3A_2915] {strides = array<i32>} : memref<32x128xi32, #tpu.memory_space<vmem>>, vector<1x16xi32>,
    %get3A_2917 = vector.shape_cast %get3A_2916 : vector<1x16xi32> to vector<16xi32>
    %add3A_2918 = arith.addi %get3A_2917, %mul3A_23 : vector<16xi32>
    %swap3A_2919 = arith.constant 24 : i32
    %swap3A_2920 = arith.index_cast %swap3A_2919 : i32 to index
    %swap3A_2921 = arith.constant 96 : index
    %swap3A_2922 = tpu.vector_load %arg5[%swap3A_2920, %swap3A_2921] {strides = array<i32>} : memref<32x128xi32, #tpu.memory_space<vmem>>, vector<1x16xi32>,
    %swap3A_2923 = vector.shape_cast %swap3A_2922 : vector<1x16xi32> to vector<16xi32>
    %swap3A_2924 = vector.shape_cast %add3A_2918 : vector<16xi32> to vector<1x16xi32>
    tpu.vector_store %arg5[%swap3A_2920, %swap3A_2921], %swap3A_2924 {strides = array<i32>} : memref<32x128xi32, #tpu.memory_space<vmem>>, vector<1x16xi32>,
    %get3A_2925 = arith.constant 24 : i32
    %get3A_2926 = arith.index_cast %get3A_2925 : i32 to index
    %get3A_2927 = arith.constant 112 : index
    %get3A_2928 = tpu.vector_load %arg5[%get3A_2926, %get3A_2927] {strides = array<i32>} : memref<32x128xi32, #tpu.memory_space<vmem>>, vector<1x16xi32>,
    %get3A_2929 = vector.shape_cast %get3A_2928 : vector<1x16xi32> to vector<16xi32>
    %add3A_2930 = arith.addi %get3A_2929, %mul3A_23 : vector<16xi32>
    %swap3A_2931 = arith.constant 24 : i32
    %swap3A_2932 = arith.index_cast %swap3A_2931 : i32 to index
    %swap3A_2933 = arith.constant 112 : index
    %swap3A_2934 = tpu.vector_load %arg5[%swap3A_2932, %swap3A_2933] {strides = array<i32>} : memref<32x128xi32, #tpu.memory_space<vmem>>, vector<1x16xi32>,
    %swap3A_2935 = vector.shape_cast %swap3A_2934 : vector<1x16xi32> to vector<16xi32>
    %swap3A_2936 = vector.shape_cast %add3A_2930 : vector<16xi32> to vector<1x16xi32>
    tpu.vector_store %arg5[%swap3A_2932, %swap3A_2933], %swap3A_2936 {strides = array<i32>} : memref<32x128xi32, #tpu.memory_space<vmem>>, vector<1x16xi32>,
    %dma_start3A_2937 = arith.constant 24 : i32
    %dma_start3A_2938 = arith.constant 0 : i32
    %dma_start3A_2939 = tpu.memref_slice %arg5[%dma_start3A_2937, %dma_start3A_2938] : memref<32x128xi32, #tpu.memory_space<vmem>> -> memref<1x128xi32, #tpu.memory_space<vmem>>
    %dma_start3A_2940 = tpu.memref_squeeze %dma_start3A_2939 : memref<1x128xi32, #tpu.memory_space<vmem>> -> memref<128xi32, #tpu.memory_space<vmem>>
    %dma_start3A_2941 = arith.constant 0 : i32
    %dma_start3A_2942 = arith.constant 0 : i32
    %dma_start3A_2943 = tpu.memref_slice %arg7[%dma_start3A_2941, %dma_start3A_2942] : memref<96x128xf32, #tpu.memory_space<vmem_shared>> -> memref<96x128xf32, #tpu.memory_space<vmem_shared>>
    tpu.enqueue_indirect_dma source(%dma_start3A_2943 : memref<96x128xf32, #tpu.memory_space<vmem_shared>>) target(%arg8 : memref<128x128xf32, #tpu.memory_space<vmem>>) offsets(%dma_start3A_2940 : memref<128xi32, #tpu.memory_space<vmem>>) semaphore(%arg14 : memref<!tpu.dma_semaphore, #tpu.memory_space<semaphore_mem>>)
    %dma_wait3A_2944 = arith.constant 21 : i32
    %dma_wait3A_2945 = arith.constant 0 : i32
    %dma_wait3A_2946 = tpu.memref_slice %arg5[%dma_wait3A_2944, %dma_wait3A_2945] : memref<32x128xi32, #tpu.memory_space<vmem>> -> memref<1x128xi32, #tpu.memory_space<vmem>>
    %dma_wait3A_2947 = tpu.memref_squeeze %dma_wait3A_2946 : memref<1x128xi32, #tpu.memory_space<vmem>> -> memref<128xi32, #tpu.memory_space<vmem>>
    %dma_wait3A_2948 = arith.constant 0 : i32
    %dma_wait3A_2949 = arith.constant 0 : i32
    %dma_wait3A_2950 = tpu.memref_slice %arg7[%dma_wait3A_2948, %dma_wait3A_2949] : memref<96x128xf32, #tpu.memory_space<vmem_shared>> -> memref<96x128xf32, #tpu.memory_space<vmem_shared>>
    tpu.wait_indirect_dma semaphore(%arg17 : memref<!tpu.dma_semaphore, #tpu.memory_space<semaphore_mem>>) src(%dma_wait3A_2950 : memref<96x128xf32, #tpu.memory_space<vmem_shared>>) dst(%arg11 : memref<128x128xf32, #tpu.memory_space<vmem>>)
    %add3A_2951 = arith.constant 2688 : i32
    %add3A_2952 = arith.addi %mul3A_2, %add3A_2951 : i32
    %dma_start3A_2953 = arith.constant 0 : i32
    %dma_start3A_2954 = tpu.memref_slice %arg4[%add3A_2952, %dma_start3A_2953] : memref<131072x128xf32, #tpu.memory_space<hbm>> -> memref<128x128xf32, #tpu.memory_space<hbm>>
    %dma_start3A_2955 = arith.constant 0 : i32
    %dma_start3A_2956 = tpu.memref_slice %arg4[%add3A_2952, %dma_start3A_2955] : memref<131072x128xf32, #tpu.memory_space<hbm>> -> memref<128x128xf32, #tpu.memory_space<hbm>>
    tpu.enqueue_dma source(%arg11 : memref<128x128xf32, #tpu.memory_space<vmem>>) target(%dma_start3A_2956 : memref<128x128xf32, #tpu.memory_space<hbm>>) target_semaphore(%arg23 : memref<!tpu.dma_semaphore, #tpu.memory_space<semaphore_mem>>)
    %dma_wait3A_2957 = arith.constant 0 : i32
    %dma_wait3A_2958 = tpu.memref_slice %arg4[%add3A_2712, %dma_wait3A_2957] : memref<131072x128xf32, #tpu.memory_space<hbm>> -> memref<128x128xf32, #tpu.memory_space<hbm>>
    %dma_wait3A_2959 = arith.constant 0 : i32
    %dma_wait3A_2960 = tpu.memref_slice %arg4[%add3A_2712, %dma_wait3A_2959] : memref<131072x128xf32, #tpu.memory_space<hbm>> -> memref<128x128xf32, #tpu.memory_space<hbm>>
    tpu.wait_dma2 semaphore(%arg21 : memref<!tpu.dma_semaphore, #tpu.memory_space<semaphore_mem>>) src(%arg9 : memref<128x128xf32, #tpu.memory_space<vmem>>) dst(%dma_wait3A_2960 : memref<128x128xf32, #tpu.memory_space<hbm>>)
    %get3A_2961 = arith.constant 25 : i32
    %get3A_2962 = arith.index_cast %get3A_2961 : i32 to index
    %get3A_2963 = arith.constant 0 : index
    %get3A_2964 = tpu.vector_load %arg5[%get3A_2962, %get3A_2963] {strides = array<i32>} : memref<32x128xi32, #tpu.memory_space<vmem>>, vector<1x16xi32>,
    %get3A_2965 = vector.shape_cast %get3A_2964 : vector<1x16xi32> to vector<16xi32>
    %add3A_2966 = arith.addi %get3A_2965, %mul3A_23 : vector<16xi32>
    %swap3A_2967 = arith.constant 25 : i32
    %swap3A_2968 = arith.index_cast %swap3A_2967 : i32 to index
    %swap3A_2969 = arith.constant 0 : index
    %swap3A_2970 = tpu.vector_load %arg5[%swap3A_2968, %swap3A_2969] {strides = array<i32>} : memref<32x128xi32, #tpu.memory_space<vmem>>, vector<1x16xi32>,
    %swap3A_2971 = vector.shape_cast %swap3A_2970 : vector<1x16xi32> to vector<16xi32>
    %swap3A_2972 = vector.shape_cast %add3A_2966 : vector<16xi32> to vector<1x16xi32>
    tpu.vector_store %arg5[%swap3A_2968, %swap3A_2969], %swap3A_2972 {strides = array<i32>} : memref<32x128xi32, #tpu.memory_space<vmem>>, vector<1x16xi32>,
    %get3A_2973 = arith.constant 25 : i32
    %get3A_2974 = arith.index_cast %get3A_2973 : i32 to index
    %get3A_2975 = arith.constant 16 : index
    %get3A_2976 = tpu.vector_load %arg5[%get3A_2974, %get3A_2975] {strides = array<i32>} : memref<32x128xi32, #tpu.memory_space<vmem>>, vector<1x16xi32>,
    %get3A_2977 = vector.shape_cast %get3A_2976 : vector<1x16xi32> to vector<16xi32>
    %add3A_2978 = arith.addi %get3A_2977, %mul3A_23 : vector<16xi32>
    %swap3A_2979 = arith.constant 25 : i32
    %swap3A_2980 = arith.index_cast %swap3A_2979 : i32 to index
    %swap3A_2981 = arith.constant 16 : index
    %swap3A_2982 = tpu.vector_load %arg5[%swap3A_2980, %swap3A_2981] {strides = array<i32>} : memref<32x128xi32, #tpu.memory_space<vmem>>, vector<1x16xi32>,
    %swap3A_2983 = vector.shape_cast %swap3A_2982 : vector<1x16xi32> to vector<16xi32>
    %swap3A_2984 = vector.shape_cast %add3A_2978 : vector<16xi32> to vector<1x16xi32>
    tpu.vector_store %arg5[%swap3A_2980, %swap3A_2981], %swap3A_2984 {strides = array<i32>} : memref<32x128xi32, #tpu.memory_space<vmem>>, vector<1x16xi32>,
    %get3A_2985 = arith.constant 25 : i32
    %get3A_2986 = arith.index_cast %get3A_2985 : i32 to index
    %get3A_2987 = arith.constant 32 : index
    %get3A_2988 = tpu.vector_load %arg5[%get3A_2986, %get3A_2987] {strides = array<i32>} : memref<32x128xi32, #tpu.memory_space<vmem>>, vector<1x16xi32>,
    %get3A_2989 = vector.shape_cast %get3A_2988 : vector<1x16xi32> to vector<16xi32>
    %add3A_2990 = arith.addi %get3A_2989, %mul3A_23 : vector<16xi32>
    %swap3A_2991 = arith.constant 25 : i32
    %swap3A_2992 = arith.index_cast %swap3A_2991 : i32 to index
    %swap3A_2993 = arith.constant 32 : index
    %swap3A_2994 = tpu.vector_load %arg5[%swap3A_2992, %swap3A_2993] {strides = array<i32>} : memref<32x128xi32, #tpu.memory_space<vmem>>, vector<1x16xi32>,
    %swap3A_2995 = vector.shape_cast %swap3A_2994 : vector<1x16xi32> to vector<16xi32>
    %swap3A_2996 = vector.shape_cast %add3A_2990 : vector<16xi32> to vector<1x16xi32>
    tpu.vector_store %arg5[%swap3A_2992, %swap3A_2993], %swap3A_2996 {strides = array<i32>} : memref<32x128xi32, #tpu.memory_space<vmem>>, vector<1x16xi32>,
    %get3A_2997 = arith.constant 25 : i32
    %get3A_2998 = arith.index_cast %get3A_2997 : i32 to index
    %get3A_2999 = arith.constant 48 : index
    %get3A_3000 = tpu.vector_load %arg5[%get3A_2998, %get3A_2999] {strides = array<i32>} : memref<32x128xi32, #tpu.memory_space<vmem>>, vector<1x16xi32>,
    %get3A_3001 = vector.shape_cast %get3A_3000 : vector<1x16xi32> to vector<16xi32>
    %add3A_3002 = arith.addi %get3A_3001, %mul3A_23 : vector<16xi32>
    %swap3A_3003 = arith.constant 25 : i32
    %swap3A_3004 = arith.index_cast %swap3A_3003 : i32 to index
    %swap3A_3005 = arith.constant 48 : index
    %swap3A_3006 = tpu.vector_load %arg5[%swap3A_3004, %swap3A_3005] {strides = array<i32>} : memref<32x128xi32, #tpu.memory_space<vmem>>, vector<1x16xi32>,
    %swap3A_3007 = vector.shape_cast %swap3A_3006 : vector<1x16xi32> to vector<16xi32>
    %swap3A_3008 = vector.shape_cast %add3A_3002 : vector<16xi32> to vector<1x16xi32>
    tpu.vector_store %arg5[%swap3A_3004, %swap3A_3005], %swap3A_3008 {strides = array<i32>} : memref<32x128xi32, #tpu.memory_space<vmem>>, vector<1x16xi32>,
    %get3A_3009 = arith.constant 25 : i32
    %get3A_3010 = arith.index_cast %get3A_3009 : i32 to index
    %get3A_3011 = arith.constant 64 : index
    %get3A_3012 = tpu.vector_load %arg5[%get3A_3010, %get3A_3011] {strides = array<i32>} : memref<32x128xi32, #tpu.memory_space<vmem>>, vector<1x16xi32>,
    %get3A_3013 = vector.shape_cast %get3A_3012 : vector<1x16xi32> to vector<16xi32>
    %add3A_3014 = arith.addi %get3A_3013, %mul3A_23 : vector<16xi32>
    %swap3A_3015 = arith.constant 25 : i32
    %swap3A_3016 = arith.index_cast %swap3A_3015 : i32 to index
    %swap3A_3017 = arith.constant 64 : index
    %swap3A_3018 = tpu.vector_load %arg5[%swap3A_3016, %swap3A_3017] {strides = array<i32>} : memref<32x128xi32, #tpu.memory_space<vmem>>, vector<1x16xi32>,
    %swap3A_3019 = vector.shape_cast %swap3A_3018 : vector<1x16xi32> to vector<16xi32>
    %swap3A_3020 = vector.shape_cast %add3A_3014 : vector<16xi32> to vector<1x16xi32>
    tpu.vector_store %arg5[%swap3A_3016, %swap3A_3017], %swap3A_3020 {strides = array<i32>} : memref<32x128xi32, #tpu.memory_space<vmem>>, vector<1x16xi32>,
    %get3A_3021 = arith.constant 25 : i32
    %get3A_3022 = arith.index_cast %get3A_3021 : i32 to index
    %get3A_3023 = arith.constant 80 : index
    %get3A_3024 = tpu.vector_load %arg5[%get3A_3022, %get3A_3023] {strides = array<i32>} : memref<32x128xi32, #tpu.memory_space<vmem>>, vector<1x16xi32>,
    %get3A_3025 = vector.shape_cast %get3A_3024 : vector<1x16xi32> to vector<16xi32>
    %add3A_3026 = arith.addi %get3A_3025, %mul3A_23 : vector<16xi32>
    %swap3A_3027 = arith.constant 25 : i32
    %swap3A_3028 = arith.index_cast %swap3A_3027 : i32 to index
    %swap3A_3029 = arith.constant 80 : index
    %swap3A_3030 = tpu.vector_load %arg5[%swap3A_3028, %swap3A_3029] {strides = array<i32>} : memref<32x128xi32, #tpu.memory_space<vmem>>, vector<1x16xi32>,
    %swap3A_3031 = vector.shape_cast %swap3A_3030 : vector<1x16xi32> to vector<16xi32>
    %swap3A_3032 = vector.shape_cast %add3A_3026 : vector<16xi32> to vector<1x16xi32>
    tpu.vector_store %arg5[%swap3A_3028, %swap3A_3029], %swap3A_3032 {strides = array<i32>} : memref<32x128xi32, #tpu.memory_space<vmem>>, vector<1x16xi32>,
    %get3A_3033 = arith.constant 25 : i32
    %get3A_3034 = arith.index_cast %get3A_3033 : i32 to index
    %get3A_3035 = arith.constant 96 : index
    %get3A_3036 = tpu.vector_load %arg5[%get3A_3034, %get3A_3035] {strides = array<i32>} : memref<32x128xi32, #tpu.memory_space<vmem>>, vector<1x16xi32>,
    %get3A_3037 = vector.shape_cast %get3A_3036 : vector<1x16xi32> to vector<16xi32>
    %add3A_3038 = arith.addi %get3A_3037, %mul3A_23 : vector<16xi32>
    %swap3A_3039 = arith.constant 25 : i32
    %swap3A_3040 = arith.index_cast %swap3A_3039 : i32 to index
    %swap3A_3041 = arith.constant 96 : index
    %swap3A_3042 = tpu.vector_load %arg5[%swap3A_3040, %swap3A_3041] {strides = array<i32>} : memref<32x128xi32, #tpu.memory_space<vmem>>, vector<1x16xi32>,
    %swap3A_3043 = vector.shape_cast %swap3A_3042 : vector<1x16xi32> to vector<16xi32>
    %swap3A_3044 = vector.shape_cast %add3A_3038 : vector<16xi32> to vector<1x16xi32>
    tpu.vector_store %arg5[%swap3A_3040, %swap3A_3041], %swap3A_3044 {strides = array<i32>} : memref<32x128xi32, #tpu.memory_space<vmem>>, vector<1x16xi32>,
    %get3A_3045 = arith.constant 25 : i32
    %get3A_3046 = arith.index_cast %get3A_3045 : i32 to index
    %get3A_3047 = arith.constant 112 : index
    %get3A_3048 = tpu.vector_load %arg5[%get3A_3046, %get3A_3047] {strides = array<i32>} : memref<32x128xi32, #tpu.memory_space<vmem>>, vector<1x16xi32>,
    %get3A_3049 = vector.shape_cast %get3A_3048 : vector<1x16xi32> to vector<16xi32>
    %add3A_3050 = arith.addi %get3A_3049, %mul3A_23 : vector<16xi32>
    %swap3A_3051 = arith.constant 25 : i32
    %swap3A_3052 = arith.index_cast %swap3A_3051 : i32 to index
    %swap3A_3053 = arith.constant 112 : index
    %swap3A_3054 = tpu.vector_load %arg5[%swap3A_3052, %swap3A_3053] {strides = array<i32>} : memref<32x128xi32, #tpu.memory_space<vmem>>, vector<1x16xi32>,
    %swap3A_3055 = vector.shape_cast %swap3A_3054 : vector<1x16xi32> to vector<16xi32>
    %swap3A_3056 = vector.shape_cast %add3A_3050 : vector<16xi32> to vector<1x16xi32>
    tpu.vector_store %arg5[%swap3A_3052, %swap3A_3053], %swap3A_3056 {strides = array<i32>} : memref<32x128xi32, #tpu.memory_space<vmem>>, vector<1x16xi32>,
    %dma_start3A_3057 = arith.constant 25 : i32
    %dma_start3A_3058 = arith.constant 0 : i32
    %dma_start3A_3059 = tpu.memref_slice %arg5[%dma_start3A_3057, %dma_start3A_3058] : memref<32x128xi32, #tpu.memory_space<vmem>> -> memref<1x128xi32, #tpu.memory_space<vmem>>
    %dma_start3A_3060 = tpu.memref_squeeze %dma_start3A_3059 : memref<1x128xi32, #tpu.memory_space<vmem>> -> memref<128xi32, #tpu.memory_space<vmem>>
    %dma_start3A_3061 = arith.constant 0 : i32
    %dma_start3A_3062 = arith.constant 0 : i32
    %dma_start3A_3063 = tpu.memref_slice %arg7[%dma_start3A_3061, %dma_start3A_3062] : memref<96x128xf32, #tpu.memory_space<vmem_shared>> -> memref<96x128xf32, #tpu.memory_space<vmem_shared>>
    tpu.enqueue_indirect_dma source(%dma_start3A_3063 : memref<96x128xf32, #tpu.memory_space<vmem_shared>>) target(%arg9 : memref<128x128xf32, #tpu.memory_space<vmem>>) offsets(%dma_start3A_3060 : memref<128xi32, #tpu.memory_space<vmem>>) semaphore(%arg15 : memref<!tpu.dma_semaphore, #tpu.memory_space<semaphore_mem>>)
    %dma_wait3A_3064 = arith.constant 22 : i32
    %dma_wait3A_3065 = arith.constant 0 : i32
    %dma_wait3A_3066 = tpu.memref_slice %arg5[%dma_wait3A_3064, %dma_wait3A_3065] : memref<32x128xi32, #tpu.memory_space<vmem>> -> memref<1x128xi32, #tpu.memory_space<vmem>>
    %dma_wait3A_3067 = tpu.memref_squeeze %dma_wait3A_3066 : memref<1x128xi32, #tpu.memory_space<vmem>> -> memref<128xi32, #tpu.memory_space<vmem>>
    %dma_wait3A_3068 = arith.constant 0 : i32
    %dma_wait3A_3069 = arith.constant 0 : i32
    %dma_wait3A_3070 = tpu.memref_slice %arg7[%dma_wait3A_3068, %dma_wait3A_3069] : memref<96x128xf32, #tpu.memory_space<vmem_shared>> -> memref<96x128xf32, #tpu.memory_space<vmem_shared>>
    tpu.wait_indirect_dma semaphore(%arg18 : memref<!tpu.dma_semaphore, #tpu.memory_space<semaphore_mem>>) src(%dma_wait3A_3070 : memref<96x128xf32, #tpu.memory_space<vmem_shared>>) dst(%arg12 : memref<128x128xf32, #tpu.memory_space<vmem>>)
    %add3A_3071 = arith.constant 2816 : i32
    %add3A_3072 = arith.addi %mul3A_2, %add3A_3071 : i32
    %dma_start3A_3073 = arith.constant 0 : i32
    %dma_start3A_3074 = tpu.memref_slice %arg4[%add3A_3072, %dma_start3A_3073] : memref<131072x128xf32, #tpu.memory_space<hbm>> -> memref<128x128xf32, #tpu.memory_space<hbm>>
    %dma_start3A_3075 = arith.constant 0 : i32
    %dma_start3A_3076 = tpu.memref_slice %arg4[%add3A_3072, %dma_start3A_3075] : memref<131072x128xf32, #tpu.memory_space<hbm>> -> memref<128x128xf32, #tpu.memory_space<hbm>>
    tpu.enqueue_dma source(%arg12 : memref<128x128xf32, #tpu.memory_space<vmem>>) target(%dma_start3A_3076 : memref<128x128xf32, #tpu.memory_space<hbm>>) target_semaphore(%arg24 : memref<!tpu.dma_semaphore, #tpu.memory_space<semaphore_mem>>)
    %dma_wait3A_3077 = arith.constant 0 : i32
    %dma_wait3A_3078 = tpu.memref_slice %arg4[%add3A_2832, %dma_wait3A_3077] : memref<131072x128xf32, #tpu.memory_space<hbm>> -> memref<128x128xf32, #tpu.memory_space<hbm>>
    %dma_wait3A_3079 = arith.constant 0 : i32
    %dma_wait3A_3080 = tpu.memref_slice %arg4[%add3A_2832, %dma_wait3A_3079] : memref<131072x128xf32, #tpu.memory_space<hbm>> -> memref<128x128xf32, #tpu.memory_space<hbm>>
    tpu.wait_dma2 semaphore(%arg22 : memref<!tpu.dma_semaphore, #tpu.memory_space<semaphore_mem>>) src(%arg10 : memref<128x128xf32, #tpu.memory_space<vmem>>) dst(%dma_wait3A_3080 : memref<128x128xf32, #tpu.memory_space<hbm>>)
    %get3A_3081 = arith.constant 26 : i32
    %get3A_3082 = arith.index_cast %get3A_3081 : i32 to index
    %get3A_3083 = arith.constant 0 : index
    %get3A_3084 = tpu.vector_load %arg5[%get3A_3082, %get3A_3083] {strides = array<i32>} : memref<32x128xi32, #tpu.memory_space<vmem>>, vector<1x16xi32>,
    %get3A_3085 = vector.shape_cast %get3A_3084 : vector<1x16xi32> to vector<16xi32>
    %add3A_3086 = arith.addi %get3A_3085, %mul3A_23 : vector<16xi32>
    %swap3A_3087 = arith.constant 26 : i32
    %swap3A_3088 = arith.index_cast %swap3A_3087 : i32 to index
    %swap3A_3089 = arith.constant 0 : index
    %swap3A_3090 = tpu.vector_load %arg5[%swap3A_3088, %swap3A_3089] {strides = array<i32>} : memref<32x128xi32, #tpu.memory_space<vmem>>, vector<1x16xi32>,
    %swap3A_3091 = vector.shape_cast %swap3A_3090 : vector<1x16xi32> to vector<16xi32>
    %swap3A_3092 = vector.shape_cast %add3A_3086 : vector<16xi32> to vector<1x16xi32>
    tpu.vector_store %arg5[%swap3A_3088, %swap3A_3089], %swap3A_3092 {strides = array<i32>} : memref<32x128xi32, #tpu.memory_space<vmem>>, vector<1x16xi32>,
    %get3A_3093 = arith.constant 26 : i32
    %get3A_3094 = arith.index_cast %get3A_3093 : i32 to index
    %get3A_3095 = arith.constant 16 : index
    %get3A_3096 = tpu.vector_load %arg5[%get3A_3094, %get3A_3095] {strides = array<i32>} : memref<32x128xi32, #tpu.memory_space<vmem>>, vector<1x16xi32>,
    %get3A_3097 = vector.shape_cast %get3A_3096 : vector<1x16xi32> to vector<16xi32>
    %add3A_3098 = arith.addi %get3A_3097, %mul3A_23 : vector<16xi32>
    %swap3A_3099 = arith.constant 26 : i32
    %swap3A_3100 = arith.index_cast %swap3A_3099 : i32 to index
    %swap3A_3101 = arith.constant 16 : index
    %swap3A_3102 = tpu.vector_load %arg5[%swap3A_3100, %swap3A_3101] {strides = array<i32>} : memref<32x128xi32, #tpu.memory_space<vmem>>, vector<1x16xi32>,
    %swap3A_3103 = vector.shape_cast %swap3A_3102 : vector<1x16xi32> to vector<16xi32>
    %swap3A_3104 = vector.shape_cast %add3A_3098 : vector<16xi32> to vector<1x16xi32>
    tpu.vector_store %arg5[%swap3A_3100, %swap3A_3101], %swap3A_3104 {strides = array<i32>} : memref<32x128xi32, #tpu.memory_space<vmem>>, vector<1x16xi32>,
    %get3A_3105 = arith.constant 26 : i32
    %get3A_3106 = arith.index_cast %get3A_3105 : i32 to index
    %get3A_3107 = arith.constant 32 : index
    %get3A_3108 = tpu.vector_load %arg5[%get3A_3106, %get3A_3107] {strides = array<i32>} : memref<32x128xi32, #tpu.memory_space<vmem>>, vector<1x16xi32>,
    %get3A_3109 = vector.shape_cast %get3A_3108 : vector<1x16xi32> to vector<16xi32>
    %add3A_3110 = arith.addi %get3A_3109, %mul3A_23 : vector<16xi32>
    %swap3A_3111 = arith.constant 26 : i32
    %swap3A_3112 = arith.index_cast %swap3A_3111 : i32 to index
    %swap3A_3113 = arith.constant 32 : index
    %swap3A_3114 = tpu.vector_load %arg5[%swap3A_3112, %swap3A_3113] {strides = array<i32>} : memref<32x128xi32, #tpu.memory_space<vmem>>, vector<1x16xi32>,
    %swap3A_3115 = vector.shape_cast %swap3A_3114 : vector<1x16xi32> to vector<16xi32>
    %swap3A_3116 = vector.shape_cast %add3A_3110 : vector<16xi32> to vector<1x16xi32>
    tpu.vector_store %arg5[%swap3A_3112, %swap3A_3113], %swap3A_3116 {strides = array<i32>} : memref<32x128xi32, #tpu.memory_space<vmem>>, vector<1x16xi32>,
    %get3A_3117 = arith.constant 26 : i32
    %get3A_3118 = arith.index_cast %get3A_3117 : i32 to index
    %get3A_3119 = arith.constant 48 : index
    %get3A_3120 = tpu.vector_load %arg5[%get3A_3118, %get3A_3119] {strides = array<i32>} : memref<32x128xi32, #tpu.memory_space<vmem>>, vector<1x16xi32>,
    %get3A_3121 = vector.shape_cast %get3A_3120 : vector<1x16xi32> to vector<16xi32>
    %add3A_3122 = arith.addi %get3A_3121, %mul3A_23 : vector<16xi32>
    %swap3A_3123 = arith.constant 26 : i32
    %swap3A_3124 = arith.index_cast %swap3A_3123 : i32 to index
    %swap3A_3125 = arith.constant 48 : index
    %swap3A_3126 = tpu.vector_load %arg5[%swap3A_3124, %swap3A_3125] {strides = array<i32>} : memref<32x128xi32, #tpu.memory_space<vmem>>, vector<1x16xi32>,
    %swap3A_3127 = vector.shape_cast %swap3A_3126 : vector<1x16xi32> to vector<16xi32>
    %swap3A_3128 = vector.shape_cast %add3A_3122 : vector<16xi32> to vector<1x16xi32>
    tpu.vector_store %arg5[%swap3A_3124, %swap3A_3125], %swap3A_3128 {strides = array<i32>} : memref<32x128xi32, #tpu.memory_space<vmem>>, vector<1x16xi32>,
    %get3A_3129 = arith.constant 26 : i32
    %get3A_3130 = arith.index_cast %get3A_3129 : i32 to index
    %get3A_3131 = arith.constant 64 : index
    %get3A_3132 = tpu.vector_load %arg5[%get3A_3130, %get3A_3131] {strides = array<i32>} : memref<32x128xi32, #tpu.memory_space<vmem>>, vector<1x16xi32>,
    %get3A_3133 = vector.shape_cast %get3A_3132 : vector<1x16xi32> to vector<16xi32>
    %add3A_3134 = arith.addi %get3A_3133, %mul3A_23 : vector<16xi32>
    %swap3A_3135 = arith.constant 26 : i32
    %swap3A_3136 = arith.index_cast %swap3A_3135 : i32 to index
    %swap3A_3137 = arith.constant 64 : index
    %swap3A_3138 = tpu.vector_load %arg5[%swap3A_3136, %swap3A_3137] {strides = array<i32>} : memref<32x128xi32, #tpu.memory_space<vmem>>, vector<1x16xi32>,
    %swap3A_3139 = vector.shape_cast %swap3A_3138 : vector<1x16xi32> to vector<16xi32>
    %swap3A_3140 = vector.shape_cast %add3A_3134 : vector<16xi32> to vector<1x16xi32>
    tpu.vector_store %arg5[%swap3A_3136, %swap3A_3137], %swap3A_3140 {strides = array<i32>} : memref<32x128xi32, #tpu.memory_space<vmem>>, vector<1x16xi32>,
    %get3A_3141 = arith.constant 26 : i32
    %get3A_3142 = arith.index_cast %get3A_3141 : i32 to index
    %get3A_3143 = arith.constant 80 : index
    %get3A_3144 = tpu.vector_load %arg5[%get3A_3142, %get3A_3143] {strides = array<i32>} : memref<32x128xi32, #tpu.memory_space<vmem>>, vector<1x16xi32>,
    %get3A_3145 = vector.shape_cast %get3A_3144 : vector<1x16xi32> to vector<16xi32>
    %add3A_3146 = arith.addi %get3A_3145, %mul3A_23 : vector<16xi32>
    %swap3A_3147 = arith.constant 26 : i32
    %swap3A_3148 = arith.index_cast %swap3A_3147 : i32 to index
    %swap3A_3149 = arith.constant 80 : index
    %swap3A_3150 = tpu.vector_load %arg5[%swap3A_3148, %swap3A_3149] {strides = array<i32>} : memref<32x128xi32, #tpu.memory_space<vmem>>, vector<1x16xi32>,
    %swap3A_3151 = vector.shape_cast %swap3A_3150 : vector<1x16xi32> to vector<16xi32>
    %swap3A_3152 = vector.shape_cast %add3A_3146 : vector<16xi32> to vector<1x16xi32>
    tpu.vector_store %arg5[%swap3A_3148, %swap3A_3149], %swap3A_3152 {strides = array<i32>} : memref<32x128xi32, #tpu.memory_space<vmem>>, vector<1x16xi32>,
    %get3A_3153 = arith.constant 26 : i32
    %get3A_3154 = arith.index_cast %get3A_3153 : i32 to index
    %get3A_3155 = arith.constant 96 : index
    %get3A_3156 = tpu.vector_load %arg5[%get3A_3154, %get3A_3155] {strides = array<i32>} : memref<32x128xi32, #tpu.memory_space<vmem>>, vector<1x16xi32>,
    %get3A_3157 = vector.shape_cast %get3A_3156 : vector<1x16xi32> to vector<16xi32>
    %add3A_3158 = arith.addi %get3A_3157, %mul3A_23 : vector<16xi32>
    %swap3A_3159 = arith.constant 26 : i32
    %swap3A_3160 = arith.index_cast %swap3A_3159 : i32 to index
    %swap3A_3161 = arith.constant 96 : index
    %swap3A_3162 = tpu.vector_load %arg5[%swap3A_3160, %swap3A_3161] {strides = array<i32>} : memref<32x128xi32, #tpu.memory_space<vmem>>, vector<1x16xi32>,
    %swap3A_3163 = vector.shape_cast %swap3A_3162 : vector<1x16xi32> to vector<16xi32>
    %swap3A_3164 = vector.shape_cast %add3A_3158 : vector<16xi32> to vector<1x16xi32>
    tpu.vector_store %arg5[%swap3A_3160, %swap3A_3161], %swap3A_3164 {strides = array<i32>} : memref<32x128xi32, #tpu.memory_space<vmem>>, vector<1x16xi32>,
    %get3A_3165 = arith.constant 26 : i32
    %get3A_3166 = arith.index_cast %get3A_3165 : i32 to index
    %get3A_3167 = arith.constant 112 : index
    %get3A_3168 = tpu.vector_load %arg5[%get3A_3166, %get3A_3167] {strides = array<i32>} : memref<32x128xi32, #tpu.memory_space<vmem>>, vector<1x16xi32>,
    %get3A_3169 = vector.shape_cast %get3A_3168 : vector<1x16xi32> to vector<16xi32>
    %add3A_3170 = arith.addi %get3A_3169, %mul3A_23 : vector<16xi32>
    %swap3A_3171 = arith.constant 26 : i32
    %swap3A_3172 = arith.index_cast %swap3A_3171 : i32 to index
    %swap3A_3173 = arith.constant 112 : index
    %swap3A_3174 = tpu.vector_load %arg5[%swap3A_3172, %swap3A_3173] {strides = array<i32>} : memref<32x128xi32, #tpu.memory_space<vmem>>, vector<1x16xi32>,
    %swap3A_3175 = vector.shape_cast %swap3A_3174 : vector<1x16xi32> to vector<16xi32>
    %swap3A_3176 = vector.shape_cast %add3A_3170 : vector<16xi32> to vector<1x16xi32>
    tpu.vector_store %arg5[%swap3A_3172, %swap3A_3173], %swap3A_3176 {strides = array<i32>} : memref<32x128xi32, #tpu.memory_space<vmem>>, vector<1x16xi32>,
    %dma_start3A_3177 = arith.constant 26 : i32
    %dma_start3A_3178 = arith.constant 0 : i32
    %dma_start3A_3179 = tpu.memref_slice %arg5[%dma_start3A_3177, %dma_start3A_3178] : memref<32x128xi32, #tpu.memory_space<vmem>> -> memref<1x128xi32, #tpu.memory_space<vmem>>
    %dma_start3A_3180 = tpu.memref_squeeze %dma_start3A_3179 : memref<1x128xi32, #tpu.memory_space<vmem>> -> memref<128xi32, #tpu.memory_space<vmem>>
    %dma_start3A_3181 = arith.constant 0 : i32
    %dma_start3A_3182 = arith.constant 0 : i32
    %dma_start3A_3183 = tpu.memref_slice %arg7[%dma_start3A_3181, %dma_start3A_3182] : memref<96x128xf32, #tpu.memory_space<vmem_shared>> -> memref<96x128xf32, #tpu.memory_space<vmem_shared>>
    tpu.enqueue_indirect_dma source(%dma_start3A_3183 : memref<96x128xf32, #tpu.memory_space<vmem_shared>>) target(%arg10 : memref<128x128xf32, #tpu.memory_space<vmem>>) offsets(%dma_start3A_3180 : memref<128xi32, #tpu.memory_space<vmem>>) semaphore(%arg16 : memref<!tpu.dma_semaphore, #tpu.memory_space<semaphore_mem>>)
    %dma_wait3A_3184 = arith.constant 23 : i32
    %dma_wait3A_3185 = arith.constant 0 : i32
    %dma_wait3A_3186 = tpu.memref_slice %arg5[%dma_wait3A_3184, %dma_wait3A_3185] : memref<32x128xi32, #tpu.memory_space<vmem>> -> memref<1x128xi32, #tpu.memory_space<vmem>>
    %dma_wait3A_3187 = tpu.memref_squeeze %dma_wait3A_3186 : memref<1x128xi32, #tpu.memory_space<vmem>> -> memref<128xi32, #tpu.memory_space<vmem>>
    %dma_wait3A_3188 = arith.constant 0 : i32
    %dma_wait3A_3189 = arith.constant 0 : i32
    %dma_wait3A_3190 = tpu.memref_slice %arg7[%dma_wait3A_3188, %dma_wait3A_3189] : memref<96x128xf32, #tpu.memory_space<vmem_shared>> -> memref<96x128xf32, #tpu.memory_space<vmem_shared>>
    tpu.wait_indirect_dma semaphore(%arg19 : memref<!tpu.dma_semaphore, #tpu.memory_space<semaphore_mem>>) src(%dma_wait3A_3190 : memref<96x128xf32, #tpu.memory_space<vmem_shared>>) dst(%arg13 : memref<128x128xf32, #tpu.memory_space<vmem>>)
    %add3A_3191 = arith.constant 2944 : i32
    %add3A_3192 = arith.addi %mul3A_2, %add3A_3191 : i32
    %dma_start3A_3193 = arith.constant 0 : i32
    %dma_start3A_3194 = tpu.memref_slice %arg4[%add3A_3192, %dma_start3A_3193] : memref<131072x128xf32, #tpu.memory_space<hbm>> -> memref<128x128xf32, #tpu.memory_space<hbm>>
    %dma_start3A_3195 = arith.constant 0 : i32
    %dma_start3A_3196 = tpu.memref_slice %arg4[%add3A_3192, %dma_start3A_3195] : memref<131072x128xf32, #tpu.memory_space<hbm>> -> memref<128x128xf32, #tpu.memory_space<hbm>>
    tpu.enqueue_dma source(%arg13 : memref<128x128xf32, #tpu.memory_space<vmem>>) target(%dma_start3A_3196 : memref<128x128xf32, #tpu.memory_space<hbm>>) target_semaphore(%arg25 : memref<!tpu.dma_semaphore, #tpu.memory_space<semaphore_mem>>)
    %dma_wait3A_3197 = arith.constant 0 : i32
    %dma_wait3A_3198 = tpu.memref_slice %arg4[%add3A_2952, %dma_wait3A_3197] : memref<131072x128xf32, #tpu.memory_space<hbm>> -> memref<128x128xf32, #tpu.memory_space<hbm>>
    %dma_wait3A_3199 = arith.constant 0 : i32
    %dma_wait3A_3200 = tpu.memref_slice %arg4[%add3A_2952, %dma_wait3A_3199] : memref<131072x128xf32, #tpu.memory_space<hbm>> -> memref<128x128xf32, #tpu.memory_space<hbm>>
    tpu.wait_dma2 semaphore(%arg23 : memref<!tpu.dma_semaphore, #tpu.memory_space<semaphore_mem>>) src(%arg11 : memref<128x128xf32, #tpu.memory_space<vmem>>) dst(%dma_wait3A_3200 : memref<128x128xf32, #tpu.memory_space<hbm>>)
    %get3A_3201 = arith.constant 27 : i32
    %get3A_3202 = arith.index_cast %get3A_3201 : i32 to index
    %get3A_3203 = arith.constant 0 : index
    %get3A_3204 = tpu.vector_load %arg5[%get3A_3202, %get3A_3203] {strides = array<i32>} : memref<32x128xi32, #tpu.memory_space<vmem>>, vector<1x16xi32>,
    %get3A_3205 = vector.shape_cast %get3A_3204 : vector<1x16xi32> to vector<16xi32>
    %add3A_3206 = arith.addi %get3A_3205, %mul3A_23 : vector<16xi32>
    %swap3A_3207 = arith.constant 27 : i32
    %swap3A_3208 = arith.index_cast %swap3A_3207 : i32 to index
    %swap3A_3209 = arith.constant 0 : index
    %swap3A_3210 = tpu.vector_load %arg5[%swap3A_3208, %swap3A_3209] {strides = array<i32>} : memref<32x128xi32, #tpu.memory_space<vmem>>, vector<1x16xi32>,
    %swap3A_3211 = vector.shape_cast %swap3A_3210 : vector<1x16xi32> to vector<16xi32>
    %swap3A_3212 = vector.shape_cast %add3A_3206 : vector<16xi32> to vector<1x16xi32>
    tpu.vector_store %arg5[%swap3A_3208, %swap3A_3209], %swap3A_3212 {strides = array<i32>} : memref<32x128xi32, #tpu.memory_space<vmem>>, vector<1x16xi32>,
    %get3A_3213 = arith.constant 27 : i32
    %get3A_3214 = arith.index_cast %get3A_3213 : i32 to index
    %get3A_3215 = arith.constant 16 : index
    %get3A_3216 = tpu.vector_load %arg5[%get3A_3214, %get3A_3215] {strides = array<i32>} : memref<32x128xi32, #tpu.memory_space<vmem>>, vector<1x16xi32>,
    %get3A_3217 = vector.shape_cast %get3A_3216 : vector<1x16xi32> to vector<16xi32>
    %add3A_3218 = arith.addi %get3A_3217, %mul3A_23 : vector<16xi32>
    %swap3A_3219 = arith.constant 27 : i32
    %swap3A_3220 = arith.index_cast %swap3A_3219 : i32 to index
    %swap3A_3221 = arith.constant 16 : index
    %swap3A_3222 = tpu.vector_load %arg5[%swap3A_3220, %swap3A_3221] {strides = array<i32>} : memref<32x128xi32, #tpu.memory_space<vmem>>, vector<1x16xi32>,
    %swap3A_3223 = vector.shape_cast %swap3A_3222 : vector<1x16xi32> to vector<16xi32>
    %swap3A_3224 = vector.shape_cast %add3A_3218 : vector<16xi32> to vector<1x16xi32>
    tpu.vector_store %arg5[%swap3A_3220, %swap3A_3221], %swap3A_3224 {strides = array<i32>} : memref<32x128xi32, #tpu.memory_space<vmem>>, vector<1x16xi32>,
    %get3A_3225 = arith.constant 27 : i32
    %get3A_3226 = arith.index_cast %get3A_3225 : i32 to index
    %get3A_3227 = arith.constant 32 : index
    %get3A_3228 = tpu.vector_load %arg5[%get3A_3226, %get3A_3227] {strides = array<i32>} : memref<32x128xi32, #tpu.memory_space<vmem>>, vector<1x16xi32>,
    %get3A_3229 = vector.shape_cast %get3A_3228 : vector<1x16xi32> to vector<16xi32>
    %add3A_3230 = arith.addi %get3A_3229, %mul3A_23 : vector<16xi32>
    %swap3A_3231 = arith.constant 27 : i32
    %swap3A_3232 = arith.index_cast %swap3A_3231 : i32 to index
    %swap3A_3233 = arith.constant 32 : index
    %swap3A_3234 = tpu.vector_load %arg5[%swap3A_3232, %swap3A_3233] {strides = array<i32>} : memref<32x128xi32, #tpu.memory_space<vmem>>, vector<1x16xi32>,
    %swap3A_3235 = vector.shape_cast %swap3A_3234 : vector<1x16xi32> to vector<16xi32>
    %swap3A_3236 = vector.shape_cast %add3A_3230 : vector<16xi32> to vector<1x16xi32>
    tpu.vector_store %arg5[%swap3A_3232, %swap3A_3233], %swap3A_3236 {strides = array<i32>} : memref<32x128xi32, #tpu.memory_space<vmem>>, vector<1x16xi32>,
    %get3A_3237 = arith.constant 27 : i32
    %get3A_3238 = arith.index_cast %get3A_3237 : i32 to index
    %get3A_3239 = arith.constant 48 : index
    %get3A_3240 = tpu.vector_load %arg5[%get3A_3238, %get3A_3239] {strides = array<i32>} : memref<32x128xi32, #tpu.memory_space<vmem>>, vector<1x16xi32>,
    %get3A_3241 = vector.shape_cast %get3A_3240 : vector<1x16xi32> to vector<16xi32>
    %add3A_3242 = arith.addi %get3A_3241, %mul3A_23 : vector<16xi32>
    %swap3A_3243 = arith.constant 27 : i32
    %swap3A_3244 = arith.index_cast %swap3A_3243 : i32 to index
    %swap3A_3245 = arith.constant 48 : index
    %swap3A_3246 = tpu.vector_load %arg5[%swap3A_3244, %swap3A_3245] {strides = array<i32>} : memref<32x128xi32, #tpu.memory_space<vmem>>, vector<1x16xi32>,
    %swap3A_3247 = vector.shape_cast %swap3A_3246 : vector<1x16xi32> to vector<16xi32>
    %swap3A_3248 = vector.shape_cast %add3A_3242 : vector<16xi32> to vector<1x16xi32>
    tpu.vector_store %arg5[%swap3A_3244, %swap3A_3245], %swap3A_3248 {strides = array<i32>} : memref<32x128xi32, #tpu.memory_space<vmem>>, vector<1x16xi32>,
    %get3A_3249 = arith.constant 27 : i32
    %get3A_3250 = arith.index_cast %get3A_3249 : i32 to index
    %get3A_3251 = arith.constant 64 : index
    %get3A_3252 = tpu.vector_load %arg5[%get3A_3250, %get3A_3251] {strides = array<i32>} : memref<32x128xi32, #tpu.memory_space<vmem>>, vector<1x16xi32>,
    %get3A_3253 = vector.shape_cast %get3A_3252 : vector<1x16xi32> to vector<16xi32>
    %add3A_3254 = arith.addi %get3A_3253, %mul3A_23 : vector<16xi32>
    %swap3A_3255 = arith.constant 27 : i32
    %swap3A_3256 = arith.index_cast %swap3A_3255 : i32 to index
    %swap3A_3257 = arith.constant 64 : index
    %swap3A_3258 = tpu.vector_load %arg5[%swap3A_3256, %swap3A_3257] {strides = array<i32>} : memref<32x128xi32, #tpu.memory_space<vmem>>, vector<1x16xi32>,
    %swap3A_3259 = vector.shape_cast %swap3A_3258 : vector<1x16xi32> to vector<16xi32>
    %swap3A_3260 = vector.shape_cast %add3A_3254 : vector<16xi32> to vector<1x16xi32>
    tpu.vector_store %arg5[%swap3A_3256, %swap3A_3257], %swap3A_3260 {strides = array<i32>} : memref<32x128xi32, #tpu.memory_space<vmem>>, vector<1x16xi32>,
    %get3A_3261 = arith.constant 27 : i32
    %get3A_3262 = arith.index_cast %get3A_3261 : i32 to index
    %get3A_3263 = arith.constant 80 : index
    %get3A_3264 = tpu.vector_load %arg5[%get3A_3262, %get3A_3263] {strides = array<i32>} : memref<32x128xi32, #tpu.memory_space<vmem>>, vector<1x16xi32>,
    %get3A_3265 = vector.shape_cast %get3A_3264 : vector<1x16xi32> to vector<16xi32>
    %add3A_3266 = arith.addi %get3A_3265, %mul3A_23 : vector<16xi32>
    %swap3A_3267 = arith.constant 27 : i32
    %swap3A_3268 = arith.index_cast %swap3A_3267 : i32 to index
    %swap3A_3269 = arith.constant 80 : index
    %swap3A_3270 = tpu.vector_load %arg5[%swap3A_3268, %swap3A_3269] {strides = array<i32>} : memref<32x128xi32, #tpu.memory_space<vmem>>, vector<1x16xi32>,
    %swap3A_3271 = vector.shape_cast %swap3A_3270 : vector<1x16xi32> to vector<16xi32>
    %swap3A_3272 = vector.shape_cast %add3A_3266 : vector<16xi32> to vector<1x16xi32>
    tpu.vector_store %arg5[%swap3A_3268, %swap3A_3269], %swap3A_3272 {strides = array<i32>} : memref<32x128xi32, #tpu.memory_space<vmem>>, vector<1x16xi32>,
    %get3A_3273 = arith.constant 27 : i32
    %get3A_3274 = arith.index_cast %get3A_3273 : i32 to index
    %get3A_3275 = arith.constant 96 : index
    %get3A_3276 = tpu.vector_load %arg5[%get3A_3274, %get3A_3275] {strides = array<i32>} : memref<32x128xi32, #tpu.memory_space<vmem>>, vector<1x16xi32>,
    %get3A_3277 = vector.shape_cast %get3A_3276 : vector<1x16xi32> to vector<16xi32>
    %add3A_3278 = arith.addi %get3A_3277, %mul3A_23 : vector<16xi32>
    %swap3A_3279 = arith.constant 27 : i32
    %swap3A_3280 = arith.index_cast %swap3A_3279 : i32 to index
    %swap3A_3281 = arith.constant 96 : index
    %swap3A_3282 = tpu.vector_load %arg5[%swap3A_3280, %swap3A_3281] {strides = array<i32>} : memref<32x128xi32, #tpu.memory_space<vmem>>, vector<1x16xi32>,
    %swap3A_3283 = vector.shape_cast %swap3A_3282 : vector<1x16xi32> to vector<16xi32>
    %swap3A_3284 = vector.shape_cast %add3A_3278 : vector<16xi32> to vector<1x16xi32>
    tpu.vector_store %arg5[%swap3A_3280, %swap3A_3281], %swap3A_3284 {strides = array<i32>} : memref<32x128xi32, #tpu.memory_space<vmem>>, vector<1x16xi32>,
    %get3A_3285 = arith.constant 27 : i32
    %get3A_3286 = arith.index_cast %get3A_3285 : i32 to index
    %get3A_3287 = arith.constant 112 : index
    %get3A_3288 = tpu.vector_load %arg5[%get3A_3286, %get3A_3287] {strides = array<i32>} : memref<32x128xi32, #tpu.memory_space<vmem>>, vector<1x16xi32>,
    %get3A_3289 = vector.shape_cast %get3A_3288 : vector<1x16xi32> to vector<16xi32>
    %add3A_3290 = arith.addi %get3A_3289, %mul3A_23 : vector<16xi32>
    %swap3A_3291 = arith.constant 27 : i32
    %swap3A_3292 = arith.index_cast %swap3A_3291 : i32 to index
    %swap3A_3293 = arith.constant 112 : index
    %swap3A_3294 = tpu.vector_load %arg5[%swap3A_3292, %swap3A_3293] {strides = array<i32>} : memref<32x128xi32, #tpu.memory_space<vmem>>, vector<1x16xi32>,
    %swap3A_3295 = vector.shape_cast %swap3A_3294 : vector<1x16xi32> to vector<16xi32>
    %swap3A_3296 = vector.shape_cast %add3A_3290 : vector<16xi32> to vector<1x16xi32>
    tpu.vector_store %arg5[%swap3A_3292, %swap3A_3293], %swap3A_3296 {strides = array<i32>} : memref<32x128xi32, #tpu.memory_space<vmem>>, vector<1x16xi32>,
    %dma_start3A_3297 = arith.constant 27 : i32
    %dma_start3A_3298 = arith.constant 0 : i32
    %dma_start3A_3299 = tpu.memref_slice %arg5[%dma_start3A_3297, %dma_start3A_3298] : memref<32x128xi32, #tpu.memory_space<vmem>> -> memref<1x128xi32, #tpu.memory_space<vmem>>
    %dma_start3A_3300 = tpu.memref_squeeze %dma_start3A_3299 : memref<1x128xi32, #tpu.memory_space<vmem>> -> memref<128xi32, #tpu.memory_space<vmem>>
    %dma_start3A_3301 = arith.constant 0 : i32
    %dma_start3A_3302 = arith.constant 0 : i32
    %dma_start3A_3303 = tpu.memref_slice %arg7[%dma_start3A_3301, %dma_start3A_3302] : memref<96x128xf32, #tpu.memory_space<vmem_shared>> -> memref<96x128xf32, #tpu.memory_space<vmem_shared>>
    tpu.enqueue_indirect_dma source(%dma_start3A_3303 : memref<96x128xf32, #tpu.memory_space<vmem_shared>>) target(%arg11 : memref<128x128xf32, #tpu.memory_space<vmem>>) offsets(%dma_start3A_3300 : memref<128xi32, #tpu.memory_space<vmem>>) semaphore(%arg17 : memref<!tpu.dma_semaphore, #tpu.memory_space<semaphore_mem>>)
    %dma_wait3A_3304 = arith.constant 24 : i32
    %dma_wait3A_3305 = arith.constant 0 : i32
    %dma_wait3A_3306 = tpu.memref_slice %arg5[%dma_wait3A_3304, %dma_wait3A_3305] : memref<32x128xi32, #tpu.memory_space<vmem>> -> memref<1x128xi32, #tpu.memory_space<vmem>>
    %dma_wait3A_3307 = tpu.memref_squeeze %dma_wait3A_3306 : memref<1x128xi32, #tpu.memory_space<vmem>> -> memref<128xi32, #tpu.memory_space<vmem>>
    %dma_wait3A_3308 = arith.constant 0 : i32
    %dma_wait3A_3309 = arith.constant 0 : i32
    %dma_wait3A_3310 = tpu.memref_slice %arg7[%dma_wait3A_3308, %dma_wait3A_3309] : memref<96x128xf32, #tpu.memory_space<vmem_shared>> -> memref<96x128xf32, #tpu.memory_space<vmem_shared>>
    tpu.wait_indirect_dma semaphore(%arg14 : memref<!tpu.dma_semaphore, #tpu.memory_space<semaphore_mem>>) src(%dma_wait3A_3310 : memref<96x128xf32, #tpu.memory_space<vmem_shared>>) dst(%arg8 : memref<128x128xf32, #tpu.memory_space<vmem>>)
    %add3A_3311 = arith.constant 3072 : i32
    %add3A_3312 = arith.addi %mul3A_2, %add3A_3311 : i32
    %dma_start3A_3313 = arith.constant 0 : i32
    %dma_start3A_3314 = tpu.memref_slice %arg4[%add3A_3312, %dma_start3A_3313] : memref<131072x128xf32, #tpu.memory_space<hbm>> -> memref<128x128xf32, #tpu.memory_space<hbm>>
    %dma_start3A_3315 = arith.constant 0 : i32
    %dma_start3A_3316 = tpu.memref_slice %arg4[%add3A_3312, %dma_start3A_3315] : memref<131072x128xf32, #tpu.memory_space<hbm>> -> memref<128x128xf32, #tpu.memory_space<hbm>>
    tpu.enqueue_dma source(%arg8 : memref<128x128xf32, #tpu.memory_space<vmem>>) target(%dma_start3A_3316 : memref<128x128xf32, #tpu.memory_space<hbm>>) target_semaphore(%arg20 : memref<!tpu.dma_semaphore, #tpu.memory_space<semaphore_mem>>)
    %dma_wait3A_3317 = arith.constant 0 : i32
    %dma_wait3A_3318 = tpu.memref_slice %arg4[%add3A_3072, %dma_wait3A_3317] : memref<131072x128xf32, #tpu.memory_space<hbm>> -> memref<128x128xf32, #tpu.memory_space<hbm>>
    %dma_wait3A_3319 = arith.constant 0 : i32
    %dma_wait3A_3320 = tpu.memref_slice %arg4[%add3A_3072, %dma_wait3A_3319] : memref<131072x128xf32, #tpu.memory_space<hbm>> -> memref<128x128xf32, #tpu.memory_space<hbm>>
    tpu.wait_dma2 semaphore(%arg24 : memref<!tpu.dma_semaphore, #tpu.memory_space<semaphore_mem>>) src(%arg12 : memref<128x128xf32, #tpu.memory_space<vmem>>) dst(%dma_wait3A_3320 : memref<128x128xf32, #tpu.memory_space<hbm>>)
    %get3A_3321 = arith.constant 28 : i32
    %get3A_3322 = arith.index_cast %get3A_3321 : i32 to index
    %get3A_3323 = arith.constant 0 : index
    %get3A_3324 = tpu.vector_load %arg5[%get3A_3322, %get3A_3323] {strides = array<i32>} : memref<32x128xi32, #tpu.memory_space<vmem>>, vector<1x16xi32>,
    %get3A_3325 = vector.shape_cast %get3A_3324 : vector<1x16xi32> to vector<16xi32>
    %add3A_3326 = arith.addi %get3A_3325, %mul3A_23 : vector<16xi32>
    %swap3A_3327 = arith.constant 28 : i32
    %swap3A_3328 = arith.index_cast %swap3A_3327 : i32 to index
    %swap3A_3329 = arith.constant 0 : index
    %swap3A_3330 = tpu.vector_load %arg5[%swap3A_3328, %swap3A_3329] {strides = array<i32>} : memref<32x128xi32, #tpu.memory_space<vmem>>, vector<1x16xi32>,
    %swap3A_3331 = vector.shape_cast %swap3A_3330 : vector<1x16xi32> to vector<16xi32>
    %swap3A_3332 = vector.shape_cast %add3A_3326 : vector<16xi32> to vector<1x16xi32>
    tpu.vector_store %arg5[%swap3A_3328, %swap3A_3329], %swap3A_3332 {strides = array<i32>} : memref<32x128xi32, #tpu.memory_space<vmem>>, vector<1x16xi32>,
    %get3A_3333 = arith.constant 28 : i32
    %get3A_3334 = arith.index_cast %get3A_3333 : i32 to index
    %get3A_3335 = arith.constant 16 : index
    %get3A_3336 = tpu.vector_load %arg5[%get3A_3334, %get3A_3335] {strides = array<i32>} : memref<32x128xi32, #tpu.memory_space<vmem>>, vector<1x16xi32>,
    %get3A_3337 = vector.shape_cast %get3A_3336 : vector<1x16xi32> to vector<16xi32>
    %add3A_3338 = arith.addi %get3A_3337, %mul3A_23 : vector<16xi32>
    %swap3A_3339 = arith.constant 28 : i32
    %swap3A_3340 = arith.index_cast %swap3A_3339 : i32 to index
    %swap3A_3341 = arith.constant 16 : index
    %swap3A_3342 = tpu.vector_load %arg5[%swap3A_3340, %swap3A_3341] {strides = array<i32>} : memref<32x128xi32, #tpu.memory_space<vmem>>, vector<1x16xi32>,
    %swap3A_3343 = vector.shape_cast %swap3A_3342 : vector<1x16xi32> to vector<16xi32>
    %swap3A_3344 = vector.shape_cast %add3A_3338 : vector<16xi32> to vector<1x16xi32>
    tpu.vector_store %arg5[%swap3A_3340, %swap3A_3341], %swap3A_3344 {strides = array<i32>} : memref<32x128xi32, #tpu.memory_space<vmem>>, vector<1x16xi32>,
    %get3A_3345 = arith.constant 28 : i32
    %get3A_3346 = arith.index_cast %get3A_3345 : i32 to index
    %get3A_3347 = arith.constant 32 : index
    %get3A_3348 = tpu.vector_load %arg5[%get3A_3346, %get3A_3347] {strides = array<i32>} : memref<32x128xi32, #tpu.memory_space<vmem>>, vector<1x16xi32>,
    %get3A_3349 = vector.shape_cast %get3A_3348 : vector<1x16xi32> to vector<16xi32>
    %add3A_3350 = arith.addi %get3A_3349, %mul3A_23 : vector<16xi32>
    %swap3A_3351 = arith.constant 28 : i32
    %swap3A_3352 = arith.index_cast %swap3A_3351 : i32 to index
    %swap3A_3353 = arith.constant 32 : index
    %swap3A_3354 = tpu.vector_load %arg5[%swap3A_3352, %swap3A_3353] {strides = array<i32>} : memref<32x128xi32, #tpu.memory_space<vmem>>, vector<1x16xi32>,
    %swap3A_3355 = vector.shape_cast %swap3A_3354 : vector<1x16xi32> to vector<16xi32>
    %swap3A_3356 = vector.shape_cast %add3A_3350 : vector<16xi32> to vector<1x16xi32>
    tpu.vector_store %arg5[%swap3A_3352, %swap3A_3353], %swap3A_3356 {strides = array<i32>} : memref<32x128xi32, #tpu.memory_space<vmem>>, vector<1x16xi32>,
    %get3A_3357 = arith.constant 28 : i32
    %get3A_3358 = arith.index_cast %get3A_3357 : i32 to index
    %get3A_3359 = arith.constant 48 : index
    %get3A_3360 = tpu.vector_load %arg5[%get3A_3358, %get3A_3359] {strides = array<i32>} : memref<32x128xi32, #tpu.memory_space<vmem>>, vector<1x16xi32>,
    %get3A_3361 = vector.shape_cast %get3A_3360 : vector<1x16xi32> to vector<16xi32>
    %add3A_3362 = arith.addi %get3A_3361, %mul3A_23 : vector<16xi32>
    %swap3A_3363 = arith.constant 28 : i32
    %swap3A_3364 = arith.index_cast %swap3A_3363 : i32 to index
    %swap3A_3365 = arith.constant 48 : index
    %swap3A_3366 = tpu.vector_load %arg5[%swap3A_3364, %swap3A_3365] {strides = array<i32>} : memref<32x128xi32, #tpu.memory_space<vmem>>, vector<1x16xi32>,
    %swap3A_3367 = vector.shape_cast %swap3A_3366 : vector<1x16xi32> to vector<16xi32>
    %swap3A_3368 = vector.shape_cast %add3A_3362 : vector<16xi32> to vector<1x16xi32>
    tpu.vector_store %arg5[%swap3A_3364, %swap3A_3365], %swap3A_3368 {strides = array<i32>} : memref<32x128xi32, #tpu.memory_space<vmem>>, vector<1x16xi32>,
    %get3A_3369 = arith.constant 28 : i32
    %get3A_3370 = arith.index_cast %get3A_3369 : i32 to index
    %get3A_3371 = arith.constant 64 : index
    %get3A_3372 = tpu.vector_load %arg5[%get3A_3370, %get3A_3371] {strides = array<i32>} : memref<32x128xi32, #tpu.memory_space<vmem>>, vector<1x16xi32>,
    %get3A_3373 = vector.shape_cast %get3A_3372 : vector<1x16xi32> to vector<16xi32>
    %add3A_3374 = arith.addi %get3A_3373, %mul3A_23 : vector<16xi32>
    %swap3A_3375 = arith.constant 28 : i32
    %swap3A_3376 = arith.index_cast %swap3A_3375 : i32 to index
    %swap3A_3377 = arith.constant 64 : index
    %swap3A_3378 = tpu.vector_load %arg5[%swap3A_3376, %swap3A_3377] {strides = array<i32>} : memref<32x128xi32, #tpu.memory_space<vmem>>, vector<1x16xi32>,
    %swap3A_3379 = vector.shape_cast %swap3A_3378 : vector<1x16xi32> to vector<16xi32>
    %swap3A_3380 = vector.shape_cast %add3A_3374 : vector<16xi32> to vector<1x16xi32>
    tpu.vector_store %arg5[%swap3A_3376, %swap3A_3377], %swap3A_3380 {strides = array<i32>} : memref<32x128xi32, #tpu.memory_space<vmem>>, vector<1x16xi32>,
    %get3A_3381 = arith.constant 28 : i32
    %get3A_3382 = arith.index_cast %get3A_3381 : i32 to index
    %get3A_3383 = arith.constant 80 : index
    %get3A_3384 = tpu.vector_load %arg5[%get3A_3382, %get3A_3383] {strides = array<i32>} : memref<32x128xi32, #tpu.memory_space<vmem>>, vector<1x16xi32>,
    %get3A_3385 = vector.shape_cast %get3A_3384 : vector<1x16xi32> to vector<16xi32>
    %add3A_3386 = arith.addi %get3A_3385, %mul3A_23 : vector<16xi32>
    %swap3A_3387 = arith.constant 28 : i32
    %swap3A_3388 = arith.index_cast %swap3A_3387 : i32 to index
    %swap3A_3389 = arith.constant 80 : index
    %swap3A_3390 = tpu.vector_load %arg5[%swap3A_3388, %swap3A_3389] {strides = array<i32>} : memref<32x128xi32, #tpu.memory_space<vmem>>, vector<1x16xi32>,
    %swap3A_3391 = vector.shape_cast %swap3A_3390 : vector<1x16xi32> to vector<16xi32>
    %swap3A_3392 = vector.shape_cast %add3A_3386 : vector<16xi32> to vector<1x16xi32>
    tpu.vector_store %arg5[%swap3A_3388, %swap3A_3389], %swap3A_3392 {strides = array<i32>} : memref<32x128xi32, #tpu.memory_space<vmem>>, vector<1x16xi32>,
    %get3A_3393 = arith.constant 28 : i32
    %get3A_3394 = arith.index_cast %get3A_3393 : i32 to index
    %get3A_3395 = arith.constant 96 : index
    %get3A_3396 = tpu.vector_load %arg5[%get3A_3394, %get3A_3395] {strides = array<i32>} : memref<32x128xi32, #tpu.memory_space<vmem>>, vector<1x16xi32>,
    %get3A_3397 = vector.shape_cast %get3A_3396 : vector<1x16xi32> to vector<16xi32>
    %add3A_3398 = arith.addi %get3A_3397, %mul3A_23 : vector<16xi32>
    %swap3A_3399 = arith.constant 28 : i32
    %swap3A_3400 = arith.index_cast %swap3A_3399 : i32 to index
    %swap3A_3401 = arith.constant 96 : index
    %swap3A_3402 = tpu.vector_load %arg5[%swap3A_3400, %swap3A_3401] {strides = array<i32>} : memref<32x128xi32, #tpu.memory_space<vmem>>, vector<1x16xi32>,
    %swap3A_3403 = vector.shape_cast %swap3A_3402 : vector<1x16xi32> to vector<16xi32>
    %swap3A_3404 = vector.shape_cast %add3A_3398 : vector<16xi32> to vector<1x16xi32>
    tpu.vector_store %arg5[%swap3A_3400, %swap3A_3401], %swap3A_3404 {strides = array<i32>} : memref<32x128xi32, #tpu.memory_space<vmem>>, vector<1x16xi32>,
    %get3A_3405 = arith.constant 28 : i32
    %get3A_3406 = arith.index_cast %get3A_3405 : i32 to index
    %get3A_3407 = arith.constant 112 : index
    %get3A_3408 = tpu.vector_load %arg5[%get3A_3406, %get3A_3407] {strides = array<i32>} : memref<32x128xi32, #tpu.memory_space<vmem>>, vector<1x16xi32>,
    %get3A_3409 = vector.shape_cast %get3A_3408 : vector<1x16xi32> to vector<16xi32>
    %add3A_3410 = arith.addi %get3A_3409, %mul3A_23 : vector<16xi32>
    %swap3A_3411 = arith.constant 28 : i32
    %swap3A_3412 = arith.index_cast %swap3A_3411 : i32 to index
    %swap3A_3413 = arith.constant 112 : index
    %swap3A_3414 = tpu.vector_load %arg5[%swap3A_3412, %swap3A_3413] {strides = array<i32>} : memref<32x128xi32, #tpu.memory_space<vmem>>, vector<1x16xi32>,
    %swap3A_3415 = vector.shape_cast %swap3A_3414 : vector<1x16xi32> to vector<16xi32>
    %swap3A_3416 = vector.shape_cast %add3A_3410 : vector<16xi32> to vector<1x16xi32>
    tpu.vector_store %arg5[%swap3A_3412, %swap3A_3413], %swap3A_3416 {strides = array<i32>} : memref<32x128xi32, #tpu.memory_space<vmem>>, vector<1x16xi32>,
    %dma_start3A_3417 = arith.constant 28 : i32
    %dma_start3A_3418 = arith.constant 0 : i32
    %dma_start3A_3419 = tpu.memref_slice %arg5[%dma_start3A_3417, %dma_start3A_3418] : memref<32x128xi32, #tpu.memory_space<vmem>> -> memref<1x128xi32, #tpu.memory_space<vmem>>
    %dma_start3A_3420 = tpu.memref_squeeze %dma_start3A_3419 : memref<1x128xi32, #tpu.memory_space<vmem>> -> memref<128xi32, #tpu.memory_space<vmem>>
    %dma_start3A_3421 = arith.constant 0 : i32
    %dma_start3A_3422 = arith.constant 0 : i32
    %dma_start3A_3423 = tpu.memref_slice %arg7[%dma_start3A_3421, %dma_start3A_3422] : memref<96x128xf32, #tpu.memory_space<vmem_shared>> -> memref<96x128xf32, #tpu.memory_space<vmem_shared>>
    tpu.enqueue_indirect_dma source(%dma_start3A_3423 : memref<96x128xf32, #tpu.memory_space<vmem_shared>>) target(%arg12 : memref<128x128xf32, #tpu.memory_space<vmem>>) offsets(%dma_start3A_3420 : memref<128xi32, #tpu.memory_space<vmem>>) semaphore(%arg18 : memref<!tpu.dma_semaphore, #tpu.memory_space<semaphore_mem>>)
    %dma_wait3A_3424 = arith.constant 25 : i32
    %dma_wait3A_3425 = arith.constant 0 : i32
    %dma_wait3A_3426 = tpu.memref_slice %arg5[%dma_wait3A_3424, %dma_wait3A_3425] : memref<32x128xi32, #tpu.memory_space<vmem>> -> memref<1x128xi32, #tpu.memory_space<vmem>>
    %dma_wait3A_3427 = tpu.memref_squeeze %dma_wait3A_3426 : memref<1x128xi32, #tpu.memory_space<vmem>> -> memref<128xi32, #tpu.memory_space<vmem>>
    %dma_wait3A_3428 = arith.constant 0 : i32
    %dma_wait3A_3429 = arith.constant 0 : i32
    %dma_wait3A_3430 = tpu.memref_slice %arg7[%dma_wait3A_3428, %dma_wait3A_3429] : memref<96x128xf32, #tpu.memory_space<vmem_shared>> -> memref<96x128xf32, #tpu.memory_space<vmem_shared>>
    tpu.wait_indirect_dma semaphore(%arg15 : memref<!tpu.dma_semaphore, #tpu.memory_space<semaphore_mem>>) src(%dma_wait3A_3430 : memref<96x128xf32, #tpu.memory_space<vmem_shared>>) dst(%arg9 : memref<128x128xf32, #tpu.memory_space<vmem>>)
    %add3A_3431 = arith.constant 3200 : i32
    %add3A_3432 = arith.addi %mul3A_2, %add3A_3431 : i32
    %dma_start3A_3433 = arith.constant 0 : i32
    %dma_start3A_3434 = tpu.memref_slice %arg4[%add3A_3432, %dma_start3A_3433] : memref<131072x128xf32, #tpu.memory_space<hbm>> -> memref<128x128xf32, #tpu.memory_space<hbm>>
    %dma_start3A_3435 = arith.constant 0 : i32
    %dma_start3A_3436 = tpu.memref_slice %arg4[%add3A_3432, %dma_start3A_3435] : memref<131072x128xf32, #tpu.memory_space<hbm>> -> memref<128x128xf32, #tpu.memory_space<hbm>>
    tpu.enqueue_dma source(%arg9 : memref<128x128xf32, #tpu.memory_space<vmem>>) target(%dma_start3A_3436 : memref<128x128xf32, #tpu.memory_space<hbm>>) target_semaphore(%arg21 : memref<!tpu.dma_semaphore, #tpu.memory_space<semaphore_mem>>)
    %dma_wait3A_3437 = arith.constant 0 : i32
    %dma_wait3A_3438 = tpu.memref_slice %arg4[%add3A_3192, %dma_wait3A_3437] : memref<131072x128xf32, #tpu.memory_space<hbm>> -> memref<128x128xf32, #tpu.memory_space<hbm>>
    %dma_wait3A_3439 = arith.constant 0 : i32
    %dma_wait3A_3440 = tpu.memref_slice %arg4[%add3A_3192, %dma_wait3A_3439] : memref<131072x128xf32, #tpu.memory_space<hbm>> -> memref<128x128xf32, #tpu.memory_space<hbm>>
    tpu.wait_dma2 semaphore(%arg25 : memref<!tpu.dma_semaphore, #tpu.memory_space<semaphore_mem>>) src(%arg13 : memref<128x128xf32, #tpu.memory_space<vmem>>) dst(%dma_wait3A_3440 : memref<128x128xf32, #tpu.memory_space<hbm>>)
    %get3A_3441 = arith.constant 29 : i32
    %get3A_3442 = arith.index_cast %get3A_3441 : i32 to index
    %get3A_3443 = arith.constant 0 : index
    %get3A_3444 = tpu.vector_load %arg5[%get3A_3442, %get3A_3443] {strides = array<i32>} : memref<32x128xi32, #tpu.memory_space<vmem>>, vector<1x16xi32>,
    %get3A_3445 = vector.shape_cast %get3A_3444 : vector<1x16xi32> to vector<16xi32>
    %add3A_3446 = arith.addi %get3A_3445, %mul3A_23 : vector<16xi32>
    %swap3A_3447 = arith.constant 29 : i32
    %swap3A_3448 = arith.index_cast %swap3A_3447 : i32 to index
    %swap3A_3449 = arith.constant 0 : index
    %swap3A_3450 = tpu.vector_load %arg5[%swap3A_3448, %swap3A_3449] {strides = array<i32>} : memref<32x128xi32, #tpu.memory_space<vmem>>, vector<1x16xi32>,
    %swap3A_3451 = vector.shape_cast %swap3A_3450 : vector<1x16xi32> to vector<16xi32>
    %swap3A_3452 = vector.shape_cast %add3A_3446 : vector<16xi32> to vector<1x16xi32>
    tpu.vector_store %arg5[%swap3A_3448, %swap3A_3449], %swap3A_3452 {strides = array<i32>} : memref<32x128xi32, #tpu.memory_space<vmem>>, vector<1x16xi32>,
    %get3A_3453 = arith.constant 29 : i32
    %get3A_3454 = arith.index_cast %get3A_3453 : i32 to index
    %get3A_3455 = arith.constant 16 : index
    %get3A_3456 = tpu.vector_load %arg5[%get3A_3454, %get3A_3455] {strides = array<i32>} : memref<32x128xi32, #tpu.memory_space<vmem>>, vector<1x16xi32>,
    %get3A_3457 = vector.shape_cast %get3A_3456 : vector<1x16xi32> to vector<16xi32>
    %add3A_3458 = arith.addi %get3A_3457, %mul3A_23 : vector<16xi32>
    %swap3A_3459 = arith.constant 29 : i32
    %swap3A_3460 = arith.index_cast %swap3A_3459 : i32 to index
    %swap3A_3461 = arith.constant 16 : index
    %swap3A_3462 = tpu.vector_load %arg5[%swap3A_3460, %swap3A_3461] {strides = array<i32>} : memref<32x128xi32, #tpu.memory_space<vmem>>, vector<1x16xi32>,
    %swap3A_3463 = vector.shape_cast %swap3A_3462 : vector<1x16xi32> to vector<16xi32>
    %swap3A_3464 = vector.shape_cast %add3A_3458 : vector<16xi32> to vector<1x16xi32>
    tpu.vector_store %arg5[%swap3A_3460, %swap3A_3461], %swap3A_3464 {strides = array<i32>} : memref<32x128xi32, #tpu.memory_space<vmem>>, vector<1x16xi32>,
    %get3A_3465 = arith.constant 29 : i32
    %get3A_3466 = arith.index_cast %get3A_3465 : i32 to index
    %get3A_3467 = arith.constant 32 : index
    %get3A_3468 = tpu.vector_load %arg5[%get3A_3466, %get3A_3467] {strides = array<i32>} : memref<32x128xi32, #tpu.memory_space<vmem>>, vector<1x16xi32>,
    %get3A_3469 = vector.shape_cast %get3A_3468 : vector<1x16xi32> to vector<16xi32>
    %add3A_3470 = arith.addi %get3A_3469, %mul3A_23 : vector<16xi32>
    %swap3A_3471 = arith.constant 29 : i32
    %swap3A_3472 = arith.index_cast %swap3A_3471 : i32 to index
    %swap3A_3473 = arith.constant 32 : index
    %swap3A_3474 = tpu.vector_load %arg5[%swap3A_3472, %swap3A_3473] {strides = array<i32>} : memref<32x128xi32, #tpu.memory_space<vmem>>, vector<1x16xi32>,
    %swap3A_3475 = vector.shape_cast %swap3A_3474 : vector<1x16xi32> to vector<16xi32>
    %swap3A_3476 = vector.shape_cast %add3A_3470 : vector<16xi32> to vector<1x16xi32>
    tpu.vector_store %arg5[%swap3A_3472, %swap3A_3473], %swap3A_3476 {strides = array<i32>} : memref<32x128xi32, #tpu.memory_space<vmem>>, vector<1x16xi32>,
    %get3A_3477 = arith.constant 29 : i32
    %get3A_3478 = arith.index_cast %get3A_3477 : i32 to index
    %get3A_3479 = arith.constant 48 : index
    %get3A_3480 = tpu.vector_load %arg5[%get3A_3478, %get3A_3479] {strides = array<i32>} : memref<32x128xi32, #tpu.memory_space<vmem>>, vector<1x16xi32>,
    %get3A_3481 = vector.shape_cast %get3A_3480 : vector<1x16xi32> to vector<16xi32>
    %add3A_3482 = arith.addi %get3A_3481, %mul3A_23 : vector<16xi32>
    %swap3A_3483 = arith.constant 29 : i32
    %swap3A_3484 = arith.index_cast %swap3A_3483 : i32 to index
    %swap3A_3485 = arith.constant 48 : index
    %swap3A_3486 = tpu.vector_load %arg5[%swap3A_3484, %swap3A_3485] {strides = array<i32>} : memref<32x128xi32, #tpu.memory_space<vmem>>, vector<1x16xi32>,
    %swap3A_3487 = vector.shape_cast %swap3A_3486 : vector<1x16xi32> to vector<16xi32>
    %swap3A_3488 = vector.shape_cast %add3A_3482 : vector<16xi32> to vector<1x16xi32>
    tpu.vector_store %arg5[%swap3A_3484, %swap3A_3485], %swap3A_3488 {strides = array<i32>} : memref<32x128xi32, #tpu.memory_space<vmem>>, vector<1x16xi32>,
    %get3A_3489 = arith.constant 29 : i32
    %get3A_3490 = arith.index_cast %get3A_3489 : i32 to index
    %get3A_3491 = arith.constant 64 : index
    %get3A_3492 = tpu.vector_load %arg5[%get3A_3490, %get3A_3491] {strides = array<i32>} : memref<32x128xi32, #tpu.memory_space<vmem>>, vector<1x16xi32>,
    %get3A_3493 = vector.shape_cast %get3A_3492 : vector<1x16xi32> to vector<16xi32>
    %add3A_3494 = arith.addi %get3A_3493, %mul3A_23 : vector<16xi32>
    %swap3A_3495 = arith.constant 29 : i32
    %swap3A_3496 = arith.index_cast %swap3A_3495 : i32 to index
    %swap3A_3497 = arith.constant 64 : index
    %swap3A_3498 = tpu.vector_load %arg5[%swap3A_3496, %swap3A_3497] {strides = array<i32>} : memref<32x128xi32, #tpu.memory_space<vmem>>, vector<1x16xi32>,
    %swap3A_3499 = vector.shape_cast %swap3A_3498 : vector<1x16xi32> to vector<16xi32>
    %swap3A_3500 = vector.shape_cast %add3A_3494 : vector<16xi32> to vector<1x16xi32>
    tpu.vector_store %arg5[%swap3A_3496, %swap3A_3497], %swap3A_3500 {strides = array<i32>} : memref<32x128xi32, #tpu.memory_space<vmem>>, vector<1x16xi32>,
    %get3A_3501 = arith.constant 29 : i32
    %get3A_3502 = arith.index_cast %get3A_3501 : i32 to index
    %get3A_3503 = arith.constant 80 : index
    %get3A_3504 = tpu.vector_load %arg5[%get3A_3502, %get3A_3503] {strides = array<i32>} : memref<32x128xi32, #tpu.memory_space<vmem>>, vector<1x16xi32>,
    %get3A_3505 = vector.shape_cast %get3A_3504 : vector<1x16xi32> to vector<16xi32>
    %add3A_3506 = arith.addi %get3A_3505, %mul3A_23 : vector<16xi32>
    %swap3A_3507 = arith.constant 29 : i32
    %swap3A_3508 = arith.index_cast %swap3A_3507 : i32 to index
    %swap3A_3509 = arith.constant 80 : index
    %swap3A_3510 = tpu.vector_load %arg5[%swap3A_3508, %swap3A_3509] {strides = array<i32>} : memref<32x128xi32, #tpu.memory_space<vmem>>, vector<1x16xi32>,
    %swap3A_3511 = vector.shape_cast %swap3A_3510 : vector<1x16xi32> to vector<16xi32>
    %swap3A_3512 = vector.shape_cast %add3A_3506 : vector<16xi32> to vector<1x16xi32>
    tpu.vector_store %arg5[%swap3A_3508, %swap3A_3509], %swap3A_3512 {strides = array<i32>} : memref<32x128xi32, #tpu.memory_space<vmem>>, vector<1x16xi32>,
    %get3A_3513 = arith.constant 29 : i32
    %get3A_3514 = arith.index_cast %get3A_3513 : i32 to index
    %get3A_3515 = arith.constant 96 : index
    %get3A_3516 = tpu.vector_load %arg5[%get3A_3514, %get3A_3515] {strides = array<i32>} : memref<32x128xi32, #tpu.memory_space<vmem>>, vector<1x16xi32>,
    %get3A_3517 = vector.shape_cast %get3A_3516 : vector<1x16xi32> to vector<16xi32>
    %add3A_3518 = arith.addi %get3A_3517, %mul3A_23 : vector<16xi32>
    %swap3A_3519 = arith.constant 29 : i32
    %swap3A_3520 = arith.index_cast %swap3A_3519 : i32 to index
    %swap3A_3521 = arith.constant 96 : index
    %swap3A_3522 = tpu.vector_load %arg5[%swap3A_3520, %swap3A_3521] {strides = array<i32>} : memref<32x128xi32, #tpu.memory_space<vmem>>, vector<1x16xi32>,
    %swap3A_3523 = vector.shape_cast %swap3A_3522 : vector<1x16xi32> to vector<16xi32>
    %swap3A_3524 = vector.shape_cast %add3A_3518 : vector<16xi32> to vector<1x16xi32>
    tpu.vector_store %arg5[%swap3A_3520, %swap3A_3521], %swap3A_3524 {strides = array<i32>} : memref<32x128xi32, #tpu.memory_space<vmem>>, vector<1x16xi32>,
    %get3A_3525 = arith.constant 29 : i32
    %get3A_3526 = arith.index_cast %get3A_3525 : i32 to index
    %get3A_3527 = arith.constant 112 : index
    %get3A_3528 = tpu.vector_load %arg5[%get3A_3526, %get3A_3527] {strides = array<i32>} : memref<32x128xi32, #tpu.memory_space<vmem>>, vector<1x16xi32>,
    %get3A_3529 = vector.shape_cast %get3A_3528 : vector<1x16xi32> to vector<16xi32>
    %add3A_3530 = arith.addi %get3A_3529, %mul3A_23 : vector<16xi32>
    %swap3A_3531 = arith.constant 29 : i32
    %swap3A_3532 = arith.index_cast %swap3A_3531 : i32 to index
    %swap3A_3533 = arith.constant 112 : index
    %swap3A_3534 = tpu.vector_load %arg5[%swap3A_3532, %swap3A_3533] {strides = array<i32>} : memref<32x128xi32, #tpu.memory_space<vmem>>, vector<1x16xi32>,
    %swap3A_3535 = vector.shape_cast %swap3A_3534 : vector<1x16xi32> to vector<16xi32>
    %swap3A_3536 = vector.shape_cast %add3A_3530 : vector<16xi32> to vector<1x16xi32>
    tpu.vector_store %arg5[%swap3A_3532, %swap3A_3533], %swap3A_3536 {strides = array<i32>} : memref<32x128xi32, #tpu.memory_space<vmem>>, vector<1x16xi32>,
    %dma_start3A_3537 = arith.constant 29 : i32
    %dma_start3A_3538 = arith.constant 0 : i32
    %dma_start3A_3539 = tpu.memref_slice %arg5[%dma_start3A_3537, %dma_start3A_3538] : memref<32x128xi32, #tpu.memory_space<vmem>> -> memref<1x128xi32, #tpu.memory_space<vmem>>
    %dma_start3A_3540 = tpu.memref_squeeze %dma_start3A_3539 : memref<1x128xi32, #tpu.memory_space<vmem>> -> memref<128xi32, #tpu.memory_space<vmem>>
    %dma_start3A_3541 = arith.constant 0 : i32
    %dma_start3A_3542 = arith.constant 0 : i32
    %dma_start3A_3543 = tpu.memref_slice %arg7[%dma_start3A_3541, %dma_start3A_3542] : memref<96x128xf32, #tpu.memory_space<vmem_shared>> -> memref<96x128xf32, #tpu.memory_space<vmem_shared>>
    tpu.enqueue_indirect_dma source(%dma_start3A_3543 : memref<96x128xf32, #tpu.memory_space<vmem_shared>>) target(%arg13 : memref<128x128xf32, #tpu.memory_space<vmem>>) offsets(%dma_start3A_3540 : memref<128xi32, #tpu.memory_space<vmem>>) semaphore(%arg19 : memref<!tpu.dma_semaphore, #tpu.memory_space<semaphore_mem>>)
    %dma_wait3A_3544 = arith.constant 26 : i32
    %dma_wait3A_3545 = arith.constant 0 : i32
    %dma_wait3A_3546 = tpu.memref_slice %arg5[%dma_wait3A_3544, %dma_wait3A_3545] : memref<32x128xi32, #tpu.memory_space<vmem>> -> memref<1x128xi32, #tpu.memory_space<vmem>>
    %dma_wait3A_3547 = tpu.memref_squeeze %dma_wait3A_3546 : memref<1x128xi32, #tpu.memory_space<vmem>> -> memref<128xi32, #tpu.memory_space<vmem>>
    %dma_wait3A_3548 = arith.constant 0 : i32
    %dma_wait3A_3549 = arith.constant 0 : i32
    %dma_wait3A_3550 = tpu.memref_slice %arg7[%dma_wait3A_3548, %dma_wait3A_3549] : memref<96x128xf32, #tpu.memory_space<vmem_shared>> -> memref<96x128xf32, #tpu.memory_space<vmem_shared>>
    tpu.wait_indirect_dma semaphore(%arg16 : memref<!tpu.dma_semaphore, #tpu.memory_space<semaphore_mem>>) src(%dma_wait3A_3550 : memref<96x128xf32, #tpu.memory_space<vmem_shared>>) dst(%arg10 : memref<128x128xf32, #tpu.memory_space<vmem>>)
    %add3A_3551 = arith.constant 3328 : i32
    %add3A_3552 = arith.addi %mul3A_2, %add3A_3551 : i32
    %dma_start3A_3553 = arith.constant 0 : i32
    %dma_start3A_3554 = tpu.memref_slice %arg4[%add3A_3552, %dma_start3A_3553] : memref<131072x128xf32, #tpu.memory_space<hbm>> -> memref<128x128xf32, #tpu.memory_space<hbm>>
    %dma_start3A_3555 = arith.constant 0 : i32
    %dma_start3A_3556 = tpu.memref_slice %arg4[%add3A_3552, %dma_start3A_3555] : memref<131072x128xf32, #tpu.memory_space<hbm>> -> memref<128x128xf32, #tpu.memory_space<hbm>>
    tpu.enqueue_dma source(%arg10 : memref<128x128xf32, #tpu.memory_space<vmem>>) target(%dma_start3A_3556 : memref<128x128xf32, #tpu.memory_space<hbm>>) target_semaphore(%arg22 : memref<!tpu.dma_semaphore, #tpu.memory_space<semaphore_mem>>)
    %dma_wait3A_3557 = arith.constant 0 : i32
    %dma_wait3A_3558 = tpu.memref_slice %arg4[%add3A_3312, %dma_wait3A_3557] : memref<131072x128xf32, #tpu.memory_space<hbm>> -> memref<128x128xf32, #tpu.memory_space<hbm>>
    %dma_wait3A_3559 = arith.constant 0 : i32
    %dma_wait3A_3560 = tpu.memref_slice %arg4[%add3A_3312, %dma_wait3A_3559] : memref<131072x128xf32, #tpu.memory_space<hbm>> -> memref<128x128xf32, #tpu.memory_space<hbm>>
    tpu.wait_dma2 semaphore(%arg20 : memref<!tpu.dma_semaphore, #tpu.memory_space<semaphore_mem>>) src(%arg8 : memref<128x128xf32, #tpu.memory_space<vmem>>) dst(%dma_wait3A_3560 : memref<128x128xf32, #tpu.memory_space<hbm>>)
    %get3A_3561 = arith.constant 30 : i32
    %get3A_3562 = arith.index_cast %get3A_3561 : i32 to index
    %get3A_3563 = arith.constant 0 : index
    %get3A_3564 = tpu.vector_load %arg5[%get3A_3562, %get3A_3563] {strides = array<i32>} : memref<32x128xi32, #tpu.memory_space<vmem>>, vector<1x16xi32>,
    %get3A_3565 = vector.shape_cast %get3A_3564 : vector<1x16xi32> to vector<16xi32>
    %add3A_3566 = arith.addi %get3A_3565, %mul3A_23 : vector<16xi32>
    %swap3A_3567 = arith.constant 30 : i32
    %swap3A_3568 = arith.index_cast %swap3A_3567 : i32 to index
    %swap3A_3569 = arith.constant 0 : index
    %swap3A_3570 = tpu.vector_load %arg5[%swap3A_3568, %swap3A_3569] {strides = array<i32>} : memref<32x128xi32, #tpu.memory_space<vmem>>, vector<1x16xi32>,
    %swap3A_3571 = vector.shape_cast %swap3A_3570 : vector<1x16xi32> to vector<16xi32>
    %swap3A_3572 = vector.shape_cast %add3A_3566 : vector<16xi32> to vector<1x16xi32>
    tpu.vector_store %arg5[%swap3A_3568, %swap3A_3569], %swap3A_3572 {strides = array<i32>} : memref<32x128xi32, #tpu.memory_space<vmem>>, vector<1x16xi32>,
    %get3A_3573 = arith.constant 30 : i32
    %get3A_3574 = arith.index_cast %get3A_3573 : i32 to index
    %get3A_3575 = arith.constant 16 : index
    %get3A_3576 = tpu.vector_load %arg5[%get3A_3574, %get3A_3575] {strides = array<i32>} : memref<32x128xi32, #tpu.memory_space<vmem>>, vector<1x16xi32>,
    %get3A_3577 = vector.shape_cast %get3A_3576 : vector<1x16xi32> to vector<16xi32>
    %add3A_3578 = arith.addi %get3A_3577, %mul3A_23 : vector<16xi32>
    %swap3A_3579 = arith.constant 30 : i32
    %swap3A_3580 = arith.index_cast %swap3A_3579 : i32 to index
    %swap3A_3581 = arith.constant 16 : index
    %swap3A_3582 = tpu.vector_load %arg5[%swap3A_3580, %swap3A_3581] {strides = array<i32>} : memref<32x128xi32, #tpu.memory_space<vmem>>, vector<1x16xi32>,
    %swap3A_3583 = vector.shape_cast %swap3A_3582 : vector<1x16xi32> to vector<16xi32>
    %swap3A_3584 = vector.shape_cast %add3A_3578 : vector<16xi32> to vector<1x16xi32>
    tpu.vector_store %arg5[%swap3A_3580, %swap3A_3581], %swap3A_3584 {strides = array<i32>} : memref<32x128xi32, #tpu.memory_space<vmem>>, vector<1x16xi32>,
    %get3A_3585 = arith.constant 30 : i32
    %get3A_3586 = arith.index_cast %get3A_3585 : i32 to index
    %get3A_3587 = arith.constant 32 : index
    %get3A_3588 = tpu.vector_load %arg5[%get3A_3586, %get3A_3587] {strides = array<i32>} : memref<32x128xi32, #tpu.memory_space<vmem>>, vector<1x16xi32>,
    %get3A_3589 = vector.shape_cast %get3A_3588 : vector<1x16xi32> to vector<16xi32>
    %add3A_3590 = arith.addi %get3A_3589, %mul3A_23 : vector<16xi32>
    %swap3A_3591 = arith.constant 30 : i32
    %swap3A_3592 = arith.index_cast %swap3A_3591 : i32 to index
    %swap3A_3593 = arith.constant 32 : index
    %swap3A_3594 = tpu.vector_load %arg5[%swap3A_3592, %swap3A_3593] {strides = array<i32>} : memref<32x128xi32, #tpu.memory_space<vmem>>, vector<1x16xi32>,
    %swap3A_3595 = vector.shape_cast %swap3A_3594 : vector<1x16xi32> to vector<16xi32>
    %swap3A_3596 = vector.shape_cast %add3A_3590 : vector<16xi32> to vector<1x16xi32>
    tpu.vector_store %arg5[%swap3A_3592, %swap3A_3593], %swap3A_3596 {strides = array<i32>} : memref<32x128xi32, #tpu.memory_space<vmem>>, vector<1x16xi32>,
    %get3A_3597 = arith.constant 30 : i32
    %get3A_3598 = arith.index_cast %get3A_3597 : i32 to index
    %get3A_3599 = arith.constant 48 : index
    %get3A_3600 = tpu.vector_load %arg5[%get3A_3598, %get3A_3599] {strides = array<i32>} : memref<32x128xi32, #tpu.memory_space<vmem>>, vector<1x16xi32>,
    %get3A_3601 = vector.shape_cast %get3A_3600 : vector<1x16xi32> to vector<16xi32>
    %add3A_3602 = arith.addi %get3A_3601, %mul3A_23 : vector<16xi32>
    %swap3A_3603 = arith.constant 30 : i32
    %swap3A_3604 = arith.index_cast %swap3A_3603 : i32 to index
    %swap3A_3605 = arith.constant 48 : index
    %swap3A_3606 = tpu.vector_load %arg5[%swap3A_3604, %swap3A_3605] {strides = array<i32>} : memref<32x128xi32, #tpu.memory_space<vmem>>, vector<1x16xi32>,
    %swap3A_3607 = vector.shape_cast %swap3A_3606 : vector<1x16xi32> to vector<16xi32>
    %swap3A_3608 = vector.shape_cast %add3A_3602 : vector<16xi32> to vector<1x16xi32>
    tpu.vector_store %arg5[%swap3A_3604, %swap3A_3605], %swap3A_3608 {strides = array<i32>} : memref<32x128xi32, #tpu.memory_space<vmem>>, vector<1x16xi32>,
    %get3A_3609 = arith.constant 30 : i32
    %get3A_3610 = arith.index_cast %get3A_3609 : i32 to index
    %get3A_3611 = arith.constant 64 : index
    %get3A_3612 = tpu.vector_load %arg5[%get3A_3610, %get3A_3611] {strides = array<i32>} : memref<32x128xi32, #tpu.memory_space<vmem>>, vector<1x16xi32>,
    %get3A_3613 = vector.shape_cast %get3A_3612 : vector<1x16xi32> to vector<16xi32>
    %add3A_3614 = arith.addi %get3A_3613, %mul3A_23 : vector<16xi32>
    %swap3A_3615 = arith.constant 30 : i32
    %swap3A_3616 = arith.index_cast %swap3A_3615 : i32 to index
    %swap3A_3617 = arith.constant 64 : index
    %swap3A_3618 = tpu.vector_load %arg5[%swap3A_3616, %swap3A_3617] {strides = array<i32>} : memref<32x128xi32, #tpu.memory_space<vmem>>, vector<1x16xi32>,
    %swap3A_3619 = vector.shape_cast %swap3A_3618 : vector<1x16xi32> to vector<16xi32>
    %swap3A_3620 = vector.shape_cast %add3A_3614 : vector<16xi32> to vector<1x16xi32>
    tpu.vector_store %arg5[%swap3A_3616, %swap3A_3617], %swap3A_3620 {strides = array<i32>} : memref<32x128xi32, #tpu.memory_space<vmem>>, vector<1x16xi32>,
    %get3A_3621 = arith.constant 30 : i32
    %get3A_3622 = arith.index_cast %get3A_3621 : i32 to index
    %get3A_3623 = arith.constant 80 : index
    %get3A_3624 = tpu.vector_load %arg5[%get3A_3622, %get3A_3623] {strides = array<i32>} : memref<32x128xi32, #tpu.memory_space<vmem>>, vector<1x16xi32>,
    %get3A_3625 = vector.shape_cast %get3A_3624 : vector<1x16xi32> to vector<16xi32>
    %add3A_3626 = arith.addi %get3A_3625, %mul3A_23 : vector<16xi32>
    %swap3A_3627 = arith.constant 30 : i32
    %swap3A_3628 = arith.index_cast %swap3A_3627 : i32 to index
    %swap3A_3629 = arith.constant 80 : index
    %swap3A_3630 = tpu.vector_load %arg5[%swap3A_3628, %swap3A_3629] {strides = array<i32>} : memref<32x128xi32, #tpu.memory_space<vmem>>, vector<1x16xi32>,
    %swap3A_3631 = vector.shape_cast %swap3A_3630 : vector<1x16xi32> to vector<16xi32>
    %swap3A_3632 = vector.shape_cast %add3A_3626 : vector<16xi32> to vector<1x16xi32>
    tpu.vector_store %arg5[%swap3A_3628, %swap3A_3629], %swap3A_3632 {strides = array<i32>} : memref<32x128xi32, #tpu.memory_space<vmem>>, vector<1x16xi32>,
    %get3A_3633 = arith.constant 30 : i32
    %get3A_3634 = arith.index_cast %get3A_3633 : i32 to index
    %get3A_3635 = arith.constant 96 : index
    %get3A_3636 = tpu.vector_load %arg5[%get3A_3634, %get3A_3635] {strides = array<i32>} : memref<32x128xi32, #tpu.memory_space<vmem>>, vector<1x16xi32>,
    %get3A_3637 = vector.shape_cast %get3A_3636 : vector<1x16xi32> to vector<16xi32>
    %add3A_3638 = arith.addi %get3A_3637, %mul3A_23 : vector<16xi32>
    %swap3A_3639 = arith.constant 30 : i32
    %swap3A_3640 = arith.index_cast %swap3A_3639 : i32 to index
    %swap3A_3641 = arith.constant 96 : index
    %swap3A_3642 = tpu.vector_load %arg5[%swap3A_3640, %swap3A_3641] {strides = array<i32>} : memref<32x128xi32, #tpu.memory_space<vmem>>, vector<1x16xi32>,
    %swap3A_3643 = vector.shape_cast %swap3A_3642 : vector<1x16xi32> to vector<16xi32>
    %swap3A_3644 = vector.shape_cast %add3A_3638 : vector<16xi32> to vector<1x16xi32>
    tpu.vector_store %arg5[%swap3A_3640, %swap3A_3641], %swap3A_3644 {strides = array<i32>} : memref<32x128xi32, #tpu.memory_space<vmem>>, vector<1x16xi32>,
    %get3A_3645 = arith.constant 30 : i32
    %get3A_3646 = arith.index_cast %get3A_3645 : i32 to index
    %get3A_3647 = arith.constant 112 : index
    %get3A_3648 = tpu.vector_load %arg5[%get3A_3646, %get3A_3647] {strides = array<i32>} : memref<32x128xi32, #tpu.memory_space<vmem>>, vector<1x16xi32>,
    %get3A_3649 = vector.shape_cast %get3A_3648 : vector<1x16xi32> to vector<16xi32>
    %add3A_3650 = arith.addi %get3A_3649, %mul3A_23 : vector<16xi32>
    %swap3A_3651 = arith.constant 30 : i32
    %swap3A_3652 = arith.index_cast %swap3A_3651 : i32 to index
    %swap3A_3653 = arith.constant 112 : index
    %swap3A_3654 = tpu.vector_load %arg5[%swap3A_3652, %swap3A_3653] {strides = array<i32>} : memref<32x128xi32, #tpu.memory_space<vmem>>, vector<1x16xi32>,
    %swap3A_3655 = vector.shape_cast %swap3A_3654 : vector<1x16xi32> to vector<16xi32>
    %swap3A_3656 = vector.shape_cast %add3A_3650 : vector<16xi32> to vector<1x16xi32>
    tpu.vector_store %arg5[%swap3A_3652, %swap3A_3653], %swap3A_3656 {strides = array<i32>} : memref<32x128xi32, #tpu.memory_space<vmem>>, vector<1x16xi32>,
    %dma_start3A_3657 = arith.constant 30 : i32
    %dma_start3A_3658 = arith.constant 0 : i32
    %dma_start3A_3659 = tpu.memref_slice %arg5[%dma_start3A_3657, %dma_start3A_3658] : memref<32x128xi32, #tpu.memory_space<vmem>> -> memref<1x128xi32, #tpu.memory_space<vmem>>
    %dma_start3A_3660 = tpu.memref_squeeze %dma_start3A_3659 : memref<1x128xi32, #tpu.memory_space<vmem>> -> memref<128xi32, #tpu.memory_space<vmem>>
    %dma_start3A_3661 = arith.constant 0 : i32
    %dma_start3A_3662 = arith.constant 0 : i32
    %dma_start3A_3663 = tpu.memref_slice %arg7[%dma_start3A_3661, %dma_start3A_3662] : memref<96x128xf32, #tpu.memory_space<vmem_shared>> -> memref<96x128xf32, #tpu.memory_space<vmem_shared>>
    tpu.enqueue_indirect_dma source(%dma_start3A_3663 : memref<96x128xf32, #tpu.memory_space<vmem_shared>>) target(%arg8 : memref<128x128xf32, #tpu.memory_space<vmem>>) offsets(%dma_start3A_3660 : memref<128xi32, #tpu.memory_space<vmem>>) semaphore(%arg14 : memref<!tpu.dma_semaphore, #tpu.memory_space<semaphore_mem>>)
    %dma_wait3A_3664 = arith.constant 27 : i32
    %dma_wait3A_3665 = arith.constant 0 : i32
    %dma_wait3A_3666 = tpu.memref_slice %arg5[%dma_wait3A_3664, %dma_wait3A_3665] : memref<32x128xi32, #tpu.memory_space<vmem>> -> memref<1x128xi32, #tpu.memory_space<vmem>>
    %dma_wait3A_3667 = tpu.memref_squeeze %dma_wait3A_3666 : memref<1x128xi32, #tpu.memory_space<vmem>> -> memref<128xi32, #tpu.memory_space<vmem>>
    %dma_wait3A_3668 = arith.constant 0 : i32
    %dma_wait3A_3669 = arith.constant 0 : i32
    %dma_wait3A_3670 = tpu.memref_slice %arg7[%dma_wait3A_3668, %dma_wait3A_3669] : memref<96x128xf32, #tpu.memory_space<vmem_shared>> -> memref<96x128xf32, #tpu.memory_space<vmem_shared>>
    tpu.wait_indirect_dma semaphore(%arg17 : memref<!tpu.dma_semaphore, #tpu.memory_space<semaphore_mem>>) src(%dma_wait3A_3670 : memref<96x128xf32, #tpu.memory_space<vmem_shared>>) dst(%arg11 : memref<128x128xf32, #tpu.memory_space<vmem>>)
    %add3A_3671 = arith.constant 3456 : i32
    %add3A_3672 = arith.addi %mul3A_2, %add3A_3671 : i32
    %dma_start3A_3673 = arith.constant 0 : i32
    %dma_start3A_3674 = tpu.memref_slice %arg4[%add3A_3672, %dma_start3A_3673] : memref<131072x128xf32, #tpu.memory_space<hbm>> -> memref<128x128xf32, #tpu.memory_space<hbm>>
    %dma_start3A_3675 = arith.constant 0 : i32
    %dma_start3A_3676 = tpu.memref_slice %arg4[%add3A_3672, %dma_start3A_3675] : memref<131072x128xf32, #tpu.memory_space<hbm>> -> memref<128x128xf32, #tpu.memory_space<hbm>>
    tpu.enqueue_dma source(%arg11 : memref<128x128xf32, #tpu.memory_space<vmem>>) target(%dma_start3A_3676 : memref<128x128xf32, #tpu.memory_space<hbm>>) target_semaphore(%arg23 : memref<!tpu.dma_semaphore, #tpu.memory_space<semaphore_mem>>)
    %dma_wait3A_3677 = arith.constant 0 : i32
    %dma_wait3A_3678 = tpu.memref_slice %arg4[%add3A_3432, %dma_wait3A_3677] : memref<131072x128xf32, #tpu.memory_space<hbm>> -> memref<128x128xf32, #tpu.memory_space<hbm>>
    %dma_wait3A_3679 = arith.constant 0 : i32
    %dma_wait3A_3680 = tpu.memref_slice %arg4[%add3A_3432, %dma_wait3A_3679] : memref<131072x128xf32, #tpu.memory_space<hbm>> -> memref<128x128xf32, #tpu.memory_space<hbm>>
    tpu.wait_dma2 semaphore(%arg21 : memref<!tpu.dma_semaphore, #tpu.memory_space<semaphore_mem>>) src(%arg9 : memref<128x128xf32, #tpu.memory_space<vmem>>) dst(%dma_wait3A_3680 : memref<128x128xf32, #tpu.memory_space<hbm>>)
    %get3A_3681 = arith.constant 31 : i32
    %get3A_3682 = arith.index_cast %get3A_3681 : i32 to index
    %get3A_3683 = arith.constant 0 : index
    %get3A_3684 = tpu.vector_load %arg5[%get3A_3682, %get3A_3683] {strides = array<i32>} : memref<32x128xi32, #tpu.memory_space<vmem>>, vector<1x16xi32>,
    %get3A_3685 = vector.shape_cast %get3A_3684 : vector<1x16xi32> to vector<16xi32>
    %add3A_3686 = arith.addi %get3A_3685, %mul3A_23 : vector<16xi32>
    %swap3A_3687 = arith.constant 31 : i32
    %swap3A_3688 = arith.index_cast %swap3A_3687 : i32 to index
    %swap3A_3689 = arith.constant 0 : index
    %swap3A_3690 = tpu.vector_load %arg5[%swap3A_3688, %swap3A_3689] {strides = array<i32>} : memref<32x128xi32, #tpu.memory_space<vmem>>, vector<1x16xi32>,
    %swap3A_3691 = vector.shape_cast %swap3A_3690 : vector<1x16xi32> to vector<16xi32>
    %swap3A_3692 = vector.shape_cast %add3A_3686 : vector<16xi32> to vector<1x16xi32>
    tpu.vector_store %arg5[%swap3A_3688, %swap3A_3689], %swap3A_3692 {strides = array<i32>} : memref<32x128xi32, #tpu.memory_space<vmem>>, vector<1x16xi32>,
    %get3A_3693 = arith.constant 31 : i32
    %get3A_3694 = arith.index_cast %get3A_3693 : i32 to index
    %get3A_3695 = arith.constant 16 : index
    %get3A_3696 = tpu.vector_load %arg5[%get3A_3694, %get3A_3695] {strides = array<i32>} : memref<32x128xi32, #tpu.memory_space<vmem>>, vector<1x16xi32>,
    %get3A_3697 = vector.shape_cast %get3A_3696 : vector<1x16xi32> to vector<16xi32>
    %add3A_3698 = arith.addi %get3A_3697, %mul3A_23 : vector<16xi32>
    %swap3A_3699 = arith.constant 31 : i32
    %swap3A_3700 = arith.index_cast %swap3A_3699 : i32 to index
    %swap3A_3701 = arith.constant 16 : index
    %swap3A_3702 = tpu.vector_load %arg5[%swap3A_3700, %swap3A_3701] {strides = array<i32>} : memref<32x128xi32, #tpu.memory_space<vmem>>, vector<1x16xi32>,
    %swap3A_3703 = vector.shape_cast %swap3A_3702 : vector<1x16xi32> to vector<16xi32>
    %swap3A_3704 = vector.shape_cast %add3A_3698 : vector<16xi32> to vector<1x16xi32>
    tpu.vector_store %arg5[%swap3A_3700, %swap3A_3701], %swap3A_3704 {strides = array<i32>} : memref<32x128xi32, #tpu.memory_space<vmem>>, vector<1x16xi32>,
    %get3A_3705 = arith.constant 31 : i32
    %get3A_3706 = arith.index_cast %get3A_3705 : i32 to index
    %get3A_3707 = arith.constant 32 : index
    %get3A_3708 = tpu.vector_load %arg5[%get3A_3706, %get3A_3707] {strides = array<i32>} : memref<32x128xi32, #tpu.memory_space<vmem>>, vector<1x16xi32>,
    %get3A_3709 = vector.shape_cast %get3A_3708 : vector<1x16xi32> to vector<16xi32>
    %add3A_3710 = arith.addi %get3A_3709, %mul3A_23 : vector<16xi32>
    %swap3A_3711 = arith.constant 31 : i32
    %swap3A_3712 = arith.index_cast %swap3A_3711 : i32 to index
    %swap3A_3713 = arith.constant 32 : index
    %swap3A_3714 = tpu.vector_load %arg5[%swap3A_3712, %swap3A_3713] {strides = array<i32>} : memref<32x128xi32, #tpu.memory_space<vmem>>, vector<1x16xi32>,
    %swap3A_3715 = vector.shape_cast %swap3A_3714 : vector<1x16xi32> to vector<16xi32>
    %swap3A_3716 = vector.shape_cast %add3A_3710 : vector<16xi32> to vector<1x16xi32>
    tpu.vector_store %arg5[%swap3A_3712, %swap3A_3713], %swap3A_3716 {strides = array<i32>} : memref<32x128xi32, #tpu.memory_space<vmem>>, vector<1x16xi32>,
    %get3A_3717 = arith.constant 31 : i32
    %get3A_3718 = arith.index_cast %get3A_3717 : i32 to index
    %get3A_3719 = arith.constant 48 : index
    %get3A_3720 = tpu.vector_load %arg5[%get3A_3718, %get3A_3719] {strides = array<i32>} : memref<32x128xi32, #tpu.memory_space<vmem>>, vector<1x16xi32>,
    %get3A_3721 = vector.shape_cast %get3A_3720 : vector<1x16xi32> to vector<16xi32>
    %add3A_3722 = arith.addi %get3A_3721, %mul3A_23 : vector<16xi32>
    %swap3A_3723 = arith.constant 31 : i32
    %swap3A_3724 = arith.index_cast %swap3A_3723 : i32 to index
    %swap3A_3725 = arith.constant 48 : index
    %swap3A_3726 = tpu.vector_load %arg5[%swap3A_3724, %swap3A_3725] {strides = array<i32>} : memref<32x128xi32, #tpu.memory_space<vmem>>, vector<1x16xi32>,
    %swap3A_3727 = vector.shape_cast %swap3A_3726 : vector<1x16xi32> to vector<16xi32>
    %swap3A_3728 = vector.shape_cast %add3A_3722 : vector<16xi32> to vector<1x16xi32>
    tpu.vector_store %arg5[%swap3A_3724, %swap3A_3725], %swap3A_3728 {strides = array<i32>} : memref<32x128xi32, #tpu.memory_space<vmem>>, vector<1x16xi32>,
    %get3A_3729 = arith.constant 31 : i32
    %get3A_3730 = arith.index_cast %get3A_3729 : i32 to index
    %get3A_3731 = arith.constant 64 : index
    %get3A_3732 = tpu.vector_load %arg5[%get3A_3730, %get3A_3731] {strides = array<i32>} : memref<32x128xi32, #tpu.memory_space<vmem>>, vector<1x16xi32>,
    %get3A_3733 = vector.shape_cast %get3A_3732 : vector<1x16xi32> to vector<16xi32>
    %add3A_3734 = arith.addi %get3A_3733, %mul3A_23 : vector<16xi32>
    %swap3A_3735 = arith.constant 31 : i32
    %swap3A_3736 = arith.index_cast %swap3A_3735 : i32 to index
    %swap3A_3737 = arith.constant 64 : index
    %swap3A_3738 = tpu.vector_load %arg5[%swap3A_3736, %swap3A_3737] {strides = array<i32>} : memref<32x128xi32, #tpu.memory_space<vmem>>, vector<1x16xi32>,
    %swap3A_3739 = vector.shape_cast %swap3A_3738 : vector<1x16xi32> to vector<16xi32>
    %swap3A_3740 = vector.shape_cast %add3A_3734 : vector<16xi32> to vector<1x16xi32>
    tpu.vector_store %arg5[%swap3A_3736, %swap3A_3737], %swap3A_3740 {strides = array<i32>} : memref<32x128xi32, #tpu.memory_space<vmem>>, vector<1x16xi32>,
    %get3A_3741 = arith.constant 31 : i32
    %get3A_3742 = arith.index_cast %get3A_3741 : i32 to index
    %get3A_3743 = arith.constant 80 : index
    %get3A_3744 = tpu.vector_load %arg5[%get3A_3742, %get3A_3743] {strides = array<i32>} : memref<32x128xi32, #tpu.memory_space<vmem>>, vector<1x16xi32>,
    %get3A_3745 = vector.shape_cast %get3A_3744 : vector<1x16xi32> to vector<16xi32>
    %add3A_3746 = arith.addi %get3A_3745, %mul3A_23 : vector<16xi32>
    %swap3A_3747 = arith.constant 31 : i32
    %swap3A_3748 = arith.index_cast %swap3A_3747 : i32 to index
    %swap3A_3749 = arith.constant 80 : index
    %swap3A_3750 = tpu.vector_load %arg5[%swap3A_3748, %swap3A_3749] {strides = array<i32>} : memref<32x128xi32, #tpu.memory_space<vmem>>, vector<1x16xi32>,
    %swap3A_3751 = vector.shape_cast %swap3A_3750 : vector<1x16xi32> to vector<16xi32>
    %swap3A_3752 = vector.shape_cast %add3A_3746 : vector<16xi32> to vector<1x16xi32>
    tpu.vector_store %arg5[%swap3A_3748, %swap3A_3749], %swap3A_3752 {strides = array<i32>} : memref<32x128xi32, #tpu.memory_space<vmem>>, vector<1x16xi32>,
    %get3A_3753 = arith.constant 31 : i32
    %get3A_3754 = arith.index_cast %get3A_3753 : i32 to index
    %get3A_3755 = arith.constant 96 : index
    %get3A_3756 = tpu.vector_load %arg5[%get3A_3754, %get3A_3755] {strides = array<i32>} : memref<32x128xi32, #tpu.memory_space<vmem>>, vector<1x16xi32>,
    %get3A_3757 = vector.shape_cast %get3A_3756 : vector<1x16xi32> to vector<16xi32>
    %add3A_3758 = arith.addi %get3A_3757, %mul3A_23 : vector<16xi32>
    %swap3A_3759 = arith.constant 31 : i32
    %swap3A_3760 = arith.index_cast %swap3A_3759 : i32 to index
    %swap3A_3761 = arith.constant 96 : index
    %swap3A_3762 = tpu.vector_load %arg5[%swap3A_3760, %swap3A_3761] {strides = array<i32>} : memref<32x128xi32, #tpu.memory_space<vmem>>, vector<1x16xi32>,
    %swap3A_3763 = vector.shape_cast %swap3A_3762 : vector<1x16xi32> to vector<16xi32>
    %swap3A_3764 = vector.shape_cast %add3A_3758 : vector<16xi32> to vector<1x16xi32>
    tpu.vector_store %arg5[%swap3A_3760, %swap3A_3761], %swap3A_3764 {strides = array<i32>} : memref<32x128xi32, #tpu.memory_space<vmem>>, vector<1x16xi32>,
    %get3A_3765 = arith.constant 31 : i32
    %get3A_3766 = arith.index_cast %get3A_3765 : i32 to index
    %get3A_3767 = arith.constant 112 : index
    %get3A_3768 = tpu.vector_load %arg5[%get3A_3766, %get3A_3767] {strides = array<i32>} : memref<32x128xi32, #tpu.memory_space<vmem>>, vector<1x16xi32>,
    %get3A_3769 = vector.shape_cast %get3A_3768 : vector<1x16xi32> to vector<16xi32>
    %add3A_3770 = arith.addi %get3A_3769, %mul3A_23 : vector<16xi32>
    %swap3A_3771 = arith.constant 31 : i32
    %swap3A_3772 = arith.index_cast %swap3A_3771 : i32 to index
    %swap3A_3773 = arith.constant 112 : index
    %swap3A_3774 = tpu.vector_load %arg5[%swap3A_3772, %swap3A_3773] {strides = array<i32>} : memref<32x128xi32, #tpu.memory_space<vmem>>, vector<1x16xi32>,
    %swap3A_3775 = vector.shape_cast %swap3A_3774 : vector<1x16xi32> to vector<16xi32>
    %swap3A_3776 = vector.shape_cast %add3A_3770 : vector<16xi32> to vector<1x16xi32>
    tpu.vector_store %arg5[%swap3A_3772, %swap3A_3773], %swap3A_3776 {strides = array<i32>} : memref<32x128xi32, #tpu.memory_space<vmem>>, vector<1x16xi32>,
    %dma_start3A_3777 = arith.constant 31 : i32
    %dma_start3A_3778 = arith.constant 0 : i32
    %dma_start3A_3779 = tpu.memref_slice %arg5[%dma_start3A_3777, %dma_start3A_3778] : memref<32x128xi32, #tpu.memory_space<vmem>> -> memref<1x128xi32, #tpu.memory_space<vmem>>
    %dma_start3A_3780 = tpu.memref_squeeze %dma_start3A_3779 : memref<1x128xi32, #tpu.memory_space<vmem>> -> memref<128xi32, #tpu.memory_space<vmem>>
    %dma_start3A_3781 = arith.constant 0 : i32
    %dma_start3A_3782 = arith.constant 0 : i32
    %dma_start3A_3783 = tpu.memref_slice %arg7[%dma_start3A_3781, %dma_start3A_3782] : memref<96x128xf32, #tpu.memory_space<vmem_shared>> -> memref<96x128xf32, #tpu.memory_space<vmem_shared>>
    tpu.enqueue_indirect_dma source(%dma_start3A_3783 : memref<96x128xf32, #tpu.memory_space<vmem_shared>>) target(%arg9 : memref<128x128xf32, #tpu.memory_space<vmem>>) offsets(%dma_start3A_3780 : memref<128xi32, #tpu.memory_space<vmem>>) semaphore(%arg15 : memref<!tpu.dma_semaphore, #tpu.memory_space<semaphore_mem>>)
    %dma_wait3A_3784 = arith.constant 28 : i32
    %dma_wait3A_3785 = arith.constant 0 : i32
    %dma_wait3A_3786 = tpu.memref_slice %arg5[%dma_wait3A_3784, %dma_wait3A_3785] : memref<32x128xi32, #tpu.memory_space<vmem>> -> memref<1x128xi32, #tpu.memory_space<vmem>>
    %dma_wait3A_3787 = tpu.memref_squeeze %dma_wait3A_3786 : memref<1x128xi32, #tpu.memory_space<vmem>> -> memref<128xi32, #tpu.memory_space<vmem>>
    %dma_wait3A_3788 = arith.constant 0 : i32
    %dma_wait3A_3789 = arith.constant 0 : i32
    %dma_wait3A_3790 = tpu.memref_slice %arg7[%dma_wait3A_3788, %dma_wait3A_3789] : memref<96x128xf32, #tpu.memory_space<vmem_shared>> -> memref<96x128xf32, #tpu.memory_space<vmem_shared>>
    tpu.wait_indirect_dma semaphore(%arg18 : memref<!tpu.dma_semaphore, #tpu.memory_space<semaphore_mem>>) src(%dma_wait3A_3790 : memref<96x128xf32, #tpu.memory_space<vmem_shared>>) dst(%arg12 : memref<128x128xf32, #tpu.memory_space<vmem>>)
    %add3A_3791 = arith.constant 3584 : i32
    %add3A_3792 = arith.addi %mul3A_2, %add3A_3791 : i32
    %dma_start3A_3793 = arith.constant 0 : i32
    %dma_start3A_3794 = tpu.memref_slice %arg4[%add3A_3792, %dma_start3A_3793] : memref<131072x128xf32, #tpu.memory_space<hbm>> -> memref<128x128xf32, #tpu.memory_space<hbm>>
    %dma_start3A_3795 = arith.constant 0 : i32
    %dma_start3A_3796 = tpu.memref_slice %arg4[%add3A_3792, %dma_start3A_3795] : memref<131072x128xf32, #tpu.memory_space<hbm>> -> memref<128x128xf32, #tpu.memory_space<hbm>>
    tpu.enqueue_dma source(%arg12 : memref<128x128xf32, #tpu.memory_space<vmem>>) target(%dma_start3A_3796 : memref<128x128xf32, #tpu.memory_space<hbm>>) target_semaphore(%arg24 : memref<!tpu.dma_semaphore, #tpu.memory_space<semaphore_mem>>)
    %dma_wait3A_3797 = arith.constant 29 : i32
    %dma_wait3A_3798 = arith.constant 0 : i32
    %dma_wait3A_3799 = tpu.memref_slice %arg5[%dma_wait3A_3797, %dma_wait3A_3798] : memref<32x128xi32, #tpu.memory_space<vmem>> -> memref<1x128xi32, #tpu.memory_space<vmem>>
    %dma_wait3A_3800 = tpu.memref_squeeze %dma_wait3A_3799 : memref<1x128xi32, #tpu.memory_space<vmem>> -> memref<128xi32, #tpu.memory_space<vmem>>
    %dma_wait3A_3801 = arith.constant 0 : i32
    %dma_wait3A_3802 = arith.constant 0 : i32
    %dma_wait3A_3803 = tpu.memref_slice %arg7[%dma_wait3A_3801, %dma_wait3A_3802] : memref<96x128xf32, #tpu.memory_space<vmem_shared>> -> memref<96x128xf32, #tpu.memory_space<vmem_shared>>
    tpu.wait_indirect_dma semaphore(%arg19 : memref<!tpu.dma_semaphore, #tpu.memory_space<semaphore_mem>>) src(%dma_wait3A_3803 : memref<96x128xf32, #tpu.memory_space<vmem_shared>>) dst(%arg13 : memref<128x128xf32, #tpu.memory_space<vmem>>)
    %add3A_3804 = arith.constant 3712 : i32
    %add3A_3805 = arith.addi %mul3A_2, %add3A_3804 : i32
    %dma_start3A_3806 = arith.constant 0 : i32
    %dma_start3A_3807 = tpu.memref_slice %arg4[%add3A_3805, %dma_start3A_3806] : memref<131072x128xf32, #tpu.memory_space<hbm>> -> memref<128x128xf32, #tpu.memory_space<hbm>>
    %dma_start3A_3808 = arith.constant 0 : i32
    %dma_start3A_3809 = tpu.memref_slice %arg4[%add3A_3805, %dma_start3A_3808] : memref<131072x128xf32, #tpu.memory_space<hbm>> -> memref<128x128xf32, #tpu.memory_space<hbm>>
    tpu.enqueue_dma source(%arg13 : memref<128x128xf32, #tpu.memory_space<vmem>>) target(%dma_start3A_3809 : memref<128x128xf32, #tpu.memory_space<hbm>>) target_semaphore(%arg25 : memref<!tpu.dma_semaphore, #tpu.memory_space<semaphore_mem>>)
    %dma_wait3A_3810 = arith.constant 30 : i32
    %dma_wait3A_3811 = arith.constant 0 : i32
    %dma_wait3A_3812 = tpu.memref_slice %arg5[%dma_wait3A_3810, %dma_wait3A_3811] : memref<32x128xi32, #tpu.memory_space<vmem>> -> memref<1x128xi32, #tpu.memory_space<vmem>>
    %dma_wait3A_3813 = tpu.memref_squeeze %dma_wait3A_3812 : memref<1x128xi32, #tpu.memory_space<vmem>> -> memref<128xi32, #tpu.memory_space<vmem>>
    %dma_wait3A_3814 = arith.constant 0 : i32
    %dma_wait3A_3815 = arith.constant 0 : i32
    %dma_wait3A_3816 = tpu.memref_slice %arg7[%dma_wait3A_3814, %dma_wait3A_3815] : memref<96x128xf32, #tpu.memory_space<vmem_shared>> -> memref<96x128xf32, #tpu.memory_space<vmem_shared>>
    tpu.wait_indirect_dma semaphore(%arg14 : memref<!tpu.dma_semaphore, #tpu.memory_space<semaphore_mem>>) src(%dma_wait3A_3816 : memref<96x128xf32, #tpu.memory_space<vmem_shared>>) dst(%arg8 : memref<128x128xf32, #tpu.memory_space<vmem>>)
    %add3A_3817 = arith.constant 3840 : i32
    %add3A_3818 = arith.addi %mul3A_2, %add3A_3817 : i32
    %dma_start3A_3819 = arith.constant 0 : i32
    %dma_start3A_3820 = tpu.memref_slice %arg4[%add3A_3818, %dma_start3A_3819] : memref<131072x128xf32, #tpu.memory_space<hbm>> -> memref<128x128xf32, #tpu.memory_space<hbm>>
    %dma_start3A_3821 = arith.constant 0 : i32
    %dma_start3A_3822 = tpu.memref_slice %arg4[%add3A_3818, %dma_start3A_3821] : memref<131072x128xf32, #tpu.memory_space<hbm>> -> memref<128x128xf32, #tpu.memory_space<hbm>>
    tpu.enqueue_dma source(%arg8 : memref<128x128xf32, #tpu.memory_space<vmem>>) target(%dma_start3A_3822 : memref<128x128xf32, #tpu.memory_space<hbm>>) target_semaphore(%arg20 : memref<!tpu.dma_semaphore, #tpu.memory_space<semaphore_mem>>)
    %dma_wait3A_3823 = arith.constant 31 : i32
    %dma_wait3A_3824 = arith.constant 0 : i32
    %dma_wait3A_3825 = tpu.memref_slice %arg5[%dma_wait3A_3823, %dma_wait3A_3824] : memref<32x128xi32, #tpu.memory_space<vmem>> -> memref<1x128xi32, #tpu.memory_space<vmem>>
    %dma_wait3A_3826 = tpu.memref_squeeze %dma_wait3A_3825 : memref<1x128xi32, #tpu.memory_space<vmem>> -> memref<128xi32, #tpu.memory_space<vmem>>
    %dma_wait3A_3827 = arith.constant 0 : i32
    %dma_wait3A_3828 = arith.constant 0 : i32
    %dma_wait3A_3829 = tpu.memref_slice %arg7[%dma_wait3A_3827, %dma_wait3A_3828] : memref<96x128xf32, #tpu.memory_space<vmem_shared>> -> memref<96x128xf32, #tpu.memory_space<vmem_shared>>
    tpu.wait_indirect_dma semaphore(%arg15 : memref<!tpu.dma_semaphore, #tpu.memory_space<semaphore_mem>>) src(%dma_wait3A_3829 : memref<96x128xf32, #tpu.memory_space<vmem_shared>>) dst(%arg9 : memref<128x128xf32, #tpu.memory_space<vmem>>)
    %add3A_3830 = arith.constant 3968 : i32
    %add3A_3831 = arith.addi %mul3A_2, %add3A_3830 : i32
    %dma_start3A_3832 = arith.constant 0 : i32
    %dma_start3A_3833 = tpu.memref_slice %arg4[%add3A_3831, %dma_start3A_3832] : memref<131072x128xf32, #tpu.memory_space<hbm>> -> memref<128x128xf32, #tpu.memory_space<hbm>>
    %dma_start3A_3834 = arith.constant 0 : i32
    %dma_start3A_3835 = tpu.memref_slice %arg4[%add3A_3831, %dma_start3A_3834] : memref<131072x128xf32, #tpu.memory_space<hbm>> -> memref<128x128xf32, #tpu.memory_space<hbm>>
    tpu.enqueue_dma source(%arg9 : memref<128x128xf32, #tpu.memory_space<vmem>>) target(%dma_start3A_3835 : memref<128x128xf32, #tpu.memory_space<hbm>>) target_semaphore(%arg21 : memref<!tpu.dma_semaphore, #tpu.memory_space<semaphore_mem>>)
    %dma_wait3A_3836 = arith.constant 0 : i32
    %dma_wait3A_3837 = tpu.memref_slice %arg4[%add3A_3818, %dma_wait3A_3836] : memref<131072x128xf32, #tpu.memory_space<hbm>> -> memref<128x128xf32, #tpu.memory_space<hbm>>
    %dma_wait3A_3838 = arith.constant 0 : i32
    %dma_wait3A_3839 = tpu.memref_slice %arg4[%add3A_3818, %dma_wait3A_3838] : memref<131072x128xf32, #tpu.memory_space<hbm>> -> memref<128x128xf32, #tpu.memory_space<hbm>>
    tpu.wait_dma2 semaphore(%arg20 : memref<!tpu.dma_semaphore, #tpu.memory_space<semaphore_mem>>) src(%arg8 : memref<128x128xf32, #tpu.memory_space<vmem>>) dst(%dma_wait3A_3839 : memref<128x128xf32, #tpu.memory_space<hbm>>)
    %dma_wait3A_3840 = arith.constant 0 : i32
    %dma_wait3A_3841 = tpu.memref_slice %arg4[%add3A_3831, %dma_wait3A_3840] : memref<131072x128xf32, #tpu.memory_space<hbm>> -> memref<128x128xf32, #tpu.memory_space<hbm>>
    %dma_wait3A_3842 = arith.constant 0 : i32
    %dma_wait3A_3843 = tpu.memref_slice %arg4[%add3A_3831, %dma_wait3A_3842] : memref<131072x128xf32, #tpu.memory_space<hbm>> -> memref<128x128xf32, #tpu.memory_space<hbm>>
    tpu.wait_dma2 semaphore(%arg21 : memref<!tpu.dma_semaphore, #tpu.memory_space<semaphore_mem>>) src(%arg9 : memref<128x128xf32, #tpu.memory_space<vmem>>) dst(%dma_wait3A_3843 : memref<128x128xf32, #tpu.memory_space<hbm>>)
    %dma_wait3A_3844 = arith.constant 0 : i32
    %dma_wait3A_3845 = tpu.memref_slice %arg4[%add3A_3552, %dma_wait3A_3844] : memref<131072x128xf32, #tpu.memory_space<hbm>> -> memref<128x128xf32, #tpu.memory_space<hbm>>
    %dma_wait3A_3846 = arith.constant 0 : i32
    %dma_wait3A_3847 = tpu.memref_slice %arg4[%add3A_3552, %dma_wait3A_3846] : memref<131072x128xf32, #tpu.memory_space<hbm>> -> memref<128x128xf32, #tpu.memory_space<hbm>>
    tpu.wait_dma2 semaphore(%arg22 : memref<!tpu.dma_semaphore, #tpu.memory_space<semaphore_mem>>) src(%arg10 : memref<128x128xf32, #tpu.memory_space<vmem>>) dst(%dma_wait3A_3847 : memref<128x128xf32, #tpu.memory_space<hbm>>)
    %dma_wait3A_3848 = arith.constant 0 : i32
    %dma_wait3A_3849 = tpu.memref_slice %arg4[%add3A_3672, %dma_wait3A_3848] : memref<131072x128xf32, #tpu.memory_space<hbm>> -> memref<128x128xf32, #tpu.memory_space<hbm>>
    %dma_wait3A_3850 = arith.constant 0 : i32
    %dma_wait3A_3851 = tpu.memref_slice %arg4[%add3A_3672, %dma_wait3A_3850] : memref<131072x128xf32, #tpu.memory_space<hbm>> -> memref<128x128xf32, #tpu.memory_space<hbm>>
    tpu.wait_dma2 semaphore(%arg23 : memref<!tpu.dma_semaphore, #tpu.memory_space<semaphore_mem>>) src(%arg11 : memref<128x128xf32, #tpu.memory_space<vmem>>) dst(%dma_wait3A_3851 : memref<128x128xf32, #tpu.memory_space<hbm>>)
    %dma_wait3A_3852 = arith.constant 0 : i32
    %dma_wait3A_3853 = tpu.memref_slice %arg4[%add3A_3792, %dma_wait3A_3852] : memref<131072x128xf32, #tpu.memory_space<hbm>> -> memref<128x128xf32, #tpu.memory_space<hbm>>
    %dma_wait3A_3854 = arith.constant 0 : i32
    %dma_wait3A_3855 = tpu.memref_slice %arg4[%add3A_3792, %dma_wait3A_3854] : memref<131072x128xf32, #tpu.memory_space<hbm>> -> memref<128x128xf32, #tpu.memory_space<hbm>>
    tpu.wait_dma2 semaphore(%arg24 : memref<!tpu.dma_semaphore, #tpu.memory_space<semaphore_mem>>) src(%arg12 : memref<128x128xf32, #tpu.memory_space<vmem>>) dst(%dma_wait3A_3855 : memref<128x128xf32, #tpu.memory_space<hbm>>)
    %dma_wait3A_3856 = arith.constant 0 : i32
    %dma_wait3A_3857 = tpu.memref_slice %arg4[%add3A_3805, %dma_wait3A_3856] : memref<131072x128xf32, #tpu.memory_space<hbm>> -> memref<128x128xf32, #tpu.memory_space<hbm>>
    %dma_wait3A_3858 = arith.constant 0 : i32
    %dma_wait3A_3859 = tpu.memref_slice %arg4[%add3A_3805, %dma_wait3A_3858] : memref<131072x128xf32, #tpu.memory_space<hbm>> -> memref<128x128xf32, #tpu.memory_space<hbm>>
    tpu.wait_dma2 semaphore(%arg25 : memref<!tpu.dma_semaphore, #tpu.memory_space<semaphore_mem>>) src(%arg13 : memref<128x128xf32, #tpu.memory_space<vmem>>) dst(%dma_wait3A_3859 : memref<128x128xf32, #tpu.memory_space<hbm>>)
    return
  }
}

</mosaic_0001>

<sc_bundles>
// kernel: kernel.3.cloned.1.call-start
scs
__scs_entry_jumppad:
0x0: {  	(pc) =	sbr.rel $0x88, $3  }
0x1: {  	(tag) =	ssettag $0x0;
	lr =	simm.s32 $0x1  }
0x2: {  	[smem:$0x3F9E] =	sst lr;
	_ =	strace $0xD0000000  }
0x3: {  	_ = 	snop  }
0x4: {  	_ = 	snop  }
0x5: {  	_ = 	snop  }
0x6: {  	_ = 	snop  }
0x7: {  	_ = 	snop  }
__scs_overlays_trampoline_lowered:
0x8: {  	[smem:$0x3FAD] =	sst s0  }
0x9: {  	[smem:$0x3FAE] =	sst s1  }
0xa: {  	[smem:$0x3FAF] =	sst s2  }
0xb: {  	[smem:$0x3FB0] =	sst s3  }
0xc: {  	[smem:$0x3FB1] =	sst s4  }
0xd: {  	[smem:$0x3FB2] =	sst s5  }
0xe: {  	[smem:$0x3FB3] =	sst s6  }
0xf: {  	[smem:$0x3FB4] =	sst s7  }
0x10: {  	[smem:$0x3FB5] =	sst s8  }
0x11: {  	[smem:$0x3FB6] =	sst s9;
	s0 =	simm.s32 @!p0 $0x0  }
0x12: {  	s1 =	sld [smem:$0x3F9C];
	s0 =	simm.s32 @p0 $0x1  }
0x13: {  	[smem:$0x3FB7] =	sst s0;
	s0 =	simm.s32 @!p1 $0x0  }
0x14: {  	s2 =	sld [smem:$0x3F9B];
	s0 =	simm.s32 @p1 $0x1  }
0x15: {  	[smem:$0x3FB8] =	sst s0;
	s0 =	simm.s32 @!p2 $0x0  }
0x16: {  	s3 =	sld [smem:$0x3FDB];
	s0 =	simm.s32 @p2 $0x1  }
0x17: {  	s4 =	simm.s32 $0x1BF5;
	[smem:$0x3FBA] =	sst s0  }
0x18: {  	s0 =	sld [smem:$0x3F9D];
	_ =	swait.ge [sflag:s4], $0x0  }
0x19: {  	s7 =	sld [smem:$0x3F9E]  }
0x1a: {  	s8 =	sadd.s32 $0xFFFFE003, lr  }
0x1b: {  	s9 =	sadd.s32 $0xFFFFFEF7, lr;
	s5 =	simm.s32 $0xFFFFFFFF;
	p2 =	slt.u32 s8, $0xFFFFF086  }
0x1c: {  	p1 =	slt.u32 s9, $0xF7A;
	s5 =	simm.s32 @!p2 $0x0  }
0x1d: {  	s5 =	simm.s32 @p1 $0x1;
	p0 =	seq.s32 s7, s2  }
0x1e: {  	s7 =	smul.u32 @!p0 $0xF7A, s2;
	p2 =	seq.s32 @!p0 s5, $0x0  }
0x1f: {  	s9 =	smul.u32 $0xF7A, s1;
	s8 =	simm.s32 @!p0 $0x1BF5;
	p2 =	por !p2, p0  }
0x20: {  	[sflag:s8] =	ssyncset.s32 @!p0 $0xFFFFF086;
	s6 =	sadd.s32 @!p0 s3, s7;
	s7 =	simm.s32 @!p0 $0x108  }
0x21: {  	s3 =	sadd.s32 s3, s9;
	s6 =	sadd.s32 @!p0 $0x88, s6;
	s7 =	simm.s32 @p2 $0x1082  }
0x22: {  	[simem:s7], [sflag:s8] =	dma.local @!p0 [hbm:s6], $0xF7A  }
0x23: {  	s9 =	sor.u32 $0xD0000000, s2;
	s6 =	simm.s32 $0x108;
	_ =	swait.ge @!p0 [sflag:s8], $0x0  }
0x24: {  	s3 =	sadd.s32 $0x88, s3;
	s6 =	simm.s32 @!p1 $0x1082;
	[sflag:s4] =	ssyncset.s32 $0xFFFFF086  }
0x25: {  	[simem:s6], [sflag:s4] =	dma.local [hbm:s3], $0xF7A  }
0x26: {  	[smem:$0x3F9E] =	sst s1;
	(tag) =	ssettag s2;
	_ =	strace s9  }
0x27: {  	s1 =	sld [smem:$0x3FAE]  }
0x28: {  	s2 =	sld [smem:$0x3FAF]  }
0x29: {  	s4 =	sld [smem:$0x3FB1]  }
0x2a: {  	p0 =	seq.s32 s5, $0x0;
	s5 =	sld [smem:$0x3FB2]  }
0x2b: {  	s6 =	sld [smem:$0x3FB3]  }
0x2c: {  	s7 =	sld [smem:$0x3FB4]  }
0x2d: {  	s3 =	simm.s32 $0x108;
	s8 =	sld [smem:$0x3FB5]  }
0x2e: {  	s3 =	simm.s32 @!p0 $0x1082;
	s9 =	sld [smem:$0x3FB6]  }
0x2f: {  	lr =	sadd.s32 s0, s3;
	s0 =	sld [smem:$0x3FAD]  }
0x30: {  	s3 =	sld [smem:$0x3FB0]  }
0x31: {  	[smem:$0x3FB9] =	sst s10  }
0x32: {  	s10 =	sld [smem:$0x3FB7];
	_ =	sdelay $0x3  }
0x33: {  	p0 =	seq.s32 s10, $0x1;
	s10 =	sld [smem:$0x3FB9];
	_ =	sdelay $0x3  }
0x34: {  	[smem:$0x3FB9] =	sst s10  }
0x35: {  	s10 =	sld [smem:$0x3FB8];
	_ =	sdelay $0x3  }
0x36: {  	p1 =	seq.s32 s10, $0x1;
	s10 =	sld [smem:$0x3FB9];
	_ =	sdelay $0x3  }
0x37: {  	[smem:$0x3FB9] =	sst s10  }
0x38: {  	s10 =	sld [smem:$0x3FBA]  }
0x39: {  	_ = 	snop;
	(pc) =	sbr.ind lr, $3  }
0x3a: {  	_ = 	snop  }
0x3b: {  	_ = 	snop  }
0x3c: {  	p2 =	seq.s32 s10, $0x1;
	s10 =	sld [smem:$0x3FB9]  }
0x3d: {  	_ =	shalt  }
0x3e: {  	_ =	shalt  }
0x3f: {  	_ =	shalt  }
0x40: {  	_ =	shalt  }
0x41: {  	_ =	shalt  }
0x42: {  	_ =	shalt  }
0x43: {  	_ =	shalt  }
0x44: {  	_ =	shalt  }
0x45: {  	_ =	shalt  }
0x46: {  	_ =	shalt  }
0x47: {  	_ =	shalt  }
0x48: {  	_ =	shalt  }
0x49: {  	_ =	shalt  }
0x4a: {  	_ =	shalt  }
0x4b: {  	_ =	shalt  }
0x4c: {  	_ =	shalt  }
0x4d: {  	_ =	shalt  }
0x4e: {  	_ =	shalt  }
0x4f: {  	_ =	shalt  }
0x50: {  	_ =	shalt  }
0x51: {  	_ =	shalt  }
0x52: {  	_ =	shalt  }
0x53: {  	_ =	shalt  }
0x54: {  	_ =	shalt  }
0x55: {  	_ =	shalt  }
0x56: {  	_ =	shalt  }
0x57: {  	_ =	shalt  }
0x58: {  	_ =	shalt  }
0x59: {  	_ =	shalt  }
0x5a: {  	_ =	shalt  }
0x5b: {  	_ =	shalt  }
0x5c: {  	_ =	shalt  }
0x5d: {  	_ =	shalt  }
0x5e: {  	_ =	shalt  }
0x5f: {  	_ =	shalt  }
0x60: {  	_ =	shalt  }
0x61: {  	_ =	shalt  }
0x62: {  	_ =	shalt  }
0x63: {  	_ =	shalt  }
0x64: {  	_ =	shalt  }
0x65: {  	_ =	shalt  }
0x66: {  	_ =	shalt  }
0x67: {  	_ =	shalt  }
0x68: {  	_ =	shalt  }
0x69: {  	_ =	shalt  }
0x6a: {  	_ =	shalt  }
0x6b: {  	_ =	shalt  }
0x6c: {  	_ =	shalt  }
0x6d: {  	_ =	shalt  }
0x6e: {  	_ =	shalt  }
0x6f: {  	_ =	shalt  }
0x70: {  	_ =	shalt  }
0x71: {  	_ =	shalt  }
0x72: {  	_ =	shalt  }
0x73: {  	_ =	shalt  }
0x74: {  	_ =	shalt  }
0x75: {  	_ =	shalt  }
0x76: {  	_ =	shalt  }
0x77: {  	_ =	shalt  }
0x78: {  	_ =	shalt  }
0x79: {  	_ =	shalt  }
0x7a: {  	_ =	shalt  }
0x7b: {  	_ =	shalt  }
0x7c: {  	_ =	shalt  }
0x7d: {  	_ =	shalt  }
0x7e: {  	_ =	shalt  }
0x7f: {  	_ =	shalt  }
0x80: {  	_ =	shalt  }
0x81: {  	_ =	shalt  }
0x82: {  	_ =	shalt  }
0x83: {  	_ =	shalt  }
0x84: {  	_ =	shalt  }
0x85: {  	_ =	shalt  }
0x86: {  	_ =	shalt  }
0x87: {  	_ =	shalt  }
.Lfunc_end0:
.L_simem_size_0:
called_computation_lowered:
.L_overlay_start_0:
0x88: {  	s2 =	sld [smem:$0x3FD9]  }
0x89: {  	s3 =	sld [smem:$0x3FFE];
	_ =	sdelay $0x1  }
0x8a: {  	s1 =	srdreg.scid  }
0x8b: {  	s0 =	sand.u32 $0x1, s1  }
0x8c: {  	s17 =	sshll.u32 s0, $0xA;
	s2 =	sadd.s32 s3, s2  }
0x8d: {  	s2 =	sadd.s32 s2, s17  }
0x8e: {  	[smem:$0x3FC5] =	sst s2  }
0x8f: {  	_ = 	snop  }
0x90: {  	s2 =	sld [smem:$0x3FD0];
	(tm) =	ssettm $0x1  }
0x91: {  	s18 =	sld [smem:$0x3FFB];
	_ =	sdelay $0x3  }
0x92: {  	_ =	strace s18  }
0x93: {  	s3 =	sld [smem:$0x3FFC];
	_ =	sdelay $0x3  }
0x94: {  	_ =	strace s3  }
0x95: {  	s3 =	sld [smem:$0x3FFD];
	_ =	sdelay $0x3  }
0x96: {  	_ =	strace s3  }
0x97: {  	_ =	strace $0x8FFFFFFF  }
0x98: {  	s19 =	sld [smem:$0x3FDB];
	_ =	sdelay $0x1  }
0x99: {  	s4 =	simm.s32 $_scs_section_size  }
0x9a: {  	s5 =	simm.s32 $_size__tile_overlayer_lowered;
	s6 =	simm.s32 $_tile_overlayer_lowered  }
0x9b: {  	s22 =	simm.s32 $0x1BFF;
	s21 =	sshll.u32 s6, $0x1;
	s3 =	sadd.s32 s4, s19  }
0x9c: {  	s7 =	simm.s32 $0x0;
	s20 =	sshll.u32 s5, $0x1;
	s5 =	sadd.s32 s21, s3  }
0x9d: {  	[timem:s7], [sflag:s22] =	dma.local [hbm:s5], s20  }
0x9e: {  	_ =	swait.ge [sflag:s22], s20  }
0x9f: {  	s4 =	ssub.s32 $0x0, s20;
	[sflag:s22] =	ssyncset.done $0x0  }
0xa0: {  	[sflag:s22] =	ssyncadd.s32 s4;
	_ =	sdelay $0x1  }
0xa1: {  	s23 =	simm.s32 $0x1B8B  }
0xa2: {  	_ =	swait.ge [sflag:s23], $0x1  }
0xa3: {  	[sflag:s23] =	ssyncset.done $0x0  }
0xa4: {  	s25 =	simm.s32 $0x1B8E;
	s24 =	sld [smem:$0x3FFE];
	[sflag:s23] =	ssyncadd.s32 $0xFFFFFFFF  }
0xa5: {  	s26 =	simm.s32 $execute0_lowered;
	[smem:$0x3FD2] =	sst s25  }
0xa6: {  	s5 =	sshll.u32 s26, $0x1;
	_ =	strace $0x80000046;
	[dreg:$0x1] =	wrdreg $0xFFFFFFFF  }
0xa7: {  	s28 =	simm.s32 $_size_execute0_lowered;
	s3 =	sadd.s32 s3, s5;
	[dreg:$0x0] =	wrdreg $0x0  }
0xa8: {  	s5 =	sshll.u32 s28, $0x1;
	[dreg:$0x2] =	wrdreg s3  }
0xa9: {  	[dreg:$0x3] =	wrdreg s5  }
0xaa: {  	[dreg:$0x4] =	wrdreg $0xC0  }
0xab: {  	_ =	task [dreg:s7], $0x5FFFF  }
0xac: {  	[dreg:$0x1] =	wrdreg $0xFFFFFFFF  }
0xad: {  	[dreg:$0x0] =	wrdreg $0x60  }
0xae: {  	[dreg:$0x2] =	wrdreg s24  }
0xaf: {  	[dreg:$0x3] =	wrdreg s2  }
0xb0: {  	[dreg:$0x4] =	wrdreg $0x40000  }
0xb1: {  	[dreg:$0x5] =	wrdreg $0x9  }
0xb2: {  	_ =	task.clear_ibuf [dreg:s7], $0x6FFFF;
	_ =	strace $0x90000046  }
0xb3: {  	s29 =	simm.s32 $0x9;
	_ =	strace $0x80000048  }
0xb4: {  	_ =	swait.ge [sflag:s29], $0x1  }
0xb5: {  	[sflag:s29] =	ssyncadd.s32 $0xFFFFFFFF  }
0xb6: {  	_ =	strace $0x90000048  }
0xb7: {  	_ =	sfence  }
0xb8: {  	s30 =	sld [smem:$0x0];
	_ =	sdelay $0x2  }
0xb9: {  	s31 =	sshll.u32 s1, $0xD;
	s1 =	sshrl.u32 s1, $0x2  }
0xba: {  	s3 =	sand.u32 $0x4000, s31;
	s1 =	sadd.s32 s1, s30  }
0xbb: {  	s0 =	sor.u32 s3, s0;
	s1 =	sshll.u32 s1, $0x11  }
0xbc: {  	s0 =	sor.u32 s1, s0  }
0xbd: {  	s0 =	sadd.s32 $0x8F2B, s0  }
0xbe: {  	[sflag:s0] =	ssyncadd.remote.s32 $0x1  }
0xbf: {  	_ =	sfence.sel $0xFFFF  }
0xc0: {  	[dreg:$0x0] =	wrdreg $0xFFFFFFFF;
	(pc) =	sbr.abs _section_cstart, $3  }
0xc1: {  	[dreg:$0x1] =	wrdreg $0xFFFFFFFF  }
0xc2: {  	_ =	task.clear_ibuf [dreg:s7], $0x2FFFF;
	_ =	strace $0x9FFFFFFF  }
0xc3: {  	(tm) =	ssettm $0x7FFFFFFF  }
tec
execute0_lowered:
.L_overlay_start_1:
0x0: {  	(tag) =	ssettag $0x1  }
0x1: {  	s3 =	rddreg [dreg:$0x0]  }
0x2: {  	s6 =	rddreg [dreg:$0x1];
	s2 =	srdreg.scid  }
0x3: {  	s1 =	rddreg [dreg:$0x2];
	s5 =	stileid.u32;
	s4 =	sand.u32 $0x1, s2  }
0x4: {  	s2 =	simm.s32 $0x0;
	s7 =	sshll.u32 s5, $0xD;
	s8 =	sshll.u32 s4, $0xC  }
0x5: {  	[smem:$0x7FF] =	sst s2;
	s7 =	sor.u32 s8, s7  }
0x6: {  	s0 =	rddreg [dreg:$0x3];
	_ =	strace $0x80000047;
	s8 =	sshrl.u32 s7, $0x3  }
0x7: {  	s7 =	sshll.u32 s7, $0x4;
	s8 =	sadd.s32 s8, s3;
	s3 =	sadd.s32 $0x4400, s3  }
0x8: {  	[dreg:$0x4] =	wrdreg s3;
	s8 =	sadd.s32 $0x400, s8;
	s3 =	sadd.s32 s6, s7  }
0x9: {  	[dreg:$0x5] =	wrdreg s8;
	s6 =	sadd.s32 $0x800, s3  }
0xa: {  	s11 =	sadd.s32 $0x1000, s3;
	[dreg:$0x6] =	wrdreg s6  }
0xb: {  	s12 =	sadd.s32 $0x1800, s3;
	[dreg:$0x7] =	wrdreg s11  }
0xc: {  	s13 =	sadd.s32 $0x2000, s3;
	[dreg:$0x8] =	wrdreg s12  }
0xd: {  	s14 =	sadd.s32 $0x2800, s3;
	[dreg:$0x9] =	wrdreg s13  }
0xe: {  	s15 =	sadd.s32 $0x3000, s3;
	[dreg:$0xa] =	wrdreg s14  }
0xf: {  	s16 =	sadd.s32 $0x3800, s3;
	[dreg:$0xb] =	wrdreg s15  }
0x10: {  	s17 =	sadd.s32 $0x4000, s3;
	[dreg:$0xc] =	wrdreg s16  }
0x11: {  	s18 =	sadd.s32 $0x4800, s3;
	[dreg:$0xd] =	wrdreg s17  }
0x12: {  	s19 =	sadd.s32 $0x5000, s3;
	[dreg:$0xe] =	wrdreg s18  }
0x13: {  	s20 =	sadd.s32 $0x5800, s3;
	[dreg:$0xf] =	wrdreg s19  }
0x14: {  	s21 =	sadd.s32 $0x6000, s3;
	[dreg:$0x10] =	wrdreg s20  }
0x15: {  	s22 =	sadd.s32 $0x6800, s3;
	[dreg:$0x11] =	wrdreg s21  }
0x16: {  	s23 =	sadd.s32 $0x7000, s3;
	[dreg:$0x12] =	wrdreg s22  }
0x17: {  	s24 =	sadd.s32 $0x7800, s3;
	[dreg:$0x13] =	wrdreg s23  }
0x18: {  	s25 =	sadd.s32 $0x8000, s3;
	[dreg:$0x14] =	wrdreg s24  }
0x19: {  	s26 =	sadd.s32 $0x8800, s3;
	[dreg:$0x15] =	wrdreg s25  }
0x1a: {  	s29 =	sadd.s32 $0x9000, s3;
	[dreg:$0x16] =	wrdreg s26  }
0x1b: {  	s30 =	sadd.s32 $0x9800, s3;
	[dreg:$0x17] =	wrdreg s29  }
0x1c: {  	s31 =	sadd.s32 $0xA000, s3;
	[dreg:$0x18] =	wrdreg s30  }
0x1d: {  	s7 =	sadd.s32 $0xA800, s3;
	[dreg:$0x19] =	wrdreg s31  }
0x1e: {  	s8 =	sadd.s32 $0xB000, s3;
	[dreg:$0x1a] =	wrdreg s7  }
0x1f: {  	s9 =	sadd.s32 $0xB800, s3;
	[dreg:$0x1b] =	wrdreg s8  }
0x20: {  	s10 =	sadd.s32 $0xC000, s3;
	[dreg:$0x1c] =	wrdreg s9  }
0x21: {  	[dreg:$0x1d] =	wrdreg s10;
	s11 =	sadd.s32 $0xC800, s3  }
0x22: {  	s12 =	sadd.s32 $0xD000, s3;
	[dreg:$0x1e] =	wrdreg s11  }
0x23: {  	s13 =	sadd.s32 $0xD800, s3;
	[dreg:$0x1f] =	wrdreg s12  }
0x24: {  	s14 =	sadd.s32 $0xE000, s3;
	[smem:$0x7DE] =	sst s13  }
0x25: {  	s15 =	sadd.s32 $0xE800, s3;
	[smem:$0x7DF] =	sst s14  }
0x26: {  	s16 =	sadd.s32 $0xF000, s3;
	[smem:$0x7E0] =	sst s15  }
0x27: {  	s17 =	sadd.s32 $0xF800, s3;
	[smem:$0x7E1] =	sst s16  }
0x28: {  	s18 =	simm.s32 $0x100;
	[smem:$0x7E2] =	sst s17  }
0x29: {  	s19 =	simm.s32 $0x180;
	[smem:$0x7E3] =	sst s18  }
0x2a: {  	s20 =	simm.s32 $0x200;
	[smem:$0x7E4] =	sst s19  }
0x2b: {  	s21 =	simm.s32 $0x280;
	[smem:$0x7E5] =	sst s20  }
0x2c: {  	s28 =	simm.s32 $0xF80;
	s22 =	simm.s32 $0x300;
	[smem:$0x7E6] =	sst s21  }
0x2d: {  	p0 =	sne.s32 s5, $0x0;
	s24 =	simm.s32 $0x380;
	[smem:$0x7E7] =	sst s22  }
0x2e: {  	s5 =	simm.s32 $0xD;
	s25 =	simm.s32 $0x400;
	[smem:$0x7E8] =	sst s24  }
0x2f: {  	s4 =	ssub.s32 $0x2, s4;
	s26 =	simm.s32 $0x480;
	[smem:$0x7E9] =	sst s25  }
0x30: {  	s23 =	sshrl.u32 s4, $0x1;
	s29 =	simm.s32 $0x500;
	[smem:$0x7EA] =	sst s26  }
0x31: {  	s30 =	simm.s32 $0x580;
	s6 =	simm.s32 $0x80;
	[smem:$0x7EB] =	sst s29  }
0x32: {  	s31 =	simm.s32 $0x600;
	s7 =	simm.s32 $0x4300;
	[smem:$0x7EC] =	sst s30  }
0x33: {  	s9 =	simm.s32 $0x680;
	s8 =	simm.s32 $0x8300;
	[smem:$0x7ED] =	sst s31  }
0x34: {  	s10 =	simm.s32 $0x700;
	s4 =	ssub.s32 s4, s23;
	[smem:$0x7EE] =	sst s9  }
0x35: {  	s9 =	simm.s32 $0xC300;
	[smem:$0x7EF] =	sst s10;
	s11 =	simm.s32 $0x780  }
0x36: {  	s10 =	simm.s32 $0x10300;
	s12 =	simm.s32 $0x800;
	s13 =	simm.s32 $0x880  }
0x37: {  	s14 =	simm.s32 $0x900;
	s15 =	simm.s32 $0x980;
	[smem:$0x7F0] =	sst s11  }
0x38: {  	s16 =	simm.s32 $0xA00;
	s17 =	simm.s32 $0xA80;
	[smem:$0x7F1] =	sst s12  }
0x39: {  	s18 =	simm.s32 $0xB00;
	s19 =	simm.s32 $0xB80;
	[smem:$0x7F2] =	sst s13  }
0x3a: {  	s20 =	simm.s32 $0xC00;
	s21 =	simm.s32 $0xC80;
	[smem:$0x7F3] =	sst s14  }
0x3b: {  	s22 =	simm.s32 $0xD00;
	s23 =	simm.s32 $0xD80;
	[smem:$0x7F4] =	sst s15  }
0x3c: {  	s25 =	simm.s32 $0xE00;
	s24 =	simm.s32 $0xC;
	[smem:$0x7F5] =	sst s16  }
0x3d: {  	s26 =	simm.s32 $0xF00;
	s4 =	smax.u32 s4, $0x1;
	[smem:$0x7F6] =	sst s17  }
0x3e: {  	s11 =	simm.s32 $0x1;
	s12 =	simm.s32 $0x14300;
	[smem:$0x7F7] =	sst s18  }
0x3f: {  	s13 =	simm.s32 $0x2;
	s14 =	simm.s32 $0x18300;
	[smem:$0x7F8] =	sst s19  }
0x40: {  	s15 =	simm.s32 $0x3;
	s16 =	simm.s32 $0x7;
	[smem:$0x7F9] =	sst s20  }
0x41: {  	s17 =	simm.s32 $0x4;
	s18 =	simm.s32 $0x8;
	[smem:$0x7FA] =	sst s21  }
0x42: {  	v0 =	vlaneseq.u32;
	s19 =	simm.s32 $0x5;
	s20 =	simm.s32 $0x9;
	[smem:$0x7FB] =	sst s22  }
0x43: {  	v0 =	vand.u32 $0x7, v0;
	s21 =	simm.s32 $0x6;
	s22 =	simm.s32 $0xA;
	[smem:$0x7FC] =	sst s23  }
0x44: {  	v0 =	vmul.u32 $0xC, v0;
	s23 =	simm.s32 $0xB;
	[smem:$0x7FD] =	sst s25;
	s25 =	simm.s32 $0xE80  }
.LBB2_1:
0x45: {  	s29 =	rddreg [dreg:$0x4];
	s30 =	simm.s32 @!p0 $0x0;
	s31 =	simm.s32 @!p0 $0x1000  }
0x46: {  	[tilespmem:s31], [sflag:$0xD] =	stream.linear.gather @!p0 [hbm4b:s29+s30], $0x3000, $0x38;
	[tilespmem:$0x1C300] =	vst v63  }
0x47: {  	s29 =	simm.s32 @!p0 $0xD  }
0x48: {  	_ =	swait.ge @!p0 [sflag:s29], $0x3000  }
0x49: {  	[sflag:s29] =	ssyncset.done @!p0 $0x0  }
0x4a: {  	[sflag:s29] =	ssyncadd.s32 @!p0 $0xFFFFD000  }
0x4b: {  	[spmem:s1] =	stream.linear.scatter @!p0 [tilespmem:s31], [sflag:$0xD], $0x3000, $0x38;
	[tilespmem:$0x1C300] =	vst v63  }
0x4c: {  	_ =	swait.ge @!p0 [sflag:s29], $0x3000  }
0x4d: {  	[sflag:s29] =	ssyncset.done @!p0 $0x0  }
0x4e: {  	s31 =	rddreg [dreg:$0x5];
	[sflag:s29] =	ssyncadd.s32 @!p0 $0xFFFFD000  }
0x4f: {  	[tilespmem:s2], [sflag:$0xD] =	stream.linear.gather [hbm4b:s31+s2], $0x1000, $0x38;
	[tilespmem:$0x1C300] =	vst v63  }
0x50: {  	_ =	swait.ge [sflag:s5], $0x1000  }
0x51: {  	[sflag:s5] =	ssyncset.done $0x0  }
0x52: {  	[sflag:s5] =	ssyncadd.s32 $0xFFFFF000  }
0x53: {  	[bflag:$0x0] =	sbarrier.arrive $0xFFFF  }
0x54: {  	v1 =	vld [tilespmem:$0x0]  }
0x55: {  	v2 =	vld [tilespmem:$0x10]  }
0x56: {  	v3 =	vld [tilespmem:$0x20]  }
0x57: {  	v4 =	vld [tilespmem:$0x30]  }
0x58: {  	v5 =	vld [tilespmem:$0x40]  }
0x59: {  	v6 =	vld [tilespmem:$0x50];
	v1 =	vadd.s32 v0, v1  }
0x5a: {  	[tilespmem:$0x0] =	vst v1;
	v1 =	vadd.s32 v0, v2;
	v2 =	vld [tilespmem:$0x60]  }
0x5b: {  	[tilespmem:$0x10] =	vst v1;
	v1 =	vadd.s32 v0, v3;
	v3 =	vld [tilespmem:$0x70]  }
0x5c: {  	[tilespmem:$0x20] =	vst v1;
	v1 =	vadd.s32 v0, v4  }
0x5d: {  	[tilespmem:$0x30] =	vst v1;
	v1 =	vadd.s32 v0, v5  }
0x5e: {  	[tilespmem:$0x40] =	vst v1;
	v1 =	vadd.s32 v0, v6  }
0x5f: {  	[tilespmem:$0x50] =	vst v1;
	v1 =	vadd.s32 v0, v2  }
0x60: {  	[tilespmem:$0x60] =	vst v1;
	v1 =	vadd.s32 v0, v3  }
0x61: {  	[tilespmem:$0x70] =	vst v1  }
0x62: {  	[tilespmem:s7], [sflag:$0x1] =	stream.indirect.gather [spmem:s1], $0x80, s2, s6, $0xb8;
	[tilespmem:$0x1C300] =	vst v63  }
0x63: {  	v1 =	vld [tilespmem:$0x80]  }
0x64: {  	v2 =	vld [tilespmem:$0x90]  }
0x65: {  	v3 =	vld [tilespmem:$0xA0]  }
0x66: {  	v26 =	vld [tilespmem:$0xB0]  }
0x67: {  	v27 =	vld [tilespmem:$0xC0]  }
0x68: {  	v28 =	vld [tilespmem:$0xD0];
	v1 =	vadd.s32 v0, v1  }
0x69: {  	[tilespmem:$0x80] =	vst v1;
	v1 =	vadd.s32 v0, v2;
	v2 =	vld [tilespmem:$0xE0]  }
0x6a: {  	[tilespmem:$0x90] =	vst v1;
	v1 =	vadd.s32 v0, v3;
	v3 =	vld [tilespmem:$0xF0]  }
0x6b: {  	[tilespmem:$0xA0] =	vst v1;
	v1 =	vadd.s32 v0, v26  }
0x6c: {  	[tilespmem:$0xB0] =	vst v1;
	v1 =	vadd.s32 v0, v27  }
0x6d: {  	[tilespmem:$0xC0] =	vst v1;
	v1 =	vadd.s32 v0, v28  }
0x6e: {  	[tilespmem:$0xD0] =	vst v1;
	v1 =	vadd.s32 v0, v2  }
0x6f: {  	[tilespmem:$0xE0] =	vst v1;
	v1 =	vadd.s32 v0, v3  }
0x70: {  	[tilespmem:$0xF0] =	vst v1  }
0x71: {  	[tilespmem:s8], [sflag:$0x2] =	stream.indirect.gather [spmem:s1], $0x80, s6, s6, $0xb8;
	[tilespmem:$0x1C300] =	vst v63  }
0x72: {  	v1 =	vld [tilespmem:$0x100]  }
0x73: {  	v2 =	vld [tilespmem:$0x110]  }
0x74: {  	v3 =	vld [tilespmem:$0x120]  }
0x75: {  	v29 =	vld [tilespmem:$0x130]  }
0x76: {  	v30 =	vld [tilespmem:$0x140]  }
0x77: {  	v31 =	vld [tilespmem:$0x150];
	v1 =	vadd.s32 v0, v1  }
0x78: {  	[tilespmem:$0x100] =	vst v1;
	v1 =	vadd.s32 v0, v2;
	v2 =	vld [tilespmem:$0x160]  }
0x79: {  	[tilespmem:$0x110] =	vst v1;
	v1 =	vadd.s32 v0, v3;
	v3 =	vld [tilespmem:$0x170]  }
0x7a: {  	[tilespmem:$0x120] =	vst v1;
	v1 =	vadd.s32 v0, v29  }
0x7b: {  	[tilespmem:$0x130] =	vst v1;
	v1 =	vadd.s32 v0, v30  }
0x7c: {  	[tilespmem:$0x140] =	vst v1;
	v1 =	vadd.s32 v0, v31  }
0x7d: {  	s30 =	sld [smem:$0x7E3];
	[tilespmem:$0x150] =	vst v1;
	v1 =	vadd.s32 v0, v2  }
0x7e: {  	[tilespmem:$0x160] =	vst v1;
	v1 =	vadd.s32 v0, v3  }
0x7f: {  	[tilespmem:$0x170] =	vst v1  }
0x80: {  	[tilespmem:s9], [sflag:$0x3] =	stream.indirect.gather [spmem:s1], $0x80, s30, s6, $0xb8;
	[tilespmem:$0x1C300] =	vst v63  }
0x81: {  	v1 =	vld [tilespmem:$0x180]  }
0x82: {  	v2 =	vld [tilespmem:$0x190]  }
0x83: {  	v3 =	vld [tilespmem:$0x1A0]  }
0x84: {  	v32 =	vld [tilespmem:$0x1B0]  }
0x85: {  	v33 =	vld [tilespmem:$0x1C0]  }
0x86: {  	v34 =	vld [tilespmem:$0x1D0];
	v1 =	vadd.s32 v0, v1  }
0x87: {  	[tilespmem:$0x180] =	vst v1;
	v1 =	vadd.s32 v0, v2;
	v2 =	vld [tilespmem:$0x1E0]  }
0x88: {  	[tilespmem:$0x190] =	vst v1;
	v1 =	vadd.s32 v0, v3;
	v3 =	vld [tilespmem:$0x1F0]  }
0x89: {  	[tilespmem:$0x1A0] =	vst v1;
	v1 =	vadd.s32 v0, v32  }
0x8a: {  	[tilespmem:$0x1B0] =	vst v1;
	v1 =	vadd.s32 v0, v33  }
0x8b: {  	[tilespmem:$0x1C0] =	vst v1;
	v1 =	vadd.s32 v0, v34  }
0x8c: {  	s31 =	sld [smem:$0x7E4];
	[tilespmem:$0x1D0] =	vst v1;
	v1 =	vadd.s32 v0, v2  }
0x8d: {  	[tilespmem:$0x1E0] =	vst v1;
	v1 =	vadd.s32 v0, v3  }
0x8e: {  	[tilespmem:$0x1F0] =	vst v1  }
0x8f: {  	[tilespmem:s10], [sflag:$0x4] =	stream.indirect.gather [spmem:s1], $0x80, s31, s6, $0xb8;
	[tilespmem:$0x1C300] =	vst v63  }
0x90: {  	_ =	swait.ge [sflag:s11], $0x4000  }
0x91: {  	[sflag:s11] =	ssyncset.done $0x0  }
0x92: {  	[sflag:s11] =	ssyncadd.s32 $0xFFFFC000  }
0x93: {  	[hbm4b:s3+s2] =	stream.linear.scatter [tilespmem:s7], [sflag:$0x7], $0x4000, $0x38;
	[tilespmem:$0x1C300] =	vst v63  }
0x94: {  	v1 =	vld [tilespmem:$0x200]  }
0x95: {  	v2 =	vld [tilespmem:$0x210]  }
0x96: {  	v3 =	vld [tilespmem:$0x220]  }
0x97: {  	v35 =	vld [tilespmem:$0x230]  }
0x98: {  	v36 =	vld [tilespmem:$0x240]  }
0x99: {  	v37 =	vld [tilespmem:$0x250];
	v1 =	vadd.s32 v0, v1  }
0x9a: {  	[tilespmem:$0x200] =	vst v1;
	v1 =	vadd.s32 v0, v2;
	v2 =	vld [tilespmem:$0x260]  }
0x9b: {  	[tilespmem:$0x210] =	vst v1;
	v1 =	vadd.s32 v0, v3;
	v3 =	vld [tilespmem:$0x270]  }
0x9c: {  	[tilespmem:$0x220] =	vst v1;
	v1 =	vadd.s32 v0, v35  }
0x9d: {  	[tilespmem:$0x230] =	vst v1;
	v1 =	vadd.s32 v0, v36  }
0x9e: {  	[tilespmem:$0x240] =	vst v1;
	v1 =	vadd.s32 v0, v37  }
0x9f: {  	s30 =	sld [smem:$0x7E5];
	[tilespmem:$0x250] =	vst v1;
	v1 =	vadd.s32 v0, v2  }
0xa0: {  	[tilespmem:$0x260] =	vst v1;
	v1 =	vadd.s32 v0, v3  }
0xa1: {  	[tilespmem:$0x270] =	vst v1  }
0xa2: {  	[tilespmem:s12], [sflag:$0x5] =	stream.indirect.gather [spmem:s1], $0x80, s30, s6, $0xb8;
	[tilespmem:$0x1C300] =	vst v63  }
0xa3: {  	_ =	swait.ge [sflag:s13], $0x4000  }
0xa4: {  	[sflag:s13] =	ssyncset.done $0x0  }
0xa5: {  	s31 =	rddreg [dreg:$0x6];
	[sflag:s13] =	ssyncadd.s32 $0xFFFFC000  }
0xa6: {  	[hbm4b:s31+s2] =	stream.linear.scatter [tilespmem:s8], [sflag:$0x8], $0x4000, $0x38;
	[tilespmem:$0x1C300] =	vst v63  }
0xa7: {  	v1 =	vld [tilespmem:$0x280]  }
0xa8: {  	v2 =	vld [tilespmem:$0x290]  }
0xa9: {  	v3 =	vld [tilespmem:$0x2A0]  }
0xaa: {  	v38 =	vld [tilespmem:$0x2B0]  }
0xab: {  	v39 =	vld [tilespmem:$0x2C0]  }
0xac: {  	v40 =	vld [tilespmem:$0x2D0];
	v1 =	vadd.s32 v0, v1  }
0xad: {  	[tilespmem:$0x280] =	vst v1;
	v1 =	vadd.s32 v0, v2;
	v2 =	vld [tilespmem:$0x2E0]  }
0xae: {  	[tilespmem:$0x290] =	vst v1;
	v1 =	vadd.s32 v0, v3;
	v3 =	vld [tilespmem:$0x2F0]  }
0xaf: {  	[tilespmem:$0x2A0] =	vst v1;
	v1 =	vadd.s32 v0, v38  }
0xb0: {  	[tilespmem:$0x2B0] =	vst v1;
	v1 =	vadd.s32 v0, v39  }
0xb1: {  	[tilespmem:$0x2C0] =	vst v1;
	v1 =	vadd.s32 v0, v40  }
0xb2: {  	s30 =	sld [smem:$0x7E6];
	[tilespmem:$0x2D0] =	vst v1;
	v1 =	vadd.s32 v0, v2  }
0xb3: {  	[tilespmem:$0x2E0] =	vst v1;
	v1 =	vadd.s32 v0, v3  }
0xb4: {  	[tilespmem:$0x2F0] =	vst v1  }
0xb5: {  	[tilespmem:s14], [sflag:$0x6] =	stream.indirect.gather [spmem:s1], $0x80, s30, s6, $0xb8;
	[tilespmem:$0x1C300] =	vst v63  }
0xb6: {  	_ =	swait.ge [sflag:s15], $0x4000  }
0xb7: {  	[sflag:s15] =	ssyncset.done $0x0  }
0xb8: {  	s31 =	rddreg [dreg:$0x7];
	[sflag:s15] =	ssyncadd.s32 $0xFFFFC000  }
0xb9: {  	[hbm4b:s31+s2] =	stream.linear.scatter [tilespmem:s9], [sflag:$0x9], $0x4000, $0x38;
	[tilespmem:$0x1C300] =	vst v63  }
0xba: {  	_ =	swait.ge [sflag:s16], $0x4000  }
0xbb: {  	[sflag:s16] =	ssyncset.done $0x0  }
0xbc: {  	[sflag:s16] =	ssyncadd.s32 $0xFFFFC000  }
0xbd: {  	v1 =	vld [tilespmem:$0x300]  }
0xbe: {  	v2 =	vld [tilespmem:$0x310]  }
0xbf: {  	v3 =	vld [tilespmem:$0x320]  }
0xc0: {  	v41 =	vld [tilespmem:$0x330]  }
0xc1: {  	v42 =	vld [tilespmem:$0x340]  }
0xc2: {  	v43 =	vld [tilespmem:$0x350];
	v1 =	vadd.s32 v0, v1  }
0xc3: {  	[tilespmem:$0x300] =	vst v1;
	v1 =	vadd.s32 v0, v2;
	v2 =	vld [tilespmem:$0x360]  }
0xc4: {  	[tilespmem:$0x310] =	vst v1;
	v1 =	vadd.s32 v0, v3;
	v3 =	vld [tilespmem:$0x370]  }
0xc5: {  	[tilespmem:$0x320] =	vst v1;
	v1 =	vadd.s32 v0, v41  }
0xc6: {  	[tilespmem:$0x330] =	vst v1;
	v1 =	vadd.s32 v0, v42  }
0xc7: {  	[tilespmem:$0x340] =	vst v1;
	v1 =	vadd.s32 v0, v43  }
0xc8: {  	s30 =	sld [smem:$0x7E7];
	[tilespmem:$0x350] =	vst v1;
	v1 =	vadd.s32 v0, v2  }
0xc9: {  	[tilespmem:$0x360] =	vst v1;
	v1 =	vadd.s32 v0, v3  }
0xca: {  	[tilespmem:$0x370] =	vst v1  }
0xcb: {  	[tilespmem:s7], [sflag:$0x1] =	stream.indirect.gather [spmem:s1], $0x80, s30, s6, $0xb8;
	[tilespmem:$0x1C300] =	vst v63  }
0xcc: {  	_ =	swait.ge [sflag:s17], $0x4000  }
0xcd: {  	[sflag:s17] =	ssyncset.done $0x0  }
0xce: {  	s31 =	rddreg [dreg:$0x8];
	[sflag:s17] =	ssyncadd.s32 $0xFFFFC000  }
0xcf: {  	[hbm4b:s31+s2] =	stream.linear.scatter [tilespmem:s10], [sflag:$0xA], $0x4000, $0x38;
	[tilespmem:$0x1C300] =	vst v63  }
0xd0: {  	_ =	swait.ge [sflag:s18], $0x4000  }
0xd1: {  	[sflag:s18] =	ssyncset.done $0x0  }
0xd2: {  	[sflag:s18] =	ssyncadd.s32 $0xFFFFC000  }
0xd3: {  	v1 =	vld [tilespmem:$0x380]  }
0xd4: {  	v2 =	vld [tilespmem:$0x390]  }
0xd5: {  	v3 =	vld [tilespmem:$0x3A0]  }
0xd6: {  	v44 =	vld [tilespmem:$0x3B0]  }
0xd7: {  	v45 =	vld [tilespmem:$0x3C0]  }
0xd8: {  	v46 =	vld [tilespmem:$0x3D0];
	v1 =	vadd.s32 v0, v1  }
0xd9: {  	[tilespmem:$0x380] =	vst v1;
	v1 =	vadd.s32 v0, v2;
	v2 =	vld [tilespmem:$0x3E0]  }
0xda: {  	[tilespmem:$0x390] =	vst v1;
	v1 =	vadd.s32 v0, v3;
	v3 =	vld [tilespmem:$0x3F0]  }
0xdb: {  	[tilespmem:$0x3A0] =	vst v1;
	v1 =	vadd.s32 v0, v44  }
0xdc: {  	[tilespmem:$0x3B0] =	vst v1;
	v1 =	vadd.s32 v0, v45  }
0xdd: {  	[tilespmem:$0x3C0] =	vst v1;
	v1 =	vadd.s32 v0, v46  }
0xde: {  	s30 =	sld [smem:$0x7E8];
	[tilespmem:$0x3D0] =	vst v1;
	v1 =	vadd.s32 v0, v2  }
0xdf: {  	[tilespmem:$0x3E0] =	vst v1;
	v1 =	vadd.s32 v0, v3  }
0xe0: {  	[tilespmem:$0x3F0] =	vst v1  }
0xe1: {  	[tilespmem:s8], [sflag:$0x2] =	stream.indirect.gather [spmem:s1], $0x80, s30, s6, $0xb8;
	[tilespmem:$0x1C300] =	vst v63  }
0xe2: {  	_ =	swait.ge [sflag:s19], $0x4000  }
0xe3: {  	[sflag:s19] =	ssyncset.done $0x0  }
0xe4: {  	s31 =	rddreg [dreg:$0x9];
	[sflag:s19] =	ssyncadd.s32 $0xFFFFC000  }
0xe5: {  	[hbm4b:s31+s2] =	stream.linear.scatter [tilespmem:s12], [sflag:$0xB], $0x4000, $0x38;
	[tilespmem:$0x1C300] =	vst v63  }
0xe6: {  	_ =	swait.ge [sflag:s20], $0x4000  }
0xe7: {  	[sflag:s20] =	ssyncset.done $0x0  }
0xe8: {  	[sflag:s20] =	ssyncadd.s32 $0xFFFFC000  }
0xe9: {  	v1 =	vld [tilespmem:$0x400]  }
0xea: {  	v2 =	vld [tilespmem:$0x410]  }
0xeb: {  	v3 =	vld [tilespmem:$0x420]  }
0xec: {  	v47 =	vld [tilespmem:$0x430]  }
0xed: {  	v48 =	vld [tilespmem:$0x440]  }
0xee: {  	v49 =	vld [tilespmem:$0x450];
	v1 =	vadd.s32 v0, v1  }
0xef: {  	[tilespmem:$0x400] =	vst v1;
	v1 =	vadd.s32 v0, v2;
	v2 =	vld [tilespmem:$0x460]  }
0xf0: {  	[tilespmem:$0x410] =	vst v1;
	v1 =	vadd.s32 v0, v3;
	v3 =	vld [tilespmem:$0x470]  }
0xf1: {  	[tilespmem:$0x420] =	vst v1;
	v1 =	vadd.s32 v0, v47  }
0xf2: {  	[tilespmem:$0x430] =	vst v1;
	v1 =	vadd.s32 v0, v48  }
0xf3: {  	[tilespmem:$0x440] =	vst v1;
	v1 =	vadd.s32 v0, v49  }
0xf4: {  	s30 =	sld [smem:$0x7E9];
	[tilespmem:$0x450] =	vst v1;
	v1 =	vadd.s32 v0, v2  }
0xf5: {  	[tilespmem:$0x460] =	vst v1;
	v1 =	vadd.s32 v0, v3  }
0xf6: {  	[tilespmem:$0x470] =	vst v1  }
0xf7: {  	[tilespmem:s9], [sflag:$0x3] =	stream.indirect.gather [spmem:s1], $0x80, s30, s6, $0xb8;
	[tilespmem:$0x1C300] =	vst v63  }
0xf8: {  	_ =	swait.ge [sflag:s21], $0x4000  }
0xf9: {  	[sflag:s21] =	ssyncset.done $0x0  }
0xfa: {  	s31 =	rddreg [dreg:$0xa];
	[sflag:s21] =	ssyncadd.s32 $0xFFFFC000  }
0xfb: {  	[hbm4b:s31+s2] =	stream.linear.scatter [tilespmem:s14], [sflag:$0xC], $0x4000, $0x38;
	[tilespmem:$0x1C300] =	vst v63  }
0xfc: {  	_ =	swait.ge [sflag:s22], $0x4000  }
0xfd: {  	[sflag:s22] =	ssyncset.done $0x0  }
0xfe: {  	[sflag:s22] =	ssyncadd.s32 $0xFFFFC000  }
0xff: {  	v1 =	vld [tilespmem:$0x480]  }
0x100: {  	v2 =	vld [tilespmem:$0x490]  }
0x101: {  	v3 =	vld [tilespmem:$0x4A0]  }
0x102: {  	v50 =	vld [tilespmem:$0x4B0]  }
0x103: {  	v51 =	vld [tilespmem:$0x4C0]  }
0x104: {  	v52 =	vld [tilespmem:$0x4D0];
	v1 =	vadd.s32 v0, v1  }
0x105: {  	[tilespmem:$0x480] =	vst v1;
	v1 =	vadd.s32 v0, v2;
	v2 =	vld [tilespmem:$0x4E0]  }
0x106: {  	[tilespmem:$0x490] =	vst v1;
	v1 =	vadd.s32 v0, v3;
	v3 =	vld [tilespmem:$0x4F0]  }
0x107: {  	[tilespmem:$0x4A0] =	vst v1;
	v1 =	vadd.s32 v0, v50  }
0x108: {  	[tilespmem:$0x4B0] =	vst v1;
	v1 =	vadd.s32 v0, v51  }
0x109: {  	[tilespmem:$0x4C0] =	vst v1;
	v1 =	vadd.s32 v0, v52  }
0x10a: {  	s30 =	sld [smem:$0x7EA];
	[tilespmem:$0x4D0] =	vst v1;
	v1 =	vadd.s32 v0, v2  }
0x10b: {  	[tilespmem:$0x4E0] =	vst v1;
	v1 =	vadd.s32 v0, v3  }
0x10c: {  	[tilespmem:$0x4F0] =	vst v1  }
0x10d: {  	[tilespmem:s10], [sflag:$0x4] =	stream.indirect.gather [spmem:s1], $0x80, s30, s6, $0xb8;
	[tilespmem:$0x1C300] =	vst v63  }
0x10e: {  	_ =	swait.ge [sflag:s11], $0x4000  }
0x10f: {  	[sflag:s11] =	ssyncset.done $0x0  }
0x110: {  	s31 =	rddreg [dreg:$0xb];
	[sflag:s11] =	ssyncadd.s32 $0xFFFFC000  }
0x111: {  	[hbm4b:s31+s2] =	stream.linear.scatter [tilespmem:s7], [sflag:$0x7], $0x4000, $0x38;
	[tilespmem:$0x1C300] =	vst v63  }
0x112: {  	_ =	swait.ge [sflag:s23], $0x4000  }
0x113: {  	[sflag:s23] =	ssyncset.done $0x0  }
0x114: {  	[sflag:s23] =	ssyncadd.s32 $0xFFFFC000  }
0x115: {  	v1 =	vld [tilespmem:$0x500]  }
0x116: {  	v2 =	vld [tilespmem:$0x510]  }
0x117: {  	v3 =	vld [tilespmem:$0x520]  }
0x118: {  	v53 =	vld [tilespmem:$0x530]  }
0x119: {  	v54 =	vld [tilespmem:$0x540]  }
0x11a: {  	v55 =	vld [tilespmem:$0x550];
	v1 =	vadd.s32 v0, v1  }
0x11b: {  	[tilespmem:$0x500] =	vst v1;
	v1 =	vadd.s32 v0, v2;
	v2 =	vld [tilespmem:$0x560]  }
0x11c: {  	[tilespmem:$0x510] =	vst v1;
	v1 =	vadd.s32 v0, v3;
	v3 =	vld [tilespmem:$0x570]  }
0x11d: {  	[tilespmem:$0x520] =	vst v1;
	v1 =	vadd.s32 v0, v53  }
0x11e: {  	[tilespmem:$0x530] =	vst v1;
	v1 =	vadd.s32 v0, v54  }
0x11f: {  	[tilespmem:$0x540] =	vst v1;
	v1 =	vadd.s32 v0, v55  }
0x120: {  	s30 =	sld [smem:$0x7EB];
	[tilespmem:$0x550] =	vst v1;
	v1 =	vadd.s32 v0, v2  }
0x121: {  	[tilespmem:$0x560] =	vst v1;
	v1 =	vadd.s32 v0, v3  }
0x122: {  	[tilespmem:$0x570] =	vst v1  }
0x123: {  	[tilespmem:s12], [sflag:$0x5] =	stream.indirect.gather [spmem:s1], $0x80, s30, s6, $0xb8;
	[tilespmem:$0x1C300] =	vst v63  }
0x124: {  	_ =	swait.ge [sflag:s13], $0x4000  }
0x125: {  	[sflag:s13] =	ssyncset.done $0x0  }
0x126: {  	s31 =	rddreg [dreg:$0xc];
	[sflag:s13] =	ssyncadd.s32 $0xFFFFC000  }
0x127: {  	[hbm4b:s31+s2] =	stream.linear.scatter [tilespmem:s8], [sflag:$0x8], $0x4000, $0x38;
	[tilespmem:$0x1C300] =	vst v63  }
0x128: {  	_ =	swait.ge [sflag:s24], $0x4000  }
0x129: {  	[sflag:s24] =	ssyncset.done $0x0  }
0x12a: {  	[sflag:s24] =	ssyncadd.s32 $0xFFFFC000  }
0x12b: {  	v1 =	vld [tilespmem:$0x580]  }
0x12c: {  	v2 =	vld [tilespmem:$0x590]  }
0x12d: {  	v3 =	vld [tilespmem:$0x5A0]  }
0x12e: {  	v56 =	vld [tilespmem:$0x5B0]  }
0x12f: {  	v57 =	vld [tilespmem:$0x5C0]  }
0x130: {  	v58 =	vld [tilespmem:$0x5D0];
	v1 =	vadd.s32 v0, v1  }
0x131: {  	[tilespmem:$0x580] =	vst v1;
	v1 =	vadd.s32 v0, v2;
	v2 =	vld [tilespmem:$0x5E0]  }
0x132: {  	[tilespmem:$0x590] =	vst v1;
	v1 =	vadd.s32 v0, v3;
	v3 =	vld [tilespmem:$0x5F0]  }
0x133: {  	[tilespmem:$0x5A0] =	vst v1;
	v1 =	vadd.s32 v0, v56  }
0x134: {  	[tilespmem:$0x5B0] =	vst v1;
	v1 =	vadd.s32 v0, v57  }
0x135: {  	[tilespmem:$0x5C0] =	vst v1;
	v1 =	vadd.s32 v0, v58  }
0x136: {  	s30 =	sld [smem:$0x7EC];
	[tilespmem:$0x5D0] =	vst v1;
	v1 =	vadd.s32 v0, v2  }
0x137: {  	[tilespmem:$0x5E0] =	vst v1;
	v1 =	vadd.s32 v0, v3  }
0x138: {  	[tilespmem:$0x5F0] =	vst v1  }
0x139: {  	[tilespmem:s14], [sflag:$0x6] =	stream.indirect.gather [spmem:s1], $0x80, s30, s6, $0xb8;
	[tilespmem:$0x1C300] =	vst v63  }
0x13a: {  	_ =	swait.ge [sflag:s15], $0x4000  }
0x13b: {  	[sflag:s15] =	ssyncset.done $0x0  }
0x13c: {  	s31 =	rddreg [dreg:$0xd];
	[sflag:s15] =	ssyncadd.s32 $0xFFFFC000  }
0x13d: {  	[hbm4b:s31+s2] =	stream.linear.scatter [tilespmem:s9], [sflag:$0x9], $0x4000, $0x38;
	[tilespmem:$0x1C300] =	vst v63  }
0x13e: {  	_ =	swait.ge [sflag:s16], $0x4000  }
0x13f: {  	[sflag:s16] =	ssyncset.done $0x0  }
0x140: {  	[sflag:s16] =	ssyncadd.s32 $0xFFFFC000  }
0x141: {  	v1 =	vld [tilespmem:$0x600]  }
0x142: {  	v2 =	vld [tilespmem:$0x610]  }
0x143: {  	v3 =	vld [tilespmem:$0x620]  }
0x144: {  	v59 =	vld [tilespmem:$0x630]  }
0x145: {  	v60 =	vld [tilespmem:$0x640]  }
0x146: {  	v61 =	vld [tilespmem:$0x650];
	v1 =	vadd.s32 v0, v1  }
0x147: {  	[tilespmem:$0x600] =	vst v1;
	v1 =	vadd.s32 v0, v2;
	v2 =	vld [tilespmem:$0x660]  }
0x148: {  	[tilespmem:$0x610] =	vst v1;
	v1 =	vadd.s32 v0, v3;
	v3 =	vld [tilespmem:$0x670]  }
0x149: {  	[tilespmem:$0x620] =	vst v1;
	v1 =	vadd.s32 v0, v59  }
0x14a: {  	[tilespmem:$0x630] =	vst v1;
	v1 =	vadd.s32 v0, v60  }
0x14b: {  	[tilespmem:$0x640] =	vst v1;
	v1 =	vadd.s32 v0, v61  }
0x14c: {  	s30 =	sld [smem:$0x7ED];
	[tilespmem:$0x650] =	vst v1;
	v1 =	vadd.s32 v0, v2  }
0x14d: {  	[tilespmem:$0x660] =	vst v1;
	v1 =	vadd.s32 v0, v3  }
0x14e: {  	[tilespmem:$0x670] =	vst v1  }
0x14f: {  	[tilespmem:s7], [sflag:$0x1] =	stream.indirect.gather [spmem:s1], $0x80, s30, s6, $0xb8;
	[tilespmem:$0x1C300] =	vst v63  }
0x150: {  	_ =	swait.ge [sflag:s17], $0x4000  }
0x151: {  	[sflag:s17] =	ssyncset.done $0x0  }
0x152: {  	s31 =	rddreg [dreg:$0xe];
	[sflag:s17] =	ssyncadd.s32 $0xFFFFC000  }
0x153: {  	[hbm4b:s31+s2] =	stream.linear.scatter [tilespmem:s10], [sflag:$0xA], $0x4000, $0x38;
	[tilespmem:$0x1C300] =	vst v63  }
0x154: {  	_ =	swait.ge [sflag:s18], $0x4000  }
0x155: {  	[sflag:s18] =	ssyncset.done $0x0  }
0x156: {  	[sflag:s18] =	ssyncadd.s32 $0xFFFFC000  }
0x157: {  	v1 =	vld [tilespmem:$0x680]  }
0x158: {  	v2 =	vld [tilespmem:$0x690]  }
0x159: {  	v3 =	vld [tilespmem:$0x6A0]  }
0x15a: {  	v62 =	vld [tilespmem:$0x6B0]  }
0x15b: {  	v63 =	vld [tilespmem:$0x6C0]  }
0x15c: {  	v9 =	vld [tilespmem:$0x6D0];
	v1 =	vadd.s32 v0, v1  }
0x15d: {  	[tilespmem:$0x680] =	vst v1;
	v1 =	vadd.s32 v0, v2;
	v2 =	vld [tilespmem:$0x6E0]  }
0x15e: {  	[tilespmem:$0x690] =	vst v1;
	v1 =	vadd.s32 v0, v3;
	v3 =	vld [tilespmem:$0x6F0]  }
0x15f: {  	[tilespmem:$0x6A0] =	vst v1;
	v1 =	vadd.s32 v0, v62  }
0x160: {  	[tilespmem:$0x6B0] =	vst v1;
	v1 =	vadd.s32 v0, v63  }
0x161: {  	[tilespmem:$0x6C0] =	vst v1;
	v1 =	vadd.s32 v0, v9  }
0x162: {  	s30 =	sld [smem:$0x7EE];
	[tilespmem:$0x6D0] =	vst v1;
	v1 =	vadd.s32 v0, v2  }
0x163: {  	[tilespmem:$0x6E0] =	vst v1;
	v1 =	vadd.s32 v0, v3  }
0x164: {  	[tilespmem:$0x6F0] =	vst v1  }
0x165: {  	[tilespmem:s8], [sflag:$0x2] =	stream.indirect.gather [spmem:s1], $0x80, s30, s6, $0xb8;
	[tilespmem:$0x1C300] =	vst v63  }
0x166: {  	_ =	swait.ge [sflag:s19], $0x4000  }
0x167: {  	[sflag:s19] =	ssyncset.done $0x0  }
0x168: {  	s31 =	rddreg [dreg:$0xf];
	[sflag:s19] =	ssyncadd.s32 $0xFFFFC000  }
0x169: {  	[hbm4b:s31+s2] =	stream.linear.scatter [tilespmem:s12], [sflag:$0xB], $0x4000, $0x38;
	[tilespmem:$0x1C300] =	vst v63  }
0x16a: {  	_ =	swait.ge [sflag:s20], $0x4000  }
0x16b: {  	[sflag:s20] =	ssyncset.done $0x0  }
0x16c: {  	[sflag:s20] =	ssyncadd.s32 $0xFFFFC000  }
0x16d: {  	v1 =	vld [tilespmem:$0x700]  }
0x16e: {  	v2 =	vld [tilespmem:$0x710]  }
0x16f: {  	v3 =	vld [tilespmem:$0x720]  }
0x170: {  	v10 =	vld [tilespmem:$0x730]  }
0x171: {  	v11 =	vld [tilespmem:$0x740]  }
0x172: {  	v12 =	vld [tilespmem:$0x750];
	v1 =	vadd.s32 v0, v1  }
0x173: {  	[tilespmem:$0x700] =	vst v1;
	v1 =	vadd.s32 v0, v2;
	v2 =	vld [tilespmem:$0x760]  }
0x174: {  	[tilespmem:$0x710] =	vst v1;
	v1 =	vadd.s32 v0, v3;
	v3 =	vld [tilespmem:$0x770]  }
0x175: {  	[tilespmem:$0x720] =	vst v1;
	v1 =	vadd.s32 v0, v10  }
0x176: {  	[tilespmem:$0x730] =	vst v1;
	v1 =	vadd.s32 v0, v11  }
0x177: {  	[tilespmem:$0x740] =	vst v1;
	v1 =	vadd.s32 v0, v12  }
0x178: {  	s30 =	sld [smem:$0x7EF];
	[tilespmem:$0x750] =	vst v1;
	v1 =	vadd.s32 v0, v2  }
0x179: {  	[tilespmem:$0x760] =	vst v1;
	v1 =	vadd.s32 v0, v3  }
0x17a: {  	[tilespmem:$0x770] =	vst v1  }
0x17b: {  	[tilespmem:s9], [sflag:$0x3] =	stream.indirect.gather [spmem:s1], $0x80, s30, s6, $0xb8;
	[tilespmem:$0x1C300] =	vst v63  }
0x17c: {  	_ =	swait.ge [sflag:s21], $0x4000  }
0x17d: {  	[sflag:s21] =	ssyncset.done $0x0  }
0x17e: {  	s31 =	rddreg [dreg:$0x10];
	[sflag:s21] =	ssyncadd.s32 $0xFFFFC000  }
0x17f: {  	[hbm4b:s31+s2] =	stream.linear.scatter [tilespmem:s14], [sflag:$0xC], $0x4000, $0x38;
	[tilespmem:$0x1C300] =	vst v63  }
0x180: {  	_ =	swait.ge [sflag:s22], $0x4000  }
0x181: {  	[sflag:s22] =	ssyncset.done $0x0  }
0x182: {  	[sflag:s22] =	ssyncadd.s32 $0xFFFFC000  }
0x183: {  	v1 =	vld [tilespmem:$0x780]  }
0x184: {  	v2 =	vld [tilespmem:$0x790]  }
0x185: {  	v3 =	vld [tilespmem:$0x7A0]  }
0x186: {  	v13 =	vld [tilespmem:$0x7B0]  }
0x187: {  	v14 =	vld [tilespmem:$0x7C0]  }
0x188: {  	v15 =	vld [tilespmem:$0x7D0];
	v1 =	vadd.s32 v0, v1  }
0x189: {  	[tilespmem:$0x780] =	vst v1;
	v1 =	vadd.s32 v0, v2;
	v2 =	vld [tilespmem:$0x7E0]  }
0x18a: {  	[tilespmem:$0x790] =	vst v1;
	v1 =	vadd.s32 v0, v3;
	v3 =	vld [tilespmem:$0x7F0]  }
0x18b: {  	[tilespmem:$0x7A0] =	vst v1;
	v1 =	vadd.s32 v0, v13  }
0x18c: {  	[tilespmem:$0x7B0] =	vst v1;
	v1 =	vadd.s32 v0, v14  }
0x18d: {  	[tilespmem:$0x7C0] =	vst v1;
	v1 =	vadd.s32 v0, v15  }
0x18e: {  	s30 =	sld [smem:$0x7F0];
	[tilespmem:$0x7D0] =	vst v1;
	v1 =	vadd.s32 v0, v2  }
0x18f: {  	[tilespmem:$0x7E0] =	vst v1;
	v1 =	vadd.s32 v0, v3  }
0x190: {  	[tilespmem:$0x7F0] =	vst v1  }
0x191: {  	[tilespmem:s10], [sflag:$0x4] =	stream.indirect.gather [spmem:s1], $0x80, s30, s6, $0xb8;
	[tilespmem:$0x1C300] =	vst v63  }
0x192: {  	_ =	swait.ge [sflag:s11], $0x4000  }
0x193: {  	[sflag:s11] =	ssyncset.done $0x0  }
0x194: {  	s31 =	rddreg [dreg:$0x11];
	[sflag:s11] =	ssyncadd.s32 $0xFFFFC000  }
0x195: {  	[hbm4b:s31+s2] =	stream.linear.scatter [tilespmem:s7], [sflag:$0x7], $0x4000, $0x38;
	[tilespmem:$0x1C300] =	vst v63  }
0x196: {  	_ =	swait.ge [sflag:s23], $0x4000  }
0x197: {  	[sflag:s23] =	ssyncset.done $0x0  }
0x198: {  	[sflag:s23] =	ssyncadd.s32 $0xFFFFC000  }
0x199: {  	v1 =	vld [tilespmem:$0x800]  }
0x19a: {  	v2 =	vld [tilespmem:$0x810]  }
0x19b: {  	v3 =	vld [tilespmem:$0x820]  }
0x19c: {  	v16 =	vld [tilespmem:$0x830]  }
0x19d: {  	v17 =	vld [tilespmem:$0x840]  }
0x19e: {  	v18 =	vld [tilespmem:$0x850];
	v1 =	vadd.s32 v0, v1  }
0x19f: {  	[tilespmem:$0x800] =	vst v1;
	v1 =	vadd.s32 v0, v2;
	v2 =	vld [tilespmem:$0x860]  }
0x1a0: {  	[tilespmem:$0x810] =	vst v1;
	v1 =	vadd.s32 v0, v3;
	v3 =	vld [tilespmem:$0x870]  }
0x1a1: {  	[tilespmem:$0x820] =	vst v1;
	v1 =	vadd.s32 v0, v16  }
0x1a2: {  	[tilespmem:$0x830] =	vst v1;
	v1 =	vadd.s32 v0, v17  }
0x1a3: {  	[tilespmem:$0x840] =	vst v1;
	v1 =	vadd.s32 v0, v18  }
0x1a4: {  	s30 =	sld [smem:$0x7F1];
	[tilespmem:$0x850] =	vst v1;
	v1 =	vadd.s32 v0, v2  }
0x1a5: {  	[tilespmem:$0x860] =	vst v1;
	v1 =	vadd.s32 v0, v3  }
0x1a6: {  	[tilespmem:$0x870] =	vst v1  }
0x1a7: {  	[tilespmem:s12], [sflag:$0x5] =	stream.indirect.gather [spmem:s1], $0x80, s30, s6, $0xb8;
	[tilespmem:$0x1C300] =	vst v63  }
0x1a8: {  	_ =	swait.ge [sflag:s13], $0x4000  }
0x1a9: {  	[sflag:s13] =	ssyncset.done $0x0  }
0x1aa: {  	s31 =	rddreg [dreg:$0x12];
	[sflag:s13] =	ssyncadd.s32 $0xFFFFC000  }
0x1ab: {  	[hbm4b:s31+s2] =	stream.linear.scatter [tilespmem:s8], [sflag:$0x8], $0x4000, $0x38;
	[tilespmem:$0x1C300] =	vst v63  }
0x1ac: {  	_ =	swait.ge [sflag:s24], $0x4000  }
0x1ad: {  	[sflag:s24] =	ssyncset.done $0x0  }
0x1ae: {  	[sflag:s24] =	ssyncadd.s32 $0xFFFFC000  }
0x1af: {  	v1 =	vld [tilespmem:$0x880]  }
0x1b0: {  	v2 =	vld [tilespmem:$0x890]  }
0x1b1: {  	v3 =	vld [tilespmem:$0x8A0]  }
0x1b2: {  	v19 =	vld [tilespmem:$0x8B0]  }
0x1b3: {  	v20 =	vld [tilespmem:$0x8C0]  }
0x1b4: {  	v21 =	vld [tilespmem:$0x8D0];
	v1 =	vadd.s32 v0, v1  }
0x1b5: {  	[tilespmem:$0x880] =	vst v1;
	v1 =	vadd.s32 v0, v2;
	v2 =	vld [tilespmem:$0x8E0]  }
0x1b6: {  	[tilespmem:$0x890] =	vst v1;
	v1 =	vadd.s32 v0, v3;
	v3 =	vld [tilespmem:$0x8F0]  }
0x1b7: {  	[tilespmem:$0x8A0] =	vst v1;
	v1 =	vadd.s32 v0, v19  }
0x1b8: {  	[tilespmem:$0x8B0] =	vst v1;
	v1 =	vadd.s32 v0, v20  }
0x1b9: {  	[tilespmem:$0x8C0] =	vst v1;
	v1 =	vadd.s32 v0, v21  }
0x1ba: {  	s30 =	sld [smem:$0x7F2];
	[tilespmem:$0x8D0] =	vst v1;
	v1 =	vadd.s32 v0, v2  }
0x1bb: {  	[tilespmem:$0x8E0] =	vst v1;
	v1 =	vadd.s32 v0, v3  }
0x1bc: {  	[tilespmem:$0x8F0] =	vst v1  }
0x1bd: {  	[tilespmem:s14], [sflag:$0x6] =	stream.indirect.gather [spmem:s1], $0x80, s30, s6, $0xb8;
	[tilespmem:$0x1C300] =	vst v63  }
0x1be: {  	_ =	swait.ge [sflag:s15], $0x4000  }
0x1bf: {  	[sflag:s15] =	ssyncset.done $0x0  }
0x1c0: {  	s31 =	rddreg [dreg:$0x13];
	[sflag:s15] =	ssyncadd.s32 $0xFFFFC000  }
0x1c1: {  	[hbm4b:s31+s2] =	stream.linear.scatter [tilespmem:s9], [sflag:$0x9], $0x4000, $0x38;
	[tilespmem:$0x1C300] =	vst v63  }
0x1c2: {  	_ =	swait.ge [sflag:s16], $0x4000  }
0x1c3: {  	[sflag:s16] =	ssyncset.done $0x0  }
0x1c4: {  	[sflag:s16] =	ssyncadd.s32 $0xFFFFC000  }
0x1c5: {  	v1 =	vld [tilespmem:$0x900]  }
0x1c6: {  	v2 =	vld [tilespmem:$0x910]  }
0x1c7: {  	v3 =	vld [tilespmem:$0x920]  }
0x1c8: {  	v22 =	vld [tilespmem:$0x930]  }
0x1c9: {  	v23 =	vld [tilespmem:$0x940]  }
0x1ca: {  	v24 =	vld [tilespmem:$0x950];
	v1 =	vadd.s32 v0, v1  }
0x1cb: {  	[tilespmem:$0x900] =	vst v1;
	v1 =	vadd.s32 v0, v2;
	v2 =	vld [tilespmem:$0x960]  }
0x1cc: {  	[tilespmem:$0x910] =	vst v1;
	v1 =	vadd.s32 v0, v3;
	v3 =	vld [tilespmem:$0x970]  }
0x1cd: {  	[tilespmem:$0x920] =	vst v1;
	v1 =	vadd.s32 v0, v22  }
0x1ce: {  	[tilespmem:$0x930] =	vst v1;
	v1 =	vadd.s32 v0, v23  }
0x1cf: {  	[tilespmem:$0x940] =	vst v1;
	v1 =	vadd.s32 v0, v24  }
0x1d0: {  	s30 =	sld [smem:$0x7F3];
	[tilespmem:$0x950] =	vst v1;
	v1 =	vadd.s32 v0, v2  }
0x1d1: {  	[tilespmem:$0x960] =	vst v1;
	v1 =	vadd.s32 v0, v3  }
0x1d2: {  	[tilespmem:$0x970] =	vst v1  }
0x1d3: {  	[tilespmem:s7], [sflag:$0x1] =	stream.indirect.gather [spmem:s1], $0x80, s30, s6, $0xb8;
	[tilespmem:$0x1C300] =	vst v63  }
0x1d4: {  	_ =	swait.ge [sflag:s17], $0x4000  }
0x1d5: {  	[sflag:s17] =	ssyncset.done $0x0  }
0x1d6: {  	s31 =	rddreg [dreg:$0x14];
	[sflag:s17] =	ssyncadd.s32 $0xFFFFC000  }
0x1d7: {  	[hbm4b:s31+s2] =	stream.linear.scatter [tilespmem:s10], [sflag:$0xA], $0x4000, $0x38;
	[tilespmem:$0x1C300] =	vst v63  }
0x1d8: {  	_ =	swait.ge [sflag:s18], $0x4000  }
0x1d9: {  	[sflag:s18] =	ssyncset.done $0x0  }
0x1da: {  	[sflag:s18] =	ssyncadd.s32 $0xFFFFC000  }
0x1db: {  	v1 =	vld [tilespmem:$0x980]  }
0x1dc: {  	v2 =	vld [tilespmem:$0x990]  }
0x1dd: {  	v3 =	vld [tilespmem:$0x9A0]  }
0x1de: {  	v25 =	vld [tilespmem:$0x9B0]  }
0x1df: {  	v26 =	vld [tilespmem:$0x9C0]  }
0x1e0: {  	v27 =	vld [tilespmem:$0x9D0];
	v1 =	vadd.s32 v0, v1  }
0x1e1: {  	[tilespmem:$0x980] =	vst v1;
	v1 =	vadd.s32 v0, v2;
	v2 =	vld [tilespmem:$0x9E0]  }
0x1e2: {  	[tilespmem:$0x990] =	vst v1;
	v1 =	vadd.s32 v0, v3;
	v3 =	vld [tilespmem:$0x9F0]  }
0x1e3: {  	[tilespmem:$0x9A0] =	vst v1;
	v1 =	vadd.s32 v0, v25  }
0x1e4: {  	[tilespmem:$0x9B0] =	vst v1;
	v1 =	vadd.s32 v0, v26  }
0x1e5: {  	[tilespmem:$0x9C0] =	vst v1;
	v1 =	vadd.s32 v0, v27  }
0x1e6: {  	s30 =	sld [smem:$0x7F4];
	[tilespmem:$0x9D0] =	vst v1;
	v1 =	vadd.s32 v0, v2  }
0x1e7: {  	[tilespmem:$0x9E0] =	vst v1;
	v1 =	vadd.s32 v0, v3  }
0x1e8: {  	[tilespmem:$0x9F0] =	vst v1  }
0x1e9: {  	[tilespmem:s8], [sflag:$0x2] =	stream.indirect.gather [spmem:s1], $0x80, s30, s6, $0xb8;
	[tilespmem:$0x1C300] =	vst v63  }
0x1ea: {  	_ =	swait.ge [sflag:s19], $0x4000  }
0x1eb: {  	[sflag:s19] =	ssyncset.done $0x0  }
0x1ec: {  	s31 =	rddreg [dreg:$0x15];
	[sflag:s19] =	ssyncadd.s32 $0xFFFFC000  }
0x1ed: {  	[hbm4b:s31+s2] =	stream.linear.scatter [tilespmem:s12], [sflag:$0xB], $0x4000, $0x38;
	[tilespmem:$0x1C300] =	vst v63  }
0x1ee: {  	_ =	swait.ge [sflag:s20], $0x4000  }
0x1ef: {  	[sflag:s20] =	ssyncset.done $0x0  }
0x1f0: {  	[sflag:s20] =	ssyncadd.s32 $0xFFFFC000  }
0x1f1: {  	v1 =	vld [tilespmem:$0xA00]  }
0x1f2: {  	v2 =	vld [tilespmem:$0xA10]  }
0x1f3: {  	v3 =	vld [tilespmem:$0xA20]  }
0x1f4: {  	v28 =	vld [tilespmem:$0xA30]  }
0x1f5: {  	v29 =	vld [tilespmem:$0xA40]  }
0x1f6: {  	v30 =	vld [tilespmem:$0xA50];
	v1 =	vadd.s32 v0, v1  }
0x1f7: {  	[tilespmem:$0xA00] =	vst v1;
	v1 =	vadd.s32 v0, v2;
	v2 =	vld [tilespmem:$0xA60]  }
0x1f8: {  	[tilespmem:$0xA10] =	vst v1;
	v1 =	vadd.s32 v0, v3;
	v3 =	vld [tilespmem:$0xA70]  }
0x1f9: {  	[tilespmem:$0xA20] =	vst v1;
	v1 =	vadd.s32 v0, v28  }
0x1fa: {  	[tilespmem:$0xA30] =	vst v1;
	v1 =	vadd.s32 v0, v29  }
0x1fb: {  	[tilespmem:$0xA40] =	vst v1;
	v1 =	vadd.s32 v0, v30  }
0x1fc: {  	s30 =	sld [smem:$0x7F5];
	[tilespmem:$0xA50] =	vst v1;
	v1 =	vadd.s32 v0, v2  }
0x1fd: {  	[tilespmem:$0xA60] =	vst v1;
	v1 =	vadd.s32 v0, v3  }
0x1fe: {  	[tilespmem:$0xA70] =	vst v1  }
0x1ff: {  	[tilespmem:s9], [sflag:$0x3] =	stream.indirect.gather [spmem:s1], $0x80, s30, s6, $0xb8;
	[tilespmem:$0x1C300] =	vst v63  }
0x200: {  	_ =	swait.ge [sflag:s21], $0x4000  }
0x201: {  	[sflag:s21] =	ssyncset.done $0x0  }
0x202: {  	s31 =	rddreg [dreg:$0x16];
	[sflag:s21] =	ssyncadd.s32 $0xFFFFC000  }
0x203: {  	[hbm4b:s31+s2] =	stream.linear.scatter [tilespmem:s14], [sflag:$0xC], $0x4000, $0x38;
	[tilespmem:$0x1C300] =	vst v63  }
0x204: {  	_ =	swait.ge [sflag:s22], $0x4000  }
0x205: {  	[sflag:s22] =	ssyncset.done $0x0  }
0x206: {  	[sflag:s22] =	ssyncadd.s32 $0xFFFFC000  }
0x207: {  	v1 =	vld [tilespmem:$0xA80]  }
0x208: {  	v2 =	vld [tilespmem:$0xA90]  }
0x209: {  	v3 =	vld [tilespmem:$0xAA0]  }
0x20a: {  	v31 =	vld [tilespmem:$0xAB0]  }
0x20b: {  	v32 =	vld [tilespmem:$0xAC0]  }
0x20c: {  	v33 =	vld [tilespmem:$0xAD0];
	v1 =	vadd.s32 v0, v1  }
0x20d: {  	[tilespmem:$0xA80] =	vst v1;
	v1 =	vadd.s32 v0, v2;
	v2 =	vld [tilespmem:$0xAE0]  }
0x20e: {  	[tilespmem:$0xA90] =	vst v1;
	v1 =	vadd.s32 v0, v3;
	v3 =	vld [tilespmem:$0xAF0]  }
0x20f: {  	[tilespmem:$0xAA0] =	vst v1;
	v1 =	vadd.s32 v0, v31  }
0x210: {  	[tilespmem:$0xAB0] =	vst v1;
	v1 =	vadd.s32 v0, v32  }
0x211: {  	[tilespmem:$0xAC0] =	vst v1;
	v1 =	vadd.s32 v0, v33  }
0x212: {  	s30 =	sld [smem:$0x7F6];
	[tilespmem:$0xAD0] =	vst v1;
	v1 =	vadd.s32 v0, v2  }
0x213: {  	[tilespmem:$0xAE0] =	vst v1;
	v1 =	vadd.s32 v0, v3  }
0x214: {  	[tilespmem:$0xAF0] =	vst v1  }
0x215: {  	[tilespmem:s10], [sflag:$0x4] =	stream.indirect.gather [spmem:s1], $0x80, s30, s6, $0xb8;
	[tilespmem:$0x1C300] =	vst v63  }
0x216: {  	_ =	swait.ge [sflag:s11], $0x4000  }
0x217: {  	[sflag:s11] =	ssyncset.done $0x0  }
0x218: {  	s31 =	rddreg [dreg:$0x17];
	[sflag:s11] =	ssyncadd.s32 $0xFFFFC000  }
0x219: {  	[hbm4b:s31+s2] =	stream.linear.scatter [tilespmem:s7], [sflag:$0x7], $0x4000, $0x38;
	[tilespmem:$0x1C300] =	vst v63  }
0x21a: {  	_ =	swait.ge [sflag:s23], $0x4000  }
0x21b: {  	[sflag:s23] =	ssyncset.done $0x0  }
0x21c: {  	[sflag:s23] =	ssyncadd.s32 $0xFFFFC000  }
0x21d: {  	v1 =	vld [tilespmem:$0xB00]  }
0x21e: {  	v2 =	vld [tilespmem:$0xB10]  }
0x21f: {  	v3 =	vld [tilespmem:$0xB20]  }
0x220: {  	v34 =	vld [tilespmem:$0xB30]  }
0x221: {  	v35 =	vld [tilespmem:$0xB40]  }
0x222: {  	v36 =	vld [tilespmem:$0xB50];
	v1 =	vadd.s32 v0, v1  }
0x223: {  	[tilespmem:$0xB00] =	vst v1;
	v1 =	vadd.s32 v0, v2;
	v2 =	vld [tilespmem:$0xB60]  }
0x224: {  	[tilespmem:$0xB10] =	vst v1;
	v1 =	vadd.s32 v0, v3;
	v3 =	vld [tilespmem:$0xB70]  }
0x225: {  	[tilespmem:$0xB20] =	vst v1;
	v1 =	vadd.s32 v0, v34  }
0x226: {  	[tilespmem:$0xB30] =	vst v1;
	v1 =	vadd.s32 v0, v35  }
0x227: {  	[tilespmem:$0xB40] =	vst v1;
	v1 =	vadd.s32 v0, v36  }
0x228: {  	s30 =	sld [smem:$0x7F7];
	[tilespmem:$0xB50] =	vst v1;
	v1 =	vadd.s32 v0, v2  }
0x229: {  	[tilespmem:$0xB60] =	vst v1;
	v1 =	vadd.s32 v0, v3  }
0x22a: {  	[tilespmem:$0xB70] =	vst v1  }
0x22b: {  	[tilespmem:s12], [sflag:$0x5] =	stream.indirect.gather [spmem:s1], $0x80, s30, s6, $0xb8;
	[tilespmem:$0x1C300] =	vst v63  }
0x22c: {  	_ =	swait.ge [sflag:s13], $0x4000  }
0x22d: {  	[sflag:s13] =	ssyncset.done $0x0  }
0x22e: {  	s31 =	rddreg [dreg:$0x18];
	[sflag:s13] =	ssyncadd.s32 $0xFFFFC000  }
0x22f: {  	[hbm4b:s31+s2] =	stream.linear.scatter [tilespmem:s8], [sflag:$0x8], $0x4000, $0x38;
	[tilespmem:$0x1C300] =	vst v63  }
0x230: {  	_ =	swait.ge [sflag:s24], $0x4000  }
0x231: {  	[sflag:s24] =	ssyncset.done $0x0  }
0x232: {  	[sflag:s24] =	ssyncadd.s32 $0xFFFFC000  }
0x233: {  	v1 =	vld [tilespmem:$0xB80]  }
0x234: {  	v2 =	vld [tilespmem:$0xB90]  }
0x235: {  	v3 =	vld [tilespmem:$0xBA0]  }
0x236: {  	v37 =	vld [tilespmem:$0xBB0]  }
0x237: {  	v38 =	vld [tilespmem:$0xBC0]  }
0x238: {  	v39 =	vld [tilespmem:$0xBD0];
	v1 =	vadd.s32 v0, v1  }
0x239: {  	[tilespmem:$0xB80] =	vst v1;
	v1 =	vadd.s32 v0, v2;
	v2 =	vld [tilespmem:$0xBE0]  }
0x23a: {  	[tilespmem:$0xB90] =	vst v1;
	v1 =	vadd.s32 v0, v3;
	v3 =	vld [tilespmem:$0xBF0]  }
0x23b: {  	[tilespmem:$0xBA0] =	vst v1;
	v1 =	vadd.s32 v0, v37  }
0x23c: {  	[tilespmem:$0xBB0] =	vst v1;
	v1 =	vadd.s32 v0, v38  }
0x23d: {  	[tilespmem:$0xBC0] =	vst v1;
	v1 =	vadd.s32 v0, v39  }
0x23e: {  	s30 =	sld [smem:$0x7F8];
	[tilespmem:$0xBD0] =	vst v1;
	v1 =	vadd.s32 v0, v2  }
0x23f: {  	[tilespmem:$0xBE0] =	vst v1;
	v1 =	vadd.s32 v0, v3  }
0x240: {  	[tilespmem:$0xBF0] =	vst v1  }
0x241: {  	[tilespmem:s14], [sflag:$0x6] =	stream.indirect.gather [spmem:s1], $0x80, s30, s6, $0xb8;
	[tilespmem:$0x1C300] =	vst v63  }
0x242: {  	_ =	swait.ge [sflag:s15], $0x4000  }
0x243: {  	[sflag:s15] =	ssyncset.done $0x0  }
0x244: {  	s31 =	rddreg [dreg:$0x19];
	[sflag:s15] =	ssyncadd.s32 $0xFFFFC000  }
0x245: {  	[hbm4b:s31+s2] =	stream.linear.scatter [tilespmem:s9], [sflag:$0x9], $0x4000, $0x38;
	[tilespmem:$0x1C300] =	vst v63  }
0x246: {  	_ =	swait.ge [sflag:s16], $0x4000  }
0x247: {  	[sflag:s16] =	ssyncset.done $0x0  }
0x248: {  	[sflag:s16] =	ssyncadd.s32 $0xFFFFC000  }
0x249: {  	v1 =	vld [tilespmem:$0xC00]  }
0x24a: {  	v2 =	vld [tilespmem:$0xC10]  }
0x24b: {  	v3 =	vld [tilespmem:$0xC20]  }
0x24c: {  	v40 =	vld [tilespmem:$0xC30]  }
0x24d: {  	v41 =	vld [tilespmem:$0xC40]  }
0x24e: {  	v42 =	vld [tilespmem:$0xC50];
	v1 =	vadd.s32 v0, v1  }
0x24f: {  	[tilespmem:$0xC00] =	vst v1;
	v1 =	vadd.s32 v0, v2;
	v2 =	vld [tilespmem:$0xC60]  }
0x250: {  	[tilespmem:$0xC10] =	vst v1;
	v1 =	vadd.s32 v0, v3;
	v3 =	vld [tilespmem:$0xC70]  }
0x251: {  	[tilespmem:$0xC20] =	vst v1;
	v1 =	vadd.s32 v0, v40  }
0x252: {  	[tilespmem:$0xC30] =	vst v1;
	v1 =	vadd.s32 v0, v41  }
0x253: {  	[tilespmem:$0xC40] =	vst v1;
	v1 =	vadd.s32 v0, v42  }
0x254: {  	s30 =	sld [smem:$0x7F9];
	[tilespmem:$0xC50] =	vst v1;
	v1 =	vadd.s32 v0, v2  }
0x255: {  	[tilespmem:$0xC60] =	vst v1;
	v1 =	vadd.s32 v0, v3  }
0x256: {  	[tilespmem:$0xC70] =	vst v1  }
0x257: {  	[tilespmem:s7], [sflag:$0x1] =	stream.indirect.gather [spmem:s1], $0x80, s30, s6, $0xb8;
	[tilespmem:$0x1C300] =	vst v63  }
0x258: {  	_ =	swait.ge [sflag:s17], $0x4000  }
0x259: {  	[sflag:s17] =	ssyncset.done $0x0  }
0x25a: {  	s31 =	rddreg [dreg:$0x1a];
	[sflag:s17] =	ssyncadd.s32 $0xFFFFC000  }
0x25b: {  	[hbm4b:s31+s2] =	stream.linear.scatter [tilespmem:s10], [sflag:$0xA], $0x4000, $0x38;
	[tilespmem:$0x1C300] =	vst v63  }
0x25c: {  	_ =	swait.ge [sflag:s18], $0x4000  }
0x25d: {  	[sflag:s18] =	ssyncset.done $0x0  }
0x25e: {  	[sflag:s18] =	ssyncadd.s32 $0xFFFFC000  }
0x25f: {  	v1 =	vld [tilespmem:$0xC80]  }
0x260: {  	v2 =	vld [tilespmem:$0xC90]  }
0x261: {  	v3 =	vld [tilespmem:$0xCA0]  }
0x262: {  	v43 =	vld [tilespmem:$0xCB0]  }
0x263: {  	v44 =	vld [tilespmem:$0xCC0]  }
0x264: {  	v45 =	vld [tilespmem:$0xCD0];
	v1 =	vadd.s32 v0, v1  }
0x265: {  	[tilespmem:$0xC80] =	vst v1;
	v1 =	vadd.s32 v0, v2;
	v2 =	vld [tilespmem:$0xCE0]  }
0x266: {  	[tilespmem:$0xC90] =	vst v1;
	v1 =	vadd.s32 v0, v3;
	v3 =	vld [tilespmem:$0xCF0]  }
0x267: {  	[tilespmem:$0xCA0] =	vst v1;
	v1 =	vadd.s32 v0, v43  }
0x268: {  	[tilespmem:$0xCB0] =	vst v1;
	v1 =	vadd.s32 v0, v44  }
0x269: {  	[tilespmem:$0xCC0] =	vst v1;
	v1 =	vadd.s32 v0, v45  }
0x26a: {  	s30 =	sld [smem:$0x7FA];
	[tilespmem:$0xCD0] =	vst v1;
	v1 =	vadd.s32 v0, v2  }
0x26b: {  	[tilespmem:$0xCE0] =	vst v1;
	v1 =	vadd.s32 v0, v3  }
0x26c: {  	[tilespmem:$0xCF0] =	vst v1  }
0x26d: {  	[tilespmem:s8], [sflag:$0x2] =	stream.indirect.gather [spmem:s1], $0x80, s30, s6, $0xb8;
	[tilespmem:$0x1C300] =	vst v63  }
0x26e: {  	_ =	swait.ge [sflag:s19], $0x4000  }
0x26f: {  	[sflag:s19] =	ssyncset.done $0x0  }
0x270: {  	s31 =	rddreg [dreg:$0x1b];
	[sflag:s19] =	ssyncadd.s32 $0xFFFFC000  }
0x271: {  	[hbm4b:s31+s2] =	stream.linear.scatter [tilespmem:s12], [sflag:$0xB], $0x4000, $0x38;
	[tilespmem:$0x1C300] =	vst v63  }
0x272: {  	_ =	swait.ge [sflag:s20], $0x4000  }
0x273: {  	[sflag:s20] =	ssyncset.done $0x0  }
0x274: {  	[sflag:s20] =	ssyncadd.s32 $0xFFFFC000  }
0x275: {  	v1 =	vld [tilespmem:$0xD00]  }
0x276: {  	v2 =	vld [tilespmem:$0xD10]  }
0x277: {  	v3 =	vld [tilespmem:$0xD20]  }
0x278: {  	v46 =	vld [tilespmem:$0xD30]  }
0x279: {  	v47 =	vld [tilespmem:$0xD40]  }
0x27a: {  	v48 =	vld [tilespmem:$0xD50];
	v1 =	vadd.s32 v0, v1  }
0x27b: {  	[tilespmem:$0xD00] =	vst v1;
	v1 =	vadd.s32 v0, v2;
	v2 =	vld [tilespmem:$0xD60]  }
0x27c: {  	[tilespmem:$0xD10] =	vst v1;
	v1 =	vadd.s32 v0, v3;
	v3 =	vld [tilespmem:$0xD70]  }
0x27d: {  	[tilespmem:$0xD20] =	vst v1;
	v1 =	vadd.s32 v0, v46  }
0x27e: {  	[tilespmem:$0xD30] =	vst v1;
	v1 =	vadd.s32 v0, v47  }
0x27f: {  	[tilespmem:$0xD40] =	vst v1;
	v1 =	vadd.s32 v0, v48  }
0x280: {  	s30 =	sld [smem:$0x7FB];
	[tilespmem:$0xD50] =	vst v1;
	v1 =	vadd.s32 v0, v2  }
0x281: {  	[tilespmem:$0xD60] =	vst v1;
	v1 =	vadd.s32 v0, v3  }
0x282: {  	[tilespmem:$0xD70] =	vst v1  }
0x283: {  	[tilespmem:s9], [sflag:$0x3] =	stream.indirect.gather [spmem:s1], $0x80, s30, s6, $0xb8;
	[tilespmem:$0x1C300] =	vst v63  }
0x284: {  	_ =	swait.ge [sflag:s21], $0x4000  }
0x285: {  	[sflag:s21] =	ssyncset.done $0x0  }
0x286: {  	s31 =	rddreg [dreg:$0x1c];
	[sflag:s21] =	ssyncadd.s32 $0xFFFFC000  }
0x287: {  	[hbm4b:s31+s2] =	stream.linear.scatter [tilespmem:s14], [sflag:$0xC], $0x4000, $0x38;
	[tilespmem:$0x1C300] =	vst v63  }
0x288: {  	_ =	swait.ge [sflag:s22], $0x4000  }
0x289: {  	[sflag:s22] =	ssyncset.done $0x0  }
0x28a: {  	[sflag:s22] =	ssyncadd.s32 $0xFFFFC000  }
0x28b: {  	v1 =	vld [tilespmem:$0xD80]  }
0x28c: {  	v2 =	vld [tilespmem:$0xD90]  }
0x28d: {  	v3 =	vld [tilespmem:$0xDA0]  }
0x28e: {  	v49 =	vld [tilespmem:$0xDB0]  }
0x28f: {  	v50 =	vld [tilespmem:$0xDC0]  }
0x290: {  	v51 =	vld [tilespmem:$0xDD0];
	v1 =	vadd.s32 v0, v1  }
0x291: {  	[tilespmem:$0xD80] =	vst v1;
	v1 =	vadd.s32 v0, v2;
	v2 =	vld [tilespmem:$0xDE0]  }
0x292: {  	[tilespmem:$0xD90] =	vst v1;
	v1 =	vadd.s32 v0, v3;
	v3 =	vld [tilespmem:$0xDF0]  }
0x293: {  	[tilespmem:$0xDA0] =	vst v1;
	v1 =	vadd.s32 v0, v49  }
0x294: {  	[tilespmem:$0xDB0] =	vst v1;
	v1 =	vadd.s32 v0, v50  }
0x295: {  	[tilespmem:$0xDC0] =	vst v1;
	v1 =	vadd.s32 v0, v51  }
0x296: {  	s30 =	sld [smem:$0x7FC];
	[tilespmem:$0xDD0] =	vst v1;
	v1 =	vadd.s32 v0, v2  }
0x297: {  	[tilespmem:$0xDE0] =	vst v1;
	v1 =	vadd.s32 v0, v3  }
0x298: {  	[tilespmem:$0xDF0] =	vst v1  }
0x299: {  	[tilespmem:s10], [sflag:$0x4] =	stream.indirect.gather [spmem:s1], $0x80, s30, s6, $0xb8;
	[tilespmem:$0x1C300] =	vst v63  }
0x29a: {  	_ =	swait.ge [sflag:s11], $0x4000  }
0x29b: {  	[sflag:s11] =	ssyncset.done $0x0  }
0x29c: {  	s31 =	rddreg [dreg:$0x1d];
	[sflag:s11] =	ssyncadd.s32 $0xFFFFC000  }
0x29d: {  	[hbm4b:s31+s2] =	stream.linear.scatter [tilespmem:s7], [sflag:$0x7], $0x4000, $0x38;
	[tilespmem:$0x1C300] =	vst v63  }
0x29e: {  	_ =	swait.ge [sflag:s23], $0x4000  }
0x29f: {  	[sflag:s23] =	ssyncset.done $0x0  }
0x2a0: {  	[sflag:s23] =	ssyncadd.s32 $0xFFFFC000  }
0x2a1: {  	v1 =	vld [tilespmem:$0xE00]  }
0x2a2: {  	v2 =	vld [tilespmem:$0xE10]  }
0x2a3: {  	v3 =	vld [tilespmem:$0xE20]  }
0x2a4: {  	v52 =	vld [tilespmem:$0xE30]  }
0x2a5: {  	v53 =	vld [tilespmem:$0xE40]  }
0x2a6: {  	v54 =	vld [tilespmem:$0xE50];
	v1 =	vadd.s32 v0, v1  }
0x2a7: {  	[tilespmem:$0xE00] =	vst v1;
	v1 =	vadd.s32 v0, v2;
	v2 =	vld [tilespmem:$0xE60]  }
0x2a8: {  	[tilespmem:$0xE10] =	vst v1;
	v1 =	vadd.s32 v0, v3;
	v3 =	vld [tilespmem:$0xE70]  }
0x2a9: {  	[tilespmem:$0xE20] =	vst v1;
	v1 =	vadd.s32 v0, v52  }
0x2aa: {  	[tilespmem:$0xE30] =	vst v1;
	v1 =	vadd.s32 v0, v53  }
0x2ab: {  	[tilespmem:$0xE40] =	vst v1;
	v1 =	vadd.s32 v0, v54  }
0x2ac: {  	s30 =	sld [smem:$0x7FD];
	[tilespmem:$0xE50] =	vst v1;
	v1 =	vadd.s32 v0, v2  }
0x2ad: {  	[tilespmem:$0xE60] =	vst v1;
	v1 =	vadd.s32 v0, v3  }
0x2ae: {  	[tilespmem:$0xE70] =	vst v1  }
0x2af: {  	[tilespmem:s12], [sflag:$0x5] =	stream.indirect.gather [spmem:s1], $0x80, s30, s6, $0xb8;
	[tilespmem:$0x1C300] =	vst v63  }
0x2b0: {  	_ =	swait.ge [sflag:s13], $0x4000  }
0x2b1: {  	[sflag:s13] =	ssyncset.done $0x0  }
0x2b2: {  	s31 =	rddreg [dreg:$0x1e];
	[sflag:s13] =	ssyncadd.s32 $0xFFFFC000  }
0x2b3: {  	[hbm4b:s31+s2] =	stream.linear.scatter [tilespmem:s8], [sflag:$0x8], $0x4000, $0x38;
	[tilespmem:$0x1C300] =	vst v63  }
0x2b4: {  	_ =	swait.ge [sflag:s24], $0x4000  }
0x2b5: {  	[sflag:s24] =	ssyncset.done $0x0  }
0x2b6: {  	[sflag:s24] =	ssyncadd.s32 $0xFFFFC000  }
0x2b7: {  	v1 =	vld [tilespmem:$0xE80]  }
0x2b8: {  	v2 =	vld [tilespmem:$0xE90]  }
0x2b9: {  	v3 =	vld [tilespmem:$0xEA0]  }
0x2ba: {  	v55 =	vld [tilespmem:$0xEB0]  }
0x2bb: {  	v56 =	vld [tilespmem:$0xEC0]  }
0x2bc: {  	v57 =	vld [tilespmem:$0xED0];
	v1 =	vadd.s32 v0, v1  }
0x2bd: {  	[tilespmem:$0xE80] =	vst v1;
	v1 =	vadd.s32 v0, v2;
	v2 =	vld [tilespmem:$0xEE0]  }
0x2be: {  	[tilespmem:$0xE90] =	vst v1;
	v1 =	vadd.s32 v0, v3;
	v3 =	vld [tilespmem:$0xEF0]  }
0x2bf: {  	[tilespmem:$0xEA0] =	vst v1;
	v1 =	vadd.s32 v0, v55  }
0x2c0: {  	[tilespmem:$0xEB0] =	vst v1;
	v1 =	vadd.s32 v0, v56  }
0x2c1: {  	[tilespmem:$0xEC0] =	vst v1;
	v1 =	vadd.s32 v0, v57  }
0x2c2: {  	[tilespmem:$0xED0] =	vst v1;
	v1 =	vadd.s32 v0, v2  }
0x2c3: {  	[tilespmem:$0xEE0] =	vst v1;
	v1 =	vadd.s32 v0, v3  }
0x2c4: {  	[tilespmem:$0xEF0] =	vst v1  }
0x2c5: {  	[tilespmem:s14], [sflag:$0x6] =	stream.indirect.gather [spmem:s1], $0x80, s25, s6, $0xb8;
	[tilespmem:$0x1C300] =	vst v63  }
0x2c6: {  	_ =	swait.ge [sflag:s15], $0x4000  }
0x2c7: {  	[sflag:s15] =	ssyncset.done $0x0  }
0x2c8: {  	s30 =	rddreg [dreg:$0x1f];
	[sflag:s15] =	ssyncadd.s32 $0xFFFFC000  }
0x2c9: {  	[hbm4b:s30+s2] =	stream.linear.scatter [tilespmem:s9], [sflag:$0x9], $0x4000, $0x38;
	[tilespmem:$0x1C300] =	vst v63  }
0x2ca: {  	_ =	swait.ge [sflag:s16], $0x4000  }
0x2cb: {  	[sflag:s16] =	ssyncset.done $0x0  }
0x2cc: {  	[sflag:s16] =	ssyncadd.s32 $0xFFFFC000  }
0x2cd: {  	v1 =	vld [tilespmem:$0xF00]  }
0x2ce: {  	v2 =	vld [tilespmem:$0xF10]  }
0x2cf: {  	v3 =	vld [tilespmem:$0xF20]  }
0x2d0: {  	v58 =	vld [tilespmem:$0xF30]  }
0x2d1: {  	v59 =	vld [tilespmem:$0xF40]  }
0x2d2: {  	v60 =	vld [tilespmem:$0xF50];
	v1 =	vadd.s32 v0, v1  }
0x2d3: {  	[tilespmem:$0xF00] =	vst v1;
	v1 =	vadd.s32 v0, v2;
	v2 =	vld [tilespmem:$0xF60]  }
0x2d4: {  	[tilespmem:$0xF10] =	vst v1;
	v1 =	vadd.s32 v0, v3;
	v3 =	vld [tilespmem:$0xF70]  }
0x2d5: {  	[tilespmem:$0xF20] =	vst v1;
	v1 =	vadd.s32 v0, v58  }
0x2d6: {  	[tilespmem:$0xF30] =	vst v1;
	v1 =	vadd.s32 v0, v59  }
0x2d7: {  	[tilespmem:$0xF40] =	vst v1;
	v1 =	vadd.s32 v0, v60  }
0x2d8: {  	[tilespmem:$0xF50] =	vst v1;
	v1 =	vadd.s32 v0, v2  }
0x2d9: {  	[tilespmem:$0xF60] =	vst v1;
	v1 =	vadd.s32 v0, v3  }
0x2da: {  	[tilespmem:$0xF70] =	vst v1  }
0x2db: {  	[tilespmem:s7], [sflag:$0x1] =	stream.indirect.gather [spmem:s1], $0x80, s26, s6, $0xb8;
	[tilespmem:$0x1C300] =	vst v63  }
0x2dc: {  	_ =	swait.ge [sflag:s17], $0x4000  }
0x2dd: {  	s31 =	sld [smem:$0x7DE]  }
0x2de: {  	[sflag:s17] =	ssyncset.done $0x0  }
0x2df: {  	[sflag:s17] =	ssyncadd.s32 $0xFFFFC000  }
0x2e0: {  	[hbm4b:s31+s2] =	stream.linear.scatter [tilespmem:s10], [sflag:$0xA], $0x4000, $0x38;
	[tilespmem:$0x1C300] =	vst v63  }
0x2e1: {  	_ =	swait.ge [sflag:s18], $0x4000  }
0x2e2: {  	[sflag:s18] =	ssyncset.done $0x0  }
0x2e3: {  	[sflag:s18] =	ssyncadd.s32 $0xFFFFC000  }
0x2e4: {  	v1 =	vld [tilespmem:$0xF80]  }
0x2e5: {  	v2 =	vld [tilespmem:$0xF90]  }
0x2e6: {  	v3 =	vld [tilespmem:$0xFA0]  }
0x2e7: {  	v61 =	vld [tilespmem:$0xFB0]  }
0x2e8: {  	v62 =	vld [tilespmem:$0xFC0]  }
0x2e9: {  	v63 =	vld [tilespmem:$0xFD0];
	v1 =	vadd.s32 v0, v1  }
0x2ea: {  	[tilespmem:$0xF80] =	vst v1;
	v1 =	vadd.s32 v0, v2;
	v2 =	vld [tilespmem:$0xFE0]  }
0x2eb: {  	[tilespmem:$0xF90] =	vst v1;
	v1 =	vadd.s32 v0, v3;
	v3 =	vld [tilespmem:$0xFF0]  }
0x2ec: {  	[tilespmem:$0xFA0] =	vst v1;
	v1 =	vadd.s32 v0, v61  }
0x2ed: {  	[tilespmem:$0xFB0] =	vst v1;
	v1 =	vadd.s32 v0, v62  }
0x2ee: {  	[tilespmem:$0xFC0] =	vst v1;
	v1 =	vadd.s32 v0, v63  }
0x2ef: {  	[tilespmem:$0xFD0] =	vst v1;
	v1 =	vadd.s32 v0, v2  }
0x2f0: {  	[tilespmem:$0xFE0] =	vst v1;
	v1 =	vadd.s32 v0, v3  }
0x2f1: {  	[tilespmem:$0xFF0] =	vst v1  }
0x2f2: {  	[tilespmem:s8], [sflag:$0x2] =	stream.indirect.gather [spmem:s1], $0x80, s28, s6, $0xb8;
	[tilespmem:$0x1C300] =	vst v63  }
0x2f3: {  	_ =	swait.ge [sflag:s19], $0x4000  }
0x2f4: {  	s30 =	sld [smem:$0x7DF]  }
0x2f5: {  	[sflag:s19] =	ssyncset.done $0x0  }
0x2f6: {  	[sflag:s19] =	ssyncadd.s32 $0xFFFFC000  }
0x2f7: {  	[hbm4b:s30+s2] =	stream.linear.scatter [tilespmem:s12], [sflag:$0xB], $0x4000, $0x38;
	[tilespmem:$0x1C300] =	vst v63  }
0x2f8: {  	_ =	swait.ge [sflag:s21], $0x4000  }
0x2f9: {  	s31 =	sld [smem:$0x7E0]  }
0x2fa: {  	[sflag:s21] =	ssyncset.done $0x0  }
0x2fb: {  	[sflag:s21] =	ssyncadd.s32 $0xFFFFC000  }
0x2fc: {  	[hbm4b:s31+s2] =	stream.linear.scatter [tilespmem:s14], [sflag:$0xC], $0x4000, $0x38;
	[tilespmem:$0x1C300] =	vst v63  }
0x2fd: {  	_ =	swait.ge [sflag:s11], $0x4000  }
0x2fe: {  	s30 =	sld [smem:$0x7E1]  }
0x2ff: {  	[sflag:s11] =	ssyncset.done $0x0  }
0x300: {  	[sflag:s11] =	ssyncadd.s32 $0xFFFFC000  }
0x301: {  	[hbm4b:s30+s2] =	stream.linear.scatter [tilespmem:s7], [sflag:$0x7], $0x4000, $0x38;
	[tilespmem:$0x1C300] =	vst v63  }
0x302: {  	_ =	swait.ge [sflag:s13], $0x4000  }
0x303: {  	s31 =	sld [smem:$0x7E2]  }
0x304: {  	[sflag:s13] =	ssyncset.done $0x0  }
0x305: {  	[sflag:s13] =	ssyncadd.s32 $0xFFFFC000  }
0x306: {  	[hbm4b:s31+s2] =	stream.linear.scatter [tilespmem:s8], [sflag:$0x8], $0x4000, $0x38;
	[tilespmem:$0x1C300] =	vst v63  }
0x307: {  	_ =	swait.ge [sflag:s16], $0x4000  }
0x308: {  	[sflag:s16] =	ssyncset.done $0x0  }
0x309: {  	[sflag:s16] =	ssyncadd.s32 $0xFFFFC000  }
0x30a: {  	_ =	swait.ge [sflag:s18], $0x4000  }
0x30b: {  	[sflag:s18] =	ssyncset.done $0x0  }
0x30c: {  	[sflag:s18] =	ssyncadd.s32 $0xFFFFC000  }
0x30d: {  	_ =	swait.ge [sflag:s20], $0x4000  }
0x30e: {  	[sflag:s20] =	ssyncset.done $0x0  }
0x30f: {  	[sflag:s20] =	ssyncadd.s32 $0xFFFFC000  }
0x310: {  	_ =	swait.ge [sflag:s22], $0x4000  }
0x311: {  	[sflag:s22] =	ssyncset.done $0x0  }
0x312: {  	s4 =	sadd.s32 $0xFFFFFFFF, s4;
	[sflag:s22] =	ssyncadd.s32 $0xFFFFC000  }
0x313: {  	p1 =	sne.s32 s4, $0x0;
	_ =	swait.ge [sflag:s23], $0x4000  }
.Ltmp0:
0x314: {  	[sflag:s23] =	ssyncset.done $0x0;
	(pc) =	sbr.rel @p1 .LBB2_1-.Ltmp0, $4  }
0x315: {  	[sflag:s23] =	ssyncadd.s32 $0xFFFFC000  }
0x316: {  	_ =	swait.ge [sflag:s24], $0x4000  }
0x317: {  	[sflag:s24] =	ssyncset.done $0x0  }
0x318: {  	[sflag:s24] =	ssyncadd.s32 $0xFFFFC000  }
0x319: {  	_ =	sfence.sel $0x180000  }
0x31a: {  	[bflag:$0x0] =	sbarrier.arrive $0xFFFF  }
0x31b: {  	_ =	strace $0x90000047  }
0x31c: {  	s0 =	sadd.s32 @!p0 $0x100000, s0;
	[bflag:$0x2] =	sbarrier.arrive $0xFFFF  }
0x31d: {  	[sflag:s0] =	ssyncadd.tile.s32 @!p0 $0x1;
	_ =	shalt  }
.Lfunc_end2:
_tile_overlayer_lowered:
.L_overlay_start_2:
0x31e: {  	(tag) =	ssettag $0x2  }
0x31f: {  	s0 =	rddreg [dreg:$0x0];
	s2 =	stileid.u32  }
0x320: {  	s1 =	rddreg [dreg:$0x1];
	p0 =	sne.s32 s2, $0x0  }
0x321: {  	s3 =	rddreg [dreg:$0x2];
	[bflag:$0x3] =	sbarrier.arrive $0xFFFF;
	s2 =	simm.s32 @!p0 $0x1C0D  }
0x322: {  	[timem:s3], [sflag:s2] =	dma.local @!p0 [hbm:s0], s1  }
0x323: {  	s0 =	simm.s32 @!p0 $0xD  }
0x324: {  	_ =	swait.ge @!p0 [sflag:s0], s1  }
0x325: {  	s1 =	ssub.s32 @!p0 $0x0, s1;
	[sflag:s0] =	ssyncset.done @!p0 $0x0  }
0x326: {  	[sflag:s0] =	ssyncadd.s32 @!p0 s1  }
0x327: {  	[bflag:$0x3] =	sbarrier.arrive $0xFFFF  }
0x328: {  	_ =	shalt  }

</sc_bundles>
